<compile_context>
chip_gen: v7x
topology: tpu7x:2x2x1
jax: 0.10.2.dev20260603
libtpu: 0.0.44.dev20260713+nightly
codegen_flags: <defaults>
</compile_context>

<pallas_src>
import functools
import math

import jax
import jax.numpy as jnp
from jax import lax
from jax.experimental import pallas as pl
from jax.experimental.pallas import tpu as pltpu
from jax.experimental.pallas import tpu_sc as plsc

_EPS = 1e-10
_RPAD = 24


def _make_sc_stats(B0, B, K, M, X, Y, R):
    NW = 32
    NB = B - B0
    WPB = NW // NB
    ROWS = X // WPB
    RC = 16
    NCH = ROWS // RC
    NV = Y // 16

    mesh = plsc.VectorSubcoreMesh(core_axis_name="c", subcore_axis_name="s")

    @functools.partial(
        pl.kernel,
        out_type=jax.ShapeDtypeStruct((NW, _RPAD, 16), jnp.float32),
        mesh=mesh,
        scratch_types=[
            pltpu.VMEM((2, K, RC, Y), jnp.float32),
            pltpu.VMEM((2, M, RC, Y), jnp.float32),
            pltpu.VMEM((2, 1, RC, Y), jnp.int32),
            pltpu.VMEM((_RPAD, 16), jnp.float32),
            pltpu.SemaphoreType.DMA,
            pltpu.SemaphoreType.DMA,
        ],
    )
    def sc_stats(pred_hbm, inp_hbm, heart_hbm, out_hbm,
                 pbuf, xbuf, hbuf, obuf, sem0, sem1):
        wid = lax.axis_index("s") * 2 + lax.axis_index("c")
        b = B0 + wid // WPB
        row0 = (wid % WPB) * ROWS
        sems = (sem0, sem1)

        def issue(ci, slot):
            r0 = row0 + ci * RC
            sem = sems[slot]
            return [
                pltpu.async_copy(
                    pred_hbm.at[b, :, pl.ds(r0, RC), :], pbuf.at[slot], sem),
                pltpu.async_copy(
                    inp_hbm.at[b, :, pl.ds(r0, RC), :], xbuf.at[slot], sem),
                pltpu.async_copy(
                    heart_hbm.at[b, :, pl.ds(r0, RC), :], hbuf.at[slot], sem),
            ]

        accs = tuple(jnp.zeros((16,), jnp.float32) for _ in range(R))
        pend = issue(0, 0)
        for ci in range(NCH):
            slot = ci % 2
            nxt = issue(ci + 1, 1 - slot) if ci + 1 < NCH else []
            for h in pend:
                h.wait()

            def body(i, carry, slot=slot):
                cs = list(carry)
                r = i // NV
                j = (i % NV) * 16
                hv = hbuf[slot, 0, r, pl.ds(j, 16)]
                mv = jnp.where(hv == 1, 1.0, 0.0).astype(jnp.float32)
                xv = [xbuf[slot, m, r, pl.ds(j, 16)] for m in range(M)]
                cs[0] = cs[0] + mv
                idx = 1
                for k in range(K):
                    pw = pbuf[slot, k, r, pl.ds(j, 16)] * mv
                    cs[idx] = cs[idx] + pw
                    for m in range(M):
                        cs[idx + 1 + m] = cs[idx + 1 + m] + pw * xv[m]
                    for m in range(M):
                        cs[idx + 1 + M + m] = (
                            cs[idx + 1 + M + m] + pw * (xv[m] * xv[m]))
                    idx += 1 + 2 * M
                return tuple(cs)

            accs = plsc.parallel_loop(
                0, RC * NV, carry=accs, unroll=8)(body)
            pend = nxt

        for r in range(R):
            obuf[r, :] = accs[r]
        for r in range(R, _RPAD):
            obuf[r, :] = jnp.zeros((16,), jnp.float32)
        pltpu.sync_copy(obuf, out_hbm.at[wid])

    return sc_stats


def _tc_stats_body(pred_ref, inp_ref, heart_ref, out_ref, acc_ref,
                   *, K, M, NC, S, Y, R):
    c = pl.program_id(1)
    mask = (heart_ref[0, 0] == 1).astype(jnp.float32)
    xs = [inp_ref[0, m] for m in range(M)]
    prods = [mask]
    for k in range(K):
        pw = pred_ref[0, k] * mask
        prods.append(pw)
        for m in range(M):
            prods.append(pw * xs[m])
        for m in range(M):
            prods.append(pw * (xs[m] * xs[m]))

    @pl.when(c == 0)
    def _():
        acc_ref[...] = jnp.zeros_like(acc_ref)

    for r, prod in enumerate(prods):
        acc_ref[r] += jnp.sum(prod.reshape(S // 8, 8, Y), axis=0)

    @pl.when(c == NC - 1)
    def _():
        for r in range(R):
            out_ref[0, r:r + 1, :] = jnp.sum(acc_ref[r], axis=0,
                                             keepdims=True)
        for r in range(R, _RPAD):
            out_ref[0, r:r + 1, :] = jnp.zeros((1, Y), jnp.float32)


def _loss_body(inp_ref, heart_ref, scp_ref, tcp_ref, out_ref, *, K, M, B, B0):
    b = pl.program_id(0)
    c = pl.program_id(1)
    w_tc = jnp.where(b < B0, 1.0, 0.0)
    w_sc = 1.0 - w_tc

    def tot(r):
        return (w_sc * jnp.sum(scp_ref[0, :, r, :], keepdims=True)
                + w_tc * jnp.sum(tcp_ref[0, r:r + 1, :], keepdims=True))

    n = tot(0)
    G = 2 * M + 1
    mus, hs, coefs = [], [], []
    for k in range(K):
        base_r = 1 + k * G
        sp = tot(base_r)
        d = sp + _EPS
        alpha = sp / n
        prodvar = None
        kmu, kh = [], []
        for m in range(M):
            t1 = tot(base_r + 1 + m)
            t2 = tot(base_r + 1 + M + m)
            mu = t1 / d
            var = jnp.maximum(t2 - 2.0 * mu * t1 + mu * mu * sp,
                              0.0) / d + _EPS
            kmu.append(mu)
            kh.append(-0.5 / var)
            prodvar = var if prodvar is None else prodvar * var
        mus.append(kmu)
        hs.append(kh)
        coefs.append(alpha * ((2.0 * math.pi) ** (-0.5 * M))
                     * jax.lax.rsqrt(prodvar))

    mask = (heart_ref[0, 0] == 1).astype(jnp.float32)
    xs = [inp_ref[0, m] for m in range(M)]
    s = None
    for k in range(K):
        e = None
        for m in range(M):
            dd = xs[m] - mus[k][m]
            t = hs[k][m] * (dd * dd)
            e = t if e is None else e + t
        term = coefs[k] * jnp.exp(e)
        s = term if s is None else s + term
    p = jnp.sum(mask * jnp.log(s + _EPS), keepdims=True)

    @pl.when((b == 0) & (c == 0))
    def _():
        out_ref[...] = jnp.zeros_like(out_ref)

    out_ref[...] += -(p / (n * B))


def kernel(predictions, inputs, heart):
    B, K, X, Y = predictions.shape
    M = inputs.shape[1]
    R = 1 + K * (1 + 2 * M)
    NW = 32
    B0 = B // 2
    WPB = NW // (B - B0)
    S = 256
    NC = X // S

    sc_stats = _make_sc_stats(B0, B, K, M, X, Y, R)
    scp = sc_stats(predictions, inputs, heart)
    scp = scp.reshape(B - B0, WPB, _RPAD, 16)

    tcp = pl.pallas_call(
        lambda pr, ir, hr, orf, ar: _tc_stats_body(
            pr, ir, hr, orf, ar, K=K, M=M, NC=NC, S=S, Y=Y, R=R),
        grid=(B0, NC),
        in_specs=[
            pl.BlockSpec((1, K, S, Y), lambda b, c: (b, 0, c, 0)),
            pl.BlockSpec((1, M, S, Y), lambda b, c: (b, 0, c, 0)),
            pl.BlockSpec((1, 1, S, Y), lambda b, c: (b, 0, c, 0)),
        ],
        out_specs=pl.BlockSpec((1, _RPAD, Y), lambda b, c: (b, 0, 0)),
        out_shape=jax.ShapeDtypeStruct((B0, _RPAD, Y), jnp.float32),
        scratch_shapes=[pltpu.VMEM((R, 8, Y), jnp.float32)],
    )(predictions, inputs, heart)

    loss = pl.pallas_call(
        lambda ir, hr, sr, tr, orf: _loss_body(
            ir, hr, sr, tr, orf, K=K, M=M, B=B, B0=B0),
        grid=(B, NC),
        in_specs=[
            pl.BlockSpec((1, M, S, Y), lambda b, c: (b, 0, c, 0)),
            pl.BlockSpec((1, 1, S, Y), lambda b, c: (b, 0, c, 0)),
            pl.BlockSpec(
                (1, WPB, _RPAD, 16),
                lambda b, c: (jnp.maximum(b - B0, 0), 0, 0, 0)),
            pl.BlockSpec(
                (1, _RPAD, Y),
                lambda b, c: (jnp.minimum(b, B0 - 1), 0, 0)),
        ],
        out_specs=pl.BlockSpec((1, 1), lambda b, c: (0, 0)),
        out_shape=jax.ShapeDtypeStruct((1, 1), jnp.float32),
    )(inputs, heart, scp, tcp)

    return loss.reshape(())

# --- scband reference (transcript-rebuilt; emitter-appended) ---
"""Pipeline reference for scband-normal-gmm-26740466385350 (READ-ONLY COPY).

The authoritative reference and input builder live on the scoring server;
editing this copy changes nothing except your own understanding.
"""

import jax, jax.numpy as jnp
import numpy as np

def setup_inputs(seed: int = 0):
    key = jax.random.key(seed)
    k1, k2, k3 = jax.random.split(key, 3)
    B, K, M, X, Y = 8, 4, 2, 512, 512
    predictions = jax.random.uniform(k1, (B, K, X, Y), dtype=jnp.float32)
    inputs = jax.random.normal(k2, (B, M, X, Y), dtype=jnp.float32)
    heart = jax.random.randint(k3, (B, 1, X, Y), 0, 2, dtype=jnp.int32)
    return {"predictions": predictions, "inputs": inputs, "heart": heart}

def reference(predictions, inputs, heart):
    eps = 1e-10
    B, K, X, Y = predictions.shape
    M = inputs.shape[1]
    P = X * Y
    # boolean masking in the torch code is equivalent to mask-weighted sums
    mask = (heart[:, 0, :, :] == 1).astype(predictions.dtype).reshape(B, P)
    pred = predictions.reshape(B, K, P)
    inp = inputs.reshape(B, M, P)
    n = jnp.sum(mask, axis=1)  # number of masked pixels per batch
    pred_w = pred * mask[:, None, :]  # [B, K, P]
    alpha = jnp.sum(pred_w, axis=2) / n[:, None]  # [B, K]  (mean over masked pixels)
    s_pred = jnp.sum(pred_w, axis=2)  # [B, K]
    mu = jnp.einsum('bkp,bmp->bkm', pred_w, inp) / (s_pred[:, :, None] + eps)  # [B, K, M]
    diff = inp[:, None, :, :] - mu[:, :, :, None]  # [B, K, M, P]
    var = jnp.sum(pred_w[:, :, None, :] * diff ** 2, axis=3) / (s_pred[:, :, None] + eps) + eps  # [B, K, M]
    g = 1.0 / jnp.sqrt(2.0 * jnp.pi * var[:, :, :, None]) * jnp.exp(-(diff ** 2) / (2.0 * var[:, :, :, None]))  # [B, K, M, P]
    temp = jnp.prod(g, axis=2)  # [B, K, P]
    temp = alpha[:, :, None] * temp
    log_s = jnp.log(jnp.sum(temp, axis=1) + eps)  # [B, P]
    loss_b = -jnp.sum(log_s * mask, axis=1) / n  # mean of log-likelihood over masked pixels
    return jnp.mean(loss_b)

if __name__ == "__main__":
    import jax
    _d = setup_inputs()
    print(jax.jit(kernel)(*tuple(_d.values())))

</pallas_src>

<mosaic_0001>
#map = affine_map<(d0, d1) -> (0, 0, 0, 0)>
#map1 = affine_map<(d0, d1) -> (0, 0, 0)>
module attributes {stable_mosaic.version = 14 : i64} {
  func.func @sc_stats(%arg0: i32, %arg1: i32, %arg2: memref<8x4x512x512xf32, #tpu.memory_space<hbm>>, %arg3: memref<8x2x512x512xf32, #tpu.memory_space<hbm>>, %arg4: memref<8x1x512x512xi32, #tpu.memory_space<hbm>>, %arg5: memref<32x24x16xf32, #tpu.memory_space<hbm>>, %arg6: memref<2x4x16x512xf32, #tpu.memory_space<vmem>>, %arg7: memref<2x2x16x512xf32, #tpu.memory_space<vmem>>, %arg8: memref<2x1x16x512xi32, #tpu.memory_space<vmem>>, %arg9: memref<24x16xf32, #tpu.memory_space<vmem>>, %arg10: memref<!tpu.dma_semaphore, #tpu.memory_space<semaphore_mem>>, %arg11: memref<!tpu.dma_semaphore, #tpu.memory_space<semaphore_mem>>) attributes {dimension_semantics = [#tpu.dimension_semantics<core_parallel>, #tpu.dimension_semantics<subcore_parallel>], iteration_bounds = array<i64: 2, 16>, scalar_prefetch = 0 : i64, scratch_operands = 6 : i64, tpu.core_type = #tpu.core_type<sc_vector_subcore>, window_params = [{transform_indices = #map}, {transform_indices = #map}, {transform_indices = #map}, {transform_indices = #map1}]} {
    %mul3A = arith.constant 2 : i32
    %mul3A_0 = arith.muli %arg1, %mul3A : i32
    %add3A = arith.addi %mul3A_0, %arg0 : i32
    %jit3A = arith.constant 8 : i32
    %div3A = arith.divsi %add3A, %jit3A : i32
    %sign3A = arith.constant 0 : i32
    %sign3A_1 = arith.cmpi sgt, %add3A, %sign3A : i32
    %sign3A_2 = arith.extui %sign3A_1 : i1 to i32
    %sign3A_3 = arith.constant 0 : i32
    %sign3A_4 = arith.cmpi slt, %add3A, %sign3A_3 : i32
    %sign3A_5 = arith.extui %sign3A_4 : i1 to i32
    %sign3A_6 = arith.subi %sign3A_2, %sign3A_5 : i32
    %sign3A_7 = arith.constant 0 : i32
    %sign3A_8 = arith.cmpi sgt, %jit3A, %sign3A_7 : i32
    %sign3A_9 = arith.extui %sign3A_8 : i1 to i32
    %sign3A_10 = arith.constant 0 : i32
    %sign3A_11 = arith.cmpi slt, %jit3A, %sign3A_10 : i32
    %sign3A_12 = arith.extui %sign3A_11 : i1 to i32
    %sign3A_13 = arith.subi %sign3A_9, %sign3A_12 : i32
    %ne3A = arith.cmpi ne, %sign3A_6, %sign3A_13 : i32
    %rem3A = arith.remsi %add3A, %jit3A : i32
    %ne3A_14 = arith.constant 0 : i32
    %ne3A_15 = arith.cmpi ne, %rem3A, %ne3A_14 : i32
    %and3A = arith.andi %ne3A, %ne3A_15 : i1
    %sub3A = arith.constant 1 : i32
    %sub3A_16 = arith.subi %div3A, %sub3A : i32
    %select_n3A = arith.select %and3A, %sub3A_16, %div3A : i32
    %add3A_17 = arith.constant 4 : i32
    %add3A_18 = arith.addi %add3A_17, %select_n3A : i32
    %jit3A_19 = arith.constant 8 : i32
    %eq3A = arith.constant 0 : i32
    %eq3A_20 = arith.cmpi eq, %jit3A_19, %eq3A : i32
    %jit3A_21 = arith.constant 1 : i32
    %select_n3A_22 = arith.select %eq3A_20, %jit3A_21, %jit3A_19 : i32
    %rem3A_23 = arith.remsi %add3A, %select_n3A_22 : i32
    %ne3A_24 = arith.constant 0 : i32
    %ne3A_25 = arith.cmpi ne, %rem3A_23, %ne3A_24 : i32
    %lt3A = arith.constant 0 : i32
    %lt3A_26 = arith.cmpi slt, %rem3A_23, %lt3A : i32
    %lt3A_27 = arith.constant 0 : i32
    %lt3A_28 = arith.cmpi slt, %select_n3A_22, %lt3A_27 : i32
    %ne3A_29 = arith.xori %lt3A_26, %lt3A_28 : i1
    %and3A_30 = arith.andi %ne3A_29, %ne3A_25 : i1
    %add3A_31 = arith.addi %rem3A_23, %select_n3A_22 : i32
    %select_n3A_32 = arith.select %and3A_30, %add3A_31, %rem3A_23 : i32
    %mul3A_33 = arith.constant 64 : i32
    %mul3A_34 = arith.muli %select_n3A_32, %mul3A_33 : i32
    %broadcast_in_dim3A = arith.constant 0.000000e+00 : f32
    %broadcast_in_dim3A_35 = vector.broadcast %broadcast_in_dim3A : f32 to vector<16xf32>
    %broadcast_in_dim3A_36 = arith.constant 0.000000e+00 : f32
    %broadcast_in_dim3A_37 = vector.broadcast %broadcast_in_dim3A_36 : f32 to vector<16xf32>
    %broadcast_in_dim3A_38 = arith.constant 0.000000e+00 : f32
    %broadcast_in_dim3A_39 = vector.broadcast %broadcast_in_dim3A_38 : f32 to vector<16xf32>
    %broadcast_in_dim3A_40 = arith.constant 0.000000e+00 : f32
    %broadcast_in_dim3A_41 = vector.broadcast %broadcast_in_dim3A_40 : f32 to vector<16xf32>
    %broadcast_in_dim3A_42 = arith.constant 0.000000e+00 : f32
    %broadcast_in_dim3A_43 = vector.broadcast %broadcast_in_dim3A_42 : f32 to vector<16xf32>
    %broadcast_in_dim3A_44 = arith.constant 0.000000e+00 : f32
    %broadcast_in_dim3A_45 = vector.broadcast %broadcast_in_dim3A_44 : f32 to vector<16xf32>
    %broadcast_in_dim3A_46 = arith.constant 0.000000e+00 : f32
    %broadcast_in_dim3A_47 = vector.broadcast %broadcast_in_dim3A_46 : f32 to vector<16xf32>
    %broadcast_in_dim3A_48 = arith.constant 0.000000e+00 : f32
    %broadcast_in_dim3A_49 = vector.broadcast %broadcast_in_dim3A_48 : f32 to vector<16xf32>
    %broadcast_in_dim3A_50 = arith.constant 0.000000e+00 : f32
    %broadcast_in_dim3A_51 = vector.broadcast %broadcast_in_dim3A_50 : f32 to vector<16xf32>
    %broadcast_in_dim3A_52 = arith.constant 0.000000e+00 : f32
    %broadcast_in_dim3A_53 = vector.broadcast %broadcast_in_dim3A_52 : f32 to vector<16xf32>
    %broadcast_in_dim3A_54 = arith.constant 0.000000e+00 : f32
    %broadcast_in_dim3A_55 = vector.broadcast %broadcast_in_dim3A_54 : f32 to vector<16xf32>
    %broadcast_in_dim3A_56 = arith.constant 0.000000e+00 : f32
    %broadcast_in_dim3A_57 = vector.broadcast %broadcast_in_dim3A_56 : f32 to vector<16xf32>
    %broadcast_in_dim3A_58 = arith.constant 0.000000e+00 : f32
    %broadcast_in_dim3A_59 = vector.broadcast %broadcast_in_dim3A_58 : f32 to vector<16xf32>
    %broadcast_in_dim3A_60 = arith.constant 0.000000e+00 : f32
    %broadcast_in_dim3A_61 = vector.broadcast %broadcast_in_dim3A_60 : f32 to vector<16xf32>
    %broadcast_in_dim3A_62 = arith.constant 0.000000e+00 : f32
    %broadcast_in_dim3A_63 = vector.broadcast %broadcast_in_dim3A_62 : f32 to vector<16xf32>
    %broadcast_in_dim3A_64 = arith.constant 0.000000e+00 : f32
    %broadcast_in_dim3A_65 = vector.broadcast %broadcast_in_dim3A_64 : f32 to vector<16xf32>
    %broadcast_in_dim3A_66 = arith.constant 0.000000e+00 : f32
    %broadcast_in_dim3A_67 = vector.broadcast %broadcast_in_dim3A_66 : f32 to vector<16xf32>
    %broadcast_in_dim3A_68 = arith.constant 0.000000e+00 : f32
    %broadcast_in_dim3A_69 = vector.broadcast %broadcast_in_dim3A_68 : f32 to vector<16xf32>
    %broadcast_in_dim3A_70 = arith.constant 0.000000e+00 : f32
    %broadcast_in_dim3A_71 = vector.broadcast %broadcast_in_dim3A_70 : f32 to vector<16xf32>
    %broadcast_in_dim3A_72 = arith.constant 0.000000e+00 : f32
    %broadcast_in_dim3A_73 = vector.broadcast %broadcast_in_dim3A_72 : f32 to vector<16xf32>
    %broadcast_in_dim3A_74 = arith.constant 0.000000e+00 : f32
    %broadcast_in_dim3A_75 = vector.broadcast %broadcast_in_dim3A_74 : f32 to vector<16xf32>
    %add3A_76 = arith.constant 0 : i32
    %add3A_77 = arith.addi %mul3A_34, %add3A_76 : i32
    %dma_start3A = arith.constant 0 : i32
    %dma_start3A_78 = arith.constant 0 : i32
    %dma_start3A_79 = arith.constant 0 : i32
    %dma_start3A_80 = arith.constant 0 : i32
    %dma_start3A_81 = tpu.memref_slice %arg6[%dma_start3A, %dma_start3A_78, %dma_start3A_79, %dma_start3A_80] : memref<2x4x16x512xf32, #tpu.memory_space<vmem>> -> memref<1x4x16x512xf32, #tpu.memory_space<vmem>>
    %dma_start3A_82 = tpu.memref_squeeze %dma_start3A_81 : memref<1x4x16x512xf32, #tpu.memory_space<vmem>> -> memref<4x16x512xf32, #tpu.memory_space<vmem>>
    %dma_start3A_83 = arith.constant 0 : i32
    %dma_start3A_84 = arith.constant 0 : i32
    %dma_start3A_85 = tpu.memref_slice %arg2[%add3A_18, %dma_start3A_83, %add3A_77, %dma_start3A_84] : memref<8x4x512x512xf32, #tpu.memory_space<hbm>> -> memref<1x4x16x512xf32, #tpu.memory_space<hbm>>
    %dma_start3A_86 = tpu.memref_squeeze %dma_start3A_85 : memref<1x4x16x512xf32, #tpu.memory_space<hbm>> -> memref<4x16x512xf32, #tpu.memory_space<hbm>>
    %dma_start3A_87 = arith.constant 0 : i32
    %dma_start3A_88 = arith.constant 0 : i32
    %dma_start3A_89 = arith.constant 0 : i32
    %dma_start3A_90 = tpu.memref_slice %arg6[%dma_start3A, %dma_start3A_87, %dma_start3A_88, %dma_start3A_89] : memref<2x4x16x512xf32, #tpu.memory_space<vmem>> -> memref<1x4x16x512xf32, #tpu.memory_space<vmem>>
    %dma_start3A_91 = tpu.memref_squeeze %dma_start3A_90 : memref<1x4x16x512xf32, #tpu.memory_space<vmem>> -> memref<4x16x512xf32, #tpu.memory_space<vmem>>
    %dma_start3A_92 = arith.constant 0 : i32
    %dma_start3A_93 = arith.constant 0 : i32
    %dma_start3A_94 = tpu.memref_slice %arg2[%add3A_18, %dma_start3A_92, %add3A_77, %dma_start3A_93] : memref<8x4x512x512xf32, #tpu.memory_space<hbm>> -> memref<1x4x16x512xf32, #tpu.memory_space<hbm>>
    %dma_start3A_95 = tpu.memref_squeeze %dma_start3A_94 : memref<1x4x16x512xf32, #tpu.memory_space<hbm>> -> memref<4x16x512xf32, #tpu.memory_space<hbm>>
    tpu.enqueue_dma source(%dma_start3A_95 : memref<4x16x512xf32, #tpu.memory_space<hbm>>) target(%dma_start3A_91 : memref<4x16x512xf32, #tpu.memory_space<vmem>>) target_semaphore(%arg10 : memref<!tpu.dma_semaphore, #tpu.memory_space<semaphore_mem>>)
    %dma_start3A_96 = arith.constant 0 : i32
    %dma_start3A_97 = arith.constant 0 : i32
    %dma_start3A_98 = arith.constant 0 : i32
    %dma_start3A_99 = arith.constant 0 : i32
    %dma_start3A_100 = tpu.memref_slice %arg7[%dma_start3A_96, %dma_start3A_97, %dma_start3A_98, %dma_start3A_99] : memref<2x2x16x512xf32, #tpu.memory_space<vmem>> -> memref<1x2x16x512xf32, #tpu.memory_space<vmem>>
    %dma_start3A_101 = tpu.memref_squeeze %dma_start3A_100 : memref<1x2x16x512xf32, #tpu.memory_space<vmem>> -> memref<2x16x512xf32, #tpu.memory_space<vmem>>
    %dma_start3A_102 = arith.constant 0 : i32
    %dma_start3A_103 = arith.constant 0 : i32
    %dma_start3A_104 = tpu.memref_slice %arg3[%add3A_18, %dma_start3A_102, %add3A_77, %dma_start3A_103] : memref<8x2x512x512xf32, #tpu.memory_space<hbm>> -> memref<1x2x16x512xf32, #tpu.memory_space<hbm>>
    %dma_start3A_105 = tpu.memref_squeeze %dma_start3A_104 : memref<1x2x16x512xf32, #tpu.memory_space<hbm>> -> memref<2x16x512xf32, #tpu.memory_space<hbm>>
    %dma_start3A_106 = arith.constant 0 : i32
    %dma_start3A_107 = arith.constant 0 : i32
    %dma_start3A_108 = arith.constant 0 : i32
    %dma_start3A_109 = tpu.memref_slice %arg7[%dma_start3A_96, %dma_start3A_106, %dma_start3A_107, %dma_start3A_108] : memref<2x2x16x512xf32, #tpu.memory_space<vmem>> -> memref<1x2x16x512xf32, #tpu.memory_space<vmem>>
    %dma_start3A_110 = tpu.memref_squeeze %dma_start3A_109 : memref<1x2x16x512xf32, #tpu.memory_space<vmem>> -> memref<2x16x512xf32, #tpu.memory_space<vmem>>
    %dma_start3A_111 = arith.constant 0 : i32
    %dma_start3A_112 = arith.constant 0 : i32
    %dma_start3A_113 = tpu.memref_slice %arg3[%add3A_18, %dma_start3A_111, %add3A_77, %dma_start3A_112] : memref<8x2x512x512xf32, #tpu.memory_space<hbm>> -> memref<1x2x16x512xf32, #tpu.memory_space<hbm>>
    %dma_start3A_114 = tpu.memref_squeeze %dma_start3A_113 : memref<1x2x16x512xf32, #tpu.memory_space<hbm>> -> memref<2x16x512xf32, #tpu.memory_space<hbm>>
    tpu.enqueue_dma source(%dma_start3A_114 : memref<2x16x512xf32, #tpu.memory_space<hbm>>) target(%dma_start3A_110 : memref<2x16x512xf32, #tpu.memory_space<vmem>>) target_semaphore(%arg10 : memref<!tpu.dma_semaphore, #tpu.memory_space<semaphore_mem>>)
    %dma_start3A_115 = arith.constant 0 : i32
    %dma_start3A_116 = arith.constant 0 : i32
    %dma_start3A_117 = arith.constant 0 : i32
    %dma_start3A_118 = arith.constant 0 : i32
    %dma_start3A_119 = tpu.memref_slice %arg8[%dma_start3A_115, %dma_start3A_116, %dma_start3A_117, %dma_start3A_118] : memref<2x1x16x512xi32, #tpu.memory_space<vmem>> -> memref<1x1x16x512xi32, #tpu.memory_space<vmem>>
    %dma_start3A_120 = tpu.memref_squeeze %dma_start3A_119 : memref<1x1x16x512xi32, #tpu.memory_space<vmem>> -> memref<1x16x512xi32, #tpu.memory_space<vmem>>
    %dma_start3A_121 = arith.constant 0 : i32
    %dma_start3A_122 = arith.constant 0 : i32
    %dma_start3A_123 = tpu.memref_slice %arg4[%add3A_18, %dma_start3A_121, %add3A_77, %dma_start3A_122] : memref<8x1x512x512xi32, #tpu.memory_space<hbm>> -> memref<1x1x16x512xi32, #tpu.memory_space<hbm>>
    %dma_start3A_124 = tpu.memref_squeeze %dma_start3A_123 : memref<1x1x16x512xi32, #tpu.memory_space<hbm>> -> memref<1x16x512xi32, #tpu.memory_space<hbm>>
    %dma_start3A_125 = arith.constant 0 : i32
    %dma_start3A_126 = arith.constant 0 : i32
    %dma_start3A_127 = arith.constant 0 : i32
    %dma_start3A_128 = tpu.memref_slice %arg8[%dma_start3A_115, %dma_start3A_125, %dma_start3A_126, %dma_start3A_127] : memref<2x1x16x512xi32, #tpu.memory_space<vmem>> -> memref<1x1x16x512xi32, #tpu.memory_space<vmem>>
    %dma_start3A_129 = tpu.memref_squeeze %dma_start3A_128 : memref<1x1x16x512xi32, #tpu.memory_space<vmem>> -> memref<1x16x512xi32, #tpu.memory_space<vmem>>
    %dma_start3A_130 = arith.constant 0 : i32
    %dma_start3A_131 = arith.constant 0 : i32
    %dma_start3A_132 = tpu.memref_slice %arg4[%add3A_18, %dma_start3A_130, %add3A_77, %dma_start3A_131] : memref<8x1x512x512xi32, #tpu.memory_space<hbm>> -> memref<1x1x16x512xi32, #tpu.memory_space<hbm>>
    %dma_start3A_133 = tpu.memref_squeeze %dma_start3A_132 : memref<1x1x16x512xi32, #tpu.memory_space<hbm>> -> memref<1x16x512xi32, #tpu.memory_space<hbm>>
    tpu.enqueue_dma source(%dma_start3A_133 : memref<1x16x512xi32, #tpu.memory_space<hbm>>) target(%dma_start3A_129 : memref<1x16x512xi32, #tpu.memory_space<vmem>>) target_semaphore(%arg10 : memref<!tpu.dma_semaphore, #tpu.memory_space<semaphore_mem>>)
    %add3A_134 = arith.constant 16 : i32
    %add3A_135 = arith.addi %mul3A_34, %add3A_134 : i32
    %dma_start3A_136 = arith.constant 1 : i32
    %dma_start3A_137 = arith.constant 0 : i32
    %dma_start3A_138 = arith.constant 0 : i32
    %dma_start3A_139 = arith.constant 0 : i32
    %dma_start3A_140 = tpu.memref_slice %arg6[%dma_start3A_136, %dma_start3A_137, %dma_start3A_138, %dma_start3A_139] : memref<2x4x16x512xf32, #tpu.memory_space<vmem>> -> memref<1x4x16x512xf32, #tpu.memory_space<vmem>>
    %dma_start3A_141 = tpu.memref_squeeze %dma_start3A_140 : memref<1x4x16x512xf32, #tpu.memory_space<vmem>> -> memref<4x16x512xf32, #tpu.memory_space<vmem>>
    %dma_start3A_142 = arith.constant 0 : i32
    %dma_start3A_143 = arith.constant 0 : i32
    %dma_start3A_144 = tpu.memref_slice %arg2[%add3A_18, %dma_start3A_142, %add3A_135, %dma_start3A_143] : memref<8x4x512x512xf32, #tpu.memory_space<hbm>> -> memref<1x4x16x512xf32, #tpu.memory_space<hbm>>
    %dma_start3A_145 = tpu.memref_squeeze %dma_start3A_144 : memref<1x4x16x512xf32, #tpu.memory_space<hbm>> -> memref<4x16x512xf32, #tpu.memory_space<hbm>>
    %dma_start3A_146 = arith.constant 0 : i32
    %dma_start3A_147 = arith.constant 0 : i32
    %dma_start3A_148 = arith.constant 0 : i32
    %dma_start3A_149 = tpu.memref_slice %arg6[%dma_start3A_136, %dma_start3A_146, %dma_start3A_147, %dma_start3A_148] : memref<2x4x16x512xf32, #tpu.memory_space<vmem>> -> memref<1x4x16x512xf32, #tpu.memory_space<vmem>>
    %dma_start3A_150 = tpu.memref_squeeze %dma_start3A_149 : memref<1x4x16x512xf32, #tpu.memory_space<vmem>> -> memref<4x16x512xf32, #tpu.memory_space<vmem>>
    %dma_start3A_151 = arith.constant 0 : i32
    %dma_start3A_152 = arith.constant 0 : i32
    %dma_start3A_153 = tpu.memref_slice %arg2[%add3A_18, %dma_start3A_151, %add3A_135, %dma_start3A_152] : memref<8x4x512x512xf32, #tpu.memory_space<hbm>> -> memref<1x4x16x512xf32, #tpu.memory_space<hbm>>
    %dma_start3A_154 = tpu.memref_squeeze %dma_start3A_153 : memref<1x4x16x512xf32, #tpu.memory_space<hbm>> -> memref<4x16x512xf32, #tpu.memory_space<hbm>>
    tpu.enqueue_dma source(%dma_start3A_154 : memref<4x16x512xf32, #tpu.memory_space<hbm>>) target(%dma_start3A_150 : memref<4x16x512xf32, #tpu.memory_space<vmem>>) target_semaphore(%arg11 : memref<!tpu.dma_semaphore, #tpu.memory_space<semaphore_mem>>)
    %dma_start3A_155 = arith.constant 1 : i32
    %dma_start3A_156 = arith.constant 0 : i32
    %dma_start3A_157 = arith.constant 0 : i32
    %dma_start3A_158 = arith.constant 0 : i32
    %dma_start3A_159 = tpu.memref_slice %arg7[%dma_start3A_155, %dma_start3A_156, %dma_start3A_157, %dma_start3A_158] : memref<2x2x16x512xf32, #tpu.memory_space<vmem>> -> memref<1x2x16x512xf32, #tpu.memory_space<vmem>>
    %dma_start3A_160 = tpu.memref_squeeze %dma_start3A_159 : memref<1x2x16x512xf32, #tpu.memory_space<vmem>> -> memref<2x16x512xf32, #tpu.memory_space<vmem>>
    %dma_start3A_161 = arith.constant 0 : i32
    %dma_start3A_162 = arith.constant 0 : i32
    %dma_start3A_163 = tpu.memref_slice %arg3[%add3A_18, %dma_start3A_161, %add3A_135, %dma_start3A_162] : memref<8x2x512x512xf32, #tpu.memory_space<hbm>> -> memref<1x2x16x512xf32, #tpu.memory_space<hbm>>
    %dma_start3A_164 = tpu.memref_squeeze %dma_start3A_163 : memref<1x2x16x512xf32, #tpu.memory_space<hbm>> -> memref<2x16x512xf32, #tpu.memory_space<hbm>>
    %dma_start3A_165 = arith.constant 0 : i32
    %dma_start3A_166 = arith.constant 0 : i32
    %dma_start3A_167 = arith.constant 0 : i32
    %dma_start3A_168 = tpu.memref_slice %arg7[%dma_start3A_155, %dma_start3A_165, %dma_start3A_166, %dma_start3A_167] : memref<2x2x16x512xf32, #tpu.memory_space<vmem>> -> memref<1x2x16x512xf32, #tpu.memory_space<vmem>>
    %dma_start3A_169 = tpu.memref_squeeze %dma_start3A_168 : memref<1x2x16x512xf32, #tpu.memory_space<vmem>> -> memref<2x16x512xf32, #tpu.memory_space<vmem>>
    %dma_start3A_170 = arith.constant 0 : i32
    %dma_start3A_171 = arith.constant 0 : i32
    %dma_start3A_172 = tpu.memref_slice %arg3[%add3A_18, %dma_start3A_170, %add3A_135, %dma_start3A_171] : memref<8x2x512x512xf32, #tpu.memory_space<hbm>> -> memref<1x2x16x512xf32, #tpu.memory_space<hbm>>
    %dma_start3A_173 = tpu.memref_squeeze %dma_start3A_172 : memref<1x2x16x512xf32, #tpu.memory_space<hbm>> -> memref<2x16x512xf32, #tpu.memory_space<hbm>>
    tpu.enqueue_dma source(%dma_start3A_173 : memref<2x16x512xf32, #tpu.memory_space<hbm>>) target(%dma_start3A_169 : memref<2x16x512xf32, #tpu.memory_space<vmem>>) target_semaphore(%arg11 : memref<!tpu.dma_semaphore, #tpu.memory_space<semaphore_mem>>)
    %dma_start3A_174 = arith.constant 1 : i32
    %dma_start3A_175 = arith.constant 0 : i32
    %dma_start3A_176 = arith.constant 0 : i32
    %dma_start3A_177 = arith.constant 0 : i32
    %dma_start3A_178 = tpu.memref_slice %arg8[%dma_start3A_174, %dma_start3A_175, %dma_start3A_176, %dma_start3A_177] : memref<2x1x16x512xi32, #tpu.memory_space<vmem>> -> memref<1x1x16x512xi32, #tpu.memory_space<vmem>>
    %dma_start3A_179 = tpu.memref_squeeze %dma_start3A_178 : memref<1x1x16x512xi32, #tpu.memory_space<vmem>> -> memref<1x16x512xi32, #tpu.memory_space<vmem>>
    %dma_start3A_180 = arith.constant 0 : i32
    %dma_start3A_181 = arith.constant 0 : i32
    %dma_start3A_182 = tpu.memref_slice %arg4[%add3A_18, %dma_start3A_180, %add3A_135, %dma_start3A_181] : memref<8x1x512x512xi32, #tpu.memory_space<hbm>> -> memref<1x1x16x512xi32, #tpu.memory_space<hbm>>
    %dma_start3A_183 = tpu.memref_squeeze %dma_start3A_182 : memref<1x1x16x512xi32, #tpu.memory_space<hbm>> -> memref<1x16x512xi32, #tpu.memory_space<hbm>>
    %dma_start3A_184 = arith.constant 0 : i32
    %dma_start3A_185 = arith.constant 0 : i32
    %dma_start3A_186 = arith.constant 0 : i32
    %dma_start3A_187 = tpu.memref_slice %arg8[%dma_start3A_174, %dma_start3A_184, %dma_start3A_185, %dma_start3A_186] : memref<2x1x16x512xi32, #tpu.memory_space<vmem>> -> memref<1x1x16x512xi32, #tpu.memory_space<vmem>>
    %dma_start3A_188 = tpu.memref_squeeze %dma_start3A_187 : memref<1x1x16x512xi32, #tpu.memory_space<vmem>> -> memref<1x16x512xi32, #tpu.memory_space<vmem>>
    %dma_start3A_189 = arith.constant 0 : i32
    %dma_start3A_190 = arith.constant 0 : i32
    %dma_start3A_191 = tpu.memref_slice %arg4[%add3A_18, %dma_start3A_189, %add3A_135, %dma_start3A_190] : memref<8x1x512x512xi32, #tpu.memory_space<hbm>> -> memref<1x1x16x512xi32, #tpu.memory_space<hbm>>
    %dma_start3A_192 = tpu.memref_squeeze %dma_start3A_191 : memref<1x1x16x512xi32, #tpu.memory_space<hbm>> -> memref<1x16x512xi32, #tpu.memory_space<hbm>>
    tpu.enqueue_dma source(%dma_start3A_192 : memref<1x16x512xi32, #tpu.memory_space<hbm>>) target(%dma_start3A_188 : memref<1x16x512xi32, #tpu.memory_space<vmem>>) target_semaphore(%arg11 : memref<!tpu.dma_semaphore, #tpu.memory_space<semaphore_mem>>)
    %dma_wait3A = arith.constant 0 : i32
    %dma_wait3A_193 = arith.constant 0 : i32
    %dma_wait3A_194 = arith.constant 0 : i32
    %dma_wait3A_195 = arith.constant 0 : i32
    %dma_wait3A_196 = tpu.memref_slice %arg6[%dma_wait3A, %dma_wait3A_193, %dma_wait3A_194, %dma_wait3A_195] : memref<2x4x16x512xf32, #tpu.memory_space<vmem>> -> memref<1x4x16x512xf32, #tpu.memory_space<vmem>>
    %dma_wait3A_197 = tpu.memref_squeeze %dma_wait3A_196 : memref<1x4x16x512xf32, #tpu.memory_space<vmem>> -> memref<4x16x512xf32, #tpu.memory_space<vmem>>
    %dma_wait3A_198 = arith.constant 0 : i32
    %dma_wait3A_199 = arith.constant 0 : i32
    %dma_wait3A_200 = tpu.memref_slice %arg2[%add3A_18, %dma_wait3A_198, %add3A_77, %dma_wait3A_199] : memref<8x4x512x512xf32, #tpu.memory_space<hbm>> -> memref<1x4x16x512xf32, #tpu.memory_space<hbm>>
    %dma_wait3A_201 = tpu.memref_squeeze %dma_wait3A_200 : memref<1x4x16x512xf32, #tpu.memory_space<hbm>> -> memref<4x16x512xf32, #tpu.memory_space<hbm>>
    %dma_wait3A_202 = arith.constant 0 : i32
    %dma_wait3A_203 = arith.constant 0 : i32
    %dma_wait3A_204 = arith.constant 0 : i32
    %dma_wait3A_205 = tpu.memref_slice %arg6[%dma_wait3A, %dma_wait3A_202, %dma_wait3A_203, %dma_wait3A_204] : memref<2x4x16x512xf32, #tpu.memory_space<vmem>> -> memref<1x4x16x512xf32, #tpu.memory_space<vmem>>
    %dma_wait3A_206 = tpu.memref_squeeze %dma_wait3A_205 : memref<1x4x16x512xf32, #tpu.memory_space<vmem>> -> memref<4x16x512xf32, #tpu.memory_space<vmem>>
    %dma_wait3A_207 = arith.constant 0 : i32
    %dma_wait3A_208 = arith.constant 0 : i32
    %dma_wait3A_209 = tpu.memref_slice %arg2[%add3A_18, %dma_wait3A_207, %add3A_77, %dma_wait3A_208] : memref<8x4x512x512xf32, #tpu.memory_space<hbm>> -> memref<1x4x16x512xf32, #tpu.memory_space<hbm>>
    %dma_wait3A_210 = tpu.memref_squeeze %dma_wait3A_209 : memref<1x4x16x512xf32, #tpu.memory_space<hbm>> -> memref<4x16x512xf32, #tpu.memory_space<hbm>>
    tpu.wait_dma2 semaphore(%arg10 : memref<!tpu.dma_semaphore, #tpu.memory_space<semaphore_mem>>) src(%dma_wait3A_210 : memref<4x16x512xf32, #tpu.memory_space<hbm>>) dst(%dma_wait3A_206 : memref<4x16x512xf32, #tpu.memory_space<vmem>>)
    %dma_wait3A_211 = arith.constant 0 : i32
    %dma_wait3A_212 = arith.constant 0 : i32
    %dma_wait3A_213 = arith.constant 0 : i32
    %dma_wait3A_214 = arith.constant 0 : i32
    %dma_wait3A_215 = tpu.memref_slice %arg7[%dma_wait3A_211, %dma_wait3A_212, %dma_wait3A_213, %dma_wait3A_214] : memref<2x2x16x512xf32, #tpu.memory_space<vmem>> -> memref<1x2x16x512xf32, #tpu.memory_space<vmem>>
    %dma_wait3A_216 = tpu.memref_squeeze %dma_wait3A_215 : memref<1x2x16x512xf32, #tpu.memory_space<vmem>> -> memref<2x16x512xf32, #tpu.memory_space<vmem>>
    %dma_wait3A_217 = arith.constant 0 : i32
    %dma_wait3A_218 = arith.constant 0 : i32
    %dma_wait3A_219 = tpu.memref_slice %arg3[%add3A_18, %dma_wait3A_217, %add3A_77, %dma_wait3A_218] : memref<8x2x512x512xf32, #tpu.memory_space<hbm>> -> memref<1x2x16x512xf32, #tpu.memory_space<hbm>>
    %dma_wait3A_220 = tpu.memref_squeeze %dma_wait3A_219 : memref<1x2x16x512xf32, #tpu.memory_space<hbm>> -> memref<2x16x512xf32, #tpu.memory_space<hbm>>
    %dma_wait3A_221 = arith.constant 0 : i32
    %dma_wait3A_222 = arith.constant 0 : i32
    %dma_wait3A_223 = arith.constant 0 : i32
    %dma_wait3A_224 = tpu.memref_slice %arg7[%dma_wait3A_211, %dma_wait3A_221, %dma_wait3A_222, %dma_wait3A_223] : memref<2x2x16x512xf32, #tpu.memory_space<vmem>> -> memref<1x2x16x512xf32, #tpu.memory_space<vmem>>
    %dma_wait3A_225 = tpu.memref_squeeze %dma_wait3A_224 : memref<1x2x16x512xf32, #tpu.memory_space<vmem>> -> memref<2x16x512xf32, #tpu.memory_space<vmem>>
    %dma_wait3A_226 = arith.constant 0 : i32
    %dma_wait3A_227 = arith.constant 0 : i32
    %dma_wait3A_228 = tpu.memref_slice %arg3[%add3A_18, %dma_wait3A_226, %add3A_77, %dma_wait3A_227] : memref<8x2x512x512xf32, #tpu.memory_space<hbm>> -> memref<1x2x16x512xf32, #tpu.memory_space<hbm>>
    %dma_wait3A_229 = tpu.memref_squeeze %dma_wait3A_228 : memref<1x2x16x512xf32, #tpu.memory_space<hbm>> -> memref<2x16x512xf32, #tpu.memory_space<hbm>>
    tpu.wait_dma2 semaphore(%arg10 : memref<!tpu.dma_semaphore, #tpu.memory_space<semaphore_mem>>) src(%dma_wait3A_229 : memref<2x16x512xf32, #tpu.memory_space<hbm>>) dst(%dma_wait3A_225 : memref<2x16x512xf32, #tpu.memory_space<vmem>>)
    %dma_wait3A_230 = arith.constant 0 : i32
    %dma_wait3A_231 = arith.constant 0 : i32
    %dma_wait3A_232 = arith.constant 0 : i32
    %dma_wait3A_233 = arith.constant 0 : i32
    %dma_wait3A_234 = tpu.memref_slice %arg8[%dma_wait3A_230, %dma_wait3A_231, %dma_wait3A_232, %dma_wait3A_233] : memref<2x1x16x512xi32, #tpu.memory_space<vmem>> -> memref<1x1x16x512xi32, #tpu.memory_space<vmem>>
    %dma_wait3A_235 = tpu.memref_squeeze %dma_wait3A_234 : memref<1x1x16x512xi32, #tpu.memory_space<vmem>> -> memref<1x16x512xi32, #tpu.memory_space<vmem>>
    %dma_wait3A_236 = arith.constant 0 : i32
    %dma_wait3A_237 = arith.constant 0 : i32
    %dma_wait3A_238 = tpu.memref_slice %arg4[%add3A_18, %dma_wait3A_236, %add3A_77, %dma_wait3A_237] : memref<8x1x512x512xi32, #tpu.memory_space<hbm>> -> memref<1x1x16x512xi32, #tpu.memory_space<hbm>>
    %dma_wait3A_239 = tpu.memref_squeeze %dma_wait3A_238 : memref<1x1x16x512xi32, #tpu.memory_space<hbm>> -> memref<1x16x512xi32, #tpu.memory_space<hbm>>
    %dma_wait3A_240 = arith.constant 0 : i32
    %dma_wait3A_241 = arith.constant 0 : i32
    %dma_wait3A_242 = arith.constant 0 : i32
    %dma_wait3A_243 = tpu.memref_slice %arg8[%dma_wait3A_230, %dma_wait3A_240, %dma_wait3A_241, %dma_wait3A_242] : memref<2x1x16x512xi32, #tpu.memory_space<vmem>> -> memref<1x1x16x512xi32, #tpu.memory_space<vmem>>
    %dma_wait3A_244 = tpu.memref_squeeze %dma_wait3A_243 : memref<1x1x16x512xi32, #tpu.memory_space<vmem>> -> memref<1x16x512xi32, #tpu.memory_space<vmem>>
    %dma_wait3A_245 = arith.constant 0 : i32
    %dma_wait3A_246 = arith.constant 0 : i32
    %dma_wait3A_247 = tpu.memref_slice %arg4[%add3A_18, %dma_wait3A_245, %add3A_77, %dma_wait3A_246] : memref<8x1x512x512xi32, #tpu.memory_space<hbm>> -> memref<1x1x16x512xi32, #tpu.memory_space<hbm>>
    %dma_wait3A_248 = tpu.memref_squeeze %dma_wait3A_247 : memref<1x1x16x512xi32, #tpu.memory_space<hbm>> -> memref<1x16x512xi32, #tpu.memory_space<hbm>>
    tpu.wait_dma2 semaphore(%arg10 : memref<!tpu.dma_semaphore, #tpu.memory_space<semaphore_mem>>) src(%dma_wait3A_248 : memref<1x16x512xi32, #tpu.memory_space<hbm>>) dst(%dma_wait3A_244 : memref<1x16x512xi32, #tpu.memory_space<vmem>>)
    %parallel_loop3A = arith.constant 0 : i32
    %parallel_loop3A_249 = arith.constant 512 : i32
    %parallel_loop3A_250 = arith.constant 1 : i32
    %parallel_loop3A_251:21 = scf.for %parallel_loop3A_702 = %parallel_loop3A to %parallel_loop3A_249 step %parallel_loop3A_250 iter_args(%parallel_loop3A_703 = %broadcast_in_dim3A_35, %parallel_loop3A_704 = %broadcast_in_dim3A_37, %parallel_loop3A_705 = %broadcast_in_dim3A_39, %parallel_loop3A_706 = %broadcast_in_dim3A_41, %parallel_loop3A_707 = %broadcast_in_dim3A_43, %parallel_loop3A_708 = %broadcast_in_dim3A_45, %parallel_loop3A_709 = %broadcast_in_dim3A_47, %parallel_loop3A_710 = %broadcast_in_dim3A_49, %parallel_loop3A_711 = %broadcast_in_dim3A_51, %parallel_loop3A_712 = %broadcast_in_dim3A_53, %parallel_loop3A_713 = %broadcast_in_dim3A_55, %parallel_loop3A_714 = %broadcast_in_dim3A_57, %parallel_loop3A_715 = %broadcast_in_dim3A_59, %parallel_loop3A_716 = %broadcast_in_dim3A_61, %parallel_loop3A_717 = %broadcast_in_dim3A_63, %parallel_loop3A_718 = %broadcast_in_dim3A_65, %parallel_loop3A_719 = %broadcast_in_dim3A_67, %parallel_loop3A_720 = %broadcast_in_dim3A_69, %parallel_loop3A_721 = %broadcast_in_dim3A_71, %parallel_loop3A_722 = %broadcast_in_dim3A_73, %parallel_loop3A_723 = %broadcast_in_dim3A_75) -> (vector<16xf32>, vector<16xf32>, vector<16xf32>, vector<16xf32>, vector<16xf32>, vector<16xf32>, vector<16xf32>, vector<16xf32>, vector<16xf32>, vector<16xf32>, vector<16xf32>, vector<16xf32>, vector<16xf32>, vector<16xf32>, vector<16xf32>, vector<16xf32>, vector<16xf32>, vector<16xf32>, vector<16xf32>, vector<16xf32>, vector<16xf32>)  : i32 {
      %parallel_loop3A_724 = arith.constant 32 : i32
      %parallel_loop3A_725 = arith.divsi %parallel_loop3A_702, %parallel_loop3A_724 : i32
      %parallel_loop3A_726 = arith.constant 0 : i32
      %parallel_loop3A_727 = arith.cmpi sgt, %parallel_loop3A_702, %parallel_loop3A_726 : i32
      %parallel_loop3A_728 = arith.extui %parallel_loop3A_727 : i1 to i32
      %parallel_loop3A_729 = arith.constant 0 : i32
      %parallel_loop3A_730 = arith.cmpi slt, %parallel_loop3A_702, %parallel_loop3A_729 : i32
      %parallel_loop3A_731 = arith.extui %parallel_loop3A_730 : i1 to i32
      %parallel_loop3A_732 = arith.subi %parallel_loop3A_728, %parallel_loop3A_731 : i32
      %parallel_loop3A_733 = arith.constant 0 : i32
      %parallel_loop3A_734 = arith.cmpi sgt, %parallel_loop3A_724, %parallel_loop3A_733 : i32
      %parallel_loop3A_735 = arith.extui %parallel_loop3A_734 : i1 to i32
      %parallel_loop3A_736 = arith.constant 0 : i32
      %parallel_loop3A_737 = arith.cmpi slt, %parallel_loop3A_724, %parallel_loop3A_736 : i32
      %parallel_loop3A_738 = arith.extui %parallel_loop3A_737 : i1 to i32
      %parallel_loop3A_739 = arith.subi %parallel_loop3A_735, %parallel_loop3A_738 : i32
      %parallel_loop3A_740 = arith.cmpi ne, %parallel_loop3A_732, %parallel_loop3A_739 : i32
      %parallel_loop3A_741 = arith.remsi %parallel_loop3A_702, %parallel_loop3A_724 : i32
      %parallel_loop3A_742 = arith.constant 0 : i32
      %parallel_loop3A_743 = arith.cmpi ne, %parallel_loop3A_741, %parallel_loop3A_742 : i32
      %parallel_loop3A_744 = arith.andi %parallel_loop3A_740, %parallel_loop3A_743 : i1
      %parallel_loop3A_745 = arith.constant 1 : i32
      %parallel_loop3A_746 = arith.subi %parallel_loop3A_725, %parallel_loop3A_745 : i32
      %parallel_loop3A_747 = arith.select %parallel_loop3A_744, %parallel_loop3A_746, %parallel_loop3A_725 : i32
      %parallel_loop3A_748 = arith.constant 32 : i32
      %parallel_loop3A_749 = arith.constant 0 : i32
      %parallel_loop3A_750 = arith.cmpi eq, %parallel_loop3A_748, %parallel_loop3A_749 : i32
      %parallel_loop3A_751 = arith.constant 1 : i32
      %parallel_loop3A_752 = arith.select %parallel_loop3A_750, %parallel_loop3A_751, %parallel_loop3A_748 : i32
      %parallel_loop3A_753 = arith.remsi %parallel_loop3A_702, %parallel_loop3A_752 : i32
      %parallel_loop3A_754 = arith.constant 0 : i32
      %parallel_loop3A_755 = arith.cmpi ne, %parallel_loop3A_753, %parallel_loop3A_754 : i32
      %parallel_loop3A_756 = arith.constant 0 : i32
      %parallel_loop3A_757 = arith.cmpi slt, %parallel_loop3A_753, %parallel_loop3A_756 : i32
      %parallel_loop3A_758 = arith.constant 0 : i32
      %parallel_loop3A_759 = arith.cmpi slt, %parallel_loop3A_752, %parallel_loop3A_758 : i32
      %parallel_loop3A_760 = arith.xori %parallel_loop3A_757, %parallel_loop3A_759 : i1
      %parallel_loop3A_761 = arith.andi %parallel_loop3A_760, %parallel_loop3A_755 : i1
      %parallel_loop3A_762 = arith.addi %parallel_loop3A_753, %parallel_loop3A_752 : i32
      %parallel_loop3A_763 = arith.select %parallel_loop3A_761, %parallel_loop3A_762, %parallel_loop3A_753 : i32
      %parallel_loop3A_764 = arith.constant 16 : i32
      %parallel_loop3A_765 = arith.muli %parallel_loop3A_763, %parallel_loop3A_764 : i32
      %parallel_loop3A_766 = arith.constant 0 : i32
      %parallel_loop3A_767 = arith.constant 0 : i32
      %parallel_loop3A_768 = arith.index_cast %parallel_loop3A_766 : i32 to index
      %parallel_loop3A_769 = arith.index_cast %parallel_loop3A_767 : i32 to index
      %parallel_loop3A_770 = arith.index_cast %parallel_loop3A_747 : i32 to index
      %parallel_loop3A_771 = arith.index_cast %parallel_loop3A_765 : i32 to index
      %parallel_loop3A_772 = tpu.vector_load %arg8[%parallel_loop3A_768, %parallel_loop3A_769, %parallel_loop3A_770, %parallel_loop3A_771] {strides = array<i32>} : memref<2x1x16x512xi32, #tpu.memory_space<vmem>>, vector<1x1x1x16xi32>,
      %parallel_loop3A_773 = vector.shape_cast %parallel_loop3A_772 : vector<1x1x1x16xi32> to vector<16xi32>
      %parallel_loop3A_774 = arith.constant 1 : i32
      %parallel_loop3A_775 = vector.broadcast %parallel_loop3A_774 : i32 to vector<16xi32>
      %parallel_loop3A_776 = arith.cmpi eq, %parallel_loop3A_773, %parallel_loop3A_775 : vector<16xi32>
      %parallel_loop3A_777 = arith.constant 1.000000e+00 : f32
      %parallel_loop3A_778 = arith.constant 0.000000e+00 : f32
      %parallel_loop3A_779 = vector.broadcast %parallel_loop3A_777 : f32 to vector<16xf32>
      %parallel_loop3A_780 = vector.broadcast %parallel_loop3A_778 : f32 to vector<16xf32>
      %parallel_loop3A_781 = arith.select %parallel_loop3A_776, %parallel_loop3A_779, %parallel_loop3A_780 : vector<16xi1>, vector<16xf32>
      %parallel_loop3A_782 = arith.constant 0 : i32
      %parallel_loop3A_783 = arith.constant 0 : i32
      %parallel_loop3A_784 = arith.index_cast %parallel_loop3A_782 : i32 to index
      %parallel_loop3A_785 = arith.index_cast %parallel_loop3A_783 : i32 to index
      %parallel_loop3A_786 = arith.index_cast %parallel_loop3A_747 : i32 to index
      %parallel_loop3A_787 = arith.index_cast %parallel_loop3A_765 : i32 to index
      %parallel_loop3A_788 = tpu.vector_load %arg7[%parallel_loop3A_784, %parallel_loop3A_785, %parallel_loop3A_786, %parallel_loop3A_787] {strides = array<i32>} : memref<2x2x16x512xf32, #tpu.memory_space<vmem>>, vector<1x1x1x16xf32>,
      %parallel_loop3A_789 = vector.shape_cast %parallel_loop3A_788 : vector<1x1x1x16xf32> to vector<16xf32>
      %parallel_loop3A_790 = arith.constant 0 : i32
      %parallel_loop3A_791 = arith.constant 1 : i32
      %parallel_loop3A_792 = arith.index_cast %parallel_loop3A_790 : i32 to index
      %parallel_loop3A_793 = arith.index_cast %parallel_loop3A_791 : i32 to index
      %parallel_loop3A_794 = arith.index_cast %parallel_loop3A_747 : i32 to index
      %parallel_loop3A_795 = arith.index_cast %parallel_loop3A_765 : i32 to index
      %parallel_loop3A_796 = tpu.vector_load %arg7[%parallel_loop3A_792, %parallel_loop3A_793, %parallel_loop3A_794, %parallel_loop3A_795] {strides = array<i32>} : memref<2x2x16x512xf32, #tpu.memory_space<vmem>>, vector<1x1x1x16xf32>,
      %parallel_loop3A_797 = vector.shape_cast %parallel_loop3A_796 : vector<1x1x1x16xf32> to vector<16xf32>
      %parallel_loop3A_798 = arith.addf %parallel_loop3A_703, %parallel_loop3A_781 : vector<16xf32>
      %parallel_loop3A_799 = arith.constant 0 : i32
      %parallel_loop3A_800 = arith.constant 0 : i32
      %parallel_loop3A_801 = arith.index_cast %parallel_loop3A_799 : i32 to index
      %parallel_loop3A_802 = arith.index_cast %parallel_loop3A_800 : i32 to index
      %parallel_loop3A_803 = arith.index_cast %parallel_loop3A_747 : i32 to index
      %parallel_loop3A_804 = arith.index_cast %parallel_loop3A_765 : i32 to index
      %parallel_loop3A_805 = tpu.vector_load %arg6[%parallel_loop3A_801, %parallel_loop3A_802, %parallel_loop3A_803, %parallel_loop3A_804] {strides = array<i32>} : memref<2x4x16x512xf32, #tpu.memory_space<vmem>>, vector<1x1x1x16xf32>,
      %parallel_loop3A_806 = vector.shape_cast %parallel_loop3A_805 : vector<1x1x1x16xf32> to vector<16xf32>
      %parallel_loop3A_807 = arith.mulf %parallel_loop3A_806, %parallel_loop3A_781 : vector<16xf32>
      %parallel_loop3A_808 = arith.addf %parallel_loop3A_704, %parallel_loop3A_807 : vector<16xf32>
      %parallel_loop3A_809 = arith.mulf %parallel_loop3A_807, %parallel_loop3A_789 : vector<16xf32>
      %parallel_loop3A_810 = arith.addf %parallel_loop3A_705, %parallel_loop3A_809 : vector<16xf32>
      %parallel_loop3A_811 = arith.mulf %parallel_loop3A_807, %parallel_loop3A_797 : vector<16xf32>
      %parallel_loop3A_812 = arith.addf %parallel_loop3A_706, %parallel_loop3A_811 : vector<16xf32>
      %parallel_loop3A_813 = arith.mulf %parallel_loop3A_789, %parallel_loop3A_789 : vector<16xf32>
      %parallel_loop3A_814 = arith.mulf %parallel_loop3A_807, %parallel_loop3A_813 : vector<16xf32>
      %parallel_loop3A_815 = arith.addf %parallel_loop3A_707, %parallel_loop3A_814 : vector<16xf32>
      %parallel_loop3A_816 = arith.mulf %parallel_loop3A_797, %parallel_loop3A_797 : vector<16xf32>
      %parallel_loop3A_817 = arith.mulf %parallel_loop3A_807, %parallel_loop3A_816 : vector<16xf32>
      %parallel_loop3A_818 = arith.addf %parallel_loop3A_708, %parallel_loop3A_817 : vector<16xf32>
      %parallel_loop3A_819 = arith.constant 0 : i32
      %parallel_loop3A_820 = arith.constant 1 : i32
      %parallel_loop3A_821 = arith.index_cast %parallel_loop3A_819 : i32 to index
      %parallel_loop3A_822 = arith.index_cast %parallel_loop3A_820 : i32 to index
      %parallel_loop3A_823 = arith.index_cast %parallel_loop3A_747 : i32 to index
      %parallel_loop3A_824 = arith.index_cast %parallel_loop3A_765 : i32 to index
      %parallel_loop3A_825 = tpu.vector_load %arg6[%parallel_loop3A_821, %parallel_loop3A_822, %parallel_loop3A_823, %parallel_loop3A_824] {strides = array<i32>} : memref<2x4x16x512xf32, #tpu.memory_space<vmem>>, vector<1x1x1x16xf32>,
      %parallel_loop3A_826 = vector.shape_cast %parallel_loop3A_825 : vector<1x1x1x16xf32> to vector<16xf32>
      %parallel_loop3A_827 = arith.mulf %parallel_loop3A_826, %parallel_loop3A_781 : vector<16xf32>
      %parallel_loop3A_828 = arith.addf %parallel_loop3A_709, %parallel_loop3A_827 : vector<16xf32>
      %parallel_loop3A_829 = arith.mulf %parallel_loop3A_827, %parallel_loop3A_789 : vector<16xf32>
      %parallel_loop3A_830 = arith.addf %parallel_loop3A_710, %parallel_loop3A_829 : vector<16xf32>
      %parallel_loop3A_831 = arith.mulf %parallel_loop3A_827, %parallel_loop3A_797 : vector<16xf32>
      %parallel_loop3A_832 = arith.addf %parallel_loop3A_711, %parallel_loop3A_831 : vector<16xf32>
      %parallel_loop3A_833 = arith.mulf %parallel_loop3A_789, %parallel_loop3A_789 : vector<16xf32>
      %parallel_loop3A_834 = arith.mulf %parallel_loop3A_827, %parallel_loop3A_833 : vector<16xf32>
      %parallel_loop3A_835 = arith.addf %parallel_loop3A_712, %parallel_loop3A_834 : vector<16xf32>
      %parallel_loop3A_836 = arith.mulf %parallel_loop3A_797, %parallel_loop3A_797 : vector<16xf32>
      %parallel_loop3A_837 = arith.mulf %parallel_loop3A_827, %parallel_loop3A_836 : vector<16xf32>
      %parallel_loop3A_838 = arith.addf %parallel_loop3A_713, %parallel_loop3A_837 : vector<16xf32>
      %parallel_loop3A_839 = arith.constant 0 : i32
      %parallel_loop3A_840 = arith.constant 2 : i32
      %parallel_loop3A_841 = arith.index_cast %parallel_loop3A_839 : i32 to index
      %parallel_loop3A_842 = arith.index_cast %parallel_loop3A_840 : i32 to index
      %parallel_loop3A_843 = arith.index_cast %parallel_loop3A_747 : i32 to index
      %parallel_loop3A_844 = arith.index_cast %parallel_loop3A_765 : i32 to index
      %parallel_loop3A_845 = tpu.vector_load %arg6[%parallel_loop3A_841, %parallel_loop3A_842, %parallel_loop3A_843, %parallel_loop3A_844] {strides = array<i32>} : memref<2x4x16x512xf32, #tpu.memory_space<vmem>>, vector<1x1x1x16xf32>,
      %parallel_loop3A_846 = vector.shape_cast %parallel_loop3A_845 : vector<1x1x1x16xf32> to vector<16xf32>
      %parallel_loop3A_847 = arith.mulf %parallel_loop3A_846, %parallel_loop3A_781 : vector<16xf32>
      %parallel_loop3A_848 = arith.addf %parallel_loop3A_714, %parallel_loop3A_847 : vector<16xf32>
      %parallel_loop3A_849 = arith.mulf %parallel_loop3A_847, %parallel_loop3A_789 : vector<16xf32>
      %parallel_loop3A_850 = arith.addf %parallel_loop3A_715, %parallel_loop3A_849 : vector<16xf32>
      %parallel_loop3A_851 = arith.mulf %parallel_loop3A_847, %parallel_loop3A_797 : vector<16xf32>
      %parallel_loop3A_852 = arith.addf %parallel_loop3A_716, %parallel_loop3A_851 : vector<16xf32>
      %parallel_loop3A_853 = arith.mulf %parallel_loop3A_789, %parallel_loop3A_789 : vector<16xf32>
      %parallel_loop3A_854 = arith.mulf %parallel_loop3A_847, %parallel_loop3A_853 : vector<16xf32>
      %parallel_loop3A_855 = arith.addf %parallel_loop3A_717, %parallel_loop3A_854 : vector<16xf32>
      %parallel_loop3A_856 = arith.mulf %parallel_loop3A_797, %parallel_loop3A_797 : vector<16xf32>
      %parallel_loop3A_857 = arith.mulf %parallel_loop3A_847, %parallel_loop3A_856 : vector<16xf32>
      %parallel_loop3A_858 = arith.addf %parallel_loop3A_718, %parallel_loop3A_857 : vector<16xf32>
      %parallel_loop3A_859 = arith.constant 0 : i32
      %parallel_loop3A_860 = arith.constant 3 : i32
      %parallel_loop3A_861 = arith.index_cast %parallel_loop3A_859 : i32 to index
      %parallel_loop3A_862 = arith.index_cast %parallel_loop3A_860 : i32 to index
      %parallel_loop3A_863 = arith.index_cast %parallel_loop3A_747 : i32 to index
      %parallel_loop3A_864 = arith.index_cast %parallel_loop3A_765 : i32 to index
      %parallel_loop3A_865 = tpu.vector_load %arg6[%parallel_loop3A_861, %parallel_loop3A_862, %parallel_loop3A_863, %parallel_loop3A_864] {strides = array<i32>} : memref<2x4x16x512xf32, #tpu.memory_space<vmem>>, vector<1x1x1x16xf32>,
      %parallel_loop3A_866 = vector.shape_cast %parallel_loop3A_865 : vector<1x1x1x16xf32> to vector<16xf32>
      %parallel_loop3A_867 = arith.mulf %parallel_loop3A_866, %parallel_loop3A_781 : vector<16xf32>
      %parallel_loop3A_868 = arith.addf %parallel_loop3A_719, %parallel_loop3A_867 : vector<16xf32>
      %parallel_loop3A_869 = arith.mulf %parallel_loop3A_867, %parallel_loop3A_789 : vector<16xf32>
      %parallel_loop3A_870 = arith.addf %parallel_loop3A_720, %parallel_loop3A_869 : vector<16xf32>
      %parallel_loop3A_871 = arith.mulf %parallel_loop3A_867, %parallel_loop3A_797 : vector<16xf32>
      %parallel_loop3A_872 = arith.addf %parallel_loop3A_721, %parallel_loop3A_871 : vector<16xf32>
      %parallel_loop3A_873 = arith.mulf %parallel_loop3A_789, %parallel_loop3A_789 : vector<16xf32>
      %parallel_loop3A_874 = arith.mulf %parallel_loop3A_867, %parallel_loop3A_873 : vector<16xf32>
      %parallel_loop3A_875 = arith.addf %parallel_loop3A_722, %parallel_loop3A_874 : vector<16xf32>
      %parallel_loop3A_876 = arith.mulf %parallel_loop3A_797, %parallel_loop3A_797 : vector<16xf32>
      %parallel_loop3A_877 = arith.mulf %parallel_loop3A_867, %parallel_loop3A_876 : vector<16xf32>
      %parallel_loop3A_878 = arith.addf %parallel_loop3A_723, %parallel_loop3A_877 : vector<16xf32>
      scf.yield %parallel_loop3A_798, %parallel_loop3A_808, %parallel_loop3A_810, %parallel_loop3A_812, %parallel_loop3A_815, %parallel_loop3A_818, %parallel_loop3A_828, %parallel_loop3A_830, %parallel_loop3A_832, %parallel_loop3A_835, %parallel_loop3A_838, %parallel_loop3A_848, %parallel_loop3A_850, %parallel_loop3A_852, %parallel_loop3A_855, %parallel_loop3A_858, %parallel_loop3A_868, %parallel_loop3A_870, %parallel_loop3A_872, %parallel_loop3A_875, %parallel_loop3A_878 : vector<16xf32>, vector<16xf32>, vector<16xf32>, vector<16xf32>, vector<16xf32>, vector<16xf32>, vector<16xf32>, vector<16xf32>, vector<16xf32>, vector<16xf32>, vector<16xf32>, vector<16xf32>, vector<16xf32>, vector<16xf32>, vector<16xf32>, vector<16xf32>, vector<16xf32>, vector<16xf32>, vector<16xf32>, vector<16xf32>, vector<16xf32>
    } {sc.loop_unroll_factor = 8 : i64, sc.parallel_access}
    %add3A_252 = arith.constant 32 : i32
    %add3A_253 = arith.addi %mul3A_34, %add3A_252 : i32
    %dma_start3A_254 = arith.constant 0 : i32
    %dma_start3A_255 = arith.constant 0 : i32
    %dma_start3A_256 = arith.constant 0 : i32
    %dma_start3A_257 = arith.constant 0 : i32
    %dma_start3A_258 = tpu.memref_slice %arg6[%dma_start3A_254, %dma_start3A_255, %dma_start3A_256, %dma_start3A_257] : memref<2x4x16x512xf32, #tpu.memory_space<vmem>> -> memref<1x4x16x512xf32, #tpu.memory_space<vmem>>
    %dma_start3A_259 = tpu.memref_squeeze %dma_start3A_258 : memref<1x4x16x512xf32, #tpu.memory_space<vmem>> -> memref<4x16x512xf32, #tpu.memory_space<vmem>>
    %dma_start3A_260 = arith.constant 0 : i32
    %dma_start3A_261 = arith.constant 0 : i32
    %dma_start3A_262 = tpu.memref_slice %arg2[%add3A_18, %dma_start3A_260, %add3A_253, %dma_start3A_261] : memref<8x4x512x512xf32, #tpu.memory_space<hbm>> -> memref<1x4x16x512xf32, #tpu.memory_space<hbm>>
    %dma_start3A_263 = tpu.memref_squeeze %dma_start3A_262 : memref<1x4x16x512xf32, #tpu.memory_space<hbm>> -> memref<4x16x512xf32, #tpu.memory_space<hbm>>
    %dma_start3A_264 = arith.constant 0 : i32
    %dma_start3A_265 = arith.constant 0 : i32
    %dma_start3A_266 = arith.constant 0 : i32
    %dma_start3A_267 = tpu.memref_slice %arg6[%dma_start3A_254, %dma_start3A_264, %dma_start3A_265, %dma_start3A_266] : memref<2x4x16x512xf32, #tpu.memory_space<vmem>> -> memref<1x4x16x512xf32, #tpu.memory_space<vmem>>
    %dma_start3A_268 = tpu.memref_squeeze %dma_start3A_267 : memref<1x4x16x512xf32, #tpu.memory_space<vmem>> -> memref<4x16x512xf32, #tpu.memory_space<vmem>>
    %dma_start3A_269 = arith.constant 0 : i32
    %dma_start3A_270 = arith.constant 0 : i32
    %dma_start3A_271 = tpu.memref_slice %arg2[%add3A_18, %dma_start3A_269, %add3A_253, %dma_start3A_270] : memref<8x4x512x512xf32, #tpu.memory_space<hbm>> -> memref<1x4x16x512xf32, #tpu.memory_space<hbm>>
    %dma_start3A_272 = tpu.memref_squeeze %dma_start3A_271 : memref<1x4x16x512xf32, #tpu.memory_space<hbm>> -> memref<4x16x512xf32, #tpu.memory_space<hbm>>
    tpu.enqueue_dma source(%dma_start3A_272 : memref<4x16x512xf32, #tpu.memory_space<hbm>>) target(%dma_start3A_268 : memref<4x16x512xf32, #tpu.memory_space<vmem>>) target_semaphore(%arg10 : memref<!tpu.dma_semaphore, #tpu.memory_space<semaphore_mem>>)
    %dma_start3A_273 = arith.constant 0 : i32
    %dma_start3A_274 = arith.constant 0 : i32
    %dma_start3A_275 = arith.constant 0 : i32
    %dma_start3A_276 = arith.constant 0 : i32
    %dma_start3A_277 = tpu.memref_slice %arg7[%dma_start3A_273, %dma_start3A_274, %dma_start3A_275, %dma_start3A_276] : memref<2x2x16x512xf32, #tpu.memory_space<vmem>> -> memref<1x2x16x512xf32, #tpu.memory_space<vmem>>
    %dma_start3A_278 = tpu.memref_squeeze %dma_start3A_277 : memref<1x2x16x512xf32, #tpu.memory_space<vmem>> -> memref<2x16x512xf32, #tpu.memory_space<vmem>>
    %dma_start3A_279 = arith.constant 0 : i32
    %dma_start3A_280 = arith.constant 0 : i32
    %dma_start3A_281 = tpu.memref_slice %arg3[%add3A_18, %dma_start3A_279, %add3A_253, %dma_start3A_280] : memref<8x2x512x512xf32, #tpu.memory_space<hbm>> -> memref<1x2x16x512xf32, #tpu.memory_space<hbm>>
    %dma_start3A_282 = tpu.memref_squeeze %dma_start3A_281 : memref<1x2x16x512xf32, #tpu.memory_space<hbm>> -> memref<2x16x512xf32, #tpu.memory_space<hbm>>
    %dma_start3A_283 = arith.constant 0 : i32
    %dma_start3A_284 = arith.constant 0 : i32
    %dma_start3A_285 = arith.constant 0 : i32
    %dma_start3A_286 = tpu.memref_slice %arg7[%dma_start3A_273, %dma_start3A_283, %dma_start3A_284, %dma_start3A_285] : memref<2x2x16x512xf32, #tpu.memory_space<vmem>> -> memref<1x2x16x512xf32, #tpu.memory_space<vmem>>
    %dma_start3A_287 = tpu.memref_squeeze %dma_start3A_286 : memref<1x2x16x512xf32, #tpu.memory_space<vmem>> -> memref<2x16x512xf32, #tpu.memory_space<vmem>>
    %dma_start3A_288 = arith.constant 0 : i32
    %dma_start3A_289 = arith.constant 0 : i32
    %dma_start3A_290 = tpu.memref_slice %arg3[%add3A_18, %dma_start3A_288, %add3A_253, %dma_start3A_289] : memref<8x2x512x512xf32, #tpu.memory_space<hbm>> -> memref<1x2x16x512xf32, #tpu.memory_space<hbm>>
    %dma_start3A_291 = tpu.memref_squeeze %dma_start3A_290 : memref<1x2x16x512xf32, #tpu.memory_space<hbm>> -> memref<2x16x512xf32, #tpu.memory_space<hbm>>
    tpu.enqueue_dma source(%dma_start3A_291 : memref<2x16x512xf32, #tpu.memory_space<hbm>>) target(%dma_start3A_287 : memref<2x16x512xf32, #tpu.memory_space<vmem>>) target_semaphore(%arg10 : memref<!tpu.dma_semaphore, #tpu.memory_space<semaphore_mem>>)
    %dma_start3A_292 = arith.constant 0 : i32
    %dma_start3A_293 = arith.constant 0 : i32
    %dma_start3A_294 = arith.constant 0 : i32
    %dma_start3A_295 = arith.constant 0 : i32
    %dma_start3A_296 = tpu.memref_slice %arg8[%dma_start3A_292, %dma_start3A_293, %dma_start3A_294, %dma_start3A_295] : memref<2x1x16x512xi32, #tpu.memory_space<vmem>> -> memref<1x1x16x512xi32, #tpu.memory_space<vmem>>
    %dma_start3A_297 = tpu.memref_squeeze %dma_start3A_296 : memref<1x1x16x512xi32, #tpu.memory_space<vmem>> -> memref<1x16x512xi32, #tpu.memory_space<vmem>>
    %dma_start3A_298 = arith.constant 0 : i32
    %dma_start3A_299 = arith.constant 0 : i32
    %dma_start3A_300 = tpu.memref_slice %arg4[%add3A_18, %dma_start3A_298, %add3A_253, %dma_start3A_299] : memref<8x1x512x512xi32, #tpu.memory_space<hbm>> -> memref<1x1x16x512xi32, #tpu.memory_space<hbm>>
    %dma_start3A_301 = tpu.memref_squeeze %dma_start3A_300 : memref<1x1x16x512xi32, #tpu.memory_space<hbm>> -> memref<1x16x512xi32, #tpu.memory_space<hbm>>
    %dma_start3A_302 = arith.constant 0 : i32
    %dma_start3A_303 = arith.constant 0 : i32
    %dma_start3A_304 = arith.constant 0 : i32
    %dma_start3A_305 = tpu.memref_slice %arg8[%dma_start3A_292, %dma_start3A_302, %dma_start3A_303, %dma_start3A_304] : memref<2x1x16x512xi32, #tpu.memory_space<vmem>> -> memref<1x1x16x512xi32, #tpu.memory_space<vmem>>
    %dma_start3A_306 = tpu.memref_squeeze %dma_start3A_305 : memref<1x1x16x512xi32, #tpu.memory_space<vmem>> -> memref<1x16x512xi32, #tpu.memory_space<vmem>>
    %dma_start3A_307 = arith.constant 0 : i32
    %dma_start3A_308 = arith.constant 0 : i32
    %dma_start3A_309 = tpu.memref_slice %arg4[%add3A_18, %dma_start3A_307, %add3A_253, %dma_start3A_308] : memref<8x1x512x512xi32, #tpu.memory_space<hbm>> -> memref<1x1x16x512xi32, #tpu.memory_space<hbm>>
    %dma_start3A_310 = tpu.memref_squeeze %dma_start3A_309 : memref<1x1x16x512xi32, #tpu.memory_space<hbm>> -> memref<1x16x512xi32, #tpu.memory_space<hbm>>
    tpu.enqueue_dma source(%dma_start3A_310 : memref<1x16x512xi32, #tpu.memory_space<hbm>>) target(%dma_start3A_306 : memref<1x16x512xi32, #tpu.memory_space<vmem>>) target_semaphore(%arg10 : memref<!tpu.dma_semaphore, #tpu.memory_space<semaphore_mem>>)
    %dma_wait3A_311 = arith.constant 1 : i32
    %dma_wait3A_312 = arith.constant 0 : i32
    %dma_wait3A_313 = arith.constant 0 : i32
    %dma_wait3A_314 = arith.constant 0 : i32
    %dma_wait3A_315 = tpu.memref_slice %arg6[%dma_wait3A_311, %dma_wait3A_312, %dma_wait3A_313, %dma_wait3A_314] : memref<2x4x16x512xf32, #tpu.memory_space<vmem>> -> memref<1x4x16x512xf32, #tpu.memory_space<vmem>>
    %dma_wait3A_316 = tpu.memref_squeeze %dma_wait3A_315 : memref<1x4x16x512xf32, #tpu.memory_space<vmem>> -> memref<4x16x512xf32, #tpu.memory_space<vmem>>
    %dma_wait3A_317 = arith.constant 0 : i32
    %dma_wait3A_318 = arith.constant 0 : i32
    %dma_wait3A_319 = tpu.memref_slice %arg2[%add3A_18, %dma_wait3A_317, %add3A_135, %dma_wait3A_318] : memref<8x4x512x512xf32, #tpu.memory_space<hbm>> -> memref<1x4x16x512xf32, #tpu.memory_space<hbm>>
    %dma_wait3A_320 = tpu.memref_squeeze %dma_wait3A_319 : memref<1x4x16x512xf32, #tpu.memory_space<hbm>> -> memref<4x16x512xf32, #tpu.memory_space<hbm>>
    %dma_wait3A_321 = arith.constant 0 : i32
    %dma_wait3A_322 = arith.constant 0 : i32
    %dma_wait3A_323 = arith.constant 0 : i32
    %dma_wait3A_324 = tpu.memref_slice %arg6[%dma_wait3A_311, %dma_wait3A_321, %dma_wait3A_322, %dma_wait3A_323] : memref<2x4x16x512xf32, #tpu.memory_space<vmem>> -> memref<1x4x16x512xf32, #tpu.memory_space<vmem>>
    %dma_wait3A_325 = tpu.memref_squeeze %dma_wait3A_324 : memref<1x4x16x512xf32, #tpu.memory_space<vmem>> -> memref<4x16x512xf32, #tpu.memory_space<vmem>>
    %dma_wait3A_326 = arith.constant 0 : i32
    %dma_wait3A_327 = arith.constant 0 : i32
    %dma_wait3A_328 = tpu.memref_slice %arg2[%add3A_18, %dma_wait3A_326, %add3A_135, %dma_wait3A_327] : memref<8x4x512x512xf32, #tpu.memory_space<hbm>> -> memref<1x4x16x512xf32, #tpu.memory_space<hbm>>
    %dma_wait3A_329 = tpu.memref_squeeze %dma_wait3A_328 : memref<1x4x16x512xf32, #tpu.memory_space<hbm>> -> memref<4x16x512xf32, #tpu.memory_space<hbm>>
    tpu.wait_dma2 semaphore(%arg11 : memref<!tpu.dma_semaphore, #tpu.memory_space<semaphore_mem>>) src(%dma_wait3A_329 : memref<4x16x512xf32, #tpu.memory_space<hbm>>) dst(%dma_wait3A_325 : memref<4x16x512xf32, #tpu.memory_space<vmem>>)
    %dma_wait3A_330 = arith.constant 1 : i32
    %dma_wait3A_331 = arith.constant 0 : i32
    %dma_wait3A_332 = arith.constant 0 : i32
    %dma_wait3A_333 = arith.constant 0 : i32
    %dma_wait3A_334 = tpu.memref_slice %arg7[%dma_wait3A_330, %dma_wait3A_331, %dma_wait3A_332, %dma_wait3A_333] : memref<2x2x16x512xf32, #tpu.memory_space<vmem>> -> memref<1x2x16x512xf32, #tpu.memory_space<vmem>>
    %dma_wait3A_335 = tpu.memref_squeeze %dma_wait3A_334 : memref<1x2x16x512xf32, #tpu.memory_space<vmem>> -> memref<2x16x512xf32, #tpu.memory_space<vmem>>
    %dma_wait3A_336 = arith.constant 0 : i32
    %dma_wait3A_337 = arith.constant 0 : i32
    %dma_wait3A_338 = tpu.memref_slice %arg3[%add3A_18, %dma_wait3A_336, %add3A_135, %dma_wait3A_337] : memref<8x2x512x512xf32, #tpu.memory_space<hbm>> -> memref<1x2x16x512xf32, #tpu.memory_space<hbm>>
    %dma_wait3A_339 = tpu.memref_squeeze %dma_wait3A_338 : memref<1x2x16x512xf32, #tpu.memory_space<hbm>> -> memref<2x16x512xf32, #tpu.memory_space<hbm>>
    %dma_wait3A_340 = arith.constant 0 : i32
    %dma_wait3A_341 = arith.constant 0 : i32
    %dma_wait3A_342 = arith.constant 0 : i32
    %dma_wait3A_343 = tpu.memref_slice %arg7[%dma_wait3A_330, %dma_wait3A_340, %dma_wait3A_341, %dma_wait3A_342] : memref<2x2x16x512xf32, #tpu.memory_space<vmem>> -> memref<1x2x16x512xf32, #tpu.memory_space<vmem>>
    %dma_wait3A_344 = tpu.memref_squeeze %dma_wait3A_343 : memref<1x2x16x512xf32, #tpu.memory_space<vmem>> -> memref<2x16x512xf32, #tpu.memory_space<vmem>>
    %dma_wait3A_345 = arith.constant 0 : i32
    %dma_wait3A_346 = arith.constant 0 : i32
    %dma_wait3A_347 = tpu.memref_slice %arg3[%add3A_18, %dma_wait3A_345, %add3A_135, %dma_wait3A_346] : memref<8x2x512x512xf32, #tpu.memory_space<hbm>> -> memref<1x2x16x512xf32, #tpu.memory_space<hbm>>
    %dma_wait3A_348 = tpu.memref_squeeze %dma_wait3A_347 : memref<1x2x16x512xf32, #tpu.memory_space<hbm>> -> memref<2x16x512xf32, #tpu.memory_space<hbm>>
    tpu.wait_dma2 semaphore(%arg11 : memref<!tpu.dma_semaphore, #tpu.memory_space<semaphore_mem>>) src(%dma_wait3A_348 : memref<2x16x512xf32, #tpu.memory_space<hbm>>) dst(%dma_wait3A_344 : memref<2x16x512xf32, #tpu.memory_space<vmem>>)
    %dma_wait3A_349 = arith.constant 1 : i32
    %dma_wait3A_350 = arith.constant 0 : i32
    %dma_wait3A_351 = arith.constant 0 : i32
    %dma_wait3A_352 = arith.constant 0 : i32
    %dma_wait3A_353 = tpu.memref_slice %arg8[%dma_wait3A_349, %dma_wait3A_350, %dma_wait3A_351, %dma_wait3A_352] : memref<2x1x16x512xi32, #tpu.memory_space<vmem>> -> memref<1x1x16x512xi32, #tpu.memory_space<vmem>>
    %dma_wait3A_354 = tpu.memref_squeeze %dma_wait3A_353 : memref<1x1x16x512xi32, #tpu.memory_space<vmem>> -> memref<1x16x512xi32, #tpu.memory_space<vmem>>
    %dma_wait3A_355 = arith.constant 0 : i32
    %dma_wait3A_356 = arith.constant 0 : i32
    %dma_wait3A_357 = tpu.memref_slice %arg4[%add3A_18, %dma_wait3A_355, %add3A_135, %dma_wait3A_356] : memref<8x1x512x512xi32, #tpu.memory_space<hbm>> -> memref<1x1x16x512xi32, #tpu.memory_space<hbm>>
    %dma_wait3A_358 = tpu.memref_squeeze %dma_wait3A_357 : memref<1x1x16x512xi32, #tpu.memory_space<hbm>> -> memref<1x16x512xi32, #tpu.memory_space<hbm>>
    %dma_wait3A_359 = arith.constant 0 : i32
    %dma_wait3A_360 = arith.constant 0 : i32
    %dma_wait3A_361 = arith.constant 0 : i32
    %dma_wait3A_362 = tpu.memref_slice %arg8[%dma_wait3A_349, %dma_wait3A_359, %dma_wait3A_360, %dma_wait3A_361] : memref<2x1x16x512xi32, #tpu.memory_space<vmem>> -> memref<1x1x16x512xi32, #tpu.memory_space<vmem>>
    %dma_wait3A_363 = tpu.memref_squeeze %dma_wait3A_362 : memref<1x1x16x512xi32, #tpu.memory_space<vmem>> -> memref<1x16x512xi32, #tpu.memory_space<vmem>>
    %dma_wait3A_364 = arith.constant 0 : i32
    %dma_wait3A_365 = arith.constant 0 : i32
    %dma_wait3A_366 = tpu.memref_slice %arg4[%add3A_18, %dma_wait3A_364, %add3A_135, %dma_wait3A_365] : memref<8x1x512x512xi32, #tpu.memory_space<hbm>> -> memref<1x1x16x512xi32, #tpu.memory_space<hbm>>
    %dma_wait3A_367 = tpu.memref_squeeze %dma_wait3A_366 : memref<1x1x16x512xi32, #tpu.memory_space<hbm>> -> memref<1x16x512xi32, #tpu.memory_space<hbm>>
    tpu.wait_dma2 semaphore(%arg11 : memref<!tpu.dma_semaphore, #tpu.memory_space<semaphore_mem>>) src(%dma_wait3A_367 : memref<1x16x512xi32, #tpu.memory_space<hbm>>) dst(%dma_wait3A_363 : memref<1x16x512xi32, #tpu.memory_space<vmem>>)
    %parallel_loop3A_368 = arith.constant 0 : i32
    %parallel_loop3A_369 = arith.constant 512 : i32
    %parallel_loop3A_370 = arith.constant 1 : i32
    %parallel_loop3A_371:21 = scf.for %parallel_loop3A_702 = %parallel_loop3A_368 to %parallel_loop3A_369 step %parallel_loop3A_370 iter_args(%parallel_loop3A_703 = %parallel_loop3A_251#0, %parallel_loop3A_704 = %parallel_loop3A_251#1, %parallel_loop3A_705 = %parallel_loop3A_251#2, %parallel_loop3A_706 = %parallel_loop3A_251#3, %parallel_loop3A_707 = %parallel_loop3A_251#4, %parallel_loop3A_708 = %parallel_loop3A_251#5, %parallel_loop3A_709 = %parallel_loop3A_251#6, %parallel_loop3A_710 = %parallel_loop3A_251#7, %parallel_loop3A_711 = %parallel_loop3A_251#8, %parallel_loop3A_712 = %parallel_loop3A_251#9, %parallel_loop3A_713 = %parallel_loop3A_251#10, %parallel_loop3A_714 = %parallel_loop3A_251#11, %parallel_loop3A_715 = %parallel_loop3A_251#12, %parallel_loop3A_716 = %parallel_loop3A_251#13, %parallel_loop3A_717 = %parallel_loop3A_251#14, %parallel_loop3A_718 = %parallel_loop3A_251#15, %parallel_loop3A_719 = %parallel_loop3A_251#16, %parallel_loop3A_720 = %parallel_loop3A_251#17, %parallel_loop3A_721 = %parallel_loop3A_251#18, %parallel_loop3A_722 = %parallel_loop3A_251#19, %parallel_loop3A_723 = %parallel_loop3A_251#20) -> (vector<16xf32>, vector<16xf32>, vector<16xf32>, vector<16xf32>, vector<16xf32>, vector<16xf32>, vector<16xf32>, vector<16xf32>, vector<16xf32>, vector<16xf32>, vector<16xf32>, vector<16xf32>, vector<16xf32>, vector<16xf32>, vector<16xf32>, vector<16xf32>, vector<16xf32>, vector<16xf32>, vector<16xf32>, vector<16xf32>, vector<16xf32>)  : i32 {
      %parallel_loop3A_724 = arith.constant 32 : i32
      %parallel_loop3A_725 = arith.divsi %parallel_loop3A_702, %parallel_loop3A_724 : i32
      %parallel_loop3A_726 = arith.constant 0 : i32
      %parallel_loop3A_727 = arith.cmpi sgt, %parallel_loop3A_702, %parallel_loop3A_726 : i32
      %parallel_loop3A_728 = arith.extui %parallel_loop3A_727 : i1 to i32
      %parallel_loop3A_729 = arith.constant 0 : i32
      %parallel_loop3A_730 = arith.cmpi slt, %parallel_loop3A_702, %parallel_loop3A_729 : i32
      %parallel_loop3A_731 = arith.extui %parallel_loop3A_730 : i1 to i32
      %parallel_loop3A_732 = arith.subi %parallel_loop3A_728, %parallel_loop3A_731 : i32
      %parallel_loop3A_733 = arith.constant 0 : i32
      %parallel_loop3A_734 = arith.cmpi sgt, %parallel_loop3A_724, %parallel_loop3A_733 : i32
      %parallel_loop3A_735 = arith.extui %parallel_loop3A_734 : i1 to i32
      %parallel_loop3A_736 = arith.constant 0 : i32
      %parallel_loop3A_737 = arith.cmpi slt, %parallel_loop3A_724, %parallel_loop3A_736 : i32
      %parallel_loop3A_738 = arith.extui %parallel_loop3A_737 : i1 to i32
      %parallel_loop3A_739 = arith.subi %parallel_loop3A_735, %parallel_loop3A_738 : i32
      %parallel_loop3A_740 = arith.cmpi ne, %parallel_loop3A_732, %parallel_loop3A_739 : i32
      %parallel_loop3A_741 = arith.remsi %parallel_loop3A_702, %parallel_loop3A_724 : i32
      %parallel_loop3A_742 = arith.constant 0 : i32
      %parallel_loop3A_743 = arith.cmpi ne, %parallel_loop3A_741, %parallel_loop3A_742 : i32
      %parallel_loop3A_744 = arith.andi %parallel_loop3A_740, %parallel_loop3A_743 : i1
      %parallel_loop3A_745 = arith.constant 1 : i32
      %parallel_loop3A_746 = arith.subi %parallel_loop3A_725, %parallel_loop3A_745 : i32
      %parallel_loop3A_747 = arith.select %parallel_loop3A_744, %parallel_loop3A_746, %parallel_loop3A_725 : i32
      %parallel_loop3A_748 = arith.constant 32 : i32
      %parallel_loop3A_749 = arith.constant 0 : i32
      %parallel_loop3A_750 = arith.cmpi eq, %parallel_loop3A_748, %parallel_loop3A_749 : i32
      %parallel_loop3A_751 = arith.constant 1 : i32
      %parallel_loop3A_752 = arith.select %parallel_loop3A_750, %parallel_loop3A_751, %parallel_loop3A_748 : i32
      %parallel_loop3A_753 = arith.remsi %parallel_loop3A_702, %parallel_loop3A_752 : i32
      %parallel_loop3A_754 = arith.constant 0 : i32
      %parallel_loop3A_755 = arith.cmpi ne, %parallel_loop3A_753, %parallel_loop3A_754 : i32
      %parallel_loop3A_756 = arith.constant 0 : i32
      %parallel_loop3A_757 = arith.cmpi slt, %parallel_loop3A_753, %parallel_loop3A_756 : i32
      %parallel_loop3A_758 = arith.constant 0 : i32
      %parallel_loop3A_759 = arith.cmpi slt, %parallel_loop3A_752, %parallel_loop3A_758 : i32
      %parallel_loop3A_760 = arith.xori %parallel_loop3A_757, %parallel_loop3A_759 : i1
      %parallel_loop3A_761 = arith.andi %parallel_loop3A_760, %parallel_loop3A_755 : i1
      %parallel_loop3A_762 = arith.addi %parallel_loop3A_753, %parallel_loop3A_752 : i32
      %parallel_loop3A_763 = arith.select %parallel_loop3A_761, %parallel_loop3A_762, %parallel_loop3A_753 : i32
      %parallel_loop3A_764 = arith.constant 16 : i32
      %parallel_loop3A_765 = arith.muli %parallel_loop3A_763, %parallel_loop3A_764 : i32
      %parallel_loop3A_766 = arith.constant 1 : i32
      %parallel_loop3A_767 = arith.constant 0 : i32
      %parallel_loop3A_768 = arith.index_cast %parallel_loop3A_766 : i32 to index
      %parallel_loop3A_769 = arith.index_cast %parallel_loop3A_767 : i32 to index
      %parallel_loop3A_770 = arith.index_cast %parallel_loop3A_747 : i32 to index
      %parallel_loop3A_771 = arith.index_cast %parallel_loop3A_765 : i32 to index
      %parallel_loop3A_772 = tpu.vector_load %arg8[%parallel_loop3A_768, %parallel_loop3A_769, %parallel_loop3A_770, %parallel_loop3A_771] {strides = array<i32>} : memref<2x1x16x512xi32, #tpu.memory_space<vmem>>, vector<1x1x1x16xi32>,
      %parallel_loop3A_773 = vector.shape_cast %parallel_loop3A_772 : vector<1x1x1x16xi32> to vector<16xi32>
      %parallel_loop3A_774 = arith.constant 1 : i32
      %parallel_loop3A_775 = vector.broadcast %parallel_loop3A_774 : i32 to vector<16xi32>
      %parallel_loop3A_776 = arith.cmpi eq, %parallel_loop3A_773, %parallel_loop3A_775 : vector<16xi32>
      %parallel_loop3A_777 = arith.constant 1.000000e+00 : f32
      %parallel_loop3A_778 = arith.constant 0.000000e+00 : f32
      %parallel_loop3A_779 = vector.broadcast %parallel_loop3A_777 : f32 to vector<16xf32>
      %parallel_loop3A_780 = vector.broadcast %parallel_loop3A_778 : f32 to vector<16xf32>
      %parallel_loop3A_781 = arith.select %parallel_loop3A_776, %parallel_loop3A_779, %parallel_loop3A_780 : vector<16xi1>, vector<16xf32>
      %parallel_loop3A_782 = arith.constant 1 : i32
      %parallel_loop3A_783 = arith.constant 0 : i32
      %parallel_loop3A_784 = arith.index_cast %parallel_loop3A_782 : i32 to index
      %parallel_loop3A_785 = arith.index_cast %parallel_loop3A_783 : i32 to index
      %parallel_loop3A_786 = arith.index_cast %parallel_loop3A_747 : i32 to index
      %parallel_loop3A_787 = arith.index_cast %parallel_loop3A_765 : i32 to index
      %parallel_loop3A_788 = tpu.vector_load %arg7[%parallel_loop3A_784, %parallel_loop3A_785, %parallel_loop3A_786, %parallel_loop3A_787] {strides = array<i32>} : memref<2x2x16x512xf32, #tpu.memory_space<vmem>>, vector<1x1x1x16xf32>,
      %parallel_loop3A_789 = vector.shape_cast %parallel_loop3A_788 : vector<1x1x1x16xf32> to vector<16xf32>
      %parallel_loop3A_790 = arith.constant 1 : i32
      %parallel_loop3A_791 = arith.constant 1 : i32
      %parallel_loop3A_792 = arith.index_cast %parallel_loop3A_790 : i32 to index
      %parallel_loop3A_793 = arith.index_cast %parallel_loop3A_791 : i32 to index
      %parallel_loop3A_794 = arith.index_cast %parallel_loop3A_747 : i32 to index
      %parallel_loop3A_795 = arith.index_cast %parallel_loop3A_765 : i32 to index
      %parallel_loop3A_796 = tpu.vector_load %arg7[%parallel_loop3A_792, %parallel_loop3A_793, %parallel_loop3A_794, %parallel_loop3A_795] {strides = array<i32>} : memref<2x2x16x512xf32, #tpu.memory_space<vmem>>, vector<1x1x1x16xf32>,
      %parallel_loop3A_797 = vector.shape_cast %parallel_loop3A_796 : vector<1x1x1x16xf32> to vector<16xf32>
      %parallel_loop3A_798 = arith.addf %parallel_loop3A_703, %parallel_loop3A_781 : vector<16xf32>
      %parallel_loop3A_799 = arith.constant 1 : i32
      %parallel_loop3A_800 = arith.constant 0 : i32
      %parallel_loop3A_801 = arith.index_cast %parallel_loop3A_799 : i32 to index
      %parallel_loop3A_802 = arith.index_cast %parallel_loop3A_800 : i32 to index
      %parallel_loop3A_803 = arith.index_cast %parallel_loop3A_747 : i32 to index
      %parallel_loop3A_804 = arith.index_cast %parallel_loop3A_765 : i32 to index
      %parallel_loop3A_805 = tpu.vector_load %arg6[%parallel_loop3A_801, %parallel_loop3A_802, %parallel_loop3A_803, %parallel_loop3A_804] {strides = array<i32>} : memref<2x4x16x512xf32, #tpu.memory_space<vmem>>, vector<1x1x1x16xf32>,
      %parallel_loop3A_806 = vector.shape_cast %parallel_loop3A_805 : vector<1x1x1x16xf32> to vector<16xf32>
      %parallel_loop3A_807 = arith.mulf %parallel_loop3A_806, %parallel_loop3A_781 : vector<16xf32>
      %parallel_loop3A_808 = arith.addf %parallel_loop3A_704, %parallel_loop3A_807 : vector<16xf32>
      %parallel_loop3A_809 = arith.mulf %parallel_loop3A_807, %parallel_loop3A_789 : vector<16xf32>
      %parallel_loop3A_810 = arith.addf %parallel_loop3A_705, %parallel_loop3A_809 : vector<16xf32>
      %parallel_loop3A_811 = arith.mulf %parallel_loop3A_807, %parallel_loop3A_797 : vector<16xf32>
      %parallel_loop3A_812 = arith.addf %parallel_loop3A_706, %parallel_loop3A_811 : vector<16xf32>
      %parallel_loop3A_813 = arith.mulf %parallel_loop3A_789, %parallel_loop3A_789 : vector<16xf32>
      %parallel_loop3A_814 = arith.mulf %parallel_loop3A_807, %parallel_loop3A_813 : vector<16xf32>
      %parallel_loop3A_815 = arith.addf %parallel_loop3A_707, %parallel_loop3A_814 : vector<16xf32>
      %parallel_loop3A_816 = arith.mulf %parallel_loop3A_797, %parallel_loop3A_797 : vector<16xf32>
      %parallel_loop3A_817 = arith.mulf %parallel_loop3A_807, %parallel_loop3A_816 : vector<16xf32>
      %parallel_loop3A_818 = arith.addf %parallel_loop3A_708, %parallel_loop3A_817 : vector<16xf32>
      %parallel_loop3A_819 = arith.constant 1 : i32
      %parallel_loop3A_820 = arith.constant 1 : i32
      %parallel_loop3A_821 = arith.index_cast %parallel_loop3A_819 : i32 to index
      %parallel_loop3A_822 = arith.index_cast %parallel_loop3A_820 : i32 to index
      %parallel_loop3A_823 = arith.index_cast %parallel_loop3A_747 : i32 to index
      %parallel_loop3A_824 = arith.index_cast %parallel_loop3A_765 : i32 to index
      %parallel_loop3A_825 = tpu.vector_load %arg6[%parallel_loop3A_821, %parallel_loop3A_822, %parallel_loop3A_823, %parallel_loop3A_824] {strides = array<i32>} : memref<2x4x16x512xf32, #tpu.memory_space<vmem>>, vector<1x1x1x16xf32>,
      %parallel_loop3A_826 = vector.shape_cast %parallel_loop3A_825 : vector<1x1x1x16xf32> to vector<16xf32>
      %parallel_loop3A_827 = arith.mulf %parallel_loop3A_826, %parallel_loop3A_781 : vector<16xf32>
      %parallel_loop3A_828 = arith.addf %parallel_loop3A_709, %parallel_loop3A_827 : vector<16xf32>
      %parallel_loop3A_829 = arith.mulf %parallel_loop3A_827, %parallel_loop3A_789 : vector<16xf32>
      %parallel_loop3A_830 = arith.addf %parallel_loop3A_710, %parallel_loop3A_829 : vector<16xf32>
      %parallel_loop3A_831 = arith.mulf %parallel_loop3A_827, %parallel_loop3A_797 : vector<16xf32>
      %parallel_loop3A_832 = arith.addf %parallel_loop3A_711, %parallel_loop3A_831 : vector<16xf32>
      %parallel_loop3A_833 = arith.mulf %parallel_loop3A_789, %parallel_loop3A_789 : vector<16xf32>
      %parallel_loop3A_834 = arith.mulf %parallel_loop3A_827, %parallel_loop3A_833 : vector<16xf32>
      %parallel_loop3A_835 = arith.addf %parallel_loop3A_712, %parallel_loop3A_834 : vector<16xf32>
      %parallel_loop3A_836 = arith.mulf %parallel_loop3A_797, %parallel_loop3A_797 : vector<16xf32>
      %parallel_loop3A_837 = arith.mulf %parallel_loop3A_827, %parallel_loop3A_836 : vector<16xf32>
      %parallel_loop3A_838 = arith.addf %parallel_loop3A_713, %parallel_loop3A_837 : vector<16xf32>
      %parallel_loop3A_839 = arith.constant 1 : i32
      %parallel_loop3A_840 = arith.constant 2 : i32
      %parallel_loop3A_841 = arith.index_cast %parallel_loop3A_839 : i32 to index
      %parallel_loop3A_842 = arith.index_cast %parallel_loop3A_840 : i32 to index
      %parallel_loop3A_843 = arith.index_cast %parallel_loop3A_747 : i32 to index
      %parallel_loop3A_844 = arith.index_cast %parallel_loop3A_765 : i32 to index
      %parallel_loop3A_845 = tpu.vector_load %arg6[%parallel_loop3A_841, %parallel_loop3A_842, %parallel_loop3A_843, %parallel_loop3A_844] {strides = array<i32>} : memref<2x4x16x512xf32, #tpu.memory_space<vmem>>, vector<1x1x1x16xf32>,
      %parallel_loop3A_846 = vector.shape_cast %parallel_loop3A_845 : vector<1x1x1x16xf32> to vector<16xf32>
      %parallel_loop3A_847 = arith.mulf %parallel_loop3A_846, %parallel_loop3A_781 : vector<16xf32>
      %parallel_loop3A_848 = arith.addf %parallel_loop3A_714, %parallel_loop3A_847 : vector<16xf32>
      %parallel_loop3A_849 = arith.mulf %parallel_loop3A_847, %parallel_loop3A_789 : vector<16xf32>
      %parallel_loop3A_850 = arith.addf %parallel_loop3A_715, %parallel_loop3A_849 : vector<16xf32>
      %parallel_loop3A_851 = arith.mulf %parallel_loop3A_847, %parallel_loop3A_797 : vector<16xf32>
      %parallel_loop3A_852 = arith.addf %parallel_loop3A_716, %parallel_loop3A_851 : vector<16xf32>
      %parallel_loop3A_853 = arith.mulf %parallel_loop3A_789, %parallel_loop3A_789 : vector<16xf32>
      %parallel_loop3A_854 = arith.mulf %parallel_loop3A_847, %parallel_loop3A_853 : vector<16xf32>
      %parallel_loop3A_855 = arith.addf %parallel_loop3A_717, %parallel_loop3A_854 : vector<16xf32>
      %parallel_loop3A_856 = arith.mulf %parallel_loop3A_797, %parallel_loop3A_797 : vector<16xf32>
      %parallel_loop3A_857 = arith.mulf %parallel_loop3A_847, %parallel_loop3A_856 : vector<16xf32>
      %parallel_loop3A_858 = arith.addf %parallel_loop3A_718, %parallel_loop3A_857 : vector<16xf32>
      %parallel_loop3A_859 = arith.constant 1 : i32
      %parallel_loop3A_860 = arith.constant 3 : i32
      %parallel_loop3A_861 = arith.index_cast %parallel_loop3A_859 : i32 to index
      %parallel_loop3A_862 = arith.index_cast %parallel_loop3A_860 : i32 to index
      %parallel_loop3A_863 = arith.index_cast %parallel_loop3A_747 : i32 to index
      %parallel_loop3A_864 = arith.index_cast %parallel_loop3A_765 : i32 to index
      %parallel_loop3A_865 = tpu.vector_load %arg6[%parallel_loop3A_861, %parallel_loop3A_862, %parallel_loop3A_863, %parallel_loop3A_864] {strides = array<i32>} : memref<2x4x16x512xf32, #tpu.memory_space<vmem>>, vector<1x1x1x16xf32>,
      %parallel_loop3A_866 = vector.shape_cast %parallel_loop3A_865 : vector<1x1x1x16xf32> to vector<16xf32>
      %parallel_loop3A_867 = arith.mulf %parallel_loop3A_866, %parallel_loop3A_781 : vector<16xf32>
      %parallel_loop3A_868 = arith.addf %parallel_loop3A_719, %parallel_loop3A_867 : vector<16xf32>
      %parallel_loop3A_869 = arith.mulf %parallel_loop3A_867, %parallel_loop3A_789 : vector<16xf32>
      %parallel_loop3A_870 = arith.addf %parallel_loop3A_720, %parallel_loop3A_869 : vector<16xf32>
      %parallel_loop3A_871 = arith.mulf %parallel_loop3A_867, %parallel_loop3A_797 : vector<16xf32>
      %parallel_loop3A_872 = arith.addf %parallel_loop3A_721, %parallel_loop3A_871 : vector<16xf32>
      %parallel_loop3A_873 = arith.mulf %parallel_loop3A_789, %parallel_loop3A_789 : vector<16xf32>
      %parallel_loop3A_874 = arith.mulf %parallel_loop3A_867, %parallel_loop3A_873 : vector<16xf32>
      %parallel_loop3A_875 = arith.addf %parallel_loop3A_722, %parallel_loop3A_874 : vector<16xf32>
      %parallel_loop3A_876 = arith.mulf %parallel_loop3A_797, %parallel_loop3A_797 : vector<16xf32>
      %parallel_loop3A_877 = arith.mulf %parallel_loop3A_867, %parallel_loop3A_876 : vector<16xf32>
      %parallel_loop3A_878 = arith.addf %parallel_loop3A_723, %parallel_loop3A_877 : vector<16xf32>
      scf.yield %parallel_loop3A_798, %parallel_loop3A_808, %parallel_loop3A_810, %parallel_loop3A_812, %parallel_loop3A_815, %parallel_loop3A_818, %parallel_loop3A_828, %parallel_loop3A_830, %parallel_loop3A_832, %parallel_loop3A_835, %parallel_loop3A_838, %parallel_loop3A_848, %parallel_loop3A_850, %parallel_loop3A_852, %parallel_loop3A_855, %parallel_loop3A_858, %parallel_loop3A_868, %parallel_loop3A_870, %parallel_loop3A_872, %parallel_loop3A_875, %parallel_loop3A_878 : vector<16xf32>, vector<16xf32>, vector<16xf32>, vector<16xf32>, vector<16xf32>, vector<16xf32>, vector<16xf32>, vector<16xf32>, vector<16xf32>, vector<16xf32>, vector<16xf32>, vector<16xf32>, vector<16xf32>, vector<16xf32>, vector<16xf32>, vector<16xf32>, vector<16xf32>, vector<16xf32>, vector<16xf32>, vector<16xf32>, vector<16xf32>
    } {sc.loop_unroll_factor = 8 : i64, sc.parallel_access}
    %add3A_372 = arith.constant 48 : i32
    %add3A_373 = arith.addi %mul3A_34, %add3A_372 : i32
    %dma_start3A_374 = arith.constant 1 : i32
    %dma_start3A_375 = arith.constant 0 : i32
    %dma_start3A_376 = arith.constant 0 : i32
    %dma_start3A_377 = arith.constant 0 : i32
    %dma_start3A_378 = tpu.memref_slice %arg6[%dma_start3A_374, %dma_start3A_375, %dma_start3A_376, %dma_start3A_377] : memref<2x4x16x512xf32, #tpu.memory_space<vmem>> -> memref<1x4x16x512xf32, #tpu.memory_space<vmem>>
    %dma_start3A_379 = tpu.memref_squeeze %dma_start3A_378 : memref<1x4x16x512xf32, #tpu.memory_space<vmem>> -> memref<4x16x512xf32, #tpu.memory_space<vmem>>
    %dma_start3A_380 = arith.constant 0 : i32
    %dma_start3A_381 = arith.constant 0 : i32
    %dma_start3A_382 = tpu.memref_slice %arg2[%add3A_18, %dma_start3A_380, %add3A_373, %dma_start3A_381] : memref<8x4x512x512xf32, #tpu.memory_space<hbm>> -> memref<1x4x16x512xf32, #tpu.memory_space<hbm>>
    %dma_start3A_383 = tpu.memref_squeeze %dma_start3A_382 : memref<1x4x16x512xf32, #tpu.memory_space<hbm>> -> memref<4x16x512xf32, #tpu.memory_space<hbm>>
    %dma_start3A_384 = arith.constant 0 : i32
    %dma_start3A_385 = arith.constant 0 : i32
    %dma_start3A_386 = arith.constant 0 : i32
    %dma_start3A_387 = tpu.memref_slice %arg6[%dma_start3A_374, %dma_start3A_384, %dma_start3A_385, %dma_start3A_386] : memref<2x4x16x512xf32, #tpu.memory_space<vmem>> -> memref<1x4x16x512xf32, #tpu.memory_space<vmem>>
    %dma_start3A_388 = tpu.memref_squeeze %dma_start3A_387 : memref<1x4x16x512xf32, #tpu.memory_space<vmem>> -> memref<4x16x512xf32, #tpu.memory_space<vmem>>
    %dma_start3A_389 = arith.constant 0 : i32
    %dma_start3A_390 = arith.constant 0 : i32
    %dma_start3A_391 = tpu.memref_slice %arg2[%add3A_18, %dma_start3A_389, %add3A_373, %dma_start3A_390] : memref<8x4x512x512xf32, #tpu.memory_space<hbm>> -> memref<1x4x16x512xf32, #tpu.memory_space<hbm>>
    %dma_start3A_392 = tpu.memref_squeeze %dma_start3A_391 : memref<1x4x16x512xf32, #tpu.memory_space<hbm>> -> memref<4x16x512xf32, #tpu.memory_space<hbm>>
    tpu.enqueue_dma source(%dma_start3A_392 : memref<4x16x512xf32, #tpu.memory_space<hbm>>) target(%dma_start3A_388 : memref<4x16x512xf32, #tpu.memory_space<vmem>>) target_semaphore(%arg11 : memref<!tpu.dma_semaphore, #tpu.memory_space<semaphore_mem>>)
    %dma_start3A_393 = arith.constant 1 : i32
    %dma_start3A_394 = arith.constant 0 : i32
    %dma_start3A_395 = arith.constant 0 : i32
    %dma_start3A_396 = arith.constant 0 : i32
    %dma_start3A_397 = tpu.memref_slice %arg7[%dma_start3A_393, %dma_start3A_394, %dma_start3A_395, %dma_start3A_396] : memref<2x2x16x512xf32, #tpu.memory_space<vmem>> -> memref<1x2x16x512xf32, #tpu.memory_space<vmem>>
    %dma_start3A_398 = tpu.memref_squeeze %dma_start3A_397 : memref<1x2x16x512xf32, #tpu.memory_space<vmem>> -> memref<2x16x512xf32, #tpu.memory_space<vmem>>
    %dma_start3A_399 = arith.constant 0 : i32
    %dma_start3A_400 = arith.constant 0 : i32
    %dma_start3A_401 = tpu.memref_slice %arg3[%add3A_18, %dma_start3A_399, %add3A_373, %dma_start3A_400] : memref<8x2x512x512xf32, #tpu.memory_space<hbm>> -> memref<1x2x16x512xf32, #tpu.memory_space<hbm>>
    %dma_start3A_402 = tpu.memref_squeeze %dma_start3A_401 : memref<1x2x16x512xf32, #tpu.memory_space<hbm>> -> memref<2x16x512xf32, #tpu.memory_space<hbm>>
    %dma_start3A_403 = arith.constant 0 : i32
    %dma_start3A_404 = arith.constant 0 : i32
    %dma_start3A_405 = arith.constant 0 : i32
    %dma_start3A_406 = tpu.memref_slice %arg7[%dma_start3A_393, %dma_start3A_403, %dma_start3A_404, %dma_start3A_405] : memref<2x2x16x512xf32, #tpu.memory_space<vmem>> -> memref<1x2x16x512xf32, #tpu.memory_space<vmem>>
    %dma_start3A_407 = tpu.memref_squeeze %dma_start3A_406 : memref<1x2x16x512xf32, #tpu.memory_space<vmem>> -> memref<2x16x512xf32, #tpu.memory_space<vmem>>
    %dma_start3A_408 = arith.constant 0 : i32
    %dma_start3A_409 = arith.constant 0 : i32
    %dma_start3A_410 = tpu.memref_slice %arg3[%add3A_18, %dma_start3A_408, %add3A_373, %dma_start3A_409] : memref<8x2x512x512xf32, #tpu.memory_space<hbm>> -> memref<1x2x16x512xf32, #tpu.memory_space<hbm>>
    %dma_start3A_411 = tpu.memref_squeeze %dma_start3A_410 : memref<1x2x16x512xf32, #tpu.memory_space<hbm>> -> memref<2x16x512xf32, #tpu.memory_space<hbm>>
    tpu.enqueue_dma source(%dma_start3A_411 : memref<2x16x512xf32, #tpu.memory_space<hbm>>) target(%dma_start3A_407 : memref<2x16x512xf32, #tpu.memory_space<vmem>>) target_semaphore(%arg11 : memref<!tpu.dma_semaphore, #tpu.memory_space<semaphore_mem>>)
    %dma_start3A_412 = arith.constant 1 : i32
    %dma_start3A_413 = arith.constant 0 : i32
    %dma_start3A_414 = arith.constant 0 : i32
    %dma_start3A_415 = arith.constant 0 : i32
    %dma_start3A_416 = tpu.memref_slice %arg8[%dma_start3A_412, %dma_start3A_413, %dma_start3A_414, %dma_start3A_415] : memref<2x1x16x512xi32, #tpu.memory_space<vmem>> -> memref<1x1x16x512xi32, #tpu.memory_space<vmem>>
    %dma_start3A_417 = tpu.memref_squeeze %dma_start3A_416 : memref<1x1x16x512xi32, #tpu.memory_space<vmem>> -> memref<1x16x512xi32, #tpu.memory_space<vmem>>
    %dma_start3A_418 = arith.constant 0 : i32
    %dma_start3A_419 = arith.constant 0 : i32
    %dma_start3A_420 = tpu.memref_slice %arg4[%add3A_18, %dma_start3A_418, %add3A_373, %dma_start3A_419] : memref<8x1x512x512xi32, #tpu.memory_space<hbm>> -> memref<1x1x16x512xi32, #tpu.memory_space<hbm>>
    %dma_start3A_421 = tpu.memref_squeeze %dma_start3A_420 : memref<1x1x16x512xi32, #tpu.memory_space<hbm>> -> memref<1x16x512xi32, #tpu.memory_space<hbm>>
    %dma_start3A_422 = arith.constant 0 : i32
    %dma_start3A_423 = arith.constant 0 : i32
    %dma_start3A_424 = arith.constant 0 : i32
    %dma_start3A_425 = tpu.memref_slice %arg8[%dma_start3A_412, %dma_start3A_422, %dma_start3A_423, %dma_start3A_424] : memref<2x1x16x512xi32, #tpu.memory_space<vmem>> -> memref<1x1x16x512xi32, #tpu.memory_space<vmem>>
    %dma_start3A_426 = tpu.memref_squeeze %dma_start3A_425 : memref<1x1x16x512xi32, #tpu.memory_space<vmem>> -> memref<1x16x512xi32, #tpu.memory_space<vmem>>
    %dma_start3A_427 = arith.constant 0 : i32
    %dma_start3A_428 = arith.constant 0 : i32
    %dma_start3A_429 = tpu.memref_slice %arg4[%add3A_18, %dma_start3A_427, %add3A_373, %dma_start3A_428] : memref<8x1x512x512xi32, #tpu.memory_space<hbm>> -> memref<1x1x16x512xi32, #tpu.memory_space<hbm>>
    %dma_start3A_430 = tpu.memref_squeeze %dma_start3A_429 : memref<1x1x16x512xi32, #tpu.memory_space<hbm>> -> memref<1x16x512xi32, #tpu.memory_space<hbm>>
    tpu.enqueue_dma source(%dma_start3A_430 : memref<1x16x512xi32, #tpu.memory_space<hbm>>) target(%dma_start3A_426 : memref<1x16x512xi32, #tpu.memory_space<vmem>>) target_semaphore(%arg11 : memref<!tpu.dma_semaphore, #tpu.memory_space<semaphore_mem>>)
    %dma_wait3A_431 = arith.constant 0 : i32
    %dma_wait3A_432 = arith.constant 0 : i32
    %dma_wait3A_433 = arith.constant 0 : i32
    %dma_wait3A_434 = arith.constant 0 : i32
    %dma_wait3A_435 = tpu.memref_slice %arg6[%dma_wait3A_431, %dma_wait3A_432, %dma_wait3A_433, %dma_wait3A_434] : memref<2x4x16x512xf32, #tpu.memory_space<vmem>> -> memref<1x4x16x512xf32, #tpu.memory_space<vmem>>
    %dma_wait3A_436 = tpu.memref_squeeze %dma_wait3A_435 : memref<1x4x16x512xf32, #tpu.memory_space<vmem>> -> memref<4x16x512xf32, #tpu.memory_space<vmem>>
    %dma_wait3A_437 = arith.constant 0 : i32
    %dma_wait3A_438 = arith.constant 0 : i32
    %dma_wait3A_439 = tpu.memref_slice %arg2[%add3A_18, %dma_wait3A_437, %add3A_253, %dma_wait3A_438] : memref<8x4x512x512xf32, #tpu.memory_space<hbm>> -> memref<1x4x16x512xf32, #tpu.memory_space<hbm>>
    %dma_wait3A_440 = tpu.memref_squeeze %dma_wait3A_439 : memref<1x4x16x512xf32, #tpu.memory_space<hbm>> -> memref<4x16x512xf32, #tpu.memory_space<hbm>>
    %dma_wait3A_441 = arith.constant 0 : i32
    %dma_wait3A_442 = arith.constant 0 : i32
    %dma_wait3A_443 = arith.constant 0 : i32
    %dma_wait3A_444 = tpu.memref_slice %arg6[%dma_wait3A_431, %dma_wait3A_441, %dma_wait3A_442, %dma_wait3A_443] : memref<2x4x16x512xf32, #tpu.memory_space<vmem>> -> memref<1x4x16x512xf32, #tpu.memory_space<vmem>>
    %dma_wait3A_445 = tpu.memref_squeeze %dma_wait3A_444 : memref<1x4x16x512xf32, #tpu.memory_space<vmem>> -> memref<4x16x512xf32, #tpu.memory_space<vmem>>
    %dma_wait3A_446 = arith.constant 0 : i32
    %dma_wait3A_447 = arith.constant 0 : i32
    %dma_wait3A_448 = tpu.memref_slice %arg2[%add3A_18, %dma_wait3A_446, %add3A_253, %dma_wait3A_447] : memref<8x4x512x512xf32, #tpu.memory_space<hbm>> -> memref<1x4x16x512xf32, #tpu.memory_space<hbm>>
    %dma_wait3A_449 = tpu.memref_squeeze %dma_wait3A_448 : memref<1x4x16x512xf32, #tpu.memory_space<hbm>> -> memref<4x16x512xf32, #tpu.memory_space<hbm>>
    tpu.wait_dma2 semaphore(%arg10 : memref<!tpu.dma_semaphore, #tpu.memory_space<semaphore_mem>>) src(%dma_wait3A_449 : memref<4x16x512xf32, #tpu.memory_space<hbm>>) dst(%dma_wait3A_445 : memref<4x16x512xf32, #tpu.memory_space<vmem>>)
    %dma_wait3A_450 = arith.constant 0 : i32
    %dma_wait3A_451 = arith.constant 0 : i32
    %dma_wait3A_452 = arith.constant 0 : i32
    %dma_wait3A_453 = arith.constant 0 : i32
    %dma_wait3A_454 = tpu.memref_slice %arg7[%dma_wait3A_450, %dma_wait3A_451, %dma_wait3A_452, %dma_wait3A_453] : memref<2x2x16x512xf32, #tpu.memory_space<vmem>> -> memref<1x2x16x512xf32, #tpu.memory_space<vmem>>
    %dma_wait3A_455 = tpu.memref_squeeze %dma_wait3A_454 : memref<1x2x16x512xf32, #tpu.memory_space<vmem>> -> memref<2x16x512xf32, #tpu.memory_space<vmem>>
    %dma_wait3A_456 = arith.constant 0 : i32
    %dma_wait3A_457 = arith.constant 0 : i32
    %dma_wait3A_458 = tpu.memref_slice %arg3[%add3A_18, %dma_wait3A_456, %add3A_253, %dma_wait3A_457] : memref<8x2x512x512xf32, #tpu.memory_space<hbm>> -> memref<1x2x16x512xf32, #tpu.memory_space<hbm>>
    %dma_wait3A_459 = tpu.memref_squeeze %dma_wait3A_458 : memref<1x2x16x512xf32, #tpu.memory_space<hbm>> -> memref<2x16x512xf32, #tpu.memory_space<hbm>>
    %dma_wait3A_460 = arith.constant 0 : i32
    %dma_wait3A_461 = arith.constant 0 : i32
    %dma_wait3A_462 = arith.constant 0 : i32
    %dma_wait3A_463 = tpu.memref_slice %arg7[%dma_wait3A_450, %dma_wait3A_460, %dma_wait3A_461, %dma_wait3A_462] : memref<2x2x16x512xf32, #tpu.memory_space<vmem>> -> memref<1x2x16x512xf32, #tpu.memory_space<vmem>>
    %dma_wait3A_464 = tpu.memref_squeeze %dma_wait3A_463 : memref<1x2x16x512xf32, #tpu.memory_space<vmem>> -> memref<2x16x512xf32, #tpu.memory_space<vmem>>
    %dma_wait3A_465 = arith.constant 0 : i32
    %dma_wait3A_466 = arith.constant 0 : i32
    %dma_wait3A_467 = tpu.memref_slice %arg3[%add3A_18, %dma_wait3A_465, %add3A_253, %dma_wait3A_466] : memref<8x2x512x512xf32, #tpu.memory_space<hbm>> -> memref<1x2x16x512xf32, #tpu.memory_space<hbm>>
    %dma_wait3A_468 = tpu.memref_squeeze %dma_wait3A_467 : memref<1x2x16x512xf32, #tpu.memory_space<hbm>> -> memref<2x16x512xf32, #tpu.memory_space<hbm>>
    tpu.wait_dma2 semaphore(%arg10 : memref<!tpu.dma_semaphore, #tpu.memory_space<semaphore_mem>>) src(%dma_wait3A_468 : memref<2x16x512xf32, #tpu.memory_space<hbm>>) dst(%dma_wait3A_464 : memref<2x16x512xf32, #tpu.memory_space<vmem>>)
    %dma_wait3A_469 = arith.constant 0 : i32
    %dma_wait3A_470 = arith.constant 0 : i32
    %dma_wait3A_471 = arith.constant 0 : i32
    %dma_wait3A_472 = arith.constant 0 : i32
    %dma_wait3A_473 = tpu.memref_slice %arg8[%dma_wait3A_469, %dma_wait3A_470, %dma_wait3A_471, %dma_wait3A_472] : memref<2x1x16x512xi32, #tpu.memory_space<vmem>> -> memref<1x1x16x512xi32, #tpu.memory_space<vmem>>
    %dma_wait3A_474 = tpu.memref_squeeze %dma_wait3A_473 : memref<1x1x16x512xi32, #tpu.memory_space<vmem>> -> memref<1x16x512xi32, #tpu.memory_space<vmem>>
    %dma_wait3A_475 = arith.constant 0 : i32
    %dma_wait3A_476 = arith.constant 0 : i32
    %dma_wait3A_477 = tpu.memref_slice %arg4[%add3A_18, %dma_wait3A_475, %add3A_253, %dma_wait3A_476] : memref<8x1x512x512xi32, #tpu.memory_space<hbm>> -> memref<1x1x16x512xi32, #tpu.memory_space<hbm>>
    %dma_wait3A_478 = tpu.memref_squeeze %dma_wait3A_477 : memref<1x1x16x512xi32, #tpu.memory_space<hbm>> -> memref<1x16x512xi32, #tpu.memory_space<hbm>>
    %dma_wait3A_479 = arith.constant 0 : i32
    %dma_wait3A_480 = arith.constant 0 : i32
    %dma_wait3A_481 = arith.constant 0 : i32
    %dma_wait3A_482 = tpu.memref_slice %arg8[%dma_wait3A_469, %dma_wait3A_479, %dma_wait3A_480, %dma_wait3A_481] : memref<2x1x16x512xi32, #tpu.memory_space<vmem>> -> memref<1x1x16x512xi32, #tpu.memory_space<vmem>>
    %dma_wait3A_483 = tpu.memref_squeeze %dma_wait3A_482 : memref<1x1x16x512xi32, #tpu.memory_space<vmem>> -> memref<1x16x512xi32, #tpu.memory_space<vmem>>
    %dma_wait3A_484 = arith.constant 0 : i32
    %dma_wait3A_485 = arith.constant 0 : i32
    %dma_wait3A_486 = tpu.memref_slice %arg4[%add3A_18, %dma_wait3A_484, %add3A_253, %dma_wait3A_485] : memref<8x1x512x512xi32, #tpu.memory_space<hbm>> -> memref<1x1x16x512xi32, #tpu.memory_space<hbm>>
    %dma_wait3A_487 = tpu.memref_squeeze %dma_wait3A_486 : memref<1x1x16x512xi32, #tpu.memory_space<hbm>> -> memref<1x16x512xi32, #tpu.memory_space<hbm>>
    tpu.wait_dma2 semaphore(%arg10 : memref<!tpu.dma_semaphore, #tpu.memory_space<semaphore_mem>>) src(%dma_wait3A_487 : memref<1x16x512xi32, #tpu.memory_space<hbm>>) dst(%dma_wait3A_483 : memref<1x16x512xi32, #tpu.memory_space<vmem>>)
    %parallel_loop3A_488 = arith.constant 0 : i32
    %parallel_loop3A_489 = arith.constant 512 : i32
    %parallel_loop3A_490 = arith.constant 1 : i32
    %parallel_loop3A_491:21 = scf.for %parallel_loop3A_702 = %parallel_loop3A_488 to %parallel_loop3A_489 step %parallel_loop3A_490 iter_args(%parallel_loop3A_703 = %parallel_loop3A_371#0, %parallel_loop3A_704 = %parallel_loop3A_371#1, %parallel_loop3A_705 = %parallel_loop3A_371#2, %parallel_loop3A_706 = %parallel_loop3A_371#3, %parallel_loop3A_707 = %parallel_loop3A_371#4, %parallel_loop3A_708 = %parallel_loop3A_371#5, %parallel_loop3A_709 = %parallel_loop3A_371#6, %parallel_loop3A_710 = %parallel_loop3A_371#7, %parallel_loop3A_711 = %parallel_loop3A_371#8, %parallel_loop3A_712 = %parallel_loop3A_371#9, %parallel_loop3A_713 = %parallel_loop3A_371#10, %parallel_loop3A_714 = %parallel_loop3A_371#11, %parallel_loop3A_715 = %parallel_loop3A_371#12, %parallel_loop3A_716 = %parallel_loop3A_371#13, %parallel_loop3A_717 = %parallel_loop3A_371#14, %parallel_loop3A_718 = %parallel_loop3A_371#15, %parallel_loop3A_719 = %parallel_loop3A_371#16, %parallel_loop3A_720 = %parallel_loop3A_371#17, %parallel_loop3A_721 = %parallel_loop3A_371#18, %parallel_loop3A_722 = %parallel_loop3A_371#19, %parallel_loop3A_723 = %parallel_loop3A_371#20) -> (vector<16xf32>, vector<16xf32>, vector<16xf32>, vector<16xf32>, vector<16xf32>, vector<16xf32>, vector<16xf32>, vector<16xf32>, vector<16xf32>, vector<16xf32>, vector<16xf32>, vector<16xf32>, vector<16xf32>, vector<16xf32>, vector<16xf32>, vector<16xf32>, vector<16xf32>, vector<16xf32>, vector<16xf32>, vector<16xf32>, vector<16xf32>)  : i32 {
      %parallel_loop3A_724 = arith.constant 32 : i32
      %parallel_loop3A_725 = arith.divsi %parallel_loop3A_702, %parallel_loop3A_724 : i32
      %parallel_loop3A_726 = arith.constant 0 : i32
      %parallel_loop3A_727 = arith.cmpi sgt, %parallel_loop3A_702, %parallel_loop3A_726 : i32
      %parallel_loop3A_728 = arith.extui %parallel_loop3A_727 : i1 to i32
      %parallel_loop3A_729 = arith.constant 0 : i32
      %parallel_loop3A_730 = arith.cmpi slt, %parallel_loop3A_702, %parallel_loop3A_729 : i32
      %parallel_loop3A_731 = arith.extui %parallel_loop3A_730 : i1 to i32
      %parallel_loop3A_732 = arith.subi %parallel_loop3A_728, %parallel_loop3A_731 : i32
      %parallel_loop3A_733 = arith.constant 0 : i32
      %parallel_loop3A_734 = arith.cmpi sgt, %parallel_loop3A_724, %parallel_loop3A_733 : i32
      %parallel_loop3A_735 = arith.extui %parallel_loop3A_734 : i1 to i32
      %parallel_loop3A_736 = arith.constant 0 : i32
      %parallel_loop3A_737 = arith.cmpi slt, %parallel_loop3A_724, %parallel_loop3A_736 : i32
      %parallel_loop3A_738 = arith.extui %parallel_loop3A_737 : i1 to i32
      %parallel_loop3A_739 = arith.subi %parallel_loop3A_735, %parallel_loop3A_738 : i32
      %parallel_loop3A_740 = arith.cmpi ne, %parallel_loop3A_732, %parallel_loop3A_739 : i32
      %parallel_loop3A_741 = arith.remsi %parallel_loop3A_702, %parallel_loop3A_724 : i32
      %parallel_loop3A_742 = arith.constant 0 : i32
      %parallel_loop3A_743 = arith.cmpi ne, %parallel_loop3A_741, %parallel_loop3A_742 : i32
      %parallel_loop3A_744 = arith.andi %parallel_loop3A_740, %parallel_loop3A_743 : i1
      %parallel_loop3A_745 = arith.constant 1 : i32
      %parallel_loop3A_746 = arith.subi %parallel_loop3A_725, %parallel_loop3A_745 : i32
      %parallel_loop3A_747 = arith.select %parallel_loop3A_744, %parallel_loop3A_746, %parallel_loop3A_725 : i32
      %parallel_loop3A_748 = arith.constant 32 : i32
      %parallel_loop3A_749 = arith.constant 0 : i32
      %parallel_loop3A_750 = arith.cmpi eq, %parallel_loop3A_748, %parallel_loop3A_749 : i32
      %parallel_loop3A_751 = arith.constant 1 : i32
      %parallel_loop3A_752 = arith.select %parallel_loop3A_750, %parallel_loop3A_751, %parallel_loop3A_748 : i32
      %parallel_loop3A_753 = arith.remsi %parallel_loop3A_702, %parallel_loop3A_752 : i32
      %parallel_loop3A_754 = arith.constant 0 : i32
      %parallel_loop3A_755 = arith.cmpi ne, %parallel_loop3A_753, %parallel_loop3A_754 : i32
      %parallel_loop3A_756 = arith.constant 0 : i32
      %parallel_loop3A_757 = arith.cmpi slt, %parallel_loop3A_753, %parallel_loop3A_756 : i32
      %parallel_loop3A_758 = arith.constant 0 : i32
      %parallel_loop3A_759 = arith.cmpi slt, %parallel_loop3A_752, %parallel_loop3A_758 : i32
      %parallel_loop3A_760 = arith.xori %parallel_loop3A_757, %parallel_loop3A_759 : i1
      %parallel_loop3A_761 = arith.andi %parallel_loop3A_760, %parallel_loop3A_755 : i1
      %parallel_loop3A_762 = arith.addi %parallel_loop3A_753, %parallel_loop3A_752 : i32
      %parallel_loop3A_763 = arith.select %parallel_loop3A_761, %parallel_loop3A_762, %parallel_loop3A_753 : i32
      %parallel_loop3A_764 = arith.constant 16 : i32
      %parallel_loop3A_765 = arith.muli %parallel_loop3A_763, %parallel_loop3A_764 : i32
      %parallel_loop3A_766 = arith.constant 0 : i32
      %parallel_loop3A_767 = arith.constant 0 : i32
      %parallel_loop3A_768 = arith.index_cast %parallel_loop3A_766 : i32 to index
      %parallel_loop3A_769 = arith.index_cast %parallel_loop3A_767 : i32 to index
      %parallel_loop3A_770 = arith.index_cast %parallel_loop3A_747 : i32 to index
      %parallel_loop3A_771 = arith.index_cast %parallel_loop3A_765 : i32 to index
      %parallel_loop3A_772 = tpu.vector_load %arg8[%parallel_loop3A_768, %parallel_loop3A_769, %parallel_loop3A_770, %parallel_loop3A_771] {strides = array<i32>} : memref<2x1x16x512xi32, #tpu.memory_space<vmem>>, vector<1x1x1x16xi32>,
      %parallel_loop3A_773 = vector.shape_cast %parallel_loop3A_772 : vector<1x1x1x16xi32> to vector<16xi32>
      %parallel_loop3A_774 = arith.constant 1 : i32
      %parallel_loop3A_775 = vector.broadcast %parallel_loop3A_774 : i32 to vector<16xi32>
      %parallel_loop3A_776 = arith.cmpi eq, %parallel_loop3A_773, %parallel_loop3A_775 : vector<16xi32>
      %parallel_loop3A_777 = arith.constant 1.000000e+00 : f32
      %parallel_loop3A_778 = arith.constant 0.000000e+00 : f32
      %parallel_loop3A_779 = vector.broadcast %parallel_loop3A_777 : f32 to vector<16xf32>
      %parallel_loop3A_780 = vector.broadcast %parallel_loop3A_778 : f32 to vector<16xf32>
      %parallel_loop3A_781 = arith.select %parallel_loop3A_776, %parallel_loop3A_779, %parallel_loop3A_780 : vector<16xi1>, vector<16xf32>
      %parallel_loop3A_782 = arith.constant 0 : i32
      %parallel_loop3A_783 = arith.constant 0 : i32
      %parallel_loop3A_784 = arith.index_cast %parallel_loop3A_782 : i32 to index
      %parallel_loop3A_785 = arith.index_cast %parallel_loop3A_783 : i32 to index
      %parallel_loop3A_786 = arith.index_cast %parallel_loop3A_747 : i32 to index
      %parallel_loop3A_787 = arith.index_cast %parallel_loop3A_765 : i32 to index
      %parallel_loop3A_788 = tpu.vector_load %arg7[%parallel_loop3A_784, %parallel_loop3A_785, %parallel_loop3A_786, %parallel_loop3A_787] {strides = array<i32>} : memref<2x2x16x512xf32, #tpu.memory_space<vmem>>, vector<1x1x1x16xf32>,
      %parallel_loop3A_789 = vector.shape_cast %parallel_loop3A_788 : vector<1x1x1x16xf32> to vector<16xf32>
      %parallel_loop3A_790 = arith.constant 0 : i32
      %parallel_loop3A_791 = arith.constant 1 : i32
      %parallel_loop3A_792 = arith.index_cast %parallel_loop3A_790 : i32 to index
      %parallel_loop3A_793 = arith.index_cast %parallel_loop3A_791 : i32 to index
      %parallel_loop3A_794 = arith.index_cast %parallel_loop3A_747 : i32 to index
      %parallel_loop3A_795 = arith.index_cast %parallel_loop3A_765 : i32 to index
      %parallel_loop3A_796 = tpu.vector_load %arg7[%parallel_loop3A_792, %parallel_loop3A_793, %parallel_loop3A_794, %parallel_loop3A_795] {strides = array<i32>} : memref<2x2x16x512xf32, #tpu.memory_space<vmem>>, vector<1x1x1x16xf32>,
      %parallel_loop3A_797 = vector.shape_cast %parallel_loop3A_796 : vector<1x1x1x16xf32> to vector<16xf32>
      %parallel_loop3A_798 = arith.addf %parallel_loop3A_703, %parallel_loop3A_781 : vector<16xf32>
      %parallel_loop3A_799 = arith.constant 0 : i32
      %parallel_loop3A_800 = arith.constant 0 : i32
      %parallel_loop3A_801 = arith.index_cast %parallel_loop3A_799 : i32 to index
      %parallel_loop3A_802 = arith.index_cast %parallel_loop3A_800 : i32 to index
      %parallel_loop3A_803 = arith.index_cast %parallel_loop3A_747 : i32 to index
      %parallel_loop3A_804 = arith.index_cast %parallel_loop3A_765 : i32 to index
      %parallel_loop3A_805 = tpu.vector_load %arg6[%parallel_loop3A_801, %parallel_loop3A_802, %parallel_loop3A_803, %parallel_loop3A_804] {strides = array<i32>} : memref<2x4x16x512xf32, #tpu.memory_space<vmem>>, vector<1x1x1x16xf32>,
      %parallel_loop3A_806 = vector.shape_cast %parallel_loop3A_805 : vector<1x1x1x16xf32> to vector<16xf32>
      %parallel_loop3A_807 = arith.mulf %parallel_loop3A_806, %parallel_loop3A_781 : vector<16xf32>
      %parallel_loop3A_808 = arith.addf %parallel_loop3A_704, %parallel_loop3A_807 : vector<16xf32>
      %parallel_loop3A_809 = arith.mulf %parallel_loop3A_807, %parallel_loop3A_789 : vector<16xf32>
      %parallel_loop3A_810 = arith.addf %parallel_loop3A_705, %parallel_loop3A_809 : vector<16xf32>
      %parallel_loop3A_811 = arith.mulf %parallel_loop3A_807, %parallel_loop3A_797 : vector<16xf32>
      %parallel_loop3A_812 = arith.addf %parallel_loop3A_706, %parallel_loop3A_811 : vector<16xf32>
      %parallel_loop3A_813 = arith.mulf %parallel_loop3A_789, %parallel_loop3A_789 : vector<16xf32>
      %parallel_loop3A_814 = arith.mulf %parallel_loop3A_807, %parallel_loop3A_813 : vector<16xf32>
      %parallel_loop3A_815 = arith.addf %parallel_loop3A_707, %parallel_loop3A_814 : vector<16xf32>
      %parallel_loop3A_816 = arith.mulf %parallel_loop3A_797, %parallel_loop3A_797 : vector<16xf32>
      %parallel_loop3A_817 = arith.mulf %parallel_loop3A_807, %parallel_loop3A_816 : vector<16xf32>
      %parallel_loop3A_818 = arith.addf %parallel_loop3A_708, %parallel_loop3A_817 : vector<16xf32>
      %parallel_loop3A_819 = arith.constant 0 : i32
      %parallel_loop3A_820 = arith.constant 1 : i32
      %parallel_loop3A_821 = arith.index_cast %parallel_loop3A_819 : i32 to index
      %parallel_loop3A_822 = arith.index_cast %parallel_loop3A_820 : i32 to index
      %parallel_loop3A_823 = arith.index_cast %parallel_loop3A_747 : i32 to index
      %parallel_loop3A_824 = arith.index_cast %parallel_loop3A_765 : i32 to index
      %parallel_loop3A_825 = tpu.vector_load %arg6[%parallel_loop3A_821, %parallel_loop3A_822, %parallel_loop3A_823, %parallel_loop3A_824] {strides = array<i32>} : memref<2x4x16x512xf32, #tpu.memory_space<vmem>>, vector<1x1x1x16xf32>,
      %parallel_loop3A_826 = vector.shape_cast %parallel_loop3A_825 : vector<1x1x1x16xf32> to vector<16xf32>
      %parallel_loop3A_827 = arith.mulf %parallel_loop3A_826, %parallel_loop3A_781 : vector<16xf32>
      %parallel_loop3A_828 = arith.addf %parallel_loop3A_709, %parallel_loop3A_827 : vector<16xf32>
      %parallel_loop3A_829 = arith.mulf %parallel_loop3A_827, %parallel_loop3A_789 : vector<16xf32>
      %parallel_loop3A_830 = arith.addf %parallel_loop3A_710, %parallel_loop3A_829 : vector<16xf32>
      %parallel_loop3A_831 = arith.mulf %parallel_loop3A_827, %parallel_loop3A_797 : vector<16xf32>
      %parallel_loop3A_832 = arith.addf %parallel_loop3A_711, %parallel_loop3A_831 : vector<16xf32>
      %parallel_loop3A_833 = arith.mulf %parallel_loop3A_789, %parallel_loop3A_789 : vector<16xf32>
      %parallel_loop3A_834 = arith.mulf %parallel_loop3A_827, %parallel_loop3A_833 : vector<16xf32>
      %parallel_loop3A_835 = arith.addf %parallel_loop3A_712, %parallel_loop3A_834 : vector<16xf32>
      %parallel_loop3A_836 = arith.mulf %parallel_loop3A_797, %parallel_loop3A_797 : vector<16xf32>
      %parallel_loop3A_837 = arith.mulf %parallel_loop3A_827, %parallel_loop3A_836 : vector<16xf32>
      %parallel_loop3A_838 = arith.addf %parallel_loop3A_713, %parallel_loop3A_837 : vector<16xf32>
      %parallel_loop3A_839 = arith.constant 0 : i32
      %parallel_loop3A_840 = arith.constant 2 : i32
      %parallel_loop3A_841 = arith.index_cast %parallel_loop3A_839 : i32 to index
      %parallel_loop3A_842 = arith.index_cast %parallel_loop3A_840 : i32 to index
      %parallel_loop3A_843 = arith.index_cast %parallel_loop3A_747 : i32 to index
      %parallel_loop3A_844 = arith.index_cast %parallel_loop3A_765 : i32 to index
      %parallel_loop3A_845 = tpu.vector_load %arg6[%parallel_loop3A_841, %parallel_loop3A_842, %parallel_loop3A_843, %parallel_loop3A_844] {strides = array<i32>} : memref<2x4x16x512xf32, #tpu.memory_space<vmem>>, vector<1x1x1x16xf32>,
      %parallel_loop3A_846 = vector.shape_cast %parallel_loop3A_845 : vector<1x1x1x16xf32> to vector<16xf32>
      %parallel_loop3A_847 = arith.mulf %parallel_loop3A_846, %parallel_loop3A_781 : vector<16xf32>
      %parallel_loop3A_848 = arith.addf %parallel_loop3A_714, %parallel_loop3A_847 : vector<16xf32>
      %parallel_loop3A_849 = arith.mulf %parallel_loop3A_847, %parallel_loop3A_789 : vector<16xf32>
      %parallel_loop3A_850 = arith.addf %parallel_loop3A_715, %parallel_loop3A_849 : vector<16xf32>
      %parallel_loop3A_851 = arith.mulf %parallel_loop3A_847, %parallel_loop3A_797 : vector<16xf32>
      %parallel_loop3A_852 = arith.addf %parallel_loop3A_716, %parallel_loop3A_851 : vector<16xf32>
      %parallel_loop3A_853 = arith.mulf %parallel_loop3A_789, %parallel_loop3A_789 : vector<16xf32>
      %parallel_loop3A_854 = arith.mulf %parallel_loop3A_847, %parallel_loop3A_853 : vector<16xf32>
      %parallel_loop3A_855 = arith.addf %parallel_loop3A_717, %parallel_loop3A_854 : vector<16xf32>
      %parallel_loop3A_856 = arith.mulf %parallel_loop3A_797, %parallel_loop3A_797 : vector<16xf32>
      %parallel_loop3A_857 = arith.mulf %parallel_loop3A_847, %parallel_loop3A_856 : vector<16xf32>
      %parallel_loop3A_858 = arith.addf %parallel_loop3A_718, %parallel_loop3A_857 : vector<16xf32>
      %parallel_loop3A_859 = arith.constant 0 : i32
      %parallel_loop3A_860 = arith.constant 3 : i32
      %parallel_loop3A_861 = arith.index_cast %parallel_loop3A_859 : i32 to index
      %parallel_loop3A_862 = arith.index_cast %parallel_loop3A_860 : i32 to index
      %parallel_loop3A_863 = arith.index_cast %parallel_loop3A_747 : i32 to index
      %parallel_loop3A_864 = arith.index_cast %parallel_loop3A_765 : i32 to index
      %parallel_loop3A_865 = tpu.vector_load %arg6[%parallel_loop3A_861, %parallel_loop3A_862, %parallel_loop3A_863, %parallel_loop3A_864] {strides = array<i32>} : memref<2x4x16x512xf32, #tpu.memory_space<vmem>>, vector<1x1x1x16xf32>,
      %parallel_loop3A_866 = vector.shape_cast %parallel_loop3A_865 : vector<1x1x1x16xf32> to vector<16xf32>
      %parallel_loop3A_867 = arith.mulf %parallel_loop3A_866, %parallel_loop3A_781 : vector<16xf32>
      %parallel_loop3A_868 = arith.addf %parallel_loop3A_719, %parallel_loop3A_867 : vector<16xf32>
      %parallel_loop3A_869 = arith.mulf %parallel_loop3A_867, %parallel_loop3A_789 : vector<16xf32>
      %parallel_loop3A_870 = arith.addf %parallel_loop3A_720, %parallel_loop3A_869 : vector<16xf32>
      %parallel_loop3A_871 = arith.mulf %parallel_loop3A_867, %parallel_loop3A_797 : vector<16xf32>
      %parallel_loop3A_872 = arith.addf %parallel_loop3A_721, %parallel_loop3A_871 : vector<16xf32>
      %parallel_loop3A_873 = arith.mulf %parallel_loop3A_789, %parallel_loop3A_789 : vector<16xf32>
      %parallel_loop3A_874 = arith.mulf %parallel_loop3A_867, %parallel_loop3A_873 : vector<16xf32>
      %parallel_loop3A_875 = arith.addf %parallel_loop3A_722, %parallel_loop3A_874 : vector<16xf32>
      %parallel_loop3A_876 = arith.mulf %parallel_loop3A_797, %parallel_loop3A_797 : vector<16xf32>
      %parallel_loop3A_877 = arith.mulf %parallel_loop3A_867, %parallel_loop3A_876 : vector<16xf32>
      %parallel_loop3A_878 = arith.addf %parallel_loop3A_723, %parallel_loop3A_877 : vector<16xf32>
      scf.yield %parallel_loop3A_798, %parallel_loop3A_808, %parallel_loop3A_810, %parallel_loop3A_812, %parallel_loop3A_815, %parallel_loop3A_818, %parallel_loop3A_828, %parallel_loop3A_830, %parallel_loop3A_832, %parallel_loop3A_835, %parallel_loop3A_838, %parallel_loop3A_848, %parallel_loop3A_850, %parallel_loop3A_852, %parallel_loop3A_855, %parallel_loop3A_858, %parallel_loop3A_868, %parallel_loop3A_870, %parallel_loop3A_872, %parallel_loop3A_875, %parallel_loop3A_878 : vector<16xf32>, vector<16xf32>, vector<16xf32>, vector<16xf32>, vector<16xf32>, vector<16xf32>, vector<16xf32>, vector<16xf32>, vector<16xf32>, vector<16xf32>, vector<16xf32>, vector<16xf32>, vector<16xf32>, vector<16xf32>, vector<16xf32>, vector<16xf32>, vector<16xf32>, vector<16xf32>, vector<16xf32>, vector<16xf32>, vector<16xf32>
    } {sc.loop_unroll_factor = 8 : i64, sc.parallel_access}
    %dma_wait3A_492 = arith.constant 1 : i32
    %dma_wait3A_493 = arith.constant 0 : i32
    %dma_wait3A_494 = arith.constant 0 : i32
    %dma_wait3A_495 = arith.constant 0 : i32
    %dma_wait3A_496 = tpu.memref_slice %arg6[%dma_wait3A_492, %dma_wait3A_493, %dma_wait3A_494, %dma_wait3A_495] : memref<2x4x16x512xf32, #tpu.memory_space<vmem>> -> memref<1x4x16x512xf32, #tpu.memory_space<vmem>>
    %dma_wait3A_497 = tpu.memref_squeeze %dma_wait3A_496 : memref<1x4x16x512xf32, #tpu.memory_space<vmem>> -> memref<4x16x512xf32, #tpu.memory_space<vmem>>
    %dma_wait3A_498 = arith.constant 0 : i32
    %dma_wait3A_499 = arith.constant 0 : i32
    %dma_wait3A_500 = tpu.memref_slice %arg2[%add3A_18, %dma_wait3A_498, %add3A_373, %dma_wait3A_499] : memref<8x4x512x512xf32, #tpu.memory_space<hbm>> -> memref<1x4x16x512xf32, #tpu.memory_space<hbm>>
    %dma_wait3A_501 = tpu.memref_squeeze %dma_wait3A_500 : memref<1x4x16x512xf32, #tpu.memory_space<hbm>> -> memref<4x16x512xf32, #tpu.memory_space<hbm>>
    %dma_wait3A_502 = arith.constant 0 : i32
    %dma_wait3A_503 = arith.constant 0 : i32
    %dma_wait3A_504 = arith.constant 0 : i32
    %dma_wait3A_505 = tpu.memref_slice %arg6[%dma_wait3A_492, %dma_wait3A_502, %dma_wait3A_503, %dma_wait3A_504] : memref<2x4x16x512xf32, #tpu.memory_space<vmem>> -> memref<1x4x16x512xf32, #tpu.memory_space<vmem>>
    %dma_wait3A_506 = tpu.memref_squeeze %dma_wait3A_505 : memref<1x4x16x512xf32, #tpu.memory_space<vmem>> -> memref<4x16x512xf32, #tpu.memory_space<vmem>>
    %dma_wait3A_507 = arith.constant 0 : i32
    %dma_wait3A_508 = arith.constant 0 : i32
    %dma_wait3A_509 = tpu.memref_slice %arg2[%add3A_18, %dma_wait3A_507, %add3A_373, %dma_wait3A_508] : memref<8x4x512x512xf32, #tpu.memory_space<hbm>> -> memref<1x4x16x512xf32, #tpu.memory_space<hbm>>
    %dma_wait3A_510 = tpu.memref_squeeze %dma_wait3A_509 : memref<1x4x16x512xf32, #tpu.memory_space<hbm>> -> memref<4x16x512xf32, #tpu.memory_space<hbm>>
    tpu.wait_dma2 semaphore(%arg11 : memref<!tpu.dma_semaphore, #tpu.memory_space<semaphore_mem>>) src(%dma_wait3A_510 : memref<4x16x512xf32, #tpu.memory_space<hbm>>) dst(%dma_wait3A_506 : memref<4x16x512xf32, #tpu.memory_space<vmem>>)
    %dma_wait3A_511 = arith.constant 1 : i32
    %dma_wait3A_512 = arith.constant 0 : i32
    %dma_wait3A_513 = arith.constant 0 : i32
    %dma_wait3A_514 = arith.constant 0 : i32
    %dma_wait3A_515 = tpu.memref_slice %arg7[%dma_wait3A_511, %dma_wait3A_512, %dma_wait3A_513, %dma_wait3A_514] : memref<2x2x16x512xf32, #tpu.memory_space<vmem>> -> memref<1x2x16x512xf32, #tpu.memory_space<vmem>>
    %dma_wait3A_516 = tpu.memref_squeeze %dma_wait3A_515 : memref<1x2x16x512xf32, #tpu.memory_space<vmem>> -> memref<2x16x512xf32, #tpu.memory_space<vmem>>
    %dma_wait3A_517 = arith.constant 0 : i32
    %dma_wait3A_518 = arith.constant 0 : i32
    %dma_wait3A_519 = tpu.memref_slice %arg3[%add3A_18, %dma_wait3A_517, %add3A_373, %dma_wait3A_518] : memref<8x2x512x512xf32, #tpu.memory_space<hbm>> -> memref<1x2x16x512xf32, #tpu.memory_space<hbm>>
    %dma_wait3A_520 = tpu.memref_squeeze %dma_wait3A_519 : memref<1x2x16x512xf32, #tpu.memory_space<hbm>> -> memref<2x16x512xf32, #tpu.memory_space<hbm>>
    %dma_wait3A_521 = arith.constant 0 : i32
    %dma_wait3A_522 = arith.constant 0 : i32
    %dma_wait3A_523 = arith.constant 0 : i32
    %dma_wait3A_524 = tpu.memref_slice %arg7[%dma_wait3A_511, %dma_wait3A_521, %dma_wait3A_522, %dma_wait3A_523] : memref<2x2x16x512xf32, #tpu.memory_space<vmem>> -> memref<1x2x16x512xf32, #tpu.memory_space<vmem>>
    %dma_wait3A_525 = tpu.memref_squeeze %dma_wait3A_524 : memref<1x2x16x512xf32, #tpu.memory_space<vmem>> -> memref<2x16x512xf32, #tpu.memory_space<vmem>>
    %dma_wait3A_526 = arith.constant 0 : i32
    %dma_wait3A_527 = arith.constant 0 : i32
    %dma_wait3A_528 = tpu.memref_slice %arg3[%add3A_18, %dma_wait3A_526, %add3A_373, %dma_wait3A_527] : memref<8x2x512x512xf32, #tpu.memory_space<hbm>> -> memref<1x2x16x512xf32, #tpu.memory_space<hbm>>
    %dma_wait3A_529 = tpu.memref_squeeze %dma_wait3A_528 : memref<1x2x16x512xf32, #tpu.memory_space<hbm>> -> memref<2x16x512xf32, #tpu.memory_space<hbm>>
    tpu.wait_dma2 semaphore(%arg11 : memref<!tpu.dma_semaphore, #tpu.memory_space<semaphore_mem>>) src(%dma_wait3A_529 : memref<2x16x512xf32, #tpu.memory_space<hbm>>) dst(%dma_wait3A_525 : memref<2x16x512xf32, #tpu.memory_space<vmem>>)
    %dma_wait3A_530 = arith.constant 1 : i32
    %dma_wait3A_531 = arith.constant 0 : i32
    %dma_wait3A_532 = arith.constant 0 : i32
    %dma_wait3A_533 = arith.constant 0 : i32
    %dma_wait3A_534 = tpu.memref_slice %arg8[%dma_wait3A_530, %dma_wait3A_531, %dma_wait3A_532, %dma_wait3A_533] : memref<2x1x16x512xi32, #tpu.memory_space<vmem>> -> memref<1x1x16x512xi32, #tpu.memory_space<vmem>>
    %dma_wait3A_535 = tpu.memref_squeeze %dma_wait3A_534 : memref<1x1x16x512xi32, #tpu.memory_space<vmem>> -> memref<1x16x512xi32, #tpu.memory_space<vmem>>
    %dma_wait3A_536 = arith.constant 0 : i32
    %dma_wait3A_537 = arith.constant 0 : i32
    %dma_wait3A_538 = tpu.memref_slice %arg4[%add3A_18, %dma_wait3A_536, %add3A_373, %dma_wait3A_537] : memref<8x1x512x512xi32, #tpu.memory_space<hbm>> -> memref<1x1x16x512xi32, #tpu.memory_space<hbm>>
    %dma_wait3A_539 = tpu.memref_squeeze %dma_wait3A_538 : memref<1x1x16x512xi32, #tpu.memory_space<hbm>> -> memref<1x16x512xi32, #tpu.memory_space<hbm>>
    %dma_wait3A_540 = arith.constant 0 : i32
    %dma_wait3A_541 = arith.constant 0 : i32
    %dma_wait3A_542 = arith.constant 0 : i32
    %dma_wait3A_543 = tpu.memref_slice %arg8[%dma_wait3A_530, %dma_wait3A_540, %dma_wait3A_541, %dma_wait3A_542] : memref<2x1x16x512xi32, #tpu.memory_space<vmem>> -> memref<1x1x16x512xi32, #tpu.memory_space<vmem>>
    %dma_wait3A_544 = tpu.memref_squeeze %dma_wait3A_543 : memref<1x1x16x512xi32, #tpu.memory_space<vmem>> -> memref<1x16x512xi32, #tpu.memory_space<vmem>>
    %dma_wait3A_545 = arith.constant 0 : i32
    %dma_wait3A_546 = arith.constant 0 : i32
    %dma_wait3A_547 = tpu.memref_slice %arg4[%add3A_18, %dma_wait3A_545, %add3A_373, %dma_wait3A_546] : memref<8x1x512x512xi32, #tpu.memory_space<hbm>> -> memref<1x1x16x512xi32, #tpu.memory_space<hbm>>
    %dma_wait3A_548 = tpu.memref_squeeze %dma_wait3A_547 : memref<1x1x16x512xi32, #tpu.memory_space<hbm>> -> memref<1x16x512xi32, #tpu.memory_space<hbm>>
    tpu.wait_dma2 semaphore(%arg11 : memref<!tpu.dma_semaphore, #tpu.memory_space<semaphore_mem>>) src(%dma_wait3A_548 : memref<1x16x512xi32, #tpu.memory_space<hbm>>) dst(%dma_wait3A_544 : memref<1x16x512xi32, #tpu.memory_space<vmem>>)
    %parallel_loop3A_549 = arith.constant 0 : i32
    %parallel_loop3A_550 = arith.constant 512 : i32
    %parallel_loop3A_551 = arith.constant 1 : i32
    %parallel_loop3A_552:21 = scf.for %parallel_loop3A_702 = %parallel_loop3A_549 to %parallel_loop3A_550 step %parallel_loop3A_551 iter_args(%parallel_loop3A_703 = %parallel_loop3A_491#0, %parallel_loop3A_704 = %parallel_loop3A_491#1, %parallel_loop3A_705 = %parallel_loop3A_491#2, %parallel_loop3A_706 = %parallel_loop3A_491#3, %parallel_loop3A_707 = %parallel_loop3A_491#4, %parallel_loop3A_708 = %parallel_loop3A_491#5, %parallel_loop3A_709 = %parallel_loop3A_491#6, %parallel_loop3A_710 = %parallel_loop3A_491#7, %parallel_loop3A_711 = %parallel_loop3A_491#8, %parallel_loop3A_712 = %parallel_loop3A_491#9, %parallel_loop3A_713 = %parallel_loop3A_491#10, %parallel_loop3A_714 = %parallel_loop3A_491#11, %parallel_loop3A_715 = %parallel_loop3A_491#12, %parallel_loop3A_716 = %parallel_loop3A_491#13, %parallel_loop3A_717 = %parallel_loop3A_491#14, %parallel_loop3A_718 = %parallel_loop3A_491#15, %parallel_loop3A_719 = %parallel_loop3A_491#16, %parallel_loop3A_720 = %parallel_loop3A_491#17, %parallel_loop3A_721 = %parallel_loop3A_491#18, %parallel_loop3A_722 = %parallel_loop3A_491#19, %parallel_loop3A_723 = %parallel_loop3A_491#20) -> (vector<16xf32>, vector<16xf32>, vector<16xf32>, vector<16xf32>, vector<16xf32>, vector<16xf32>, vector<16xf32>, vector<16xf32>, vector<16xf32>, vector<16xf32>, vector<16xf32>, vector<16xf32>, vector<16xf32>, vector<16xf32>, vector<16xf32>, vector<16xf32>, vector<16xf32>, vector<16xf32>, vector<16xf32>, vector<16xf32>, vector<16xf32>)  : i32 {
      %parallel_loop3A_724 = arith.constant 32 : i32
      %parallel_loop3A_725 = arith.divsi %parallel_loop3A_702, %parallel_loop3A_724 : i32
      %parallel_loop3A_726 = arith.constant 0 : i32
      %parallel_loop3A_727 = arith.cmpi sgt, %parallel_loop3A_702, %parallel_loop3A_726 : i32
      %parallel_loop3A_728 = arith.extui %parallel_loop3A_727 : i1 to i32
      %parallel_loop3A_729 = arith.constant 0 : i32
      %parallel_loop3A_730 = arith.cmpi slt, %parallel_loop3A_702, %parallel_loop3A_729 : i32
      %parallel_loop3A_731 = arith.extui %parallel_loop3A_730 : i1 to i32
      %parallel_loop3A_732 = arith.subi %parallel_loop3A_728, %parallel_loop3A_731 : i32
      %parallel_loop3A_733 = arith.constant 0 : i32
      %parallel_loop3A_734 = arith.cmpi sgt, %parallel_loop3A_724, %parallel_loop3A_733 : i32
      %parallel_loop3A_735 = arith.extui %parallel_loop3A_734 : i1 to i32
      %parallel_loop3A_736 = arith.constant 0 : i32
      %parallel_loop3A_737 = arith.cmpi slt, %parallel_loop3A_724, %parallel_loop3A_736 : i32
      %parallel_loop3A_738 = arith.extui %parallel_loop3A_737 : i1 to i32
      %parallel_loop3A_739 = arith.subi %parallel_loop3A_735, %parallel_loop3A_738 : i32
      %parallel_loop3A_740 = arith.cmpi ne, %parallel_loop3A_732, %parallel_loop3A_739 : i32
      %parallel_loop3A_741 = arith.remsi %parallel_loop3A_702, %parallel_loop3A_724 : i32
      %parallel_loop3A_742 = arith.constant 0 : i32
      %parallel_loop3A_743 = arith.cmpi ne, %parallel_loop3A_741, %parallel_loop3A_742 : i32
      %parallel_loop3A_744 = arith.andi %parallel_loop3A_740, %parallel_loop3A_743 : i1
      %parallel_loop3A_745 = arith.constant 1 : i32
      %parallel_loop3A_746 = arith.subi %parallel_loop3A_725, %parallel_loop3A_745 : i32
      %parallel_loop3A_747 = arith.select %parallel_loop3A_744, %parallel_loop3A_746, %parallel_loop3A_725 : i32
      %parallel_loop3A_748 = arith.constant 32 : i32
      %parallel_loop3A_749 = arith.constant 0 : i32
      %parallel_loop3A_750 = arith.cmpi eq, %parallel_loop3A_748, %parallel_loop3A_749 : i32
      %parallel_loop3A_751 = arith.constant 1 : i32
      %parallel_loop3A_752 = arith.select %parallel_loop3A_750, %parallel_loop3A_751, %parallel_loop3A_748 : i32
      %parallel_loop3A_753 = arith.remsi %parallel_loop3A_702, %parallel_loop3A_752 : i32
      %parallel_loop3A_754 = arith.constant 0 : i32
      %parallel_loop3A_755 = arith.cmpi ne, %parallel_loop3A_753, %parallel_loop3A_754 : i32
      %parallel_loop3A_756 = arith.constant 0 : i32
      %parallel_loop3A_757 = arith.cmpi slt, %parallel_loop3A_753, %parallel_loop3A_756 : i32
      %parallel_loop3A_758 = arith.constant 0 : i32
      %parallel_loop3A_759 = arith.cmpi slt, %parallel_loop3A_752, %parallel_loop3A_758 : i32
      %parallel_loop3A_760 = arith.xori %parallel_loop3A_757, %parallel_loop3A_759 : i1
      %parallel_loop3A_761 = arith.andi %parallel_loop3A_760, %parallel_loop3A_755 : i1
      %parallel_loop3A_762 = arith.addi %parallel_loop3A_753, %parallel_loop3A_752 : i32
      %parallel_loop3A_763 = arith.select %parallel_loop3A_761, %parallel_loop3A_762, %parallel_loop3A_753 : i32
      %parallel_loop3A_764 = arith.constant 16 : i32
      %parallel_loop3A_765 = arith.muli %parallel_loop3A_763, %parallel_loop3A_764 : i32
      %parallel_loop3A_766 = arith.constant 1 : i32
      %parallel_loop3A_767 = arith.constant 0 : i32
      %parallel_loop3A_768 = arith.index_cast %parallel_loop3A_766 : i32 to index
      %parallel_loop3A_769 = arith.index_cast %parallel_loop3A_767 : i32 to index
      %parallel_loop3A_770 = arith.index_cast %parallel_loop3A_747 : i32 to index
      %parallel_loop3A_771 = arith.index_cast %parallel_loop3A_765 : i32 to index
      %parallel_loop3A_772 = tpu.vector_load %arg8[%parallel_loop3A_768, %parallel_loop3A_769, %parallel_loop3A_770, %parallel_loop3A_771] {strides = array<i32>} : memref<2x1x16x512xi32, #tpu.memory_space<vmem>>, vector<1x1x1x16xi32>,
      %parallel_loop3A_773 = vector.shape_cast %parallel_loop3A_772 : vector<1x1x1x16xi32> to vector<16xi32>
      %parallel_loop3A_774 = arith.constant 1 : i32
      %parallel_loop3A_775 = vector.broadcast %parallel_loop3A_774 : i32 to vector<16xi32>
      %parallel_loop3A_776 = arith.cmpi eq, %parallel_loop3A_773, %parallel_loop3A_775 : vector<16xi32>
      %parallel_loop3A_777 = arith.constant 1.000000e+00 : f32
      %parallel_loop3A_778 = arith.constant 0.000000e+00 : f32
      %parallel_loop3A_779 = vector.broadcast %parallel_loop3A_777 : f32 to vector<16xf32>
      %parallel_loop3A_780 = vector.broadcast %parallel_loop3A_778 : f32 to vector<16xf32>
      %parallel_loop3A_781 = arith.select %parallel_loop3A_776, %parallel_loop3A_779, %parallel_loop3A_780 : vector<16xi1>, vector<16xf32>
      %parallel_loop3A_782 = arith.constant 1 : i32
      %parallel_loop3A_783 = arith.constant 0 : i32
      %parallel_loop3A_784 = arith.index_cast %parallel_loop3A_782 : i32 to index
      %parallel_loop3A_785 = arith.index_cast %parallel_loop3A_783 : i32 to index
      %parallel_loop3A_786 = arith.index_cast %parallel_loop3A_747 : i32 to index
      %parallel_loop3A_787 = arith.index_cast %parallel_loop3A_765 : i32 to index
      %parallel_loop3A_788 = tpu.vector_load %arg7[%parallel_loop3A_784, %parallel_loop3A_785, %parallel_loop3A_786, %parallel_loop3A_787] {strides = array<i32>} : memref<2x2x16x512xf32, #tpu.memory_space<vmem>>, vector<1x1x1x16xf32>,
      %parallel_loop3A_789 = vector.shape_cast %parallel_loop3A_788 : vector<1x1x1x16xf32> to vector<16xf32>
      %parallel_loop3A_790 = arith.constant 1 : i32
      %parallel_loop3A_791 = arith.constant 1 : i32
      %parallel_loop3A_792 = arith.index_cast %parallel_loop3A_790 : i32 to index
      %parallel_loop3A_793 = arith.index_cast %parallel_loop3A_791 : i32 to index
      %parallel_loop3A_794 = arith.index_cast %parallel_loop3A_747 : i32 to index
      %parallel_loop3A_795 = arith.index_cast %parallel_loop3A_765 : i32 to index
      %parallel_loop3A_796 = tpu.vector_load %arg7[%parallel_loop3A_792, %parallel_loop3A_793, %parallel_loop3A_794, %parallel_loop3A_795] {strides = array<i32>} : memref<2x2x16x512xf32, #tpu.memory_space<vmem>>, vector<1x1x1x16xf32>,
      %parallel_loop3A_797 = vector.shape_cast %parallel_loop3A_796 : vector<1x1x1x16xf32> to vector<16xf32>
      %parallel_loop3A_798 = arith.addf %parallel_loop3A_703, %parallel_loop3A_781 : vector<16xf32>
      %parallel_loop3A_799 = arith.constant 1 : i32
      %parallel_loop3A_800 = arith.constant 0 : i32
      %parallel_loop3A_801 = arith.index_cast %parallel_loop3A_799 : i32 to index
      %parallel_loop3A_802 = arith.index_cast %parallel_loop3A_800 : i32 to index
      %parallel_loop3A_803 = arith.index_cast %parallel_loop3A_747 : i32 to index
      %parallel_loop3A_804 = arith.index_cast %parallel_loop3A_765 : i32 to index
      %parallel_loop3A_805 = tpu.vector_load %arg6[%parallel_loop3A_801, %parallel_loop3A_802, %parallel_loop3A_803, %parallel_loop3A_804] {strides = array<i32>} : memref<2x4x16x512xf32, #tpu.memory_space<vmem>>, vector<1x1x1x16xf32>,
      %parallel_loop3A_806 = vector.shape_cast %parallel_loop3A_805 : vector<1x1x1x16xf32> to vector<16xf32>
      %parallel_loop3A_807 = arith.mulf %parallel_loop3A_806, %parallel_loop3A_781 : vector<16xf32>
      %parallel_loop3A_808 = arith.addf %parallel_loop3A_704, %parallel_loop3A_807 : vector<16xf32>
      %parallel_loop3A_809 = arith.mulf %parallel_loop3A_807, %parallel_loop3A_789 : vector<16xf32>
      %parallel_loop3A_810 = arith.addf %parallel_loop3A_705, %parallel_loop3A_809 : vector<16xf32>
      %parallel_loop3A_811 = arith.mulf %parallel_loop3A_807, %parallel_loop3A_797 : vector<16xf32>
      %parallel_loop3A_812 = arith.addf %parallel_loop3A_706, %parallel_loop3A_811 : vector<16xf32>
      %parallel_loop3A_813 = arith.mulf %parallel_loop3A_789, %parallel_loop3A_789 : vector<16xf32>
      %parallel_loop3A_814 = arith.mulf %parallel_loop3A_807, %parallel_loop3A_813 : vector<16xf32>
      %parallel_loop3A_815 = arith.addf %parallel_loop3A_707, %parallel_loop3A_814 : vector<16xf32>
      %parallel_loop3A_816 = arith.mulf %parallel_loop3A_797, %parallel_loop3A_797 : vector<16xf32>
      %parallel_loop3A_817 = arith.mulf %parallel_loop3A_807, %parallel_loop3A_816 : vector<16xf32>
      %parallel_loop3A_818 = arith.addf %parallel_loop3A_708, %parallel_loop3A_817 : vector<16xf32>
      %parallel_loop3A_819 = arith.constant 1 : i32
      %parallel_loop3A_820 = arith.constant 1 : i32
      %parallel_loop3A_821 = arith.index_cast %parallel_loop3A_819 : i32 to index
      %parallel_loop3A_822 = arith.index_cast %parallel_loop3A_820 : i32 to index
      %parallel_loop3A_823 = arith.index_cast %parallel_loop3A_747 : i32 to index
      %parallel_loop3A_824 = arith.index_cast %parallel_loop3A_765 : i32 to index
      %parallel_loop3A_825 = tpu.vector_load %arg6[%parallel_loop3A_821, %parallel_loop3A_822, %parallel_loop3A_823, %parallel_loop3A_824] {strides = array<i32>} : memref<2x4x16x512xf32, #tpu.memory_space<vmem>>, vector<1x1x1x16xf32>,
      %parallel_loop3A_826 = vector.shape_cast %parallel_loop3A_825 : vector<1x1x1x16xf32> to vector<16xf32>
      %parallel_loop3A_827 = arith.mulf %parallel_loop3A_826, %parallel_loop3A_781 : vector<16xf32>
      %parallel_loop3A_828 = arith.addf %parallel_loop3A_709, %parallel_loop3A_827 : vector<16xf32>
      %parallel_loop3A_829 = arith.mulf %parallel_loop3A_827, %parallel_loop3A_789 : vector<16xf32>
      %parallel_loop3A_830 = arith.addf %parallel_loop3A_710, %parallel_loop3A_829 : vector<16xf32>
      %parallel_loop3A_831 = arith.mulf %parallel_loop3A_827, %parallel_loop3A_797 : vector<16xf32>
      %parallel_loop3A_832 = arith.addf %parallel_loop3A_711, %parallel_loop3A_831 : vector<16xf32>
      %parallel_loop3A_833 = arith.mulf %parallel_loop3A_789, %parallel_loop3A_789 : vector<16xf32>
      %parallel_loop3A_834 = arith.mulf %parallel_loop3A_827, %parallel_loop3A_833 : vector<16xf32>
      %parallel_loop3A_835 = arith.addf %parallel_loop3A_712, %parallel_loop3A_834 : vector<16xf32>
      %parallel_loop3A_836 = arith.mulf %parallel_loop3A_797, %parallel_loop3A_797 : vector<16xf32>
      %parallel_loop3A_837 = arith.mulf %parallel_loop3A_827, %parallel_loop3A_836 : vector<16xf32>
      %parallel_loop3A_838 = arith.addf %parallel_loop3A_713, %parallel_loop3A_837 : vector<16xf32>
      %parallel_loop3A_839 = arith.constant 1 : i32
      %parallel_loop3A_840 = arith.constant 2 : i32
      %parallel_loop3A_841 = arith.index_cast %parallel_loop3A_839 : i32 to index
      %parallel_loop3A_842 = arith.index_cast %parallel_loop3A_840 : i32 to index
      %parallel_loop3A_843 = arith.index_cast %parallel_loop3A_747 : i32 to index
      %parallel_loop3A_844 = arith.index_cast %parallel_loop3A_765 : i32 to index
      %parallel_loop3A_845 = tpu.vector_load %arg6[%parallel_loop3A_841, %parallel_loop3A_842, %parallel_loop3A_843, %parallel_loop3A_844] {strides = array<i32>} : memref<2x4x16x512xf32, #tpu.memory_space<vmem>>, vector<1x1x1x16xf32>,
      %parallel_loop3A_846 = vector.shape_cast %parallel_loop3A_845 : vector<1x1x1x16xf32> to vector<16xf32>
      %parallel_loop3A_847 = arith.mulf %parallel_loop3A_846, %parallel_loop3A_781 : vector<16xf32>
      %parallel_loop3A_848 = arith.addf %parallel_loop3A_714, %parallel_loop3A_847 : vector<16xf32>
      %parallel_loop3A_849 = arith.mulf %parallel_loop3A_847, %parallel_loop3A_789 : vector<16xf32>
      %parallel_loop3A_850 = arith.addf %parallel_loop3A_715, %parallel_loop3A_849 : vector<16xf32>
      %parallel_loop3A_851 = arith.mulf %parallel_loop3A_847, %parallel_loop3A_797 : vector<16xf32>
      %parallel_loop3A_852 = arith.addf %parallel_loop3A_716, %parallel_loop3A_851 : vector<16xf32>
      %parallel_loop3A_853 = arith.mulf %parallel_loop3A_789, %parallel_loop3A_789 : vector<16xf32>
      %parallel_loop3A_854 = arith.mulf %parallel_loop3A_847, %parallel_loop3A_853 : vector<16xf32>
      %parallel_loop3A_855 = arith.addf %parallel_loop3A_717, %parallel_loop3A_854 : vector<16xf32>
      %parallel_loop3A_856 = arith.mulf %parallel_loop3A_797, %parallel_loop3A_797 : vector<16xf32>
      %parallel_loop3A_857 = arith.mulf %parallel_loop3A_847, %parallel_loop3A_856 : vector<16xf32>
      %parallel_loop3A_858 = arith.addf %parallel_loop3A_718, %parallel_loop3A_857 : vector<16xf32>
      %parallel_loop3A_859 = arith.constant 1 : i32
      %parallel_loop3A_860 = arith.constant 3 : i32
      %parallel_loop3A_861 = arith.index_cast %parallel_loop3A_859 : i32 to index
      %parallel_loop3A_862 = arith.index_cast %parallel_loop3A_860 : i32 to index
      %parallel_loop3A_863 = arith.index_cast %parallel_loop3A_747 : i32 to index
      %parallel_loop3A_864 = arith.index_cast %parallel_loop3A_765 : i32 to index
      %parallel_loop3A_865 = tpu.vector_load %arg6[%parallel_loop3A_861, %parallel_loop3A_862, %parallel_loop3A_863, %parallel_loop3A_864] {strides = array<i32>} : memref<2x4x16x512xf32, #tpu.memory_space<vmem>>, vector<1x1x1x16xf32>,
      %parallel_loop3A_866 = vector.shape_cast %parallel_loop3A_865 : vector<1x1x1x16xf32> to vector<16xf32>
      %parallel_loop3A_867 = arith.mulf %parallel_loop3A_866, %parallel_loop3A_781 : vector<16xf32>
      %parallel_loop3A_868 = arith.addf %parallel_loop3A_719, %parallel_loop3A_867 : vector<16xf32>
      %parallel_loop3A_869 = arith.mulf %parallel_loop3A_867, %parallel_loop3A_789 : vector<16xf32>
      %parallel_loop3A_870 = arith.addf %parallel_loop3A_720, %parallel_loop3A_869 : vector<16xf32>
      %parallel_loop3A_871 = arith.mulf %parallel_loop3A_867, %parallel_loop3A_797 : vector<16xf32>
      %parallel_loop3A_872 = arith.addf %parallel_loop3A_721, %parallel_loop3A_871 : vector<16xf32>
      %parallel_loop3A_873 = arith.mulf %parallel_loop3A_789, %parallel_loop3A_789 : vector<16xf32>
      %parallel_loop3A_874 = arith.mulf %parallel_loop3A_867, %parallel_loop3A_873 : vector<16xf32>
      %parallel_loop3A_875 = arith.addf %parallel_loop3A_722, %parallel_loop3A_874 : vector<16xf32>
      %parallel_loop3A_876 = arith.mulf %parallel_loop3A_797, %parallel_loop3A_797 : vector<16xf32>
      %parallel_loop3A_877 = arith.mulf %parallel_loop3A_867, %parallel_loop3A_876 : vector<16xf32>
      %parallel_loop3A_878 = arith.addf %parallel_loop3A_723, %parallel_loop3A_877 : vector<16xf32>
      scf.yield %parallel_loop3A_798, %parallel_loop3A_808, %parallel_loop3A_810, %parallel_loop3A_812, %parallel_loop3A_815, %parallel_loop3A_818, %parallel_loop3A_828, %parallel_loop3A_830, %parallel_loop3A_832, %parallel_loop3A_835, %parallel_loop3A_838, %parallel_loop3A_848, %parallel_loop3A_850, %parallel_loop3A_852, %parallel_loop3A_855, %parallel_loop3A_858, %parallel_loop3A_868, %parallel_loop3A_870, %parallel_loop3A_872, %parallel_loop3A_875, %parallel_loop3A_878 : vector<16xf32>, vector<16xf32>, vector<16xf32>, vector<16xf32>, vector<16xf32>, vector<16xf32>, vector<16xf32>, vector<16xf32>, vector<16xf32>, vector<16xf32>, vector<16xf32>, vector<16xf32>, vector<16xf32>, vector<16xf32>, vector<16xf32>, vector<16xf32>, vector<16xf32>, vector<16xf32>, vector<16xf32>, vector<16xf32>, vector<16xf32>
    } {sc.loop_unroll_factor = 8 : i64, sc.parallel_access}
    %swap3A = arith.constant 0 : i32
    %swap3A_553 = arith.index_cast %swap3A : i32 to index
    %swap3A_554 = arith.constant 0 : index
    %swap3A_555 = tpu.vector_load %arg9[%swap3A_553, %swap3A_554] {strides = array<i32>} : memref<24x16xf32, #tpu.memory_space<vmem>>, vector<1x16xf32>,
    %swap3A_556 = vector.shape_cast %swap3A_555 : vector<1x16xf32> to vector<16xf32>
    %swap3A_557 = vector.shape_cast %parallel_loop3A_552#0 : vector<16xf32> to vector<1x16xf32>
    tpu.vector_store %arg9[%swap3A_553, %swap3A_554], %swap3A_557 {strides = array<i32>} : memref<24x16xf32, #tpu.memory_space<vmem>>, vector<1x16xf32>,
    %swap3A_558 = arith.constant 1 : i32
    %swap3A_559 = arith.index_cast %swap3A_558 : i32 to index
    %swap3A_560 = arith.constant 0 : index
    %swap3A_561 = tpu.vector_load %arg9[%swap3A_559, %swap3A_560] {strides = array<i32>} : memref<24x16xf32, #tpu.memory_space<vmem>>, vector<1x16xf32>,
    %swap3A_562 = vector.shape_cast %swap3A_561 : vector<1x16xf32> to vector<16xf32>
    %swap3A_563 = vector.shape_cast %parallel_loop3A_552#1 : vector<16xf32> to vector<1x16xf32>
    tpu.vector_store %arg9[%swap3A_559, %swap3A_560], %swap3A_563 {strides = array<i32>} : memref<24x16xf32, #tpu.memory_space<vmem>>, vector<1x16xf32>,
    %swap3A_564 = arith.constant 2 : i32
    %swap3A_565 = arith.index_cast %swap3A_564 : i32 to index
    %swap3A_566 = arith.constant 0 : index
    %swap3A_567 = tpu.vector_load %arg9[%swap3A_565, %swap3A_566] {strides = array<i32>} : memref<24x16xf32, #tpu.memory_space<vmem>>, vector<1x16xf32>,
    %swap3A_568 = vector.shape_cast %swap3A_567 : vector<1x16xf32> to vector<16xf32>
    %swap3A_569 = vector.shape_cast %parallel_loop3A_552#2 : vector<16xf32> to vector<1x16xf32>
    tpu.vector_store %arg9[%swap3A_565, %swap3A_566], %swap3A_569 {strides = array<i32>} : memref<24x16xf32, #tpu.memory_space<vmem>>, vector<1x16xf32>,
    %swap3A_570 = arith.constant 3 : i32
    %swap3A_571 = arith.index_cast %swap3A_570 : i32 to index
    %swap3A_572 = arith.constant 0 : index
    %swap3A_573 = tpu.vector_load %arg9[%swap3A_571, %swap3A_572] {strides = array<i32>} : memref<24x16xf32, #tpu.memory_space<vmem>>, vector<1x16xf32>,
    %swap3A_574 = vector.shape_cast %swap3A_573 : vector<1x16xf32> to vector<16xf32>
    %swap3A_575 = vector.shape_cast %parallel_loop3A_552#3 : vector<16xf32> to vector<1x16xf32>
    tpu.vector_store %arg9[%swap3A_571, %swap3A_572], %swap3A_575 {strides = array<i32>} : memref<24x16xf32, #tpu.memory_space<vmem>>, vector<1x16xf32>,
    %swap3A_576 = arith.constant 4 : i32
    %swap3A_577 = arith.index_cast %swap3A_576 : i32 to index
    %swap3A_578 = arith.constant 0 : index
    %swap3A_579 = tpu.vector_load %arg9[%swap3A_577, %swap3A_578] {strides = array<i32>} : memref<24x16xf32, #tpu.memory_space<vmem>>, vector<1x16xf32>,
    %swap3A_580 = vector.shape_cast %swap3A_579 : vector<1x16xf32> to vector<16xf32>
    %swap3A_581 = vector.shape_cast %parallel_loop3A_552#4 : vector<16xf32> to vector<1x16xf32>
    tpu.vector_store %arg9[%swap3A_577, %swap3A_578], %swap3A_581 {strides = array<i32>} : memref<24x16xf32, #tpu.memory_space<vmem>>, vector<1x16xf32>,
    %swap3A_582 = arith.constant 5 : i32
    %swap3A_583 = arith.index_cast %swap3A_582 : i32 to index
    %swap3A_584 = arith.constant 0 : index
    %swap3A_585 = tpu.vector_load %arg9[%swap3A_583, %swap3A_584] {strides = array<i32>} : memref<24x16xf32, #tpu.memory_space<vmem>>, vector<1x16xf32>,
    %swap3A_586 = vector.shape_cast %swap3A_585 : vector<1x16xf32> to vector<16xf32>
    %swap3A_587 = vector.shape_cast %parallel_loop3A_552#5 : vector<16xf32> to vector<1x16xf32>
    tpu.vector_store %arg9[%swap3A_583, %swap3A_584], %swap3A_587 {strides = array<i32>} : memref<24x16xf32, #tpu.memory_space<vmem>>, vector<1x16xf32>,
    %swap3A_588 = arith.constant 6 : i32
    %swap3A_589 = arith.index_cast %swap3A_588 : i32 to index
    %swap3A_590 = arith.constant 0 : index
    %swap3A_591 = tpu.vector_load %arg9[%swap3A_589, %swap3A_590] {strides = array<i32>} : memref<24x16xf32, #tpu.memory_space<vmem>>, vector<1x16xf32>,
    %swap3A_592 = vector.shape_cast %swap3A_591 : vector<1x16xf32> to vector<16xf32>
    %swap3A_593 = vector.shape_cast %parallel_loop3A_552#6 : vector<16xf32> to vector<1x16xf32>
    tpu.vector_store %arg9[%swap3A_589, %swap3A_590], %swap3A_593 {strides = array<i32>} : memref<24x16xf32, #tpu.memory_space<vmem>>, vector<1x16xf32>,
    %swap3A_594 = arith.constant 7 : i32
    %swap3A_595 = arith.index_cast %swap3A_594 : i32 to index
    %swap3A_596 = arith.constant 0 : index
    %swap3A_597 = tpu.vector_load %arg9[%swap3A_595, %swap3A_596] {strides = array<i32>} : memref<24x16xf32, #tpu.memory_space<vmem>>, vector<1x16xf32>,
    %swap3A_598 = vector.shape_cast %swap3A_597 : vector<1x16xf32> to vector<16xf32>
    %swap3A_599 = vector.shape_cast %parallel_loop3A_552#7 : vector<16xf32> to vector<1x16xf32>
    tpu.vector_store %arg9[%swap3A_595, %swap3A_596], %swap3A_599 {strides = array<i32>} : memref<24x16xf32, #tpu.memory_space<vmem>>, vector<1x16xf32>,
    %swap3A_600 = arith.constant 8 : i32
    %swap3A_601 = arith.index_cast %swap3A_600 : i32 to index
    %swap3A_602 = arith.constant 0 : index
    %swap3A_603 = tpu.vector_load %arg9[%swap3A_601, %swap3A_602] {strides = array<i32>} : memref<24x16xf32, #tpu.memory_space<vmem>>, vector<1x16xf32>,
    %swap3A_604 = vector.shape_cast %swap3A_603 : vector<1x16xf32> to vector<16xf32>
    %swap3A_605 = vector.shape_cast %parallel_loop3A_552#8 : vector<16xf32> to vector<1x16xf32>
    tpu.vector_store %arg9[%swap3A_601, %swap3A_602], %swap3A_605 {strides = array<i32>} : memref<24x16xf32, #tpu.memory_space<vmem>>, vector<1x16xf32>,
    %swap3A_606 = arith.constant 9 : i32
    %swap3A_607 = arith.index_cast %swap3A_606 : i32 to index
    %swap3A_608 = arith.constant 0 : index
    %swap3A_609 = tpu.vector_load %arg9[%swap3A_607, %swap3A_608] {strides = array<i32>} : memref<24x16xf32, #tpu.memory_space<vmem>>, vector<1x16xf32>,
    %swap3A_610 = vector.shape_cast %swap3A_609 : vector<1x16xf32> to vector<16xf32>
    %swap3A_611 = vector.shape_cast %parallel_loop3A_552#9 : vector<16xf32> to vector<1x16xf32>
    tpu.vector_store %arg9[%swap3A_607, %swap3A_608], %swap3A_611 {strides = array<i32>} : memref<24x16xf32, #tpu.memory_space<vmem>>, vector<1x16xf32>,
    %swap3A_612 = arith.constant 10 : i32
    %swap3A_613 = arith.index_cast %swap3A_612 : i32 to index
    %swap3A_614 = arith.constant 0 : index
    %swap3A_615 = tpu.vector_load %arg9[%swap3A_613, %swap3A_614] {strides = array<i32>} : memref<24x16xf32, #tpu.memory_space<vmem>>, vector<1x16xf32>,
    %swap3A_616 = vector.shape_cast %swap3A_615 : vector<1x16xf32> to vector<16xf32>
    %swap3A_617 = vector.shape_cast %parallel_loop3A_552#10 : vector<16xf32> to vector<1x16xf32>
    tpu.vector_store %arg9[%swap3A_613, %swap3A_614], %swap3A_617 {strides = array<i32>} : memref<24x16xf32, #tpu.memory_space<vmem>>, vector<1x16xf32>,
    %swap3A_618 = arith.constant 11 : i32
    %swap3A_619 = arith.index_cast %swap3A_618 : i32 to index
    %swap3A_620 = arith.constant 0 : index
    %swap3A_621 = tpu.vector_load %arg9[%swap3A_619, %swap3A_620] {strides = array<i32>} : memref<24x16xf32, #tpu.memory_space<vmem>>, vector<1x16xf32>,
    %swap3A_622 = vector.shape_cast %swap3A_621 : vector<1x16xf32> to vector<16xf32>
    %swap3A_623 = vector.shape_cast %parallel_loop3A_552#11 : vector<16xf32> to vector<1x16xf32>
    tpu.vector_store %arg9[%swap3A_619, %swap3A_620], %swap3A_623 {strides = array<i32>} : memref<24x16xf32, #tpu.memory_space<vmem>>, vector<1x16xf32>,
    %swap3A_624 = arith.constant 12 : i32
    %swap3A_625 = arith.index_cast %swap3A_624 : i32 to index
    %swap3A_626 = arith.constant 0 : index
    %swap3A_627 = tpu.vector_load %arg9[%swap3A_625, %swap3A_626] {strides = array<i32>} : memref<24x16xf32, #tpu.memory_space<vmem>>, vector<1x16xf32>,
    %swap3A_628 = vector.shape_cast %swap3A_627 : vector<1x16xf32> to vector<16xf32>
    %swap3A_629 = vector.shape_cast %parallel_loop3A_552#12 : vector<16xf32> to vector<1x16xf32>
    tpu.vector_store %arg9[%swap3A_625, %swap3A_626], %swap3A_629 {strides = array<i32>} : memref<24x16xf32, #tpu.memory_space<vmem>>, vector<1x16xf32>,
    %swap3A_630 = arith.constant 13 : i32
    %swap3A_631 = arith.index_cast %swap3A_630 : i32 to index
    %swap3A_632 = arith.constant 0 : index
    %swap3A_633 = tpu.vector_load %arg9[%swap3A_631, %swap3A_632] {strides = array<i32>} : memref<24x16xf32, #tpu.memory_space<vmem>>, vector<1x16xf32>,
    %swap3A_634 = vector.shape_cast %swap3A_633 : vector<1x16xf32> to vector<16xf32>
    %swap3A_635 = vector.shape_cast %parallel_loop3A_552#13 : vector<16xf32> to vector<1x16xf32>
    tpu.vector_store %arg9[%swap3A_631, %swap3A_632], %swap3A_635 {strides = array<i32>} : memref<24x16xf32, #tpu.memory_space<vmem>>, vector<1x16xf32>,
    %swap3A_636 = arith.constant 14 : i32
    %swap3A_637 = arith.index_cast %swap3A_636 : i32 to index
    %swap3A_638 = arith.constant 0 : index
    %swap3A_639 = tpu.vector_load %arg9[%swap3A_637, %swap3A_638] {strides = array<i32>} : memref<24x16xf32, #tpu.memory_space<vmem>>, vector<1x16xf32>,
    %swap3A_640 = vector.shape_cast %swap3A_639 : vector<1x16xf32> to vector<16xf32>
    %swap3A_641 = vector.shape_cast %parallel_loop3A_552#14 : vector<16xf32> to vector<1x16xf32>
    tpu.vector_store %arg9[%swap3A_637, %swap3A_638], %swap3A_641 {strides = array<i32>} : memref<24x16xf32, #tpu.memory_space<vmem>>, vector<1x16xf32>,
    %swap3A_642 = arith.constant 15 : i32
    %swap3A_643 = arith.index_cast %swap3A_642 : i32 to index
    %swap3A_644 = arith.constant 0 : index
    %swap3A_645 = tpu.vector_load %arg9[%swap3A_643, %swap3A_644] {strides = array<i32>} : memref<24x16xf32, #tpu.memory_space<vmem>>, vector<1x16xf32>,
    %swap3A_646 = vector.shape_cast %swap3A_645 : vector<1x16xf32> to vector<16xf32>
    %swap3A_647 = vector.shape_cast %parallel_loop3A_552#15 : vector<16xf32> to vector<1x16xf32>
    tpu.vector_store %arg9[%swap3A_643, %swap3A_644], %swap3A_647 {strides = array<i32>} : memref<24x16xf32, #tpu.memory_space<vmem>>, vector<1x16xf32>,
    %swap3A_648 = arith.constant 16 : i32
    %swap3A_649 = arith.index_cast %swap3A_648 : i32 to index
    %swap3A_650 = arith.constant 0 : index
    %swap3A_651 = tpu.vector_load %arg9[%swap3A_649, %swap3A_650] {strides = array<i32>} : memref<24x16xf32, #tpu.memory_space<vmem>>, vector<1x16xf32>,
    %swap3A_652 = vector.shape_cast %swap3A_651 : vector<1x16xf32> to vector<16xf32>
    %swap3A_653 = vector.shape_cast %parallel_loop3A_552#16 : vector<16xf32> to vector<1x16xf32>
    tpu.vector_store %arg9[%swap3A_649, %swap3A_650], %swap3A_653 {strides = array<i32>} : memref<24x16xf32, #tpu.memory_space<vmem>>, vector<1x16xf32>,
    %swap3A_654 = arith.constant 17 : i32
    %swap3A_655 = arith.index_cast %swap3A_654 : i32 to index
    %swap3A_656 = arith.constant 0 : index
    %swap3A_657 = tpu.vector_load %arg9[%swap3A_655, %swap3A_656] {strides = array<i32>} : memref<24x16xf32, #tpu.memory_space<vmem>>, vector<1x16xf32>,
    %swap3A_658 = vector.shape_cast %swap3A_657 : vector<1x16xf32> to vector<16xf32>
    %swap3A_659 = vector.shape_cast %parallel_loop3A_552#17 : vector<16xf32> to vector<1x16xf32>
    tpu.vector_store %arg9[%swap3A_655, %swap3A_656], %swap3A_659 {strides = array<i32>} : memref<24x16xf32, #tpu.memory_space<vmem>>, vector<1x16xf32>,
    %swap3A_660 = arith.constant 18 : i32
    %swap3A_661 = arith.index_cast %swap3A_660 : i32 to index
    %swap3A_662 = arith.constant 0 : index
    %swap3A_663 = tpu.vector_load %arg9[%swap3A_661, %swap3A_662] {strides = array<i32>} : memref<24x16xf32, #tpu.memory_space<vmem>>, vector<1x16xf32>,
    %swap3A_664 = vector.shape_cast %swap3A_663 : vector<1x16xf32> to vector<16xf32>
    %swap3A_665 = vector.shape_cast %parallel_loop3A_552#18 : vector<16xf32> to vector<1x16xf32>
    tpu.vector_store %arg9[%swap3A_661, %swap3A_662], %swap3A_665 {strides = array<i32>} : memref<24x16xf32, #tpu.memory_space<vmem>>, vector<1x16xf32>,
    %swap3A_666 = arith.constant 19 : i32
    %swap3A_667 = arith.index_cast %swap3A_666 : i32 to index
    %swap3A_668 = arith.constant 0 : index
    %swap3A_669 = tpu.vector_load %arg9[%swap3A_667, %swap3A_668] {strides = array<i32>} : memref<24x16xf32, #tpu.memory_space<vmem>>, vector<1x16xf32>,
    %swap3A_670 = vector.shape_cast %swap3A_669 : vector<1x16xf32> to vector<16xf32>
    %swap3A_671 = vector.shape_cast %parallel_loop3A_552#19 : vector<16xf32> to vector<1x16xf32>
    tpu.vector_store %arg9[%swap3A_667, %swap3A_668], %swap3A_671 {strides = array<i32>} : memref<24x16xf32, #tpu.memory_space<vmem>>, vector<1x16xf32>,
    %swap3A_672 = arith.constant 20 : i32
    %swap3A_673 = arith.index_cast %swap3A_672 : i32 to index
    %swap3A_674 = arith.constant 0 : index
    %swap3A_675 = tpu.vector_load %arg9[%swap3A_673, %swap3A_674] {strides = array<i32>} : memref<24x16xf32, #tpu.memory_space<vmem>>, vector<1x16xf32>,
    %swap3A_676 = vector.shape_cast %swap3A_675 : vector<1x16xf32> to vector<16xf32>
    %swap3A_677 = vector.shape_cast %parallel_loop3A_552#20 : vector<16xf32> to vector<1x16xf32>
    tpu.vector_store %arg9[%swap3A_673, %swap3A_674], %swap3A_677 {strides = array<i32>} : memref<24x16xf32, #tpu.memory_space<vmem>>, vector<1x16xf32>,
    %broadcast_in_dim3A_678 = arith.constant 0.000000e+00 : f32
    %broadcast_in_dim3A_679 = vector.broadcast %broadcast_in_dim3A_678 : f32 to vector<16xf32>
    %swap3A_680 = arith.constant 21 : i32
    %swap3A_681 = arith.index_cast %swap3A_680 : i32 to index
    %swap3A_682 = arith.constant 0 : index
    %swap3A_683 = tpu.vector_load %arg9[%swap3A_681, %swap3A_682] {strides = array<i32>} : memref<24x16xf32, #tpu.memory_space<vmem>>, vector<1x16xf32>,
    %swap3A_684 = vector.shape_cast %swap3A_683 : vector<1x16xf32> to vector<16xf32>
    %swap3A_685 = vector.shape_cast %broadcast_in_dim3A_679 : vector<16xf32> to vector<1x16xf32>
    tpu.vector_store %arg9[%swap3A_681, %swap3A_682], %swap3A_685 {strides = array<i32>} : memref<24x16xf32, #tpu.memory_space<vmem>>, vector<1x16xf32>,
    %broadcast_in_dim3A_686 = arith.constant 0.000000e+00 : f32
    %broadcast_in_dim3A_687 = vector.broadcast %broadcast_in_dim3A_686 : f32 to vector<16xf32>
    %swap3A_688 = arith.constant 22 : i32
    %swap3A_689 = arith.index_cast %swap3A_688 : i32 to index
    %swap3A_690 = arith.constant 0 : index
    %swap3A_691 = tpu.vector_load %arg9[%swap3A_689, %swap3A_690] {strides = array<i32>} : memref<24x16xf32, #tpu.memory_space<vmem>>, vector<1x16xf32>,
    %swap3A_692 = vector.shape_cast %swap3A_691 : vector<1x16xf32> to vector<16xf32>
    %swap3A_693 = vector.shape_cast %broadcast_in_dim3A_687 : vector<16xf32> to vector<1x16xf32>
    tpu.vector_store %arg9[%swap3A_689, %swap3A_690], %swap3A_693 {strides = array<i32>} : memref<24x16xf32, #tpu.memory_space<vmem>>, vector<1x16xf32>,
    %broadcast_in_dim3A_694 = arith.constant 0.000000e+00 : f32
    %broadcast_in_dim3A_695 = vector.broadcast %broadcast_in_dim3A_694 : f32 to vector<16xf32>
    %swap3A_696 = arith.constant 23 : i32
    %swap3A_697 = arith.index_cast %swap3A_696 : i32 to index
    %swap3A_698 = arith.constant 0 : index
    %swap3A_699 = tpu.vector_load %arg9[%swap3A_697, %swap3A_698] {strides = array<i32>} : memref<24x16xf32, #tpu.memory_space<vmem>>, vector<1x16xf32>,
    %swap3A_700 = vector.shape_cast %swap3A_699 : vector<1x16xf32> to vector<16xf32>
    %swap3A_701 = vector.shape_cast %broadcast_in_dim3A_695 : vector<16xf32> to vector<1x16xf32>
    tpu.vector_store %arg9[%swap3A_697, %swap3A_698], %swap3A_701 {strides = array<i32>} : memref<24x16xf32, #tpu.memory_space<vmem>>, vector<1x16xf32>,
    "tpu.region"() ({
      %run_scoped3A = tpu.sem_alloc : memref<!tpu.dma_semaphore, #tpu.memory_space<semaphore_mem>>
      %dma_start3A_702 = arith.constant 0 : i32
      %dma_start3A_703 = arith.constant 0 : i32
      %dma_start3A_704 = tpu.memref_slice %arg5[%add3A, %dma_start3A_702, %dma_start3A_703] : memref<32x24x16xf32, #tpu.memory_space<hbm>> -> memref<1x24x16xf32, #tpu.memory_space<hbm>>
      %dma_start3A_705 = tpu.memref_squeeze %dma_start3A_704 : memref<1x24x16xf32, #tpu.memory_space<hbm>> -> memref<24x16xf32, #tpu.memory_space<hbm>>
      %dma_start3A_706 = arith.constant 0 : i32
      %dma_start3A_707 = arith.constant 0 : i32
      %dma_start3A_708 = tpu.memref_slice %arg5[%add3A, %dma_start3A_706, %dma_start3A_707] : memref<32x24x16xf32, #tpu.memory_space<hbm>> -> memref<1x24x16xf32, #tpu.memory_space<hbm>>
      %dma_start3A_709 = tpu.memref_squeeze %dma_start3A_708 : memref<1x24x16xf32, #tpu.memory_space<hbm>> -> memref<24x16xf32, #tpu.memory_space<hbm>>
      tpu.enqueue_dma source(%arg9 : memref<24x16xf32, #tpu.memory_space<vmem>>) target(%dma_start3A_709 : memref<24x16xf32, #tpu.memory_space<hbm>>) target_semaphore(%run_scoped3A : memref<!tpu.dma_semaphore, #tpu.memory_space<semaphore_mem>>)
      %dma_wait3A_710 = arith.constant 0 : i32
      %dma_wait3A_711 = arith.constant 0 : i32
      %dma_wait3A_712 = tpu.memref_slice %arg5[%add3A, %dma_wait3A_710, %dma_wait3A_711] : memref<32x24x16xf32, #tpu.memory_space<hbm>> -> memref<1x24x16xf32, #tpu.memory_space<hbm>>
      %dma_wait3A_713 = tpu.memref_squeeze %dma_wait3A_712 : memref<1x24x16xf32, #tpu.memory_space<hbm>> -> memref<24x16xf32, #tpu.memory_space<hbm>>
      %dma_wait3A_714 = arith.constant 0 : i32
      %dma_wait3A_715 = arith.constant 0 : i32
      %dma_wait3A_716 = tpu.memref_slice %arg5[%add3A, %dma_wait3A_714, %dma_wait3A_715] : memref<32x24x16xf32, #tpu.memory_space<hbm>> -> memref<1x24x16xf32, #tpu.memory_space<hbm>>
      %dma_wait3A_717 = tpu.memref_squeeze %dma_wait3A_716 : memref<1x24x16xf32, #tpu.memory_space<hbm>> -> memref<24x16xf32, #tpu.memory_space<hbm>>
      tpu.wait_dma2 semaphore(%run_scoped3A : memref<!tpu.dma_semaphore, #tpu.memory_space<semaphore_mem>>) src(%arg9 : memref<24x16xf32, #tpu.memory_space<vmem>>) dst(%dma_wait3A_717 : memref<24x16xf32, #tpu.memory_space<hbm>>)
      tpu.yield
    }) : () -> ()
    return
  }
}

module attributes {stable_mosaic.version = 14 : i64} {
  func.func @_lambda_(%arg0: i32, %arg1: i32, %arg2: memref<1x4x256x512xf32, #tpu.memory_space<vmem>>, %arg3: memref<1x2x256x512xf32, #tpu.memory_space<vmem>>, %arg4: memref<1x1x256x512xi32, #tpu.memory_space<vmem>>, %arg5: memref<1x24x512xf32, #tpu.memory_space<vmem>>, %arg6: memref<21x8x512xf32, #tpu.memory_space<vmem>>) attributes {dimension_semantics = [#tpu.dimension_semantics<arbitrary>, #tpu.dimension_semantics<arbitrary>], iteration_bounds = array<i64: 4, 2>, scalar_prefetch = 0 : i64, scratch_operands = 1 : i64, tpu.core_type = #tpu.core_type<tc>, window_params = [{transform_indices = @transform_0, window_bounds = array<i64: 1, 4, 256, 512>}, {transform_indices = @transform_1, window_bounds = array<i64: 1, 2, 256, 512>}, {transform_indices = @transform_2, window_bounds = array<i64: 1, 1, 256, 512>}, {transform_indices = @transform_3, window_bounds = array<i64: 1, 24, 512>}]} {
    %get3A = arith.constant 0 : index
    %get3A_0 = arith.constant 0 : index
    %get3A_1 = arith.constant 0 : index
    %get3A_2 = arith.constant 0 : index
    %get3A_3 = vector.load %arg4[%get3A, %get3A_0, %get3A_1, %get3A_2] : memref<1x1x256x512xi32, #tpu.memory_space<vmem>>, vector<1x1x256x512xi32>
    %get3A_4 = vector.shape_cast %get3A_3 : vector<1x1x256x512xi32> to vector<256x512xi32>
    %eq3A = arith.constant 1 : i32
    %eq3A_5 = vector.broadcast %eq3A : i32 to vector<256x512xi32>
    %eq3A_6 = arith.cmpi eq, %get3A_4, %eq3A_5 : vector<256x512xi32>
    %convert_element_type3A = arith.extui %eq3A_6 : vector<256x512xi1> to vector<256x512xi32>
    %convert_element_type3A_7 = arith.sitofp %convert_element_type3A : vector<256x512xi32> to vector<256x512xf32>
    %get3A_8 = arith.constant 0 : index
    %get3A_9 = arith.constant 0 : index
    %get3A_10 = arith.constant 0 : index
    %get3A_11 = arith.constant 0 : index
    %get3A_12 = vector.load %arg3[%get3A_8, %get3A_9, %get3A_10, %get3A_11] : memref<1x2x256x512xf32, #tpu.memory_space<vmem>>, vector<1x1x256x512xf32>
    %get3A_13 = vector.shape_cast %get3A_12 : vector<1x1x256x512xf32> to vector<256x512xf32>
    %get3A_14 = arith.constant 0 : index
    %get3A_15 = arith.constant 1 : index
    %get3A_16 = arith.constant 0 : index
    %get3A_17 = arith.constant 0 : index
    %get3A_18 = vector.load %arg3[%get3A_14, %get3A_15, %get3A_16, %get3A_17] : memref<1x2x256x512xf32, #tpu.memory_space<vmem>>, vector<1x1x256x512xf32>
    %get3A_19 = vector.shape_cast %get3A_18 : vector<1x1x256x512xf32> to vector<256x512xf32>
    %get3A_20 = arith.constant 0 : index
    %get3A_21 = arith.constant 0 : index
    %get3A_22 = arith.constant 0 : index
    %get3A_23 = arith.constant 0 : index
    %get3A_24 = vector.load %arg2[%get3A_20, %get3A_21, %get3A_22, %get3A_23] : memref<1x4x256x512xf32, #tpu.memory_space<vmem>>, vector<1x1x256x512xf32>
    %get3A_25 = vector.shape_cast %get3A_24 : vector<1x1x256x512xf32> to vector<256x512xf32>
    %mul3A = arith.mulf %get3A_25, %convert_element_type3A_7 : vector<256x512xf32>
    %mul3A_26 = arith.mulf %mul3A, %get3A_13 : vector<256x512xf32>
    %mul3A_27 = arith.mulf %mul3A, %get3A_19 : vector<256x512xf32>
    %mul3A_28 = arith.mulf %get3A_13, %get3A_13 : vector<256x512xf32>
    %mul3A_29 = arith.mulf %mul3A, %mul3A_28 : vector<256x512xf32>
    %mul3A_30 = arith.mulf %get3A_19, %get3A_19 : vector<256x512xf32>
    %mul3A_31 = arith.mulf %mul3A, %mul3A_30 : vector<256x512xf32>
    %get3A_32 = arith.constant 0 : index
    %get3A_33 = arith.constant 1 : index
    %get3A_34 = arith.constant 0 : index
    %get3A_35 = arith.constant 0 : index
    %get3A_36 = vector.load %arg2[%get3A_32, %get3A_33, %get3A_34, %get3A_35] : memref<1x4x256x512xf32, #tpu.memory_space<vmem>>, vector<1x1x256x512xf32>
    %get3A_37 = vector.shape_cast %get3A_36 : vector<1x1x256x512xf32> to vector<256x512xf32>
    %mul3A_38 = arith.mulf %get3A_37, %convert_element_type3A_7 : vector<256x512xf32>
    %mul3A_39 = arith.mulf %mul3A_38, %get3A_13 : vector<256x512xf32>
    %mul3A_40 = arith.mulf %mul3A_38, %get3A_19 : vector<256x512xf32>
    %mul3A_41 = arith.mulf %get3A_13, %get3A_13 : vector<256x512xf32>
    %mul3A_42 = arith.mulf %mul3A_38, %mul3A_41 : vector<256x512xf32>
    %mul3A_43 = arith.mulf %get3A_19, %get3A_19 : vector<256x512xf32>
    %mul3A_44 = arith.mulf %mul3A_38, %mul3A_43 : vector<256x512xf32>
    %get3A_45 = arith.constant 0 : index
    %get3A_46 = arith.constant 2 : index
    %get3A_47 = arith.constant 0 : index
    %get3A_48 = arith.constant 0 : index
    %get3A_49 = vector.load %arg2[%get3A_45, %get3A_46, %get3A_47, %get3A_48] : memref<1x4x256x512xf32, #tpu.memory_space<vmem>>, vector<1x1x256x512xf32>
    %get3A_50 = vector.shape_cast %get3A_49 : vector<1x1x256x512xf32> to vector<256x512xf32>
    %mul3A_51 = arith.mulf %get3A_50, %convert_element_type3A_7 : vector<256x512xf32>
    %mul3A_52 = arith.mulf %mul3A_51, %get3A_13 : vector<256x512xf32>
    %mul3A_53 = arith.mulf %mul3A_51, %get3A_19 : vector<256x512xf32>
    %mul3A_54 = arith.mulf %get3A_13, %get3A_13 : vector<256x512xf32>
    %mul3A_55 = arith.mulf %mul3A_51, %mul3A_54 : vector<256x512xf32>
    %mul3A_56 = arith.mulf %get3A_19, %get3A_19 : vector<256x512xf32>
    %mul3A_57 = arith.mulf %mul3A_51, %mul3A_56 : vector<256x512xf32>
    %get3A_58 = arith.constant 0 : index
    %get3A_59 = arith.constant 3 : index
    %get3A_60 = arith.constant 0 : index
    %get3A_61 = arith.constant 0 : index
    %get3A_62 = vector.load %arg2[%get3A_58, %get3A_59, %get3A_60, %get3A_61] : memref<1x4x256x512xf32, #tpu.memory_space<vmem>>, vector<1x1x256x512xf32>
    %get3A_63 = vector.shape_cast %get3A_62 : vector<1x1x256x512xf32> to vector<256x512xf32>
    %mul3A_64 = arith.mulf %get3A_63, %convert_element_type3A_7 : vector<256x512xf32>
    %mul3A_65 = arith.mulf %mul3A_64, %get3A_13 : vector<256x512xf32>
    %mul3A_66 = arith.mulf %mul3A_64, %get3A_19 : vector<256x512xf32>
    %mul3A_67 = arith.mulf %get3A_13, %get3A_13 : vector<256x512xf32>
    %mul3A_68 = arith.mulf %mul3A_64, %mul3A_67 : vector<256x512xf32>
    %mul3A_69 = arith.mulf %get3A_19, %get3A_19 : vector<256x512xf32>
    %mul3A_70 = arith.mulf %mul3A_64, %mul3A_69 : vector<256x512xf32>
    %eq3A_71 = arith.constant 0 : i32
    %eq3A_72 = arith.cmpi eq, %arg1, %eq3A_71 : i32
    %convert_element_type3A_73 = arith.extui %eq3A_72 : i1 to i32
    %cond3A = arith.constant 0 : i32
    %cond3A_74 = arith.cmpi ne, %convert_element_type3A_73, %cond3A : i32
    scf.if %cond3A_74 {
      %broadcast_in_dim3A = arith.constant 0.000000e+00 : f32
      %broadcast_in_dim3A_391 = vector.broadcast %broadcast_in_dim3A : f32 to vector<21x8x512xf32>
      %swap3A_392 = arith.constant 0 : index
      %swap3A_393 = arith.constant 0 : index
      %swap3A_394 = arith.constant 0 : index
      %swap3A_395 = vector.load %arg6[%swap3A_392, %swap3A_393, %swap3A_394] : memref<21x8x512xf32, #tpu.memory_space<vmem>>, vector<21x8x512xf32>
      tpu.vector_store %arg6[%swap3A_392, %swap3A_393, %swap3A_394], %broadcast_in_dim3A_391 {strides = array<i32>} : memref<21x8x512xf32, #tpu.memory_space<vmem>>, vector<21x8x512xf32>,
    } else {
    }
    %get3A_75 = arith.constant 0 : index
    %get3A_76 = arith.constant 0 : index
    %get3A_77 = arith.constant 0 : index
    %get3A_78 = vector.load %arg6[%get3A_75, %get3A_76, %get3A_77] : memref<21x8x512xf32, #tpu.memory_space<vmem>>, vector<1x8x512xf32>
    %get3A_79 = vector.shape_cast %get3A_78 : vector<1x8x512xf32> to vector<8x512xf32>
    %reshape3A = vector.shape_cast %convert_element_type3A_7 : vector<256x512xf32> to vector<32x8x512xf32>
    %reduce_sum3A = arith.constant dense<0.000000e+00> : vector<8x512xf32>
    %reduce_sum3A_80 = vector.multi_reduction <add>, %reshape3A, %reduce_sum3A [0] : vector<32x8x512xf32> to vector<8x512xf32>
    %add3A = arith.addf %get3A_79, %reduce_sum3A_80 : vector<8x512xf32>
    %swap3A = arith.constant 0 : index
    %swap3A_81 = arith.constant 0 : index
    %swap3A_82 = arith.constant 0 : index
    %swap3A_83 = vector.load %arg6[%swap3A, %swap3A_81, %swap3A_82] : memref<21x8x512xf32, #tpu.memory_space<vmem>>, vector<1x8x512xf32>
    %swap3A_84 = vector.shape_cast %swap3A_83 : vector<1x8x512xf32> to vector<8x512xf32>
    %swap3A_85 = vector.shape_cast %add3A : vector<8x512xf32> to vector<1x8x512xf32>
    tpu.vector_store %arg6[%swap3A, %swap3A_81, %swap3A_82], %swap3A_85 {strides = array<i32>} : memref<21x8x512xf32, #tpu.memory_space<vmem>>, vector<1x8x512xf32>,
    %get3A_86 = arith.constant 1 : index
    %get3A_87 = arith.constant 0 : index
    %get3A_88 = arith.constant 0 : index
    %get3A_89 = vector.load %arg6[%get3A_86, %get3A_87, %get3A_88] : memref<21x8x512xf32, #tpu.memory_space<vmem>>, vector<1x8x512xf32>
    %get3A_90 = vector.shape_cast %get3A_89 : vector<1x8x512xf32> to vector<8x512xf32>
    %reshape3A_91 = vector.shape_cast %mul3A : vector<256x512xf32> to vector<32x8x512xf32>
    %reduce_sum3A_92 = arith.constant dense<0.000000e+00> : vector<8x512xf32>
    %reduce_sum3A_93 = vector.multi_reduction <add>, %reshape3A_91, %reduce_sum3A_92 [0] : vector<32x8x512xf32> to vector<8x512xf32>
    %add3A_94 = arith.addf %get3A_90, %reduce_sum3A_93 : vector<8x512xf32>
    %swap3A_95 = arith.constant 1 : index
    %swap3A_96 = arith.constant 0 : index
    %swap3A_97 = arith.constant 0 : index
    %swap3A_98 = vector.load %arg6[%swap3A_95, %swap3A_96, %swap3A_97] : memref<21x8x512xf32, #tpu.memory_space<vmem>>, vector<1x8x512xf32>
    %swap3A_99 = vector.shape_cast %swap3A_98 : vector<1x8x512xf32> to vector<8x512xf32>
    %swap3A_100 = vector.shape_cast %add3A_94 : vector<8x512xf32> to vector<1x8x512xf32>
    tpu.vector_store %arg6[%swap3A_95, %swap3A_96, %swap3A_97], %swap3A_100 {strides = array<i32>} : memref<21x8x512xf32, #tpu.memory_space<vmem>>, vector<1x8x512xf32>,
    %get3A_101 = arith.constant 2 : index
    %get3A_102 = arith.constant 0 : index
    %get3A_103 = arith.constant 0 : index
    %get3A_104 = vector.load %arg6[%get3A_101, %get3A_102, %get3A_103] : memref<21x8x512xf32, #tpu.memory_space<vmem>>, vector<1x8x512xf32>
    %get3A_105 = vector.shape_cast %get3A_104 : vector<1x8x512xf32> to vector<8x512xf32>
    %reshape3A_106 = vector.shape_cast %mul3A_26 : vector<256x512xf32> to vector<32x8x512xf32>
    %reduce_sum3A_107 = arith.constant dense<0.000000e+00> : vector<8x512xf32>
    %reduce_sum3A_108 = vector.multi_reduction <add>, %reshape3A_106, %reduce_sum3A_107 [0] : vector<32x8x512xf32> to vector<8x512xf32>
    %add3A_109 = arith.addf %get3A_105, %reduce_sum3A_108 : vector<8x512xf32>
    %swap3A_110 = arith.constant 2 : index
    %swap3A_111 = arith.constant 0 : index
    %swap3A_112 = arith.constant 0 : index
    %swap3A_113 = vector.load %arg6[%swap3A_110, %swap3A_111, %swap3A_112] : memref<21x8x512xf32, #tpu.memory_space<vmem>>, vector<1x8x512xf32>
    %swap3A_114 = vector.shape_cast %swap3A_113 : vector<1x8x512xf32> to vector<8x512xf32>
    %swap3A_115 = vector.shape_cast %add3A_109 : vector<8x512xf32> to vector<1x8x512xf32>
    tpu.vector_store %arg6[%swap3A_110, %swap3A_111, %swap3A_112], %swap3A_115 {strides = array<i32>} : memref<21x8x512xf32, #tpu.memory_space<vmem>>, vector<1x8x512xf32>,
    %get3A_116 = arith.constant 3 : index
    %get3A_117 = arith.constant 0 : index
    %get3A_118 = arith.constant 0 : index
    %get3A_119 = vector.load %arg6[%get3A_116, %get3A_117, %get3A_118] : memref<21x8x512xf32, #tpu.memory_space<vmem>>, vector<1x8x512xf32>
    %get3A_120 = vector.shape_cast %get3A_119 : vector<1x8x512xf32> to vector<8x512xf32>
    %reshape3A_121 = vector.shape_cast %mul3A_27 : vector<256x512xf32> to vector<32x8x512xf32>
    %reduce_sum3A_122 = arith.constant dense<0.000000e+00> : vector<8x512xf32>
    %reduce_sum3A_123 = vector.multi_reduction <add>, %reshape3A_121, %reduce_sum3A_122 [0] : vector<32x8x512xf32> to vector<8x512xf32>
    %add3A_124 = arith.addf %get3A_120, %reduce_sum3A_123 : vector<8x512xf32>
    %swap3A_125 = arith.constant 3 : index
    %swap3A_126 = arith.constant 0 : index
    %swap3A_127 = arith.constant 0 : index
    %swap3A_128 = vector.load %arg6[%swap3A_125, %swap3A_126, %swap3A_127] : memref<21x8x512xf32, #tpu.memory_space<vmem>>, vector<1x8x512xf32>
    %swap3A_129 = vector.shape_cast %swap3A_128 : vector<1x8x512xf32> to vector<8x512xf32>
    %swap3A_130 = vector.shape_cast %add3A_124 : vector<8x512xf32> to vector<1x8x512xf32>
    tpu.vector_store %arg6[%swap3A_125, %swap3A_126, %swap3A_127], %swap3A_130 {strides = array<i32>} : memref<21x8x512xf32, #tpu.memory_space<vmem>>, vector<1x8x512xf32>,
    %get3A_131 = arith.constant 4 : index
    %get3A_132 = arith.constant 0 : index
    %get3A_133 = arith.constant 0 : index
    %get3A_134 = vector.load %arg6[%get3A_131, %get3A_132, %get3A_133] : memref<21x8x512xf32, #tpu.memory_space<vmem>>, vector<1x8x512xf32>
    %get3A_135 = vector.shape_cast %get3A_134 : vector<1x8x512xf32> to vector<8x512xf32>
    %reshape3A_136 = vector.shape_cast %mul3A_29 : vector<256x512xf32> to vector<32x8x512xf32>
    %reduce_sum3A_137 = arith.constant dense<0.000000e+00> : vector<8x512xf32>
    %reduce_sum3A_138 = vector.multi_reduction <add>, %reshape3A_136, %reduce_sum3A_137 [0] : vector<32x8x512xf32> to vector<8x512xf32>
    %add3A_139 = arith.addf %get3A_135, %reduce_sum3A_138 : vector<8x512xf32>
    %swap3A_140 = arith.constant 4 : index
    %swap3A_141 = arith.constant 0 : index
    %swap3A_142 = arith.constant 0 : index
    %swap3A_143 = vector.load %arg6[%swap3A_140, %swap3A_141, %swap3A_142] : memref<21x8x512xf32, #tpu.memory_space<vmem>>, vector<1x8x512xf32>
    %swap3A_144 = vector.shape_cast %swap3A_143 : vector<1x8x512xf32> to vector<8x512xf32>
    %swap3A_145 = vector.shape_cast %add3A_139 : vector<8x512xf32> to vector<1x8x512xf32>
    tpu.vector_store %arg6[%swap3A_140, %swap3A_141, %swap3A_142], %swap3A_145 {strides = array<i32>} : memref<21x8x512xf32, #tpu.memory_space<vmem>>, vector<1x8x512xf32>,
    %get3A_146 = arith.constant 5 : index
    %get3A_147 = arith.constant 0 : index
    %get3A_148 = arith.constant 0 : index
    %get3A_149 = vector.load %arg6[%get3A_146, %get3A_147, %get3A_148] : memref<21x8x512xf32, #tpu.memory_space<vmem>>, vector<1x8x512xf32>
    %get3A_150 = vector.shape_cast %get3A_149 : vector<1x8x512xf32> to vector<8x512xf32>
    %reshape3A_151 = vector.shape_cast %mul3A_31 : vector<256x512xf32> to vector<32x8x512xf32>
    %reduce_sum3A_152 = arith.constant dense<0.000000e+00> : vector<8x512xf32>
    %reduce_sum3A_153 = vector.multi_reduction <add>, %reshape3A_151, %reduce_sum3A_152 [0] : vector<32x8x512xf32> to vector<8x512xf32>
    %add3A_154 = arith.addf %get3A_150, %reduce_sum3A_153 : vector<8x512xf32>
    %swap3A_155 = arith.constant 5 : index
    %swap3A_156 = arith.constant 0 : index
    %swap3A_157 = arith.constant 0 : index
    %swap3A_158 = vector.load %arg6[%swap3A_155, %swap3A_156, %swap3A_157] : memref<21x8x512xf32, #tpu.memory_space<vmem>>, vector<1x8x512xf32>
    %swap3A_159 = vector.shape_cast %swap3A_158 : vector<1x8x512xf32> to vector<8x512xf32>
    %swap3A_160 = vector.shape_cast %add3A_154 : vector<8x512xf32> to vector<1x8x512xf32>
    tpu.vector_store %arg6[%swap3A_155, %swap3A_156, %swap3A_157], %swap3A_160 {strides = array<i32>} : memref<21x8x512xf32, #tpu.memory_space<vmem>>, vector<1x8x512xf32>,
    %get3A_161 = arith.constant 6 : index
    %get3A_162 = arith.constant 0 : index
    %get3A_163 = arith.constant 0 : index
    %get3A_164 = vector.load %arg6[%get3A_161, %get3A_162, %get3A_163] : memref<21x8x512xf32, #tpu.memory_space<vmem>>, vector<1x8x512xf32>
    %get3A_165 = vector.shape_cast %get3A_164 : vector<1x8x512xf32> to vector<8x512xf32>
    %reshape3A_166 = vector.shape_cast %mul3A_38 : vector<256x512xf32> to vector<32x8x512xf32>
    %reduce_sum3A_167 = arith.constant dense<0.000000e+00> : vector<8x512xf32>
    %reduce_sum3A_168 = vector.multi_reduction <add>, %reshape3A_166, %reduce_sum3A_167 [0] : vector<32x8x512xf32> to vector<8x512xf32>
    %add3A_169 = arith.addf %get3A_165, %reduce_sum3A_168 : vector<8x512xf32>
    %swap3A_170 = arith.constant 6 : index
    %swap3A_171 = arith.constant 0 : index
    %swap3A_172 = arith.constant 0 : index
    %swap3A_173 = vector.load %arg6[%swap3A_170, %swap3A_171, %swap3A_172] : memref<21x8x512xf32, #tpu.memory_space<vmem>>, vector<1x8x512xf32>
    %swap3A_174 = vector.shape_cast %swap3A_173 : vector<1x8x512xf32> to vector<8x512xf32>
    %swap3A_175 = vector.shape_cast %add3A_169 : vector<8x512xf32> to vector<1x8x512xf32>
    tpu.vector_store %arg6[%swap3A_170, %swap3A_171, %swap3A_172], %swap3A_175 {strides = array<i32>} : memref<21x8x512xf32, #tpu.memory_space<vmem>>, vector<1x8x512xf32>,
    %get3A_176 = arith.constant 7 : index
    %get3A_177 = arith.constant 0 : index
    %get3A_178 = arith.constant 0 : index
    %get3A_179 = vector.load %arg6[%get3A_176, %get3A_177, %get3A_178] : memref<21x8x512xf32, #tpu.memory_space<vmem>>, vector<1x8x512xf32>
    %get3A_180 = vector.shape_cast %get3A_179 : vector<1x8x512xf32> to vector<8x512xf32>
    %reshape3A_181 = vector.shape_cast %mul3A_39 : vector<256x512xf32> to vector<32x8x512xf32>
    %reduce_sum3A_182 = arith.constant dense<0.000000e+00> : vector<8x512xf32>
    %reduce_sum3A_183 = vector.multi_reduction <add>, %reshape3A_181, %reduce_sum3A_182 [0] : vector<32x8x512xf32> to vector<8x512xf32>
    %add3A_184 = arith.addf %get3A_180, %reduce_sum3A_183 : vector<8x512xf32>
    %swap3A_185 = arith.constant 7 : index
    %swap3A_186 = arith.constant 0 : index
    %swap3A_187 = arith.constant 0 : index
    %swap3A_188 = vector.load %arg6[%swap3A_185, %swap3A_186, %swap3A_187] : memref<21x8x512xf32, #tpu.memory_space<vmem>>, vector<1x8x512xf32>
    %swap3A_189 = vector.shape_cast %swap3A_188 : vector<1x8x512xf32> to vector<8x512xf32>
    %swap3A_190 = vector.shape_cast %add3A_184 : vector<8x512xf32> to vector<1x8x512xf32>
    tpu.vector_store %arg6[%swap3A_185, %swap3A_186, %swap3A_187], %swap3A_190 {strides = array<i32>} : memref<21x8x512xf32, #tpu.memory_space<vmem>>, vector<1x8x512xf32>,
    %get3A_191 = arith.constant 8 : index
    %get3A_192 = arith.constant 0 : index
    %get3A_193 = arith.constant 0 : index
    %get3A_194 = vector.load %arg6[%get3A_191, %get3A_192, %get3A_193] : memref<21x8x512xf32, #tpu.memory_space<vmem>>, vector<1x8x512xf32>
    %get3A_195 = vector.shape_cast %get3A_194 : vector<1x8x512xf32> to vector<8x512xf32>
    %reshape3A_196 = vector.shape_cast %mul3A_40 : vector<256x512xf32> to vector<32x8x512xf32>
    %reduce_sum3A_197 = arith.constant dense<0.000000e+00> : vector<8x512xf32>
    %reduce_sum3A_198 = vector.multi_reduction <add>, %reshape3A_196, %reduce_sum3A_197 [0] : vector<32x8x512xf32> to vector<8x512xf32>
    %add3A_199 = arith.addf %get3A_195, %reduce_sum3A_198 : vector<8x512xf32>
    %swap3A_200 = arith.constant 8 : index
    %swap3A_201 = arith.constant 0 : index
    %swap3A_202 = arith.constant 0 : index
    %swap3A_203 = vector.load %arg6[%swap3A_200, %swap3A_201, %swap3A_202] : memref<21x8x512xf32, #tpu.memory_space<vmem>>, vector<1x8x512xf32>
    %swap3A_204 = vector.shape_cast %swap3A_203 : vector<1x8x512xf32> to vector<8x512xf32>
    %swap3A_205 = vector.shape_cast %add3A_199 : vector<8x512xf32> to vector<1x8x512xf32>
    tpu.vector_store %arg6[%swap3A_200, %swap3A_201, %swap3A_202], %swap3A_205 {strides = array<i32>} : memref<21x8x512xf32, #tpu.memory_space<vmem>>, vector<1x8x512xf32>,
    %get3A_206 = arith.constant 9 : index
    %get3A_207 = arith.constant 0 : index
    %get3A_208 = arith.constant 0 : index
    %get3A_209 = vector.load %arg6[%get3A_206, %get3A_207, %get3A_208] : memref<21x8x512xf32, #tpu.memory_space<vmem>>, vector<1x8x512xf32>
    %get3A_210 = vector.shape_cast %get3A_209 : vector<1x8x512xf32> to vector<8x512xf32>
    %reshape3A_211 = vector.shape_cast %mul3A_42 : vector<256x512xf32> to vector<32x8x512xf32>
    %reduce_sum3A_212 = arith.constant dense<0.000000e+00> : vector<8x512xf32>
    %reduce_sum3A_213 = vector.multi_reduction <add>, %reshape3A_211, %reduce_sum3A_212 [0] : vector<32x8x512xf32> to vector<8x512xf32>
    %add3A_214 = arith.addf %get3A_210, %reduce_sum3A_213 : vector<8x512xf32>
    %swap3A_215 = arith.constant 9 : index
    %swap3A_216 = arith.constant 0 : index
    %swap3A_217 = arith.constant 0 : index
    %swap3A_218 = vector.load %arg6[%swap3A_215, %swap3A_216, %swap3A_217] : memref<21x8x512xf32, #tpu.memory_space<vmem>>, vector<1x8x512xf32>
    %swap3A_219 = vector.shape_cast %swap3A_218 : vector<1x8x512xf32> to vector<8x512xf32>
    %swap3A_220 = vector.shape_cast %add3A_214 : vector<8x512xf32> to vector<1x8x512xf32>
    tpu.vector_store %arg6[%swap3A_215, %swap3A_216, %swap3A_217], %swap3A_220 {strides = array<i32>} : memref<21x8x512xf32, #tpu.memory_space<vmem>>, vector<1x8x512xf32>,
    %get3A_221 = arith.constant 10 : index
    %get3A_222 = arith.constant 0 : index
    %get3A_223 = arith.constant 0 : index
    %get3A_224 = vector.load %arg6[%get3A_221, %get3A_222, %get3A_223] : memref<21x8x512xf32, #tpu.memory_space<vmem>>, vector<1x8x512xf32>
    %get3A_225 = vector.shape_cast %get3A_224 : vector<1x8x512xf32> to vector<8x512xf32>
    %reshape3A_226 = vector.shape_cast %mul3A_44 : vector<256x512xf32> to vector<32x8x512xf32>
    %reduce_sum3A_227 = arith.constant dense<0.000000e+00> : vector<8x512xf32>
    %reduce_sum3A_228 = vector.multi_reduction <add>, %reshape3A_226, %reduce_sum3A_227 [0] : vector<32x8x512xf32> to vector<8x512xf32>
    %add3A_229 = arith.addf %get3A_225, %reduce_sum3A_228 : vector<8x512xf32>
    %swap3A_230 = arith.constant 10 : index
    %swap3A_231 = arith.constant 0 : index
    %swap3A_232 = arith.constant 0 : index
    %swap3A_233 = vector.load %arg6[%swap3A_230, %swap3A_231, %swap3A_232] : memref<21x8x512xf32, #tpu.memory_space<vmem>>, vector<1x8x512xf32>
    %swap3A_234 = vector.shape_cast %swap3A_233 : vector<1x8x512xf32> to vector<8x512xf32>
    %swap3A_235 = vector.shape_cast %add3A_229 : vector<8x512xf32> to vector<1x8x512xf32>
    tpu.vector_store %arg6[%swap3A_230, %swap3A_231, %swap3A_232], %swap3A_235 {strides = array<i32>} : memref<21x8x512xf32, #tpu.memory_space<vmem>>, vector<1x8x512xf32>,
    %get3A_236 = arith.constant 11 : index
    %get3A_237 = arith.constant 0 : index
    %get3A_238 = arith.constant 0 : index
    %get3A_239 = vector.load %arg6[%get3A_236, %get3A_237, %get3A_238] : memref<21x8x512xf32, #tpu.memory_space<vmem>>, vector<1x8x512xf32>
    %get3A_240 = vector.shape_cast %get3A_239 : vector<1x8x512xf32> to vector<8x512xf32>
    %reshape3A_241 = vector.shape_cast %mul3A_51 : vector<256x512xf32> to vector<32x8x512xf32>
    %reduce_sum3A_242 = arith.constant dense<0.000000e+00> : vector<8x512xf32>
    %reduce_sum3A_243 = vector.multi_reduction <add>, %reshape3A_241, %reduce_sum3A_242 [0] : vector<32x8x512xf32> to vector<8x512xf32>
    %add3A_244 = arith.addf %get3A_240, %reduce_sum3A_243 : vector<8x512xf32>
    %swap3A_245 = arith.constant 11 : index
    %swap3A_246 = arith.constant 0 : index
    %swap3A_247 = arith.constant 0 : index
    %swap3A_248 = vector.load %arg6[%swap3A_245, %swap3A_246, %swap3A_247] : memref<21x8x512xf32, #tpu.memory_space<vmem>>, vector<1x8x512xf32>
    %swap3A_249 = vector.shape_cast %swap3A_248 : vector<1x8x512xf32> to vector<8x512xf32>
    %swap3A_250 = vector.shape_cast %add3A_244 : vector<8x512xf32> to vector<1x8x512xf32>
    tpu.vector_store %arg6[%swap3A_245, %swap3A_246, %swap3A_247], %swap3A_250 {strides = array<i32>} : memref<21x8x512xf32, #tpu.memory_space<vmem>>, vector<1x8x512xf32>,
    %get3A_251 = arith.constant 12 : index
    %get3A_252 = arith.constant 0 : index
    %get3A_253 = arith.constant 0 : index
    %get3A_254 = vector.load %arg6[%get3A_251, %get3A_252, %get3A_253] : memref<21x8x512xf32, #tpu.memory_space<vmem>>, vector<1x8x512xf32>
    %get3A_255 = vector.shape_cast %get3A_254 : vector<1x8x512xf32> to vector<8x512xf32>
    %reshape3A_256 = vector.shape_cast %mul3A_52 : vector<256x512xf32> to vector<32x8x512xf32>
    %reduce_sum3A_257 = arith.constant dense<0.000000e+00> : vector<8x512xf32>
    %reduce_sum3A_258 = vector.multi_reduction <add>, %reshape3A_256, %reduce_sum3A_257 [0] : vector<32x8x512xf32> to vector<8x512xf32>
    %add3A_259 = arith.addf %get3A_255, %reduce_sum3A_258 : vector<8x512xf32>
    %swap3A_260 = arith.constant 12 : index
    %swap3A_261 = arith.constant 0 : index
    %swap3A_262 = arith.constant 0 : index
    %swap3A_263 = vector.load %arg6[%swap3A_260, %swap3A_261, %swap3A_262] : memref<21x8x512xf32, #tpu.memory_space<vmem>>, vector<1x8x512xf32>
    %swap3A_264 = vector.shape_cast %swap3A_263 : vector<1x8x512xf32> to vector<8x512xf32>
    %swap3A_265 = vector.shape_cast %add3A_259 : vector<8x512xf32> to vector<1x8x512xf32>
    tpu.vector_store %arg6[%swap3A_260, %swap3A_261, %swap3A_262], %swap3A_265 {strides = array<i32>} : memref<21x8x512xf32, #tpu.memory_space<vmem>>, vector<1x8x512xf32>,
    %get3A_266 = arith.constant 13 : index
    %get3A_267 = arith.constant 0 : index
    %get3A_268 = arith.constant 0 : index
    %get3A_269 = vector.load %arg6[%get3A_266, %get3A_267, %get3A_268] : memref<21x8x512xf32, #tpu.memory_space<vmem>>, vector<1x8x512xf32>
    %get3A_270 = vector.shape_cast %get3A_269 : vector<1x8x512xf32> to vector<8x512xf32>
    %reshape3A_271 = vector.shape_cast %mul3A_53 : vector<256x512xf32> to vector<32x8x512xf32>
    %reduce_sum3A_272 = arith.constant dense<0.000000e+00> : vector<8x512xf32>
    %reduce_sum3A_273 = vector.multi_reduction <add>, %reshape3A_271, %reduce_sum3A_272 [0] : vector<32x8x512xf32> to vector<8x512xf32>
    %add3A_274 = arith.addf %get3A_270, %reduce_sum3A_273 : vector<8x512xf32>
    %swap3A_275 = arith.constant 13 : index
    %swap3A_276 = arith.constant 0 : index
    %swap3A_277 = arith.constant 0 : index
    %swap3A_278 = vector.load %arg6[%swap3A_275, %swap3A_276, %swap3A_277] : memref<21x8x512xf32, #tpu.memory_space<vmem>>, vector<1x8x512xf32>
    %swap3A_279 = vector.shape_cast %swap3A_278 : vector<1x8x512xf32> to vector<8x512xf32>
    %swap3A_280 = vector.shape_cast %add3A_274 : vector<8x512xf32> to vector<1x8x512xf32>
    tpu.vector_store %arg6[%swap3A_275, %swap3A_276, %swap3A_277], %swap3A_280 {strides = array<i32>} : memref<21x8x512xf32, #tpu.memory_space<vmem>>, vector<1x8x512xf32>,
    %get3A_281 = arith.constant 14 : index
    %get3A_282 = arith.constant 0 : index
    %get3A_283 = arith.constant 0 : index
    %get3A_284 = vector.load %arg6[%get3A_281, %get3A_282, %get3A_283] : memref<21x8x512xf32, #tpu.memory_space<vmem>>, vector<1x8x512xf32>
    %get3A_285 = vector.shape_cast %get3A_284 : vector<1x8x512xf32> to vector<8x512xf32>
    %reshape3A_286 = vector.shape_cast %mul3A_55 : vector<256x512xf32> to vector<32x8x512xf32>
    %reduce_sum3A_287 = arith.constant dense<0.000000e+00> : vector<8x512xf32>
    %reduce_sum3A_288 = vector.multi_reduction <add>, %reshape3A_286, %reduce_sum3A_287 [0] : vector<32x8x512xf32> to vector<8x512xf32>
    %add3A_289 = arith.addf %get3A_285, %reduce_sum3A_288 : vector<8x512xf32>
    %swap3A_290 = arith.constant 14 : index
    %swap3A_291 = arith.constant 0 : index
    %swap3A_292 = arith.constant 0 : index
    %swap3A_293 = vector.load %arg6[%swap3A_290, %swap3A_291, %swap3A_292] : memref<21x8x512xf32, #tpu.memory_space<vmem>>, vector<1x8x512xf32>
    %swap3A_294 = vector.shape_cast %swap3A_293 : vector<1x8x512xf32> to vector<8x512xf32>
    %swap3A_295 = vector.shape_cast %add3A_289 : vector<8x512xf32> to vector<1x8x512xf32>
    tpu.vector_store %arg6[%swap3A_290, %swap3A_291, %swap3A_292], %swap3A_295 {strides = array<i32>} : memref<21x8x512xf32, #tpu.memory_space<vmem>>, vector<1x8x512xf32>,
    %get3A_296 = arith.constant 15 : index
    %get3A_297 = arith.constant 0 : index
    %get3A_298 = arith.constant 0 : index
    %get3A_299 = vector.load %arg6[%get3A_296, %get3A_297, %get3A_298] : memref<21x8x512xf32, #tpu.memory_space<vmem>>, vector<1x8x512xf32>
    %get3A_300 = vector.shape_cast %get3A_299 : vector<1x8x512xf32> to vector<8x512xf32>
    %reshape3A_301 = vector.shape_cast %mul3A_57 : vector<256x512xf32> to vector<32x8x512xf32>
    %reduce_sum3A_302 = arith.constant dense<0.000000e+00> : vector<8x512xf32>
    %reduce_sum3A_303 = vector.multi_reduction <add>, %reshape3A_301, %reduce_sum3A_302 [0] : vector<32x8x512xf32> to vector<8x512xf32>
    %add3A_304 = arith.addf %get3A_300, %reduce_sum3A_303 : vector<8x512xf32>
    %swap3A_305 = arith.constant 15 : index
    %swap3A_306 = arith.constant 0 : index
    %swap3A_307 = arith.constant 0 : index
    %swap3A_308 = vector.load %arg6[%swap3A_305, %swap3A_306, %swap3A_307] : memref<21x8x512xf32, #tpu.memory_space<vmem>>, vector<1x8x512xf32>
    %swap3A_309 = vector.shape_cast %swap3A_308 : vector<1x8x512xf32> to vector<8x512xf32>
    %swap3A_310 = vector.shape_cast %add3A_304 : vector<8x512xf32> to vector<1x8x512xf32>
    tpu.vector_store %arg6[%swap3A_305, %swap3A_306, %swap3A_307], %swap3A_310 {strides = array<i32>} : memref<21x8x512xf32, #tpu.memory_space<vmem>>, vector<1x8x512xf32>,
    %get3A_311 = arith.constant 16 : index
    %get3A_312 = arith.constant 0 : index
    %get3A_313 = arith.constant 0 : index
    %get3A_314 = vector.load %arg6[%get3A_311, %get3A_312, %get3A_313] : memref<21x8x512xf32, #tpu.memory_space<vmem>>, vector<1x8x512xf32>
    %get3A_315 = vector.shape_cast %get3A_314 : vector<1x8x512xf32> to vector<8x512xf32>
    %reshape3A_316 = vector.shape_cast %mul3A_64 : vector<256x512xf32> to vector<32x8x512xf32>
    %reduce_sum3A_317 = arith.constant dense<0.000000e+00> : vector<8x512xf32>
    %reduce_sum3A_318 = vector.multi_reduction <add>, %reshape3A_316, %reduce_sum3A_317 [0] : vector<32x8x512xf32> to vector<8x512xf32>
    %add3A_319 = arith.addf %get3A_315, %reduce_sum3A_318 : vector<8x512xf32>
    %swap3A_320 = arith.constant 16 : index
    %swap3A_321 = arith.constant 0 : index
    %swap3A_322 = arith.constant 0 : index
    %swap3A_323 = vector.load %arg6[%swap3A_320, %swap3A_321, %swap3A_322] : memref<21x8x512xf32, #tpu.memory_space<vmem>>, vector<1x8x512xf32>
    %swap3A_324 = vector.shape_cast %swap3A_323 : vector<1x8x512xf32> to vector<8x512xf32>
    %swap3A_325 = vector.shape_cast %add3A_319 : vector<8x512xf32> to vector<1x8x512xf32>
    tpu.vector_store %arg6[%swap3A_320, %swap3A_321, %swap3A_322], %swap3A_325 {strides = array<i32>} : memref<21x8x512xf32, #tpu.memory_space<vmem>>, vector<1x8x512xf32>,
    %get3A_326 = arith.constant 17 : index
    %get3A_327 = arith.constant 0 : index
    %get3A_328 = arith.constant 0 : index
    %get3A_329 = vector.load %arg6[%get3A_326, %get3A_327, %get3A_328] : memref<21x8x512xf32, #tpu.memory_space<vmem>>, vector<1x8x512xf32>
    %get3A_330 = vector.shape_cast %get3A_329 : vector<1x8x512xf32> to vector<8x512xf32>
    %reshape3A_331 = vector.shape_cast %mul3A_65 : vector<256x512xf32> to vector<32x8x512xf32>
    %reduce_sum3A_332 = arith.constant dense<0.000000e+00> : vector<8x512xf32>
    %reduce_sum3A_333 = vector.multi_reduction <add>, %reshape3A_331, %reduce_sum3A_332 [0] : vector<32x8x512xf32> to vector<8x512xf32>
    %add3A_334 = arith.addf %get3A_330, %reduce_sum3A_333 : vector<8x512xf32>
    %swap3A_335 = arith.constant 17 : index
    %swap3A_336 = arith.constant 0 : index
    %swap3A_337 = arith.constant 0 : index
    %swap3A_338 = vector.load %arg6[%swap3A_335, %swap3A_336, %swap3A_337] : memref<21x8x512xf32, #tpu.memory_space<vmem>>, vector<1x8x512xf32>
    %swap3A_339 = vector.shape_cast %swap3A_338 : vector<1x8x512xf32> to vector<8x512xf32>
    %swap3A_340 = vector.shape_cast %add3A_334 : vector<8x512xf32> to vector<1x8x512xf32>
    tpu.vector_store %arg6[%swap3A_335, %swap3A_336, %swap3A_337], %swap3A_340 {strides = array<i32>} : memref<21x8x512xf32, #tpu.memory_space<vmem>>, vector<1x8x512xf32>,
    %get3A_341 = arith.constant 18 : index
    %get3A_342 = arith.constant 0 : index
    %get3A_343 = arith.constant 0 : index
    %get3A_344 = vector.load %arg6[%get3A_341, %get3A_342, %get3A_343] : memref<21x8x512xf32, #tpu.memory_space<vmem>>, vector<1x8x512xf32>
    %get3A_345 = vector.shape_cast %get3A_344 : vector<1x8x512xf32> to vector<8x512xf32>
    %reshape3A_346 = vector.shape_cast %mul3A_66 : vector<256x512xf32> to vector<32x8x512xf32>
    %reduce_sum3A_347 = arith.constant dense<0.000000e+00> : vector<8x512xf32>
    %reduce_sum3A_348 = vector.multi_reduction <add>, %reshape3A_346, %reduce_sum3A_347 [0] : vector<32x8x512xf32> to vector<8x512xf32>
    %add3A_349 = arith.addf %get3A_345, %reduce_sum3A_348 : vector<8x512xf32>
    %swap3A_350 = arith.constant 18 : index
    %swap3A_351 = arith.constant 0 : index
    %swap3A_352 = arith.constant 0 : index
    %swap3A_353 = vector.load %arg6[%swap3A_350, %swap3A_351, %swap3A_352] : memref<21x8x512xf32, #tpu.memory_space<vmem>>, vector<1x8x512xf32>
    %swap3A_354 = vector.shape_cast %swap3A_353 : vector<1x8x512xf32> to vector<8x512xf32>
    %swap3A_355 = vector.shape_cast %add3A_349 : vector<8x512xf32> to vector<1x8x512xf32>
    tpu.vector_store %arg6[%swap3A_350, %swap3A_351, %swap3A_352], %swap3A_355 {strides = array<i32>} : memref<21x8x512xf32, #tpu.memory_space<vmem>>, vector<1x8x512xf32>,
    %get3A_356 = arith.constant 19 : index
    %get3A_357 = arith.constant 0 : index
    %get3A_358 = arith.constant 0 : index
    %get3A_359 = vector.load %arg6[%get3A_356, %get3A_357, %get3A_358] : memref<21x8x512xf32, #tpu.memory_space<vmem>>, vector<1x8x512xf32>
    %get3A_360 = vector.shape_cast %get3A_359 : vector<1x8x512xf32> to vector<8x512xf32>
    %reshape3A_361 = vector.shape_cast %mul3A_68 : vector<256x512xf32> to vector<32x8x512xf32>
    %reduce_sum3A_362 = arith.constant dense<0.000000e+00> : vector<8x512xf32>
    %reduce_sum3A_363 = vector.multi_reduction <add>, %reshape3A_361, %reduce_sum3A_362 [0] : vector<32x8x512xf32> to vector<8x512xf32>
    %add3A_364 = arith.addf %get3A_360, %reduce_sum3A_363 : vector<8x512xf32>
    %swap3A_365 = arith.constant 19 : index
    %swap3A_366 = arith.constant 0 : index
    %swap3A_367 = arith.constant 0 : index
    %swap3A_368 = vector.load %arg6[%swap3A_365, %swap3A_366, %swap3A_367] : memref<21x8x512xf32, #tpu.memory_space<vmem>>, vector<1x8x512xf32>
    %swap3A_369 = vector.shape_cast %swap3A_368 : vector<1x8x512xf32> to vector<8x512xf32>
    %swap3A_370 = vector.shape_cast %add3A_364 : vector<8x512xf32> to vector<1x8x512xf32>
    tpu.vector_store %arg6[%swap3A_365, %swap3A_366, %swap3A_367], %swap3A_370 {strides = array<i32>} : memref<21x8x512xf32, #tpu.memory_space<vmem>>, vector<1x8x512xf32>,
    %get3A_371 = arith.constant 20 : index
    %get3A_372 = arith.constant 0 : index
    %get3A_373 = arith.constant 0 : index
    %get3A_374 = vector.load %arg6[%get3A_371, %get3A_372, %get3A_373] : memref<21x8x512xf32, #tpu.memory_space<vmem>>, vector<1x8x512xf32>
    %get3A_375 = vector.shape_cast %get3A_374 : vector<1x8x512xf32> to vector<8x512xf32>
    %reshape3A_376 = vector.shape_cast %mul3A_70 : vector<256x512xf32> to vector<32x8x512xf32>
    %reduce_sum3A_377 = arith.constant dense<0.000000e+00> : vector<8x512xf32>
    %reduce_sum3A_378 = vector.multi_reduction <add>, %reshape3A_376, %reduce_sum3A_377 [0] : vector<32x8x512xf32> to vector<8x512xf32>
    %add3A_379 = arith.addf %get3A_375, %reduce_sum3A_378 : vector<8x512xf32>
    %swap3A_380 = arith.constant 20 : index
    %swap3A_381 = arith.constant 0 : index
    %swap3A_382 = arith.constant 0 : index
    %swap3A_383 = vector.load %arg6[%swap3A_380, %swap3A_381, %swap3A_382] : memref<21x8x512xf32, #tpu.memory_space<vmem>>, vector<1x8x512xf32>
    %swap3A_384 = vector.shape_cast %swap3A_383 : vector<1x8x512xf32> to vector<8x512xf32>
    %swap3A_385 = vector.shape_cast %add3A_379 : vector<8x512xf32> to vector<1x8x512xf32>
    tpu.vector_store %arg6[%swap3A_380, %swap3A_381, %swap3A_382], %swap3A_385 {strides = array<i32>} : memref<21x8x512xf32, #tpu.memory_space<vmem>>, vector<1x8x512xf32>,
    %eq3A_386 = arith.constant 1 : i32
    %eq3A_387 = arith.cmpi eq, %arg1, %eq3A_386 : i32
    %convert_element_type3A_388 = arith.extui %eq3A_387 : i1 to i32
    %cond3A_389 = arith.constant 0 : i32
    %cond3A_390 = arith.cmpi ne, %convert_element_type3A_388, %cond3A_389 : i32
    scf.if %cond3A_390 {
      %get3A_391 = arith.constant 0 : index
      %get3A_392 = arith.constant 0 : index
      %get3A_393 = arith.constant 0 : index
      %get3A_394 = vector.load %arg6[%get3A_391, %get3A_392, %get3A_393] : memref<21x8x512xf32, #tpu.memory_space<vmem>>, vector<1x8x512xf32>
      %get3A_395 = vector.shape_cast %get3A_394 : vector<1x8x512xf32> to vector<8x512xf32>
      %reduce_sum3A_396 = arith.constant dense<0.000000e+00> : vector<512xf32>
      %reduce_sum3A_397 = vector.multi_reduction <add>, %get3A_395, %reduce_sum3A_396 [0] : vector<8x512xf32> to vector<512xf32>
      %broadcast_in_dim3A = vector.shape_cast %reduce_sum3A_397 : vector<512xf32> to vector<1x512xf32>
      %swap3A_398 = arith.constant 0 : index
      %swap3A_399 = arith.constant 0 : index
      %swap3A_400 = arith.constant 0 : index
      %swap3A_401 = vector.load %arg5[%swap3A_398, %swap3A_399, %swap3A_400] : memref<1x24x512xf32, #tpu.memory_space<vmem>>, vector<1x1x512xf32>
      %swap3A_402 = vector.shape_cast %swap3A_401 : vector<1x1x512xf32> to vector<1x512xf32>
      %swap3A_403 = vector.shape_cast %broadcast_in_dim3A : vector<1x512xf32> to vector<1x1x512xf32>
      tpu.vector_store %arg5[%swap3A_398, %swap3A_399, %swap3A_400], %swap3A_403 {strides = array<i32>} : memref<1x24x512xf32, #tpu.memory_space<vmem>>, vector<1x1x512xf32>,
      %get3A_404 = arith.constant 1 : index
      %get3A_405 = arith.constant 0 : index
      %get3A_406 = arith.constant 0 : index
      %get3A_407 = vector.load %arg6[%get3A_404, %get3A_405, %get3A_406] : memref<21x8x512xf32, #tpu.memory_space<vmem>>, vector<1x8x512xf32>
      %get3A_408 = vector.shape_cast %get3A_407 : vector<1x8x512xf32> to vector<8x512xf32>
      %reduce_sum3A_409 = arith.constant dense<0.000000e+00> : vector<512xf32>
      %reduce_sum3A_410 = vector.multi_reduction <add>, %get3A_408, %reduce_sum3A_409 [0] : vector<8x512xf32> to vector<512xf32>
      %broadcast_in_dim3A_411 = vector.shape_cast %reduce_sum3A_410 : vector<512xf32> to vector<1x512xf32>
      %swap3A_412 = arith.constant 0 : index
      %swap3A_413 = arith.constant 1 : index
      %swap3A_414 = arith.constant 0 : index
      %swap3A_415 = vector.load %arg5[%swap3A_412, %swap3A_413, %swap3A_414] : memref<1x24x512xf32, #tpu.memory_space<vmem>>, vector<1x1x512xf32>
      %swap3A_416 = vector.shape_cast %swap3A_415 : vector<1x1x512xf32> to vector<1x512xf32>
      %swap3A_417 = vector.shape_cast %broadcast_in_dim3A_411 : vector<1x512xf32> to vector<1x1x512xf32>
      tpu.vector_store %arg5[%swap3A_412, %swap3A_413, %swap3A_414], %swap3A_417 {strides = array<i32>} : memref<1x24x512xf32, #tpu.memory_space<vmem>>, vector<1x1x512xf32>,
      %get3A_418 = arith.constant 2 : index
      %get3A_419 = arith.constant 0 : index
      %get3A_420 = arith.constant 0 : index
      %get3A_421 = vector.load %arg6[%get3A_418, %get3A_419, %get3A_420] : memref<21x8x512xf32, #tpu.memory_space<vmem>>, vector<1x8x512xf32>
      %get3A_422 = vector.shape_cast %get3A_421 : vector<1x8x512xf32> to vector<8x512xf32>
      %reduce_sum3A_423 = arith.constant dense<0.000000e+00> : vector<512xf32>
      %reduce_sum3A_424 = vector.multi_reduction <add>, %get3A_422, %reduce_sum3A_423 [0] : vector<8x512xf32> to vector<512xf32>
      %broadcast_in_dim3A_425 = vector.shape_cast %reduce_sum3A_424 : vector<512xf32> to vector<1x512xf32>
      %swap3A_426 = arith.constant 0 : index
      %swap3A_427 = arith.constant 2 : index
      %swap3A_428 = arith.constant 0 : index
      %swap3A_429 = vector.load %arg5[%swap3A_426, %swap3A_427, %swap3A_428] : memref<1x24x512xf32, #tpu.memory_space<vmem>>, vector<1x1x512xf32>
      %swap3A_430 = vector.shape_cast %swap3A_429 : vector<1x1x512xf32> to vector<1x512xf32>
      %swap3A_431 = vector.shape_cast %broadcast_in_dim3A_425 : vector<1x512xf32> to vector<1x1x512xf32>
      tpu.vector_store %arg5[%swap3A_426, %swap3A_427, %swap3A_428], %swap3A_431 {strides = array<i32>} : memref<1x24x512xf32, #tpu.memory_space<vmem>>, vector<1x1x512xf32>,
      %get3A_432 = arith.constant 3 : index
      %get3A_433 = arith.constant 0 : index
      %get3A_434 = arith.constant 0 : index
      %get3A_435 = vector.load %arg6[%get3A_432, %get3A_433, %get3A_434] : memref<21x8x512xf32, #tpu.memory_space<vmem>>, vector<1x8x512xf32>
      %get3A_436 = vector.shape_cast %get3A_435 : vector<1x8x512xf32> to vector<8x512xf32>
      %reduce_sum3A_437 = arith.constant dense<0.000000e+00> : vector<512xf32>
      %reduce_sum3A_438 = vector.multi_reduction <add>, %get3A_436, %reduce_sum3A_437 [0] : vector<8x512xf32> to vector<512xf32>
      %broadcast_in_dim3A_439 = vector.shape_cast %reduce_sum3A_438 : vector<512xf32> to vector<1x512xf32>
      %swap3A_440 = arith.constant 0 : index
      %swap3A_441 = arith.constant 3 : index
      %swap3A_442 = arith.constant 0 : index
      %swap3A_443 = vector.load %arg5[%swap3A_440, %swap3A_441, %swap3A_442] : memref<1x24x512xf32, #tpu.memory_space<vmem>>, vector<1x1x512xf32>
      %swap3A_444 = vector.shape_cast %swap3A_443 : vector<1x1x512xf32> to vector<1x512xf32>
      %swap3A_445 = vector.shape_cast %broadcast_in_dim3A_439 : vector<1x512xf32> to vector<1x1x512xf32>
      tpu.vector_store %arg5[%swap3A_440, %swap3A_441, %swap3A_442], %swap3A_445 {strides = array<i32>} : memref<1x24x512xf32, #tpu.memory_space<vmem>>, vector<1x1x512xf32>,
      %get3A_446 = arith.constant 4 : index
      %get3A_447 = arith.constant 0 : index
      %get3A_448 = arith.constant 0 : index
      %get3A_449 = vector.load %arg6[%get3A_446, %get3A_447, %get3A_448] : memref<21x8x512xf32, #tpu.memory_space<vmem>>, vector<1x8x512xf32>
      %get3A_450 = vector.shape_cast %get3A_449 : vector<1x8x512xf32> to vector<8x512xf32>
      %reduce_sum3A_451 = arith.constant dense<0.000000e+00> : vector<512xf32>
      %reduce_sum3A_452 = vector.multi_reduction <add>, %get3A_450, %reduce_sum3A_451 [0] : vector<8x512xf32> to vector<512xf32>
      %broadcast_in_dim3A_453 = vector.shape_cast %reduce_sum3A_452 : vector<512xf32> to vector<1x512xf32>
      %swap3A_454 = arith.constant 0 : index
      %swap3A_455 = arith.constant 4 : index
      %swap3A_456 = arith.constant 0 : index
      %swap3A_457 = vector.load %arg5[%swap3A_454, %swap3A_455, %swap3A_456] : memref<1x24x512xf32, #tpu.memory_space<vmem>>, vector<1x1x512xf32>
      %swap3A_458 = vector.shape_cast %swap3A_457 : vector<1x1x512xf32> to vector<1x512xf32>
      %swap3A_459 = vector.shape_cast %broadcast_in_dim3A_453 : vector<1x512xf32> to vector<1x1x512xf32>
      tpu.vector_store %arg5[%swap3A_454, %swap3A_455, %swap3A_456], %swap3A_459 {strides = array<i32>} : memref<1x24x512xf32, #tpu.memory_space<vmem>>, vector<1x1x512xf32>,
      %get3A_460 = arith.constant 5 : index
      %get3A_461 = arith.constant 0 : index
      %get3A_462 = arith.constant 0 : index
      %get3A_463 = vector.load %arg6[%get3A_460, %get3A_461, %get3A_462] : memref<21x8x512xf32, #tpu.memory_space<vmem>>, vector<1x8x512xf32>
      %get3A_464 = vector.shape_cast %get3A_463 : vector<1x8x512xf32> to vector<8x512xf32>
      %reduce_sum3A_465 = arith.constant dense<0.000000e+00> : vector<512xf32>
      %reduce_sum3A_466 = vector.multi_reduction <add>, %get3A_464, %reduce_sum3A_465 [0] : vector<8x512xf32> to vector<512xf32>
      %broadcast_in_dim3A_467 = vector.shape_cast %reduce_sum3A_466 : vector<512xf32> to vector<1x512xf32>
      %swap3A_468 = arith.constant 0 : index
      %swap3A_469 = arith.constant 5 : index
      %swap3A_470 = arith.constant 0 : index
      %swap3A_471 = vector.load %arg5[%swap3A_468, %swap3A_469, %swap3A_470] : memref<1x24x512xf32, #tpu.memory_space<vmem>>, vector<1x1x512xf32>
      %swap3A_472 = vector.shape_cast %swap3A_471 : vector<1x1x512xf32> to vector<1x512xf32>
      %swap3A_473 = vector.shape_cast %broadcast_in_dim3A_467 : vector<1x512xf32> to vector<1x1x512xf32>
      tpu.vector_store %arg5[%swap3A_468, %swap3A_469, %swap3A_470], %swap3A_473 {strides = array<i32>} : memref<1x24x512xf32, #tpu.memory_space<vmem>>, vector<1x1x512xf32>,
      %get3A_474 = arith.constant 6 : index
      %get3A_475 = arith.constant 0 : index
      %get3A_476 = arith.constant 0 : index
      %get3A_477 = vector.load %arg6[%get3A_474, %get3A_475, %get3A_476] : memref<21x8x512xf32, #tpu.memory_space<vmem>>, vector<1x8x512xf32>
      %get3A_478 = vector.shape_cast %get3A_477 : vector<1x8x512xf32> to vector<8x512xf32>
      %reduce_sum3A_479 = arith.constant dense<0.000000e+00> : vector<512xf32>
      %reduce_sum3A_480 = vector.multi_reduction <add>, %get3A_478, %reduce_sum3A_479 [0] : vector<8x512xf32> to vector<512xf32>
      %broadcast_in_dim3A_481 = vector.shape_cast %reduce_sum3A_480 : vector<512xf32> to vector<1x512xf32>
      %swap3A_482 = arith.constant 0 : index
      %swap3A_483 = arith.constant 6 : index
      %swap3A_484 = arith.constant 0 : index
      %swap3A_485 = vector.load %arg5[%swap3A_482, %swap3A_483, %swap3A_484] : memref<1x24x512xf32, #tpu.memory_space<vmem>>, vector<1x1x512xf32>
      %swap3A_486 = vector.shape_cast %swap3A_485 : vector<1x1x512xf32> to vector<1x512xf32>
      %swap3A_487 = vector.shape_cast %broadcast_in_dim3A_481 : vector<1x512xf32> to vector<1x1x512xf32>
      tpu.vector_store %arg5[%swap3A_482, %swap3A_483, %swap3A_484], %swap3A_487 {strides = array<i32>} : memref<1x24x512xf32, #tpu.memory_space<vmem>>, vector<1x1x512xf32>,
      %get3A_488 = arith.constant 7 : index
      %get3A_489 = arith.constant 0 : index
      %get3A_490 = arith.constant 0 : index
      %get3A_491 = vector.load %arg6[%get3A_488, %get3A_489, %get3A_490] : memref<21x8x512xf32, #tpu.memory_space<vmem>>, vector<1x8x512xf32>
      %get3A_492 = vector.shape_cast %get3A_491 : vector<1x8x512xf32> to vector<8x512xf32>
      %reduce_sum3A_493 = arith.constant dense<0.000000e+00> : vector<512xf32>
      %reduce_sum3A_494 = vector.multi_reduction <add>, %get3A_492, %reduce_sum3A_493 [0] : vector<8x512xf32> to vector<512xf32>
      %broadcast_in_dim3A_495 = vector.shape_cast %reduce_sum3A_494 : vector<512xf32> to vector<1x512xf32>
      %swap3A_496 = arith.constant 0 : index
      %swap3A_497 = arith.constant 7 : index
      %swap3A_498 = arith.constant 0 : index
      %swap3A_499 = vector.load %arg5[%swap3A_496, %swap3A_497, %swap3A_498] : memref<1x24x512xf32, #tpu.memory_space<vmem>>, vector<1x1x512xf32>
      %swap3A_500 = vector.shape_cast %swap3A_499 : vector<1x1x512xf32> to vector<1x512xf32>
      %swap3A_501 = vector.shape_cast %broadcast_in_dim3A_495 : vector<1x512xf32> to vector<1x1x512xf32>
      tpu.vector_store %arg5[%swap3A_496, %swap3A_497, %swap3A_498], %swap3A_501 {strides = array<i32>} : memref<1x24x512xf32, #tpu.memory_space<vmem>>, vector<1x1x512xf32>,
      %get3A_502 = arith.constant 8 : index
      %get3A_503 = arith.constant 0 : index
      %get3A_504 = arith.constant 0 : index
      %get3A_505 = vector.load %arg6[%get3A_502, %get3A_503, %get3A_504] : memref<21x8x512xf32, #tpu.memory_space<vmem>>, vector<1x8x512xf32>
      %get3A_506 = vector.shape_cast %get3A_505 : vector<1x8x512xf32> to vector<8x512xf32>
      %reduce_sum3A_507 = arith.constant dense<0.000000e+00> : vector<512xf32>
      %reduce_sum3A_508 = vector.multi_reduction <add>, %get3A_506, %reduce_sum3A_507 [0] : vector<8x512xf32> to vector<512xf32>
      %broadcast_in_dim3A_509 = vector.shape_cast %reduce_sum3A_508 : vector<512xf32> to vector<1x512xf32>
      %swap3A_510 = arith.constant 0 : index
      %swap3A_511 = arith.constant 8 : index
      %swap3A_512 = arith.constant 0 : index
      %swap3A_513 = vector.load %arg5[%swap3A_510, %swap3A_511, %swap3A_512] : memref<1x24x512xf32, #tpu.memory_space<vmem>>, vector<1x1x512xf32>
      %swap3A_514 = vector.shape_cast %swap3A_513 : vector<1x1x512xf32> to vector<1x512xf32>
      %swap3A_515 = vector.shape_cast %broadcast_in_dim3A_509 : vector<1x512xf32> to vector<1x1x512xf32>
      tpu.vector_store %arg5[%swap3A_510, %swap3A_511, %swap3A_512], %swap3A_515 {strides = array<i32>} : memref<1x24x512xf32, #tpu.memory_space<vmem>>, vector<1x1x512xf32>,
      %get3A_516 = arith.constant 9 : index
      %get3A_517 = arith.constant 0 : index
      %get3A_518 = arith.constant 0 : index
      %get3A_519 = vector.load %arg6[%get3A_516, %get3A_517, %get3A_518] : memref<21x8x512xf32, #tpu.memory_space<vmem>>, vector<1x8x512xf32>
      %get3A_520 = vector.shape_cast %get3A_519 : vector<1x8x512xf32> to vector<8x512xf32>
      %reduce_sum3A_521 = arith.constant dense<0.000000e+00> : vector<512xf32>
      %reduce_sum3A_522 = vector.multi_reduction <add>, %get3A_520, %reduce_sum3A_521 [0] : vector<8x512xf32> to vector<512xf32>
      %broadcast_in_dim3A_523 = vector.shape_cast %reduce_sum3A_522 : vector<512xf32> to vector<1x512xf32>
      %swap3A_524 = arith.constant 0 : index
      %swap3A_525 = arith.constant 9 : index
      %swap3A_526 = arith.constant 0 : index
      %swap3A_527 = vector.load %arg5[%swap3A_524, %swap3A_525, %swap3A_526] : memref<1x24x512xf32, #tpu.memory_space<vmem>>, vector<1x1x512xf32>
      %swap3A_528 = vector.shape_cast %swap3A_527 : vector<1x1x512xf32> to vector<1x512xf32>
      %swap3A_529 = vector.shape_cast %broadcast_in_dim3A_523 : vector<1x512xf32> to vector<1x1x512xf32>
      tpu.vector_store %arg5[%swap3A_524, %swap3A_525, %swap3A_526], %swap3A_529 {strides = array<i32>} : memref<1x24x512xf32, #tpu.memory_space<vmem>>, vector<1x1x512xf32>,
      %get3A_530 = arith.constant 10 : index
      %get3A_531 = arith.constant 0 : index
      %get3A_532 = arith.constant 0 : index
      %get3A_533 = vector.load %arg6[%get3A_530, %get3A_531, %get3A_532] : memref<21x8x512xf32, #tpu.memory_space<vmem>>, vector<1x8x512xf32>
      %get3A_534 = vector.shape_cast %get3A_533 : vector<1x8x512xf32> to vector<8x512xf32>
      %reduce_sum3A_535 = arith.constant dense<0.000000e+00> : vector<512xf32>
      %reduce_sum3A_536 = vector.multi_reduction <add>, %get3A_534, %reduce_sum3A_535 [0] : vector<8x512xf32> to vector<512xf32>
      %broadcast_in_dim3A_537 = vector.shape_cast %reduce_sum3A_536 : vector<512xf32> to vector<1x512xf32>
      %swap3A_538 = arith.constant 0 : index
      %swap3A_539 = arith.constant 10 : index
      %swap3A_540 = arith.constant 0 : index
      %swap3A_541 = vector.load %arg5[%swap3A_538, %swap3A_539, %swap3A_540] : memref<1x24x512xf32, #tpu.memory_space<vmem>>, vector<1x1x512xf32>
      %swap3A_542 = vector.shape_cast %swap3A_541 : vector<1x1x512xf32> to vector<1x512xf32>
      %swap3A_543 = vector.shape_cast %broadcast_in_dim3A_537 : vector<1x512xf32> to vector<1x1x512xf32>
      tpu.vector_store %arg5[%swap3A_538, %swap3A_539, %swap3A_540], %swap3A_543 {strides = array<i32>} : memref<1x24x512xf32, #tpu.memory_space<vmem>>, vector<1x1x512xf32>,
      %get3A_544 = arith.constant 11 : index
      %get3A_545 = arith.constant 0 : index
      %get3A_546 = arith.constant 0 : index
      %get3A_547 = vector.load %arg6[%get3A_544, %get3A_545, %get3A_546] : memref<21x8x512xf32, #tpu.memory_space<vmem>>, vector<1x8x512xf32>
      %get3A_548 = vector.shape_cast %get3A_547 : vector<1x8x512xf32> to vector<8x512xf32>
      %reduce_sum3A_549 = arith.constant dense<0.000000e+00> : vector<512xf32>
      %reduce_sum3A_550 = vector.multi_reduction <add>, %get3A_548, %reduce_sum3A_549 [0] : vector<8x512xf32> to vector<512xf32>
      %broadcast_in_dim3A_551 = vector.shape_cast %reduce_sum3A_550 : vector<512xf32> to vector<1x512xf32>
      %swap3A_552 = arith.constant 0 : index
      %swap3A_553 = arith.constant 11 : index
      %swap3A_554 = arith.constant 0 : index
      %swap3A_555 = vector.load %arg5[%swap3A_552, %swap3A_553, %swap3A_554] : memref<1x24x512xf32, #tpu.memory_space<vmem>>, vector<1x1x512xf32>
      %swap3A_556 = vector.shape_cast %swap3A_555 : vector<1x1x512xf32> to vector<1x512xf32>
      %swap3A_557 = vector.shape_cast %broadcast_in_dim3A_551 : vector<1x512xf32> to vector<1x1x512xf32>
      tpu.vector_store %arg5[%swap3A_552, %swap3A_553, %swap3A_554], %swap3A_557 {strides = array<i32>} : memref<1x24x512xf32, #tpu.memory_space<vmem>>, vector<1x1x512xf32>,
      %get3A_558 = arith.constant 12 : index
      %get3A_559 = arith.constant 0 : index
      %get3A_560 = arith.constant 0 : index
      %get3A_561 = vector.load %arg6[%get3A_558, %get3A_559, %get3A_560] : memref<21x8x512xf32, #tpu.memory_space<vmem>>, vector<1x8x512xf32>
      %get3A_562 = vector.shape_cast %get3A_561 : vector<1x8x512xf32> to vector<8x512xf32>
      %reduce_sum3A_563 = arith.constant dense<0.000000e+00> : vector<512xf32>
      %reduce_sum3A_564 = vector.multi_reduction <add>, %get3A_562, %reduce_sum3A_563 [0] : vector<8x512xf32> to vector<512xf32>
      %broadcast_in_dim3A_565 = vector.shape_cast %reduce_sum3A_564 : vector<512xf32> to vector<1x512xf32>
      %swap3A_566 = arith.constant 0 : index
      %swap3A_567 = arith.constant 12 : index
      %swap3A_568 = arith.constant 0 : index
      %swap3A_569 = vector.load %arg5[%swap3A_566, %swap3A_567, %swap3A_568] : memref<1x24x512xf32, #tpu.memory_space<vmem>>, vector<1x1x512xf32>
      %swap3A_570 = vector.shape_cast %swap3A_569 : vector<1x1x512xf32> to vector<1x512xf32>
      %swap3A_571 = vector.shape_cast %broadcast_in_dim3A_565 : vector<1x512xf32> to vector<1x1x512xf32>
      tpu.vector_store %arg5[%swap3A_566, %swap3A_567, %swap3A_568], %swap3A_571 {strides = array<i32>} : memref<1x24x512xf32, #tpu.memory_space<vmem>>, vector<1x1x512xf32>,
      %get3A_572 = arith.constant 13 : index
      %get3A_573 = arith.constant 0 : index
      %get3A_574 = arith.constant 0 : index
      %get3A_575 = vector.load %arg6[%get3A_572, %get3A_573, %get3A_574] : memref<21x8x512xf32, #tpu.memory_space<vmem>>, vector<1x8x512xf32>
      %get3A_576 = vector.shape_cast %get3A_575 : vector<1x8x512xf32> to vector<8x512xf32>
      %reduce_sum3A_577 = arith.constant dense<0.000000e+00> : vector<512xf32>
      %reduce_sum3A_578 = vector.multi_reduction <add>, %get3A_576, %reduce_sum3A_577 [0] : vector<8x512xf32> to vector<512xf32>
      %broadcast_in_dim3A_579 = vector.shape_cast %reduce_sum3A_578 : vector<512xf32> to vector<1x512xf32>
      %swap3A_580 = arith.constant 0 : index
      %swap3A_581 = arith.constant 13 : index
      %swap3A_582 = arith.constant 0 : index
      %swap3A_583 = vector.load %arg5[%swap3A_580, %swap3A_581, %swap3A_582] : memref<1x24x512xf32, #tpu.memory_space<vmem>>, vector<1x1x512xf32>
      %swap3A_584 = vector.shape_cast %swap3A_583 : vector<1x1x512xf32> to vector<1x512xf32>
      %swap3A_585 = vector.shape_cast %broadcast_in_dim3A_579 : vector<1x512xf32> to vector<1x1x512xf32>
      tpu.vector_store %arg5[%swap3A_580, %swap3A_581, %swap3A_582], %swap3A_585 {strides = array<i32>} : memref<1x24x512xf32, #tpu.memory_space<vmem>>, vector<1x1x512xf32>,
      %get3A_586 = arith.constant 14 : index
      %get3A_587 = arith.constant 0 : index
      %get3A_588 = arith.constant 0 : index
      %get3A_589 = vector.load %arg6[%get3A_586, %get3A_587, %get3A_588] : memref<21x8x512xf32, #tpu.memory_space<vmem>>, vector<1x8x512xf32>
      %get3A_590 = vector.shape_cast %get3A_589 : vector<1x8x512xf32> to vector<8x512xf32>
      %reduce_sum3A_591 = arith.constant dense<0.000000e+00> : vector<512xf32>
      %reduce_sum3A_592 = vector.multi_reduction <add>, %get3A_590, %reduce_sum3A_591 [0] : vector<8x512xf32> to vector<512xf32>
      %broadcast_in_dim3A_593 = vector.shape_cast %reduce_sum3A_592 : vector<512xf32> to vector<1x512xf32>
      %swap3A_594 = arith.constant 0 : index
      %swap3A_595 = arith.constant 14 : index
      %swap3A_596 = arith.constant 0 : index
      %swap3A_597 = vector.load %arg5[%swap3A_594, %swap3A_595, %swap3A_596] : memref<1x24x512xf32, #tpu.memory_space<vmem>>, vector<1x1x512xf32>
      %swap3A_598 = vector.shape_cast %swap3A_597 : vector<1x1x512xf32> to vector<1x512xf32>
      %swap3A_599 = vector.shape_cast %broadcast_in_dim3A_593 : vector<1x512xf32> to vector<1x1x512xf32>
      tpu.vector_store %arg5[%swap3A_594, %swap3A_595, %swap3A_596], %swap3A_599 {strides = array<i32>} : memref<1x24x512xf32, #tpu.memory_space<vmem>>, vector<1x1x512xf32>,
      %get3A_600 = arith.constant 15 : index
      %get3A_601 = arith.constant 0 : index
      %get3A_602 = arith.constant 0 : index
      %get3A_603 = vector.load %arg6[%get3A_600, %get3A_601, %get3A_602] : memref<21x8x512xf32, #tpu.memory_space<vmem>>, vector<1x8x512xf32>
      %get3A_604 = vector.shape_cast %get3A_603 : vector<1x8x512xf32> to vector<8x512xf32>
      %reduce_sum3A_605 = arith.constant dense<0.000000e+00> : vector<512xf32>
      %reduce_sum3A_606 = vector.multi_reduction <add>, %get3A_604, %reduce_sum3A_605 [0] : vector<8x512xf32> to vector<512xf32>
      %broadcast_in_dim3A_607 = vector.shape_cast %reduce_sum3A_606 : vector<512xf32> to vector<1x512xf32>
      %swap3A_608 = arith.constant 0 : index
      %swap3A_609 = arith.constant 15 : index
      %swap3A_610 = arith.constant 0 : index
      %swap3A_611 = vector.load %arg5[%swap3A_608, %swap3A_609, %swap3A_610] : memref<1x24x512xf32, #tpu.memory_space<vmem>>, vector<1x1x512xf32>
      %swap3A_612 = vector.shape_cast %swap3A_611 : vector<1x1x512xf32> to vector<1x512xf32>
      %swap3A_613 = vector.shape_cast %broadcast_in_dim3A_607 : vector<1x512xf32> to vector<1x1x512xf32>
      tpu.vector_store %arg5[%swap3A_608, %swap3A_609, %swap3A_610], %swap3A_613 {strides = array<i32>} : memref<1x24x512xf32, #tpu.memory_space<vmem>>, vector<1x1x512xf32>,
      %get3A_614 = arith.constant 16 : index
      %get3A_615 = arith.constant 0 : index
      %get3A_616 = arith.constant 0 : index
      %get3A_617 = vector.load %arg6[%get3A_614, %get3A_615, %get3A_616] : memref<21x8x512xf32, #tpu.memory_space<vmem>>, vector<1x8x512xf32>
      %get3A_618 = vector.shape_cast %get3A_617 : vector<1x8x512xf32> to vector<8x512xf32>
      %reduce_sum3A_619 = arith.constant dense<0.000000e+00> : vector<512xf32>
      %reduce_sum3A_620 = vector.multi_reduction <add>, %get3A_618, %reduce_sum3A_619 [0] : vector<8x512xf32> to vector<512xf32>
      %broadcast_in_dim3A_621 = vector.shape_cast %reduce_sum3A_620 : vector<512xf32> to vector<1x512xf32>
      %swap3A_622 = arith.constant 0 : index
      %swap3A_623 = arith.constant 16 : index
      %swap3A_624 = arith.constant 0 : index
      %swap3A_625 = vector.load %arg5[%swap3A_622, %swap3A_623, %swap3A_624] : memref<1x24x512xf32, #tpu.memory_space<vmem>>, vector<1x1x512xf32>
      %swap3A_626 = vector.shape_cast %swap3A_625 : vector<1x1x512xf32> to vector<1x512xf32>
      %swap3A_627 = vector.shape_cast %broadcast_in_dim3A_621 : vector<1x512xf32> to vector<1x1x512xf32>
      tpu.vector_store %arg5[%swap3A_622, %swap3A_623, %swap3A_624], %swap3A_627 {strides = array<i32>} : memref<1x24x512xf32, #tpu.memory_space<vmem>>, vector<1x1x512xf32>,
      %get3A_628 = arith.constant 17 : index
      %get3A_629 = arith.constant 0 : index
      %get3A_630 = arith.constant 0 : index
      %get3A_631 = vector.load %arg6[%get3A_628, %get3A_629, %get3A_630] : memref<21x8x512xf32, #tpu.memory_space<vmem>>, vector<1x8x512xf32>
      %get3A_632 = vector.shape_cast %get3A_631 : vector<1x8x512xf32> to vector<8x512xf32>
      %reduce_sum3A_633 = arith.constant dense<0.000000e+00> : vector<512xf32>
      %reduce_sum3A_634 = vector.multi_reduction <add>, %get3A_632, %reduce_sum3A_633 [0] : vector<8x512xf32> to vector<512xf32>
      %broadcast_in_dim3A_635 = vector.shape_cast %reduce_sum3A_634 : vector<512xf32> to vector<1x512xf32>
      %swap3A_636 = arith.constant 0 : index
      %swap3A_637 = arith.constant 17 : index
      %swap3A_638 = arith.constant 0 : index
      %swap3A_639 = vector.load %arg5[%swap3A_636, %swap3A_637, %swap3A_638] : memref<1x24x512xf32, #tpu.memory_space<vmem>>, vector<1x1x512xf32>
      %swap3A_640 = vector.shape_cast %swap3A_639 : vector<1x1x512xf32> to vector<1x512xf32>
      %swap3A_641 = vector.shape_cast %broadcast_in_dim3A_635 : vector<1x512xf32> to vector<1x1x512xf32>
      tpu.vector_store %arg5[%swap3A_636, %swap3A_637, %swap3A_638], %swap3A_641 {strides = array<i32>} : memref<1x24x512xf32, #tpu.memory_space<vmem>>, vector<1x1x512xf32>,
      %get3A_642 = arith.constant 18 : index
      %get3A_643 = arith.constant 0 : index
      %get3A_644 = arith.constant 0 : index
      %get3A_645 = vector.load %arg6[%get3A_642, %get3A_643, %get3A_644] : memref<21x8x512xf32, #tpu.memory_space<vmem>>, vector<1x8x512xf32>
      %get3A_646 = vector.shape_cast %get3A_645 : vector<1x8x512xf32> to vector<8x512xf32>
      %reduce_sum3A_647 = arith.constant dense<0.000000e+00> : vector<512xf32>
      %reduce_sum3A_648 = vector.multi_reduction <add>, %get3A_646, %reduce_sum3A_647 [0] : vector<8x512xf32> to vector<512xf32>
      %broadcast_in_dim3A_649 = vector.shape_cast %reduce_sum3A_648 : vector<512xf32> to vector<1x512xf32>
      %swap3A_650 = arith.constant 0 : index
      %swap3A_651 = arith.constant 18 : index
      %swap3A_652 = arith.constant 0 : index
      %swap3A_653 = vector.load %arg5[%swap3A_650, %swap3A_651, %swap3A_652] : memref<1x24x512xf32, #tpu.memory_space<vmem>>, vector<1x1x512xf32>
      %swap3A_654 = vector.shape_cast %swap3A_653 : vector<1x1x512xf32> to vector<1x512xf32>
      %swap3A_655 = vector.shape_cast %broadcast_in_dim3A_649 : vector<1x512xf32> to vector<1x1x512xf32>
      tpu.vector_store %arg5[%swap3A_650, %swap3A_651, %swap3A_652], %swap3A_655 {strides = array<i32>} : memref<1x24x512xf32, #tpu.memory_space<vmem>>, vector<1x1x512xf32>,
      %get3A_656 = arith.constant 19 : index
      %get3A_657 = arith.constant 0 : index
      %get3A_658 = arith.constant 0 : index
      %get3A_659 = vector.load %arg6[%get3A_656, %get3A_657, %get3A_658] : memref<21x8x512xf32, #tpu.memory_space<vmem>>, vector<1x8x512xf32>
      %get3A_660 = vector.shape_cast %get3A_659 : vector<1x8x512xf32> to vector<8x512xf32>
      %reduce_sum3A_661 = arith.constant dense<0.000000e+00> : vector<512xf32>
      %reduce_sum3A_662 = vector.multi_reduction <add>, %get3A_660, %reduce_sum3A_661 [0] : vector<8x512xf32> to vector<512xf32>
      %broadcast_in_dim3A_663 = vector.shape_cast %reduce_sum3A_662 : vector<512xf32> to vector<1x512xf32>
      %swap3A_664 = arith.constant 0 : index
      %swap3A_665 = arith.constant 19 : index
      %swap3A_666 = arith.constant 0 : index
      %swap3A_667 = vector.load %arg5[%swap3A_664, %swap3A_665, %swap3A_666] : memref<1x24x512xf32, #tpu.memory_space<vmem>>, vector<1x1x512xf32>
      %swap3A_668 = vector.shape_cast %swap3A_667 : vector<1x1x512xf32> to vector<1x512xf32>
      %swap3A_669 = vector.shape_cast %broadcast_in_dim3A_663 : vector<1x512xf32> to vector<1x1x512xf32>
      tpu.vector_store %arg5[%swap3A_664, %swap3A_665, %swap3A_666], %swap3A_669 {strides = array<i32>} : memref<1x24x512xf32, #tpu.memory_space<vmem>>, vector<1x1x512xf32>,
      %get3A_670 = arith.constant 20 : index
      %get3A_671 = arith.constant 0 : index
      %get3A_672 = arith.constant 0 : index
      %get3A_673 = vector.load %arg6[%get3A_670, %get3A_671, %get3A_672] : memref<21x8x512xf32, #tpu.memory_space<vmem>>, vector<1x8x512xf32>
      %get3A_674 = vector.shape_cast %get3A_673 : vector<1x8x512xf32> to vector<8x512xf32>
      %reduce_sum3A_675 = arith.constant dense<0.000000e+00> : vector<512xf32>
      %reduce_sum3A_676 = vector.multi_reduction <add>, %get3A_674, %reduce_sum3A_675 [0] : vector<8x512xf32> to vector<512xf32>
      %broadcast_in_dim3A_677 = vector.shape_cast %reduce_sum3A_676 : vector<512xf32> to vector<1x512xf32>
      %swap3A_678 = arith.constant 0 : index
      %swap3A_679 = arith.constant 20 : index
      %swap3A_680 = arith.constant 0 : index
      %swap3A_681 = vector.load %arg5[%swap3A_678, %swap3A_679, %swap3A_680] : memref<1x24x512xf32, #tpu.memory_space<vmem>>, vector<1x1x512xf32>
      %swap3A_682 = vector.shape_cast %swap3A_681 : vector<1x1x512xf32> to vector<1x512xf32>
      %swap3A_683 = vector.shape_cast %broadcast_in_dim3A_677 : vector<1x512xf32> to vector<1x1x512xf32>
      tpu.vector_store %arg5[%swap3A_678, %swap3A_679, %swap3A_680], %swap3A_683 {strides = array<i32>} : memref<1x24x512xf32, #tpu.memory_space<vmem>>, vector<1x1x512xf32>,
      %broadcast_in_dim3A_684 = arith.constant 0.000000e+00 : f32
      %broadcast_in_dim3A_685 = vector.broadcast %broadcast_in_dim3A_684 : f32 to vector<1x512xf32>
      %swap3A_686 = arith.constant 0 : index
      %swap3A_687 = arith.constant 21 : index
      %swap3A_688 = arith.constant 0 : index
      %swap3A_689 = vector.load %arg5[%swap3A_686, %swap3A_687, %swap3A_688] : memref<1x24x512xf32, #tpu.memory_space<vmem>>, vector<1x1x512xf32>
      %swap3A_690 = vector.shape_cast %swap3A_689 : vector<1x1x512xf32> to vector<1x512xf32>
      %swap3A_691 = vector.shape_cast %broadcast_in_dim3A_685 : vector<1x512xf32> to vector<1x1x512xf32>
      tpu.vector_store %arg5[%swap3A_686, %swap3A_687, %swap3A_688], %swap3A_691 {strides = array<i32>} : memref<1x24x512xf32, #tpu.memory_space<vmem>>, vector<1x1x512xf32>,
      %broadcast_in_dim3A_692 = arith.constant 0.000000e+00 : f32
      %broadcast_in_dim3A_693 = vector.broadcast %broadcast_in_dim3A_692 : f32 to vector<1x512xf32>
      %swap3A_694 = arith.constant 0 : index
      %swap3A_695 = arith.constant 22 : index
      %swap3A_696 = arith.constant 0 : index
      %swap3A_697 = vector.load %arg5[%swap3A_694, %swap3A_695, %swap3A_696] : memref<1x24x512xf32, #tpu.memory_space<vmem>>, vector<1x1x512xf32>
      %swap3A_698 = vector.shape_cast %swap3A_697 : vector<1x1x512xf32> to vector<1x512xf32>
      %swap3A_699 = vector.shape_cast %broadcast_in_dim3A_693 : vector<1x512xf32> to vector<1x1x512xf32>
      tpu.vector_store %arg5[%swap3A_694, %swap3A_695, %swap3A_696], %swap3A_699 {strides = array<i32>} : memref<1x24x512xf32, #tpu.memory_space<vmem>>, vector<1x1x512xf32>,
      %broadcast_in_dim3A_700 = arith.constant 0.000000e+00 : f32
      %broadcast_in_dim3A_701 = vector.broadcast %broadcast_in_dim3A_700 : f32 to vector<1x512xf32>
      %swap3A_702 = arith.constant 0 : index
      %swap3A_703 = arith.constant 23 : index
      %swap3A_704 = arith.constant 0 : index
      %swap3A_705 = vector.load %arg5[%swap3A_702, %swap3A_703, %swap3A_704] : memref<1x24x512xf32, #tpu.memory_space<vmem>>, vector<1x1x512xf32>
      %swap3A_706 = vector.shape_cast %swap3A_705 : vector<1x1x512xf32> to vector<1x512xf32>
      %swap3A_707 = vector.shape_cast %broadcast_in_dim3A_701 : vector<1x512xf32> to vector<1x1x512xf32>
      tpu.vector_store %arg5[%swap3A_702, %swap3A_703, %swap3A_704], %swap3A_707 {strides = array<i32>} : memref<1x24x512xf32, #tpu.memory_space<vmem>>, vector<1x1x512xf32>,
    } else {
    }
    return
  }
  func.func @transform_0(%arg0: i32, %arg1: i32) -> (i32, i32, i32, i32) {
    %c0_i32 = arith.constant 0 : i32
    %c0_i32_0 = arith.constant 0 : i32
    %c0_i32_1 = arith.constant 0 : i32
    return %arg0, %c0_i32, %arg1, %c0_i32_0 : i32, i32, i32, i32
  }
  func.func @transform_1(%arg0: i32, %arg1: i32) -> (i32, i32, i32, i32) {
    %c0_i32 = arith.constant 0 : i32
    %c0_i32_0 = arith.constant 0 : i32
    %c0_i32_1 = arith.constant 0 : i32
    return %arg0, %c0_i32, %arg1, %c0_i32_0 : i32, i32, i32, i32
  }
  func.func @transform_2(%arg0: i32, %arg1: i32) -> (i32, i32, i32, i32) {
    %c0_i32 = arith.constant 0 : i32
    %c0_i32_0 = arith.constant 0 : i32
    %c0_i32_1 = arith.constant 0 : i32
    return %arg0, %c0_i32, %arg1, %c0_i32_0 : i32, i32, i32, i32
  }
  func.func @transform_3(%arg0: i32, %arg1: i32) -> (i32, i32, i32) {
    %c0_i32 = arith.constant 0 : i32
    %c0_i32_0 = arith.constant 0 : i32
    %c0_i32_1 = arith.constant 0 : i32
    return %arg0, %c0_i32, %c0_i32_0 : i32, i32, i32
  }
}

module attributes {stable_mosaic.version = 14 : i64} {
  func.func @_lambda_(%arg0: i32, %arg1: i32, %arg2: memref<1x2x256x512xf32, #tpu.memory_space<vmem>>, %arg3: memref<1x1x256x512xi32, #tpu.memory_space<vmem>>, %arg4: memref<1x8x24x16xf32, #tpu.memory_space<vmem>>, %arg5: memref<1x24x512xf32, #tpu.memory_space<vmem>>, %arg6: memref<1x1xf32, #tpu.memory_space<vmem>>) attributes {dimension_semantics = [#tpu.dimension_semantics<arbitrary>, #tpu.dimension_semantics<arbitrary>], iteration_bounds = array<i64: 8, 2>, scalar_prefetch = 0 : i64, scratch_operands = 0 : i64, tpu.core_type = #tpu.core_type<tc>, window_params = [{transform_indices = @transform_0, window_bounds = array<i64: 1, 2, 256, 512>}, {transform_indices = @transform_1, window_bounds = array<i64: 1, 1, 256, 512>}, {transform_indices = @transform_2, window_bounds = array<i64: 1, 8, 24, 16>}, {transform_indices = @transform_3, window_bounds = array<i64: 1, 24, 512>}, {pipeline_mode = #tpu.pipeline_mode<synchronous>, transform_indices = @transform_4, window_bounds = array<i64: 1, 1>}]} {
    %lt3A = arith.constant 4 : i32
    %lt3A_0 = arith.cmpi slt, %arg0, %lt3A : i32
    %jit3A = arith.constant 1.000000e+00 : f32
    %jit3A_1 = arith.constant 0.000000e+00 : f32
    %select_n3A = arith.select %lt3A_0, %jit3A, %jit3A_1 : f32
    %sub3A = arith.constant 1.000000e+00 : f32
    %sub3A_2 = arith.subf %sub3A, %select_n3A : f32
    %get3A = arith.constant 0 : index
    %get3A_3 = arith.constant 0 : index
    %get3A_4 = arith.constant 0 : index
    %get3A_5 = arith.constant 0 : index
    %get3A_6 = vector.load %arg4[%get3A, %get3A_3, %get3A_4, %get3A_5] : memref<1x8x24x16xf32, #tpu.memory_space<vmem>>, vector<1x8x1x16xf32>
    %get3A_7 = vector.shape_cast %get3A_6 : vector<1x8x1x16xf32> to vector<8x16xf32>
    %reduce_sum3A = vector.shape_cast %get3A_7 : vector<8x16xf32> to vector<1x8x16xf32>
    %reduce_sum3A_8 = arith.constant dense<0.000000e+00> : vector<1xf32>
    %reduce_sum3A_9 = vector.multi_reduction <add>, %reduce_sum3A, %reduce_sum3A_8 [1, 2] : vector<1x8x16xf32> to vector<1xf32>
    %reduce_sum3A_10 = vector.shape_cast %reduce_sum3A_9 : vector<1xf32> to vector<1x1x1xf32>
    %reduce_sum3A_11 = vector.extract %reduce_sum3A_10[0, 0, 0] : f32 from vector<1x1x1xf32>
    %broadcast_in_dim3A = vector.broadcast %reduce_sum3A_11 : f32 to vector<1x1xf32>
    %mul3A = vector.broadcast %sub3A_2 : f32 to vector<1x1xf32>
    %mul3A_12 = arith.mulf %mul3A, %broadcast_in_dim3A : vector<1x1xf32>
    %get3A_13 = arith.constant 0 : index
    %get3A_14 = arith.constant 0 : index
    %get3A_15 = arith.constant 0 : index
    %get3A_16 = vector.load %arg5[%get3A_13, %get3A_14, %get3A_15] : memref<1x24x512xf32, #tpu.memory_space<vmem>>, vector<1x1x512xf32>
    %get3A_17 = vector.shape_cast %get3A_16 : vector<1x1x512xf32> to vector<1x512xf32>
    %reduce_sum3A_18 = vector.shape_cast %get3A_17 : vector<1x512xf32> to vector<1x1x512xf32>
    %reduce_sum3A_19 = arith.constant dense<0.000000e+00> : vector<1xf32>
    %reduce_sum3A_20 = vector.multi_reduction <add>, %reduce_sum3A_18, %reduce_sum3A_19 [1, 2] : vector<1x1x512xf32> to vector<1xf32>
    %reduce_sum3A_21 = vector.shape_cast %reduce_sum3A_20 : vector<1xf32> to vector<1x1x1xf32>
    %reduce_sum3A_22 = vector.extract %reduce_sum3A_21[0, 0, 0] : f32 from vector<1x1x1xf32>
    %broadcast_in_dim3A_23 = vector.broadcast %reduce_sum3A_22 : f32 to vector<1x1xf32>
    %mul3A_24 = vector.broadcast %select_n3A : f32 to vector<1x1xf32>
    %mul3A_25 = arith.mulf %mul3A_24, %broadcast_in_dim3A_23 : vector<1x1xf32>
    %add3A = arith.addf %mul3A_12, %mul3A_25 : vector<1x1xf32>
    %get3A_26 = arith.constant 0 : index
    %get3A_27 = arith.constant 0 : index
    %get3A_28 = arith.constant 1 : index
    %get3A_29 = arith.constant 0 : index
    %get3A_30 = vector.load %arg4[%get3A_26, %get3A_27, %get3A_28, %get3A_29] : memref<1x8x24x16xf32, #tpu.memory_space<vmem>>, vector<1x8x1x16xf32>
    %get3A_31 = vector.shape_cast %get3A_30 : vector<1x8x1x16xf32> to vector<8x16xf32>
    %reduce_sum3A_32 = vector.shape_cast %get3A_31 : vector<8x16xf32> to vector<1x8x16xf32>
    %reduce_sum3A_33 = arith.constant dense<0.000000e+00> : vector<1xf32>
    %reduce_sum3A_34 = vector.multi_reduction <add>, %reduce_sum3A_32, %reduce_sum3A_33 [1, 2] : vector<1x8x16xf32> to vector<1xf32>
    %reduce_sum3A_35 = vector.shape_cast %reduce_sum3A_34 : vector<1xf32> to vector<1x1x1xf32>
    %reduce_sum3A_36 = vector.extract %reduce_sum3A_35[0, 0, 0] : f32 from vector<1x1x1xf32>
    %broadcast_in_dim3A_37 = vector.broadcast %reduce_sum3A_36 : f32 to vector<1x1xf32>
    %mul3A_38 = vector.broadcast %sub3A_2 : f32 to vector<1x1xf32>
    %mul3A_39 = arith.mulf %mul3A_38, %broadcast_in_dim3A_37 : vector<1x1xf32>
    %get3A_40 = arith.constant 0 : index
    %get3A_41 = arith.constant 1 : index
    %get3A_42 = arith.constant 0 : index
    %get3A_43 = vector.load %arg5[%get3A_40, %get3A_41, %get3A_42] : memref<1x24x512xf32, #tpu.memory_space<vmem>>, vector<1x1x512xf32>
    %get3A_44 = vector.shape_cast %get3A_43 : vector<1x1x512xf32> to vector<1x512xf32>
    %reduce_sum3A_45 = vector.shape_cast %get3A_44 : vector<1x512xf32> to vector<1x1x512xf32>
    %reduce_sum3A_46 = arith.constant dense<0.000000e+00> : vector<1xf32>
    %reduce_sum3A_47 = vector.multi_reduction <add>, %reduce_sum3A_45, %reduce_sum3A_46 [1, 2] : vector<1x1x512xf32> to vector<1xf32>
    %reduce_sum3A_48 = vector.shape_cast %reduce_sum3A_47 : vector<1xf32> to vector<1x1x1xf32>
    %reduce_sum3A_49 = vector.extract %reduce_sum3A_48[0, 0, 0] : f32 from vector<1x1x1xf32>
    %broadcast_in_dim3A_50 = vector.broadcast %reduce_sum3A_49 : f32 to vector<1x1xf32>
    %mul3A_51 = vector.broadcast %select_n3A : f32 to vector<1x1xf32>
    %mul3A_52 = arith.mulf %mul3A_51, %broadcast_in_dim3A_50 : vector<1x1xf32>
    %add3A_53 = arith.addf %mul3A_39, %mul3A_52 : vector<1x1xf32>
    %add3A_54 = arith.constant 1.000000e-10 : f32
    %add3A_55 = vector.broadcast %add3A_54 : f32 to vector<1x1xf32>
    %add3A_56 = arith.addf %add3A_53, %add3A_55 : vector<1x1xf32>
    %div3A = arith.divf %add3A_53, %add3A : vector<1x1xf32>
    %get3A_57 = arith.constant 0 : index
    %get3A_58 = arith.constant 0 : index
    %get3A_59 = arith.constant 2 : index
    %get3A_60 = arith.constant 0 : index
    %get3A_61 = vector.load %arg4[%get3A_57, %get3A_58, %get3A_59, %get3A_60] : memref<1x8x24x16xf32, #tpu.memory_space<vmem>>, vector<1x8x1x16xf32>
    %get3A_62 = vector.shape_cast %get3A_61 : vector<1x8x1x16xf32> to vector<8x16xf32>
    %reduce_sum3A_63 = vector.shape_cast %get3A_62 : vector<8x16xf32> to vector<1x8x16xf32>
    %reduce_sum3A_64 = arith.constant dense<0.000000e+00> : vector<1xf32>
    %reduce_sum3A_65 = vector.multi_reduction <add>, %reduce_sum3A_63, %reduce_sum3A_64 [1, 2] : vector<1x8x16xf32> to vector<1xf32>
    %reduce_sum3A_66 = vector.shape_cast %reduce_sum3A_65 : vector<1xf32> to vector<1x1x1xf32>
    %reduce_sum3A_67 = vector.extract %reduce_sum3A_66[0, 0, 0] : f32 from vector<1x1x1xf32>
    %broadcast_in_dim3A_68 = vector.broadcast %reduce_sum3A_67 : f32 to vector<1x1xf32>
    %mul3A_69 = vector.broadcast %sub3A_2 : f32 to vector<1x1xf32>
    %mul3A_70 = arith.mulf %mul3A_69, %broadcast_in_dim3A_68 : vector<1x1xf32>
    %get3A_71 = arith.constant 0 : index
    %get3A_72 = arith.constant 2 : index
    %get3A_73 = arith.constant 0 : index
    %get3A_74 = vector.load %arg5[%get3A_71, %get3A_72, %get3A_73] : memref<1x24x512xf32, #tpu.memory_space<vmem>>, vector<1x1x512xf32>
    %get3A_75 = vector.shape_cast %get3A_74 : vector<1x1x512xf32> to vector<1x512xf32>
    %reduce_sum3A_76 = vector.shape_cast %get3A_75 : vector<1x512xf32> to vector<1x1x512xf32>
    %reduce_sum3A_77 = arith.constant dense<0.000000e+00> : vector<1xf32>
    %reduce_sum3A_78 = vector.multi_reduction <add>, %reduce_sum3A_76, %reduce_sum3A_77 [1, 2] : vector<1x1x512xf32> to vector<1xf32>
    %reduce_sum3A_79 = vector.shape_cast %reduce_sum3A_78 : vector<1xf32> to vector<1x1x1xf32>
    %reduce_sum3A_80 = vector.extract %reduce_sum3A_79[0, 0, 0] : f32 from vector<1x1x1xf32>
    %broadcast_in_dim3A_81 = vector.broadcast %reduce_sum3A_80 : f32 to vector<1x1xf32>
    %mul3A_82 = vector.broadcast %select_n3A : f32 to vector<1x1xf32>
    %mul3A_83 = arith.mulf %mul3A_82, %broadcast_in_dim3A_81 : vector<1x1xf32>
    %add3A_84 = arith.addf %mul3A_70, %mul3A_83 : vector<1x1xf32>
    %get3A_85 = arith.constant 0 : index
    %get3A_86 = arith.constant 0 : index
    %get3A_87 = arith.constant 4 : index
    %get3A_88 = arith.constant 0 : index
    %get3A_89 = vector.load %arg4[%get3A_85, %get3A_86, %get3A_87, %get3A_88] : memref<1x8x24x16xf32, #tpu.memory_space<vmem>>, vector<1x8x1x16xf32>
    %get3A_90 = vector.shape_cast %get3A_89 : vector<1x8x1x16xf32> to vector<8x16xf32>
    %reduce_sum3A_91 = vector.shape_cast %get3A_90 : vector<8x16xf32> to vector<1x8x16xf32>
    %reduce_sum3A_92 = arith.constant dense<0.000000e+00> : vector<1xf32>
    %reduce_sum3A_93 = vector.multi_reduction <add>, %reduce_sum3A_91, %reduce_sum3A_92 [1, 2] : vector<1x8x16xf32> to vector<1xf32>
    %reduce_sum3A_94 = vector.shape_cast %reduce_sum3A_93 : vector<1xf32> to vector<1x1x1xf32>
    %reduce_sum3A_95 = vector.extract %reduce_sum3A_94[0, 0, 0] : f32 from vector<1x1x1xf32>
    %broadcast_in_dim3A_96 = vector.broadcast %reduce_sum3A_95 : f32 to vector<1x1xf32>
    %mul3A_97 = vector.broadcast %sub3A_2 : f32 to vector<1x1xf32>
    %mul3A_98 = arith.mulf %mul3A_97, %broadcast_in_dim3A_96 : vector<1x1xf32>
    %get3A_99 = arith.constant 0 : index
    %get3A_100 = arith.constant 4 : index
    %get3A_101 = arith.constant 0 : index
    %get3A_102 = vector.load %arg5[%get3A_99, %get3A_100, %get3A_101] : memref<1x24x512xf32, #tpu.memory_space<vmem>>, vector<1x1x512xf32>
    %get3A_103 = vector.shape_cast %get3A_102 : vector<1x1x512xf32> to vector<1x512xf32>
    %reduce_sum3A_104 = vector.shape_cast %get3A_103 : vector<1x512xf32> to vector<1x1x512xf32>
    %reduce_sum3A_105 = arith.constant dense<0.000000e+00> : vector<1xf32>
    %reduce_sum3A_106 = vector.multi_reduction <add>, %reduce_sum3A_104, %reduce_sum3A_105 [1, 2] : vector<1x1x512xf32> to vector<1xf32>
    %reduce_sum3A_107 = vector.shape_cast %reduce_sum3A_106 : vector<1xf32> to vector<1x1x1xf32>
    %reduce_sum3A_108 = vector.extract %reduce_sum3A_107[0, 0, 0] : f32 from vector<1x1x1xf32>
    %broadcast_in_dim3A_109 = vector.broadcast %reduce_sum3A_108 : f32 to vector<1x1xf32>
    %mul3A_110 = vector.broadcast %select_n3A : f32 to vector<1x1xf32>
    %mul3A_111 = arith.mulf %mul3A_110, %broadcast_in_dim3A_109 : vector<1x1xf32>
    %add3A_112 = arith.addf %mul3A_98, %mul3A_111 : vector<1x1xf32>
    %div3A_113 = arith.divf %add3A_84, %add3A_56 : vector<1x1xf32>
    %mul3A_114 = arith.constant 2.000000e+00 : f32
    %mul3A_115 = vector.broadcast %mul3A_114 : f32 to vector<1x1xf32>
    %mul3A_116 = arith.mulf %mul3A_115, %div3A_113 : vector<1x1xf32>
    %mul3A_117 = arith.mulf %mul3A_116, %add3A_84 : vector<1x1xf32>
    %sub3A_118 = arith.subf %add3A_112, %mul3A_117 : vector<1x1xf32>
    %mul3A_119 = arith.mulf %div3A_113, %div3A_113 : vector<1x1xf32>
    %mul3A_120 = arith.mulf %mul3A_119, %add3A_53 : vector<1x1xf32>
    %add3A_121 = arith.addf %sub3A_118, %mul3A_120 : vector<1x1xf32>
    %max3A = arith.constant 0.000000e+00 : f32
    %max3A_122 = vector.broadcast %max3A : f32 to vector<1x1xf32>
    %max3A_123 = arith.maximumf %add3A_121, %max3A_122 : vector<1x1xf32>
    %div3A_124 = arith.divf %max3A_123, %add3A_56 : vector<1x1xf32>
    %add3A_125 = arith.constant 1.000000e-10 : f32
    %add3A_126 = vector.broadcast %add3A_125 : f32 to vector<1x1xf32>
    %add3A_127 = arith.addf %div3A_124, %add3A_126 : vector<1x1xf32>
    %div3A_128 = arith.constant -5.000000e-01 : f32
    %div3A_129 = vector.broadcast %div3A_128 : f32 to vector<1x1xf32>
    %div3A_130 = arith.divf %div3A_129, %add3A_127 : vector<1x1xf32>
    %get3A_131 = arith.constant 0 : index
    %get3A_132 = arith.constant 0 : index
    %get3A_133 = arith.constant 3 : index
    %get3A_134 = arith.constant 0 : index
    %get3A_135 = vector.load %arg4[%get3A_131, %get3A_132, %get3A_133, %get3A_134] : memref<1x8x24x16xf32, #tpu.memory_space<vmem>>, vector<1x8x1x16xf32>
    %get3A_136 = vector.shape_cast %get3A_135 : vector<1x8x1x16xf32> to vector<8x16xf32>
    %reduce_sum3A_137 = vector.shape_cast %get3A_136 : vector<8x16xf32> to vector<1x8x16xf32>
    %reduce_sum3A_138 = arith.constant dense<0.000000e+00> : vector<1xf32>
    %reduce_sum3A_139 = vector.multi_reduction <add>, %reduce_sum3A_137, %reduce_sum3A_138 [1, 2] : vector<1x8x16xf32> to vector<1xf32>
    %reduce_sum3A_140 = vector.shape_cast %reduce_sum3A_139 : vector<1xf32> to vector<1x1x1xf32>
    %reduce_sum3A_141 = vector.extract %reduce_sum3A_140[0, 0, 0] : f32 from vector<1x1x1xf32>
    %broadcast_in_dim3A_142 = vector.broadcast %reduce_sum3A_141 : f32 to vector<1x1xf32>
    %mul3A_143 = vector.broadcast %sub3A_2 : f32 to vector<1x1xf32>
    %mul3A_144 = arith.mulf %mul3A_143, %broadcast_in_dim3A_142 : vector<1x1xf32>
    %get3A_145 = arith.constant 0 : index
    %get3A_146 = arith.constant 3 : index
    %get3A_147 = arith.constant 0 : index
    %get3A_148 = vector.load %arg5[%get3A_145, %get3A_146, %get3A_147] : memref<1x24x512xf32, #tpu.memory_space<vmem>>, vector<1x1x512xf32>
    %get3A_149 = vector.shape_cast %get3A_148 : vector<1x1x512xf32> to vector<1x512xf32>
    %reduce_sum3A_150 = vector.shape_cast %get3A_149 : vector<1x512xf32> to vector<1x1x512xf32>
    %reduce_sum3A_151 = arith.constant dense<0.000000e+00> : vector<1xf32>
    %reduce_sum3A_152 = vector.multi_reduction <add>, %reduce_sum3A_150, %reduce_sum3A_151 [1, 2] : vector<1x1x512xf32> to vector<1xf32>
    %reduce_sum3A_153 = vector.shape_cast %reduce_sum3A_152 : vector<1xf32> to vector<1x1x1xf32>
    %reduce_sum3A_154 = vector.extract %reduce_sum3A_153[0, 0, 0] : f32 from vector<1x1x1xf32>
    %broadcast_in_dim3A_155 = vector.broadcast %reduce_sum3A_154 : f32 to vector<1x1xf32>
    %mul3A_156 = vector.broadcast %select_n3A : f32 to vector<1x1xf32>
    %mul3A_157 = arith.mulf %mul3A_156, %broadcast_in_dim3A_155 : vector<1x1xf32>
    %add3A_158 = arith.addf %mul3A_144, %mul3A_157 : vector<1x1xf32>
    %get3A_159 = arith.constant 0 : index
    %get3A_160 = arith.constant 0 : index
    %get3A_161 = arith.constant 5 : index
    %get3A_162 = arith.constant 0 : index
    %get3A_163 = vector.load %arg4[%get3A_159, %get3A_160, %get3A_161, %get3A_162] : memref<1x8x24x16xf32, #tpu.memory_space<vmem>>, vector<1x8x1x16xf32>
    %get3A_164 = vector.shape_cast %get3A_163 : vector<1x8x1x16xf32> to vector<8x16xf32>
    %reduce_sum3A_165 = vector.shape_cast %get3A_164 : vector<8x16xf32> to vector<1x8x16xf32>
    %reduce_sum3A_166 = arith.constant dense<0.000000e+00> : vector<1xf32>
    %reduce_sum3A_167 = vector.multi_reduction <add>, %reduce_sum3A_165, %reduce_sum3A_166 [1, 2] : vector<1x8x16xf32> to vector<1xf32>
    %reduce_sum3A_168 = vector.shape_cast %reduce_sum3A_167 : vector<1xf32> to vector<1x1x1xf32>
    %reduce_sum3A_169 = vector.extract %reduce_sum3A_168[0, 0, 0] : f32 from vector<1x1x1xf32>
    %broadcast_in_dim3A_170 = vector.broadcast %reduce_sum3A_169 : f32 to vector<1x1xf32>
    %mul3A_171 = vector.broadcast %sub3A_2 : f32 to vector<1x1xf32>
    %mul3A_172 = arith.mulf %mul3A_171, %broadcast_in_dim3A_170 : vector<1x1xf32>
    %get3A_173 = arith.constant 0 : index
    %get3A_174 = arith.constant 5 : index
    %get3A_175 = arith.constant 0 : index
    %get3A_176 = vector.load %arg5[%get3A_173, %get3A_174, %get3A_175] : memref<1x24x512xf32, #tpu.memory_space<vmem>>, vector<1x1x512xf32>
    %get3A_177 = vector.shape_cast %get3A_176 : vector<1x1x512xf32> to vector<1x512xf32>
    %reduce_sum3A_178 = vector.shape_cast %get3A_177 : vector<1x512xf32> to vector<1x1x512xf32>
    %reduce_sum3A_179 = arith.constant dense<0.000000e+00> : vector<1xf32>
    %reduce_sum3A_180 = vector.multi_reduction <add>, %reduce_sum3A_178, %reduce_sum3A_179 [1, 2] : vector<1x1x512xf32> to vector<1xf32>
    %reduce_sum3A_181 = vector.shape_cast %reduce_sum3A_180 : vector<1xf32> to vector<1x1x1xf32>
    %reduce_sum3A_182 = vector.extract %reduce_sum3A_181[0, 0, 0] : f32 from vector<1x1x1xf32>
    %broadcast_in_dim3A_183 = vector.broadcast %reduce_sum3A_182 : f32 to vector<1x1xf32>
    %mul3A_184 = vector.broadcast %select_n3A : f32 to vector<1x1xf32>
    %mul3A_185 = arith.mulf %mul3A_184, %broadcast_in_dim3A_183 : vector<1x1xf32>
    %add3A_186 = arith.addf %mul3A_172, %mul3A_185 : vector<1x1xf32>
    %div3A_187 = arith.divf %add3A_158, %add3A_56 : vector<1x1xf32>
    %mul3A_188 = arith.constant 2.000000e+00 : f32
    %mul3A_189 = vector.broadcast %mul3A_188 : f32 to vector<1x1xf32>
    %mul3A_190 = arith.mulf %mul3A_189, %div3A_187 : vector<1x1xf32>
    %mul3A_191 = arith.mulf %mul3A_190, %add3A_158 : vector<1x1xf32>
    %sub3A_192 = arith.subf %add3A_186, %mul3A_191 : vector<1x1xf32>
    %mul3A_193 = arith.mulf %div3A_187, %div3A_187 : vector<1x1xf32>
    %mul3A_194 = arith.mulf %mul3A_193, %add3A_53 : vector<1x1xf32>
    %add3A_195 = arith.addf %sub3A_192, %mul3A_194 : vector<1x1xf32>
    %max3A_196 = arith.constant 0.000000e+00 : f32
    %max3A_197 = vector.broadcast %max3A_196 : f32 to vector<1x1xf32>
    %max3A_198 = arith.maximumf %add3A_195, %max3A_197 : vector<1x1xf32>
    %div3A_199 = arith.divf %max3A_198, %add3A_56 : vector<1x1xf32>
    %add3A_200 = arith.constant 1.000000e-10 : f32
    %add3A_201 = vector.broadcast %add3A_200 : f32 to vector<1x1xf32>
    %add3A_202 = arith.addf %div3A_199, %add3A_201 : vector<1x1xf32>
    %div3A_203 = arith.constant -5.000000e-01 : f32
    %div3A_204 = vector.broadcast %div3A_203 : f32 to vector<1x1xf32>
    %div3A_205 = arith.divf %div3A_204, %add3A_202 : vector<1x1xf32>
    %mul3A_206 = arith.mulf %add3A_127, %add3A_202 : vector<1x1xf32>
    %mul3A_207 = arith.constant 0.159154937 : f32
    %mul3A_208 = vector.broadcast %mul3A_207 : f32 to vector<1x1xf32>
    %mul3A_209 = arith.mulf %div3A, %mul3A_208 : vector<1x1xf32>
    %rsqrt3A = math.rsqrt %mul3A_206 : vector<1x1xf32>
    %mul3A_210 = arith.mulf %mul3A_209, %rsqrt3A : vector<1x1xf32>
    %get3A_211 = arith.constant 0 : index
    %get3A_212 = arith.constant 0 : index
    %get3A_213 = arith.constant 6 : index
    %get3A_214 = arith.constant 0 : index
    %get3A_215 = vector.load %arg4[%get3A_211, %get3A_212, %get3A_213, %get3A_214] : memref<1x8x24x16xf32, #tpu.memory_space<vmem>>, vector<1x8x1x16xf32>
    %get3A_216 = vector.shape_cast %get3A_215 : vector<1x8x1x16xf32> to vector<8x16xf32>
    %reduce_sum3A_217 = vector.shape_cast %get3A_216 : vector<8x16xf32> to vector<1x8x16xf32>
    %reduce_sum3A_218 = arith.constant dense<0.000000e+00> : vector<1xf32>
    %reduce_sum3A_219 = vector.multi_reduction <add>, %reduce_sum3A_217, %reduce_sum3A_218 [1, 2] : vector<1x8x16xf32> to vector<1xf32>
    %reduce_sum3A_220 = vector.shape_cast %reduce_sum3A_219 : vector<1xf32> to vector<1x1x1xf32>
    %reduce_sum3A_221 = vector.extract %reduce_sum3A_220[0, 0, 0] : f32 from vector<1x1x1xf32>
    %broadcast_in_dim3A_222 = vector.broadcast %reduce_sum3A_221 : f32 to vector<1x1xf32>
    %mul3A_223 = vector.broadcast %sub3A_2 : f32 to vector<1x1xf32>
    %mul3A_224 = arith.mulf %mul3A_223, %broadcast_in_dim3A_222 : vector<1x1xf32>
    %get3A_225 = arith.constant 0 : index
    %get3A_226 = arith.constant 6 : index
    %get3A_227 = arith.constant 0 : index
    %get3A_228 = vector.load %arg5[%get3A_225, %get3A_226, %get3A_227] : memref<1x24x512xf32, #tpu.memory_space<vmem>>, vector<1x1x512xf32>
    %get3A_229 = vector.shape_cast %get3A_228 : vector<1x1x512xf32> to vector<1x512xf32>
    %reduce_sum3A_230 = vector.shape_cast %get3A_229 : vector<1x512xf32> to vector<1x1x512xf32>
    %reduce_sum3A_231 = arith.constant dense<0.000000e+00> : vector<1xf32>
    %reduce_sum3A_232 = vector.multi_reduction <add>, %reduce_sum3A_230, %reduce_sum3A_231 [1, 2] : vector<1x1x512xf32> to vector<1xf32>
    %reduce_sum3A_233 = vector.shape_cast %reduce_sum3A_232 : vector<1xf32> to vector<1x1x1xf32>
    %reduce_sum3A_234 = vector.extract %reduce_sum3A_233[0, 0, 0] : f32 from vector<1x1x1xf32>
    %broadcast_in_dim3A_235 = vector.broadcast %reduce_sum3A_234 : f32 to vector<1x1xf32>
    %mul3A_236 = vector.broadcast %select_n3A : f32 to vector<1x1xf32>
    %mul3A_237 = arith.mulf %mul3A_236, %broadcast_in_dim3A_235 : vector<1x1xf32>
    %add3A_238 = arith.addf %mul3A_224, %mul3A_237 : vector<1x1xf32>
    %add3A_239 = arith.constant 1.000000e-10 : f32
    %add3A_240 = vector.broadcast %add3A_239 : f32 to vector<1x1xf32>
    %add3A_241 = arith.addf %add3A_238, %add3A_240 : vector<1x1xf32>
    %div3A_242 = arith.divf %add3A_238, %add3A : vector<1x1xf32>
    %get3A_243 = arith.constant 0 : index
    %get3A_244 = arith.constant 0 : index
    %get3A_245 = arith.constant 7 : index
    %get3A_246 = arith.constant 0 : index
    %get3A_247 = vector.load %arg4[%get3A_243, %get3A_244, %get3A_245, %get3A_246] : memref<1x8x24x16xf32, #tpu.memory_space<vmem>>, vector<1x8x1x16xf32>
    %get3A_248 = vector.shape_cast %get3A_247 : vector<1x8x1x16xf32> to vector<8x16xf32>
    %reduce_sum3A_249 = vector.shape_cast %get3A_248 : vector<8x16xf32> to vector<1x8x16xf32>
    %reduce_sum3A_250 = arith.constant dense<0.000000e+00> : vector<1xf32>
    %reduce_sum3A_251 = vector.multi_reduction <add>, %reduce_sum3A_249, %reduce_sum3A_250 [1, 2] : vector<1x8x16xf32> to vector<1xf32>
    %reduce_sum3A_252 = vector.shape_cast %reduce_sum3A_251 : vector<1xf32> to vector<1x1x1xf32>
    %reduce_sum3A_253 = vector.extract %reduce_sum3A_252[0, 0, 0] : f32 from vector<1x1x1xf32>
    %broadcast_in_dim3A_254 = vector.broadcast %reduce_sum3A_253 : f32 to vector<1x1xf32>
    %mul3A_255 = vector.broadcast %sub3A_2 : f32 to vector<1x1xf32>
    %mul3A_256 = arith.mulf %mul3A_255, %broadcast_in_dim3A_254 : vector<1x1xf32>
    %get3A_257 = arith.constant 0 : index
    %get3A_258 = arith.constant 7 : index
    %get3A_259 = arith.constant 0 : index
    %get3A_260 = vector.load %arg5[%get3A_257, %get3A_258, %get3A_259] : memref<1x24x512xf32, #tpu.memory_space<vmem>>, vector<1x1x512xf32>
    %get3A_261 = vector.shape_cast %get3A_260 : vector<1x1x512xf32> to vector<1x512xf32>
    %reduce_sum3A_262 = vector.shape_cast %get3A_261 : vector<1x512xf32> to vector<1x1x512xf32>
    %reduce_sum3A_263 = arith.constant dense<0.000000e+00> : vector<1xf32>
    %reduce_sum3A_264 = vector.multi_reduction <add>, %reduce_sum3A_262, %reduce_sum3A_263 [1, 2] : vector<1x1x512xf32> to vector<1xf32>
    %reduce_sum3A_265 = vector.shape_cast %reduce_sum3A_264 : vector<1xf32> to vector<1x1x1xf32>
    %reduce_sum3A_266 = vector.extract %reduce_sum3A_265[0, 0, 0] : f32 from vector<1x1x1xf32>
    %broadcast_in_dim3A_267 = vector.broadcast %reduce_sum3A_266 : f32 to vector<1x1xf32>
    %mul3A_268 = vector.broadcast %select_n3A : f32 to vector<1x1xf32>
    %mul3A_269 = arith.mulf %mul3A_268, %broadcast_in_dim3A_267 : vector<1x1xf32>
    %add3A_270 = arith.addf %mul3A_256, %mul3A_269 : vector<1x1xf32>
    %get3A_271 = arith.constant 0 : index
    %get3A_272 = arith.constant 0 : index
    %get3A_273 = arith.constant 9 : index
    %get3A_274 = arith.constant 0 : index
    %get3A_275 = vector.load %arg4[%get3A_271, %get3A_272, %get3A_273, %get3A_274] : memref<1x8x24x16xf32, #tpu.memory_space<vmem>>, vector<1x8x1x16xf32>
    %get3A_276 = vector.shape_cast %get3A_275 : vector<1x8x1x16xf32> to vector<8x16xf32>
    %reduce_sum3A_277 = vector.shape_cast %get3A_276 : vector<8x16xf32> to vector<1x8x16xf32>
    %reduce_sum3A_278 = arith.constant dense<0.000000e+00> : vector<1xf32>
    %reduce_sum3A_279 = vector.multi_reduction <add>, %reduce_sum3A_277, %reduce_sum3A_278 [1, 2] : vector<1x8x16xf32> to vector<1xf32>
    %reduce_sum3A_280 = vector.shape_cast %reduce_sum3A_279 : vector<1xf32> to vector<1x1x1xf32>
    %reduce_sum3A_281 = vector.extract %reduce_sum3A_280[0, 0, 0] : f32 from vector<1x1x1xf32>
    %broadcast_in_dim3A_282 = vector.broadcast %reduce_sum3A_281 : f32 to vector<1x1xf32>
    %mul3A_283 = vector.broadcast %sub3A_2 : f32 to vector<1x1xf32>
    %mul3A_284 = arith.mulf %mul3A_283, %broadcast_in_dim3A_282 : vector<1x1xf32>
    %get3A_285 = arith.constant 0 : index
    %get3A_286 = arith.constant 9 : index
    %get3A_287 = arith.constant 0 : index
    %get3A_288 = vector.load %arg5[%get3A_285, %get3A_286, %get3A_287] : memref<1x24x512xf32, #tpu.memory_space<vmem>>, vector<1x1x512xf32>
    %get3A_289 = vector.shape_cast %get3A_288 : vector<1x1x512xf32> to vector<1x512xf32>
    %reduce_sum3A_290 = vector.shape_cast %get3A_289 : vector<1x512xf32> to vector<1x1x512xf32>
    %reduce_sum3A_291 = arith.constant dense<0.000000e+00> : vector<1xf32>
    %reduce_sum3A_292 = vector.multi_reduction <add>, %reduce_sum3A_290, %reduce_sum3A_291 [1, 2] : vector<1x1x512xf32> to vector<1xf32>
    %reduce_sum3A_293 = vector.shape_cast %reduce_sum3A_292 : vector<1xf32> to vector<1x1x1xf32>
    %reduce_sum3A_294 = vector.extract %reduce_sum3A_293[0, 0, 0] : f32 from vector<1x1x1xf32>
    %broadcast_in_dim3A_295 = vector.broadcast %reduce_sum3A_294 : f32 to vector<1x1xf32>
    %mul3A_296 = vector.broadcast %select_n3A : f32 to vector<1x1xf32>
    %mul3A_297 = arith.mulf %mul3A_296, %broadcast_in_dim3A_295 : vector<1x1xf32>
    %add3A_298 = arith.addf %mul3A_284, %mul3A_297 : vector<1x1xf32>
    %div3A_299 = arith.divf %add3A_270, %add3A_241 : vector<1x1xf32>
    %mul3A_300 = arith.constant 2.000000e+00 : f32
    %mul3A_301 = vector.broadcast %mul3A_300 : f32 to vector<1x1xf32>
    %mul3A_302 = arith.mulf %mul3A_301, %div3A_299 : vector<1x1xf32>
    %mul3A_303 = arith.mulf %mul3A_302, %add3A_270 : vector<1x1xf32>
    %sub3A_304 = arith.subf %add3A_298, %mul3A_303 : vector<1x1xf32>
    %mul3A_305 = arith.mulf %div3A_299, %div3A_299 : vector<1x1xf32>
    %mul3A_306 = arith.mulf %mul3A_305, %add3A_238 : vector<1x1xf32>
    %add3A_307 = arith.addf %sub3A_304, %mul3A_306 : vector<1x1xf32>
    %max3A_308 = arith.constant 0.000000e+00 : f32
    %max3A_309 = vector.broadcast %max3A_308 : f32 to vector<1x1xf32>
    %max3A_310 = arith.maximumf %add3A_307, %max3A_309 : vector<1x1xf32>
    %div3A_311 = arith.divf %max3A_310, %add3A_241 : vector<1x1xf32>
    %add3A_312 = arith.constant 1.000000e-10 : f32
    %add3A_313 = vector.broadcast %add3A_312 : f32 to vector<1x1xf32>
    %add3A_314 = arith.addf %div3A_311, %add3A_313 : vector<1x1xf32>
    %div3A_315 = arith.constant -5.000000e-01 : f32
    %div3A_316 = vector.broadcast %div3A_315 : f32 to vector<1x1xf32>
    %div3A_317 = arith.divf %div3A_316, %add3A_314 : vector<1x1xf32>
    %get3A_318 = arith.constant 0 : index
    %get3A_319 = arith.constant 0 : index
    %get3A_320 = arith.constant 8 : index
    %get3A_321 = arith.constant 0 : index
    %get3A_322 = vector.load %arg4[%get3A_318, %get3A_319, %get3A_320, %get3A_321] : memref<1x8x24x16xf32, #tpu.memory_space<vmem>>, vector<1x8x1x16xf32>
    %get3A_323 = vector.shape_cast %get3A_322 : vector<1x8x1x16xf32> to vector<8x16xf32>
    %reduce_sum3A_324 = vector.shape_cast %get3A_323 : vector<8x16xf32> to vector<1x8x16xf32>
    %reduce_sum3A_325 = arith.constant dense<0.000000e+00> : vector<1xf32>
    %reduce_sum3A_326 = vector.multi_reduction <add>, %reduce_sum3A_324, %reduce_sum3A_325 [1, 2] : vector<1x8x16xf32> to vector<1xf32>
    %reduce_sum3A_327 = vector.shape_cast %reduce_sum3A_326 : vector<1xf32> to vector<1x1x1xf32>
    %reduce_sum3A_328 = vector.extract %reduce_sum3A_327[0, 0, 0] : f32 from vector<1x1x1xf32>
    %broadcast_in_dim3A_329 = vector.broadcast %reduce_sum3A_328 : f32 to vector<1x1xf32>
    %mul3A_330 = vector.broadcast %sub3A_2 : f32 to vector<1x1xf32>
    %mul3A_331 = arith.mulf %mul3A_330, %broadcast_in_dim3A_329 : vector<1x1xf32>
    %get3A_332 = arith.constant 0 : index
    %get3A_333 = arith.constant 8 : index
    %get3A_334 = arith.constant 0 : index
    %get3A_335 = vector.load %arg5[%get3A_332, %get3A_333, %get3A_334] : memref<1x24x512xf32, #tpu.memory_space<vmem>>, vector<1x1x512xf32>
    %get3A_336 = vector.shape_cast %get3A_335 : vector<1x1x512xf32> to vector<1x512xf32>
    %reduce_sum3A_337 = vector.shape_cast %get3A_336 : vector<1x512xf32> to vector<1x1x512xf32>
    %reduce_sum3A_338 = arith.constant dense<0.000000e+00> : vector<1xf32>
    %reduce_sum3A_339 = vector.multi_reduction <add>, %reduce_sum3A_337, %reduce_sum3A_338 [1, 2] : vector<1x1x512xf32> to vector<1xf32>
    %reduce_sum3A_340 = vector.shape_cast %reduce_sum3A_339 : vector<1xf32> to vector<1x1x1xf32>
    %reduce_sum3A_341 = vector.extract %reduce_sum3A_340[0, 0, 0] : f32 from vector<1x1x1xf32>
    %broadcast_in_dim3A_342 = vector.broadcast %reduce_sum3A_341 : f32 to vector<1x1xf32>
    %mul3A_343 = vector.broadcast %select_n3A : f32 to vector<1x1xf32>
    %mul3A_344 = arith.mulf %mul3A_343, %broadcast_in_dim3A_342 : vector<1x1xf32>
    %add3A_345 = arith.addf %mul3A_331, %mul3A_344 : vector<1x1xf32>
    %get3A_346 = arith.constant 0 : index
    %get3A_347 = arith.constant 0 : index
    %get3A_348 = arith.constant 10 : index
    %get3A_349 = arith.constant 0 : index
    %get3A_350 = vector.load %arg4[%get3A_346, %get3A_347, %get3A_348, %get3A_349] : memref<1x8x24x16xf32, #tpu.memory_space<vmem>>, vector<1x8x1x16xf32>
    %get3A_351 = vector.shape_cast %get3A_350 : vector<1x8x1x16xf32> to vector<8x16xf32>
    %reduce_sum3A_352 = vector.shape_cast %get3A_351 : vector<8x16xf32> to vector<1x8x16xf32>
    %reduce_sum3A_353 = arith.constant dense<0.000000e+00> : vector<1xf32>
    %reduce_sum3A_354 = vector.multi_reduction <add>, %reduce_sum3A_352, %reduce_sum3A_353 [1, 2] : vector<1x8x16xf32> to vector<1xf32>
    %reduce_sum3A_355 = vector.shape_cast %reduce_sum3A_354 : vector<1xf32> to vector<1x1x1xf32>
    %reduce_sum3A_356 = vector.extract %reduce_sum3A_355[0, 0, 0] : f32 from vector<1x1x1xf32>
    %broadcast_in_dim3A_357 = vector.broadcast %reduce_sum3A_356 : f32 to vector<1x1xf32>
    %mul3A_358 = vector.broadcast %sub3A_2 : f32 to vector<1x1xf32>
    %mul3A_359 = arith.mulf %mul3A_358, %broadcast_in_dim3A_357 : vector<1x1xf32>
    %get3A_360 = arith.constant 0 : index
    %get3A_361 = arith.constant 10 : index
    %get3A_362 = arith.constant 0 : index
    %get3A_363 = vector.load %arg5[%get3A_360, %get3A_361, %get3A_362] : memref<1x24x512xf32, #tpu.memory_space<vmem>>, vector<1x1x512xf32>
    %get3A_364 = vector.shape_cast %get3A_363 : vector<1x1x512xf32> to vector<1x512xf32>
    %reduce_sum3A_365 = vector.shape_cast %get3A_364 : vector<1x512xf32> to vector<1x1x512xf32>
    %reduce_sum3A_366 = arith.constant dense<0.000000e+00> : vector<1xf32>
    %reduce_sum3A_367 = vector.multi_reduction <add>, %reduce_sum3A_365, %reduce_sum3A_366 [1, 2] : vector<1x1x512xf32> to vector<1xf32>
    %reduce_sum3A_368 = vector.shape_cast %reduce_sum3A_367 : vector<1xf32> to vector<1x1x1xf32>
    %reduce_sum3A_369 = vector.extract %reduce_sum3A_368[0, 0, 0] : f32 from vector<1x1x1xf32>
    %broadcast_in_dim3A_370 = vector.broadcast %reduce_sum3A_369 : f32 to vector<1x1xf32>
    %mul3A_371 = vector.broadcast %select_n3A : f32 to vector<1x1xf32>
    %mul3A_372 = arith.mulf %mul3A_371, %broadcast_in_dim3A_370 : vector<1x1xf32>
    %add3A_373 = arith.addf %mul3A_359, %mul3A_372 : vector<1x1xf32>
    %div3A_374 = arith.divf %add3A_345, %add3A_241 : vector<1x1xf32>
    %mul3A_375 = arith.constant 2.000000e+00 : f32
    %mul3A_376 = vector.broadcast %mul3A_375 : f32 to vector<1x1xf32>
    %mul3A_377 = arith.mulf %mul3A_376, %div3A_374 : vector<1x1xf32>
    %mul3A_378 = arith.mulf %mul3A_377, %add3A_345 : vector<1x1xf32>
    %sub3A_379 = arith.subf %add3A_373, %mul3A_378 : vector<1x1xf32>
    %mul3A_380 = arith.mulf %div3A_374, %div3A_374 : vector<1x1xf32>
    %mul3A_381 = arith.mulf %mul3A_380, %add3A_238 : vector<1x1xf32>
    %add3A_382 = arith.addf %sub3A_379, %mul3A_381 : vector<1x1xf32>
    %max3A_383 = arith.constant 0.000000e+00 : f32
    %max3A_384 = vector.broadcast %max3A_383 : f32 to vector<1x1xf32>
    %max3A_385 = arith.maximumf %add3A_382, %max3A_384 : vector<1x1xf32>
    %div3A_386 = arith.divf %max3A_385, %add3A_241 : vector<1x1xf32>
    %add3A_387 = arith.constant 1.000000e-10 : f32
    %add3A_388 = vector.broadcast %add3A_387 : f32 to vector<1x1xf32>
    %add3A_389 = arith.addf %div3A_386, %add3A_388 : vector<1x1xf32>
    %div3A_390 = arith.constant -5.000000e-01 : f32
    %div3A_391 = vector.broadcast %div3A_390 : f32 to vector<1x1xf32>
    %div3A_392 = arith.divf %div3A_391, %add3A_389 : vector<1x1xf32>
    %mul3A_393 = arith.mulf %add3A_314, %add3A_389 : vector<1x1xf32>
    %mul3A_394 = arith.constant 0.159154937 : f32
    %mul3A_395 = vector.broadcast %mul3A_394 : f32 to vector<1x1xf32>
    %mul3A_396 = arith.mulf %div3A_242, %mul3A_395 : vector<1x1xf32>
    %rsqrt3A_397 = math.rsqrt %mul3A_393 : vector<1x1xf32>
    %mul3A_398 = arith.mulf %mul3A_396, %rsqrt3A_397 : vector<1x1xf32>
    %get3A_399 = arith.constant 0 : index
    %get3A_400 = arith.constant 0 : index
    %get3A_401 = arith.constant 11 : index
    %get3A_402 = arith.constant 0 : index
    %get3A_403 = vector.load %arg4[%get3A_399, %get3A_400, %get3A_401, %get3A_402] : memref<1x8x24x16xf32, #tpu.memory_space<vmem>>, vector<1x8x1x16xf32>
    %get3A_404 = vector.shape_cast %get3A_403 : vector<1x8x1x16xf32> to vector<8x16xf32>
    %reduce_sum3A_405 = vector.shape_cast %get3A_404 : vector<8x16xf32> to vector<1x8x16xf32>
    %reduce_sum3A_406 = arith.constant dense<0.000000e+00> : vector<1xf32>
    %reduce_sum3A_407 = vector.multi_reduction <add>, %reduce_sum3A_405, %reduce_sum3A_406 [1, 2] : vector<1x8x16xf32> to vector<1xf32>
    %reduce_sum3A_408 = vector.shape_cast %reduce_sum3A_407 : vector<1xf32> to vector<1x1x1xf32>
    %reduce_sum3A_409 = vector.extract %reduce_sum3A_408[0, 0, 0] : f32 from vector<1x1x1xf32>
    %broadcast_in_dim3A_410 = vector.broadcast %reduce_sum3A_409 : f32 to vector<1x1xf32>
    %mul3A_411 = vector.broadcast %sub3A_2 : f32 to vector<1x1xf32>
    %mul3A_412 = arith.mulf %mul3A_411, %broadcast_in_dim3A_410 : vector<1x1xf32>
    %get3A_413 = arith.constant 0 : index
    %get3A_414 = arith.constant 11 : index
    %get3A_415 = arith.constant 0 : index
    %get3A_416 = vector.load %arg5[%get3A_413, %get3A_414, %get3A_415] : memref<1x24x512xf32, #tpu.memory_space<vmem>>, vector<1x1x512xf32>
    %get3A_417 = vector.shape_cast %get3A_416 : vector<1x1x512xf32> to vector<1x512xf32>
    %reduce_sum3A_418 = vector.shape_cast %get3A_417 : vector<1x512xf32> to vector<1x1x512xf32>
    %reduce_sum3A_419 = arith.constant dense<0.000000e+00> : vector<1xf32>
    %reduce_sum3A_420 = vector.multi_reduction <add>, %reduce_sum3A_418, %reduce_sum3A_419 [1, 2] : vector<1x1x512xf32> to vector<1xf32>
    %reduce_sum3A_421 = vector.shape_cast %reduce_sum3A_420 : vector<1xf32> to vector<1x1x1xf32>
    %reduce_sum3A_422 = vector.extract %reduce_sum3A_421[0, 0, 0] : f32 from vector<1x1x1xf32>
    %broadcast_in_dim3A_423 = vector.broadcast %reduce_sum3A_422 : f32 to vector<1x1xf32>
    %mul3A_424 = vector.broadcast %select_n3A : f32 to vector<1x1xf32>
    %mul3A_425 = arith.mulf %mul3A_424, %broadcast_in_dim3A_423 : vector<1x1xf32>
    %add3A_426 = arith.addf %mul3A_412, %mul3A_425 : vector<1x1xf32>
    %add3A_427 = arith.constant 1.000000e-10 : f32
    %add3A_428 = vector.broadcast %add3A_427 : f32 to vector<1x1xf32>
    %add3A_429 = arith.addf %add3A_426, %add3A_428 : vector<1x1xf32>
    %div3A_430 = arith.divf %add3A_426, %add3A : vector<1x1xf32>
    %get3A_431 = arith.constant 0 : index
    %get3A_432 = arith.constant 0 : index
    %get3A_433 = arith.constant 12 : index
    %get3A_434 = arith.constant 0 : index
    %get3A_435 = vector.load %arg4[%get3A_431, %get3A_432, %get3A_433, %get3A_434] : memref<1x8x24x16xf32, #tpu.memory_space<vmem>>, vector<1x8x1x16xf32>
    %get3A_436 = vector.shape_cast %get3A_435 : vector<1x8x1x16xf32> to vector<8x16xf32>
    %reduce_sum3A_437 = vector.shape_cast %get3A_436 : vector<8x16xf32> to vector<1x8x16xf32>
    %reduce_sum3A_438 = arith.constant dense<0.000000e+00> : vector<1xf32>
    %reduce_sum3A_439 = vector.multi_reduction <add>, %reduce_sum3A_437, %reduce_sum3A_438 [1, 2] : vector<1x8x16xf32> to vector<1xf32>
    %reduce_sum3A_440 = vector.shape_cast %reduce_sum3A_439 : vector<1xf32> to vector<1x1x1xf32>
    %reduce_sum3A_441 = vector.extract %reduce_sum3A_440[0, 0, 0] : f32 from vector<1x1x1xf32>
    %broadcast_in_dim3A_442 = vector.broadcast %reduce_sum3A_441 : f32 to vector<1x1xf32>
    %mul3A_443 = vector.broadcast %sub3A_2 : f32 to vector<1x1xf32>
    %mul3A_444 = arith.mulf %mul3A_443, %broadcast_in_dim3A_442 : vector<1x1xf32>
    %get3A_445 = arith.constant 0 : index
    %get3A_446 = arith.constant 12 : index
    %get3A_447 = arith.constant 0 : index
    %get3A_448 = vector.load %arg5[%get3A_445, %get3A_446, %get3A_447] : memref<1x24x512xf32, #tpu.memory_space<vmem>>, vector<1x1x512xf32>
    %get3A_449 = vector.shape_cast %get3A_448 : vector<1x1x512xf32> to vector<1x512xf32>
    %reduce_sum3A_450 = vector.shape_cast %get3A_449 : vector<1x512xf32> to vector<1x1x512xf32>
    %reduce_sum3A_451 = arith.constant dense<0.000000e+00> : vector<1xf32>
    %reduce_sum3A_452 = vector.multi_reduction <add>, %reduce_sum3A_450, %reduce_sum3A_451 [1, 2] : vector<1x1x512xf32> to vector<1xf32>
    %reduce_sum3A_453 = vector.shape_cast %reduce_sum3A_452 : vector<1xf32> to vector<1x1x1xf32>
    %reduce_sum3A_454 = vector.extract %reduce_sum3A_453[0, 0, 0] : f32 from vector<1x1x1xf32>
    %broadcast_in_dim3A_455 = vector.broadcast %reduce_sum3A_454 : f32 to vector<1x1xf32>
    %mul3A_456 = vector.broadcast %select_n3A : f32 to vector<1x1xf32>
    %mul3A_457 = arith.mulf %mul3A_456, %broadcast_in_dim3A_455 : vector<1x1xf32>
    %add3A_458 = arith.addf %mul3A_444, %mul3A_457 : vector<1x1xf32>
    %get3A_459 = arith.constant 0 : index
    %get3A_460 = arith.constant 0 : index
    %get3A_461 = arith.constant 14 : index
    %get3A_462 = arith.constant 0 : index
    %get3A_463 = vector.load %arg4[%get3A_459, %get3A_460, %get3A_461, %get3A_462] : memref<1x8x24x16xf32, #tpu.memory_space<vmem>>, vector<1x8x1x16xf32>
    %get3A_464 = vector.shape_cast %get3A_463 : vector<1x8x1x16xf32> to vector<8x16xf32>
    %reduce_sum3A_465 = vector.shape_cast %get3A_464 : vector<8x16xf32> to vector<1x8x16xf32>
    %reduce_sum3A_466 = arith.constant dense<0.000000e+00> : vector<1xf32>
    %reduce_sum3A_467 = vector.multi_reduction <add>, %reduce_sum3A_465, %reduce_sum3A_466 [1, 2] : vector<1x8x16xf32> to vector<1xf32>
    %reduce_sum3A_468 = vector.shape_cast %reduce_sum3A_467 : vector<1xf32> to vector<1x1x1xf32>
    %reduce_sum3A_469 = vector.extract %reduce_sum3A_468[0, 0, 0] : f32 from vector<1x1x1xf32>
    %broadcast_in_dim3A_470 = vector.broadcast %reduce_sum3A_469 : f32 to vector<1x1xf32>
    %mul3A_471 = vector.broadcast %sub3A_2 : f32 to vector<1x1xf32>
    %mul3A_472 = arith.mulf %mul3A_471, %broadcast_in_dim3A_470 : vector<1x1xf32>
    %get3A_473 = arith.constant 0 : index
    %get3A_474 = arith.constant 14 : index
    %get3A_475 = arith.constant 0 : index
    %get3A_476 = vector.load %arg5[%get3A_473, %get3A_474, %get3A_475] : memref<1x24x512xf32, #tpu.memory_space<vmem>>, vector<1x1x512xf32>
    %get3A_477 = vector.shape_cast %get3A_476 : vector<1x1x512xf32> to vector<1x512xf32>
    %reduce_sum3A_478 = vector.shape_cast %get3A_477 : vector<1x512xf32> to vector<1x1x512xf32>
    %reduce_sum3A_479 = arith.constant dense<0.000000e+00> : vector<1xf32>
    %reduce_sum3A_480 = vector.multi_reduction <add>, %reduce_sum3A_478, %reduce_sum3A_479 [1, 2] : vector<1x1x512xf32> to vector<1xf32>
    %reduce_sum3A_481 = vector.shape_cast %reduce_sum3A_480 : vector<1xf32> to vector<1x1x1xf32>
    %reduce_sum3A_482 = vector.extract %reduce_sum3A_481[0, 0, 0] : f32 from vector<1x1x1xf32>
    %broadcast_in_dim3A_483 = vector.broadcast %reduce_sum3A_482 : f32 to vector<1x1xf32>
    %mul3A_484 = vector.broadcast %select_n3A : f32 to vector<1x1xf32>
    %mul3A_485 = arith.mulf %mul3A_484, %broadcast_in_dim3A_483 : vector<1x1xf32>
    %add3A_486 = arith.addf %mul3A_472, %mul3A_485 : vector<1x1xf32>
    %div3A_487 = arith.divf %add3A_458, %add3A_429 : vector<1x1xf32>
    %mul3A_488 = arith.constant 2.000000e+00 : f32
    %mul3A_489 = vector.broadcast %mul3A_488 : f32 to vector<1x1xf32>
    %mul3A_490 = arith.mulf %mul3A_489, %div3A_487 : vector<1x1xf32>
    %mul3A_491 = arith.mulf %mul3A_490, %add3A_458 : vector<1x1xf32>
    %sub3A_492 = arith.subf %add3A_486, %mul3A_491 : vector<1x1xf32>
    %mul3A_493 = arith.mulf %div3A_487, %div3A_487 : vector<1x1xf32>
    %mul3A_494 = arith.mulf %mul3A_493, %add3A_426 : vector<1x1xf32>
    %add3A_495 = arith.addf %sub3A_492, %mul3A_494 : vector<1x1xf32>
    %max3A_496 = arith.constant 0.000000e+00 : f32
    %max3A_497 = vector.broadcast %max3A_496 : f32 to vector<1x1xf32>
    %max3A_498 = arith.maximumf %add3A_495, %max3A_497 : vector<1x1xf32>
    %div3A_499 = arith.divf %max3A_498, %add3A_429 : vector<1x1xf32>
    %add3A_500 = arith.constant 1.000000e-10 : f32
    %add3A_501 = vector.broadcast %add3A_500 : f32 to vector<1x1xf32>
    %add3A_502 = arith.addf %div3A_499, %add3A_501 : vector<1x1xf32>
    %div3A_503 = arith.constant -5.000000e-01 : f32
    %div3A_504 = vector.broadcast %div3A_503 : f32 to vector<1x1xf32>
    %div3A_505 = arith.divf %div3A_504, %add3A_502 : vector<1x1xf32>
    %get3A_506 = arith.constant 0 : index
    %get3A_507 = arith.constant 0 : index
    %get3A_508 = arith.constant 13 : index
    %get3A_509 = arith.constant 0 : index
    %get3A_510 = vector.load %arg4[%get3A_506, %get3A_507, %get3A_508, %get3A_509] : memref<1x8x24x16xf32, #tpu.memory_space<vmem>>, vector<1x8x1x16xf32>
    %get3A_511 = vector.shape_cast %get3A_510 : vector<1x8x1x16xf32> to vector<8x16xf32>
    %reduce_sum3A_512 = vector.shape_cast %get3A_511 : vector<8x16xf32> to vector<1x8x16xf32>
    %reduce_sum3A_513 = arith.constant dense<0.000000e+00> : vector<1xf32>
    %reduce_sum3A_514 = vector.multi_reduction <add>, %reduce_sum3A_512, %reduce_sum3A_513 [1, 2] : vector<1x8x16xf32> to vector<1xf32>
    %reduce_sum3A_515 = vector.shape_cast %reduce_sum3A_514 : vector<1xf32> to vector<1x1x1xf32>
    %reduce_sum3A_516 = vector.extract %reduce_sum3A_515[0, 0, 0] : f32 from vector<1x1x1xf32>
    %broadcast_in_dim3A_517 = vector.broadcast %reduce_sum3A_516 : f32 to vector<1x1xf32>
    %mul3A_518 = vector.broadcast %sub3A_2 : f32 to vector<1x1xf32>
    %mul3A_519 = arith.mulf %mul3A_518, %broadcast_in_dim3A_517 : vector<1x1xf32>
    %get3A_520 = arith.constant 0 : index
    %get3A_521 = arith.constant 13 : index
    %get3A_522 = arith.constant 0 : index
    %get3A_523 = vector.load %arg5[%get3A_520, %get3A_521, %get3A_522] : memref<1x24x512xf32, #tpu.memory_space<vmem>>, vector<1x1x512xf32>
    %get3A_524 = vector.shape_cast %get3A_523 : vector<1x1x512xf32> to vector<1x512xf32>
    %reduce_sum3A_525 = vector.shape_cast %get3A_524 : vector<1x512xf32> to vector<1x1x512xf32>
    %reduce_sum3A_526 = arith.constant dense<0.000000e+00> : vector<1xf32>
    %reduce_sum3A_527 = vector.multi_reduction <add>, %reduce_sum3A_525, %reduce_sum3A_526 [1, 2] : vector<1x1x512xf32> to vector<1xf32>
    %reduce_sum3A_528 = vector.shape_cast %reduce_sum3A_527 : vector<1xf32> to vector<1x1x1xf32>
    %reduce_sum3A_529 = vector.extract %reduce_sum3A_528[0, 0, 0] : f32 from vector<1x1x1xf32>
    %broadcast_in_dim3A_530 = vector.broadcast %reduce_sum3A_529 : f32 to vector<1x1xf32>
    %mul3A_531 = vector.broadcast %select_n3A : f32 to vector<1x1xf32>
    %mul3A_532 = arith.mulf %mul3A_531, %broadcast_in_dim3A_530 : vector<1x1xf32>
    %add3A_533 = arith.addf %mul3A_519, %mul3A_532 : vector<1x1xf32>
    %get3A_534 = arith.constant 0 : index
    %get3A_535 = arith.constant 0 : index
    %get3A_536 = arith.constant 15 : index
    %get3A_537 = arith.constant 0 : index
    %get3A_538 = vector.load %arg4[%get3A_534, %get3A_535, %get3A_536, %get3A_537] : memref<1x8x24x16xf32, #tpu.memory_space<vmem>>, vector<1x8x1x16xf32>
    %get3A_539 = vector.shape_cast %get3A_538 : vector<1x8x1x16xf32> to vector<8x16xf32>
    %reduce_sum3A_540 = vector.shape_cast %get3A_539 : vector<8x16xf32> to vector<1x8x16xf32>
    %reduce_sum3A_541 = arith.constant dense<0.000000e+00> : vector<1xf32>
    %reduce_sum3A_542 = vector.multi_reduction <add>, %reduce_sum3A_540, %reduce_sum3A_541 [1, 2] : vector<1x8x16xf32> to vector<1xf32>
    %reduce_sum3A_543 = vector.shape_cast %reduce_sum3A_542 : vector<1xf32> to vector<1x1x1xf32>
    %reduce_sum3A_544 = vector.extract %reduce_sum3A_543[0, 0, 0] : f32 from vector<1x1x1xf32>
    %broadcast_in_dim3A_545 = vector.broadcast %reduce_sum3A_544 : f32 to vector<1x1xf32>
    %mul3A_546 = vector.broadcast %sub3A_2 : f32 to vector<1x1xf32>
    %mul3A_547 = arith.mulf %mul3A_546, %broadcast_in_dim3A_545 : vector<1x1xf32>
    %get3A_548 = arith.constant 0 : index
    %get3A_549 = arith.constant 15 : index
    %get3A_550 = arith.constant 0 : index
    %get3A_551 = vector.load %arg5[%get3A_548, %get3A_549, %get3A_550] : memref<1x24x512xf32, #tpu.memory_space<vmem>>, vector<1x1x512xf32>
    %get3A_552 = vector.shape_cast %get3A_551 : vector<1x1x512xf32> to vector<1x512xf32>
    %reduce_sum3A_553 = vector.shape_cast %get3A_552 : vector<1x512xf32> to vector<1x1x512xf32>
    %reduce_sum3A_554 = arith.constant dense<0.000000e+00> : vector<1xf32>
    %reduce_sum3A_555 = vector.multi_reduction <add>, %reduce_sum3A_553, %reduce_sum3A_554 [1, 2] : vector<1x1x512xf32> to vector<1xf32>
    %reduce_sum3A_556 = vector.shape_cast %reduce_sum3A_555 : vector<1xf32> to vector<1x1x1xf32>
    %reduce_sum3A_557 = vector.extract %reduce_sum3A_556[0, 0, 0] : f32 from vector<1x1x1xf32>
    %broadcast_in_dim3A_558 = vector.broadcast %reduce_sum3A_557 : f32 to vector<1x1xf32>
    %mul3A_559 = vector.broadcast %select_n3A : f32 to vector<1x1xf32>
    %mul3A_560 = arith.mulf %mul3A_559, %broadcast_in_dim3A_558 : vector<1x1xf32>
    %add3A_561 = arith.addf %mul3A_547, %mul3A_560 : vector<1x1xf32>
    %div3A_562 = arith.divf %add3A_533, %add3A_429 : vector<1x1xf32>
    %mul3A_563 = arith.constant 2.000000e+00 : f32
    %mul3A_564 = vector.broadcast %mul3A_563 : f32 to vector<1x1xf32>
    %mul3A_565 = arith.mulf %mul3A_564, %div3A_562 : vector<1x1xf32>
    %mul3A_566 = arith.mulf %mul3A_565, %add3A_533 : vector<1x1xf32>
    %sub3A_567 = arith.subf %add3A_561, %mul3A_566 : vector<1x1xf32>
    %mul3A_568 = arith.mulf %div3A_562, %div3A_562 : vector<1x1xf32>
    %mul3A_569 = arith.mulf %mul3A_568, %add3A_426 : vector<1x1xf32>
    %add3A_570 = arith.addf %sub3A_567, %mul3A_569 : vector<1x1xf32>
    %max3A_571 = arith.constant 0.000000e+00 : f32
    %max3A_572 = vector.broadcast %max3A_571 : f32 to vector<1x1xf32>
    %max3A_573 = arith.maximumf %add3A_570, %max3A_572 : vector<1x1xf32>
    %div3A_574 = arith.divf %max3A_573, %add3A_429 : vector<1x1xf32>
    %add3A_575 = arith.constant 1.000000e-10 : f32
    %add3A_576 = vector.broadcast %add3A_575 : f32 to vector<1x1xf32>
    %add3A_577 = arith.addf %div3A_574, %add3A_576 : vector<1x1xf32>
    %div3A_578 = arith.constant -5.000000e-01 : f32
    %div3A_579 = vector.broadcast %div3A_578 : f32 to vector<1x1xf32>
    %div3A_580 = arith.divf %div3A_579, %add3A_577 : vector<1x1xf32>
    %mul3A_581 = arith.mulf %add3A_502, %add3A_577 : vector<1x1xf32>
    %mul3A_582 = arith.constant 0.159154937 : f32
    %mul3A_583 = vector.broadcast %mul3A_582 : f32 to vector<1x1xf32>
    %mul3A_584 = arith.mulf %div3A_430, %mul3A_583 : vector<1x1xf32>
    %rsqrt3A_585 = math.rsqrt %mul3A_581 : vector<1x1xf32>
    %mul3A_586 = arith.mulf %mul3A_584, %rsqrt3A_585 : vector<1x1xf32>
    %get3A_587 = arith.constant 0 : index
    %get3A_588 = arith.constant 0 : index
    %get3A_589 = arith.constant 16 : index
    %get3A_590 = arith.constant 0 : index
    %get3A_591 = vector.load %arg4[%get3A_587, %get3A_588, %get3A_589, %get3A_590] : memref<1x8x24x16xf32, #tpu.memory_space<vmem>>, vector<1x8x1x16xf32>
    %get3A_592 = vector.shape_cast %get3A_591 : vector<1x8x1x16xf32> to vector<8x16xf32>
    %reduce_sum3A_593 = vector.shape_cast %get3A_592 : vector<8x16xf32> to vector<1x8x16xf32>
    %reduce_sum3A_594 = arith.constant dense<0.000000e+00> : vector<1xf32>
    %reduce_sum3A_595 = vector.multi_reduction <add>, %reduce_sum3A_593, %reduce_sum3A_594 [1, 2] : vector<1x8x16xf32> to vector<1xf32>
    %reduce_sum3A_596 = vector.shape_cast %reduce_sum3A_595 : vector<1xf32> to vector<1x1x1xf32>
    %reduce_sum3A_597 = vector.extract %reduce_sum3A_596[0, 0, 0] : f32 from vector<1x1x1xf32>
    %broadcast_in_dim3A_598 = vector.broadcast %reduce_sum3A_597 : f32 to vector<1x1xf32>
    %mul3A_599 = vector.broadcast %sub3A_2 : f32 to vector<1x1xf32>
    %mul3A_600 = arith.mulf %mul3A_599, %broadcast_in_dim3A_598 : vector<1x1xf32>
    %get3A_601 = arith.constant 0 : index
    %get3A_602 = arith.constant 16 : index
    %get3A_603 = arith.constant 0 : index
    %get3A_604 = vector.load %arg5[%get3A_601, %get3A_602, %get3A_603] : memref<1x24x512xf32, #tpu.memory_space<vmem>>, vector<1x1x512xf32>
    %get3A_605 = vector.shape_cast %get3A_604 : vector<1x1x512xf32> to vector<1x512xf32>
    %reduce_sum3A_606 = vector.shape_cast %get3A_605 : vector<1x512xf32> to vector<1x1x512xf32>
    %reduce_sum3A_607 = arith.constant dense<0.000000e+00> : vector<1xf32>
    %reduce_sum3A_608 = vector.multi_reduction <add>, %reduce_sum3A_606, %reduce_sum3A_607 [1, 2] : vector<1x1x512xf32> to vector<1xf32>
    %reduce_sum3A_609 = vector.shape_cast %reduce_sum3A_608 : vector<1xf32> to vector<1x1x1xf32>
    %reduce_sum3A_610 = vector.extract %reduce_sum3A_609[0, 0, 0] : f32 from vector<1x1x1xf32>
    %broadcast_in_dim3A_611 = vector.broadcast %reduce_sum3A_610 : f32 to vector<1x1xf32>
    %mul3A_612 = vector.broadcast %select_n3A : f32 to vector<1x1xf32>
    %mul3A_613 = arith.mulf %mul3A_612, %broadcast_in_dim3A_611 : vector<1x1xf32>
    %add3A_614 = arith.addf %mul3A_600, %mul3A_613 : vector<1x1xf32>
    %add3A_615 = arith.constant 1.000000e-10 : f32
    %add3A_616 = vector.broadcast %add3A_615 : f32 to vector<1x1xf32>
    %add3A_617 = arith.addf %add3A_614, %add3A_616 : vector<1x1xf32>
    %div3A_618 = arith.divf %add3A_614, %add3A : vector<1x1xf32>
    %get3A_619 = arith.constant 0 : index
    %get3A_620 = arith.constant 0 : index
    %get3A_621 = arith.constant 17 : index
    %get3A_622 = arith.constant 0 : index
    %get3A_623 = vector.load %arg4[%get3A_619, %get3A_620, %get3A_621, %get3A_622] : memref<1x8x24x16xf32, #tpu.memory_space<vmem>>, vector<1x8x1x16xf32>
    %get3A_624 = vector.shape_cast %get3A_623 : vector<1x8x1x16xf32> to vector<8x16xf32>
    %reduce_sum3A_625 = vector.shape_cast %get3A_624 : vector<8x16xf32> to vector<1x8x16xf32>
    %reduce_sum3A_626 = arith.constant dense<0.000000e+00> : vector<1xf32>
    %reduce_sum3A_627 = vector.multi_reduction <add>, %reduce_sum3A_625, %reduce_sum3A_626 [1, 2] : vector<1x8x16xf32> to vector<1xf32>
    %reduce_sum3A_628 = vector.shape_cast %reduce_sum3A_627 : vector<1xf32> to vector<1x1x1xf32>
    %reduce_sum3A_629 = vector.extract %reduce_sum3A_628[0, 0, 0] : f32 from vector<1x1x1xf32>
    %broadcast_in_dim3A_630 = vector.broadcast %reduce_sum3A_629 : f32 to vector<1x1xf32>
    %mul3A_631 = vector.broadcast %sub3A_2 : f32 to vector<1x1xf32>
    %mul3A_632 = arith.mulf %mul3A_631, %broadcast_in_dim3A_630 : vector<1x1xf32>
    %get3A_633 = arith.constant 0 : index
    %get3A_634 = arith.constant 17 : index
    %get3A_635 = arith.constant 0 : index
    %get3A_636 = vector.load %arg5[%get3A_633, %get3A_634, %get3A_635] : memref<1x24x512xf32, #tpu.memory_space<vmem>>, vector<1x1x512xf32>
    %get3A_637 = vector.shape_cast %get3A_636 : vector<1x1x512xf32> to vector<1x512xf32>
    %reduce_sum3A_638 = vector.shape_cast %get3A_637 : vector<1x512xf32> to vector<1x1x512xf32>
    %reduce_sum3A_639 = arith.constant dense<0.000000e+00> : vector<1xf32>
    %reduce_sum3A_640 = vector.multi_reduction <add>, %reduce_sum3A_638, %reduce_sum3A_639 [1, 2] : vector<1x1x512xf32> to vector<1xf32>
    %reduce_sum3A_641 = vector.shape_cast %reduce_sum3A_640 : vector<1xf32> to vector<1x1x1xf32>
    %reduce_sum3A_642 = vector.extract %reduce_sum3A_641[0, 0, 0] : f32 from vector<1x1x1xf32>
    %broadcast_in_dim3A_643 = vector.broadcast %reduce_sum3A_642 : f32 to vector<1x1xf32>
    %mul3A_644 = vector.broadcast %select_n3A : f32 to vector<1x1xf32>
    %mul3A_645 = arith.mulf %mul3A_644, %broadcast_in_dim3A_643 : vector<1x1xf32>
    %add3A_646 = arith.addf %mul3A_632, %mul3A_645 : vector<1x1xf32>
    %get3A_647 = arith.constant 0 : index
    %get3A_648 = arith.constant 0 : index
    %get3A_649 = arith.constant 19 : index
    %get3A_650 = arith.constant 0 : index
    %get3A_651 = vector.load %arg4[%get3A_647, %get3A_648, %get3A_649, %get3A_650] : memref<1x8x24x16xf32, #tpu.memory_space<vmem>>, vector<1x8x1x16xf32>
    %get3A_652 = vector.shape_cast %get3A_651 : vector<1x8x1x16xf32> to vector<8x16xf32>
    %reduce_sum3A_653 = vector.shape_cast %get3A_652 : vector<8x16xf32> to vector<1x8x16xf32>
    %reduce_sum3A_654 = arith.constant dense<0.000000e+00> : vector<1xf32>
    %reduce_sum3A_655 = vector.multi_reduction <add>, %reduce_sum3A_653, %reduce_sum3A_654 [1, 2] : vector<1x8x16xf32> to vector<1xf32>
    %reduce_sum3A_656 = vector.shape_cast %reduce_sum3A_655 : vector<1xf32> to vector<1x1x1xf32>
    %reduce_sum3A_657 = vector.extract %reduce_sum3A_656[0, 0, 0] : f32 from vector<1x1x1xf32>
    %broadcast_in_dim3A_658 = vector.broadcast %reduce_sum3A_657 : f32 to vector<1x1xf32>
    %mul3A_659 = vector.broadcast %sub3A_2 : f32 to vector<1x1xf32>
    %mul3A_660 = arith.mulf %mul3A_659, %broadcast_in_dim3A_658 : vector<1x1xf32>
    %get3A_661 = arith.constant 0 : index
    %get3A_662 = arith.constant 19 : index
    %get3A_663 = arith.constant 0 : index
    %get3A_664 = vector.load %arg5[%get3A_661, %get3A_662, %get3A_663] : memref<1x24x512xf32, #tpu.memory_space<vmem>>, vector<1x1x512xf32>
    %get3A_665 = vector.shape_cast %get3A_664 : vector<1x1x512xf32> to vector<1x512xf32>
    %reduce_sum3A_666 = vector.shape_cast %get3A_665 : vector<1x512xf32> to vector<1x1x512xf32>
    %reduce_sum3A_667 = arith.constant dense<0.000000e+00> : vector<1xf32>
    %reduce_sum3A_668 = vector.multi_reduction <add>, %reduce_sum3A_666, %reduce_sum3A_667 [1, 2] : vector<1x1x512xf32> to vector<1xf32>
    %reduce_sum3A_669 = vector.shape_cast %reduce_sum3A_668 : vector<1xf32> to vector<1x1x1xf32>
    %reduce_sum3A_670 = vector.extract %reduce_sum3A_669[0, 0, 0] : f32 from vector<1x1x1xf32>
    %broadcast_in_dim3A_671 = vector.broadcast %reduce_sum3A_670 : f32 to vector<1x1xf32>
    %mul3A_672 = vector.broadcast %select_n3A : f32 to vector<1x1xf32>
    %mul3A_673 = arith.mulf %mul3A_672, %broadcast_in_dim3A_671 : vector<1x1xf32>
    %add3A_674 = arith.addf %mul3A_660, %mul3A_673 : vector<1x1xf32>
    %div3A_675 = arith.divf %add3A_646, %add3A_617 : vector<1x1xf32>
    %mul3A_676 = arith.constant 2.000000e+00 : f32
    %mul3A_677 = vector.broadcast %mul3A_676 : f32 to vector<1x1xf32>
    %mul3A_678 = arith.mulf %mul3A_677, %div3A_675 : vector<1x1xf32>
    %mul3A_679 = arith.mulf %mul3A_678, %add3A_646 : vector<1x1xf32>
    %sub3A_680 = arith.subf %add3A_674, %mul3A_679 : vector<1x1xf32>
    %mul3A_681 = arith.mulf %div3A_675, %div3A_675 : vector<1x1xf32>
    %mul3A_682 = arith.mulf %mul3A_681, %add3A_614 : vector<1x1xf32>
    %add3A_683 = arith.addf %sub3A_680, %mul3A_682 : vector<1x1xf32>
    %max3A_684 = arith.constant 0.000000e+00 : f32
    %max3A_685 = vector.broadcast %max3A_684 : f32 to vector<1x1xf32>
    %max3A_686 = arith.maximumf %add3A_683, %max3A_685 : vector<1x1xf32>
    %div3A_687 = arith.divf %max3A_686, %add3A_617 : vector<1x1xf32>
    %add3A_688 = arith.constant 1.000000e-10 : f32
    %add3A_689 = vector.broadcast %add3A_688 : f32 to vector<1x1xf32>
    %add3A_690 = arith.addf %div3A_687, %add3A_689 : vector<1x1xf32>
    %div3A_691 = arith.constant -5.000000e-01 : f32
    %div3A_692 = vector.broadcast %div3A_691 : f32 to vector<1x1xf32>
    %div3A_693 = arith.divf %div3A_692, %add3A_690 : vector<1x1xf32>
    %get3A_694 = arith.constant 0 : index
    %get3A_695 = arith.constant 0 : index
    %get3A_696 = arith.constant 18 : index
    %get3A_697 = arith.constant 0 : index
    %get3A_698 = vector.load %arg4[%get3A_694, %get3A_695, %get3A_696, %get3A_697] : memref<1x8x24x16xf32, #tpu.memory_space<vmem>>, vector<1x8x1x16xf32>
    %get3A_699 = vector.shape_cast %get3A_698 : vector<1x8x1x16xf32> to vector<8x16xf32>
    %reduce_sum3A_700 = vector.shape_cast %get3A_699 : vector<8x16xf32> to vector<1x8x16xf32>
    %reduce_sum3A_701 = arith.constant dense<0.000000e+00> : vector<1xf32>
    %reduce_sum3A_702 = vector.multi_reduction <add>, %reduce_sum3A_700, %reduce_sum3A_701 [1, 2] : vector<1x8x16xf32> to vector<1xf32>
    %reduce_sum3A_703 = vector.shape_cast %reduce_sum3A_702 : vector<1xf32> to vector<1x1x1xf32>
    %reduce_sum3A_704 = vector.extract %reduce_sum3A_703[0, 0, 0] : f32 from vector<1x1x1xf32>
    %broadcast_in_dim3A_705 = vector.broadcast %reduce_sum3A_704 : f32 to vector<1x1xf32>
    %mul3A_706 = vector.broadcast %sub3A_2 : f32 to vector<1x1xf32>
    %mul3A_707 = arith.mulf %mul3A_706, %broadcast_in_dim3A_705 : vector<1x1xf32>
    %get3A_708 = arith.constant 0 : index
    %get3A_709 = arith.constant 18 : index
    %get3A_710 = arith.constant 0 : index
    %get3A_711 = vector.load %arg5[%get3A_708, %get3A_709, %get3A_710] : memref<1x24x512xf32, #tpu.memory_space<vmem>>, vector<1x1x512xf32>
    %get3A_712 = vector.shape_cast %get3A_711 : vector<1x1x512xf32> to vector<1x512xf32>
    %reduce_sum3A_713 = vector.shape_cast %get3A_712 : vector<1x512xf32> to vector<1x1x512xf32>
    %reduce_sum3A_714 = arith.constant dense<0.000000e+00> : vector<1xf32>
    %reduce_sum3A_715 = vector.multi_reduction <add>, %reduce_sum3A_713, %reduce_sum3A_714 [1, 2] : vector<1x1x512xf32> to vector<1xf32>
    %reduce_sum3A_716 = vector.shape_cast %reduce_sum3A_715 : vector<1xf32> to vector<1x1x1xf32>
    %reduce_sum3A_717 = vector.extract %reduce_sum3A_716[0, 0, 0] : f32 from vector<1x1x1xf32>
    %broadcast_in_dim3A_718 = vector.broadcast %reduce_sum3A_717 : f32 to vector<1x1xf32>
    %mul3A_719 = vector.broadcast %select_n3A : f32 to vector<1x1xf32>
    %mul3A_720 = arith.mulf %mul3A_719, %broadcast_in_dim3A_718 : vector<1x1xf32>
    %add3A_721 = arith.addf %mul3A_707, %mul3A_720 : vector<1x1xf32>
    %get3A_722 = arith.constant 0 : index
    %get3A_723 = arith.constant 0 : index
    %get3A_724 = arith.constant 20 : index
    %get3A_725 = arith.constant 0 : index
    %get3A_726 = vector.load %arg4[%get3A_722, %get3A_723, %get3A_724, %get3A_725] : memref<1x8x24x16xf32, #tpu.memory_space<vmem>>, vector<1x8x1x16xf32>
    %get3A_727 = vector.shape_cast %get3A_726 : vector<1x8x1x16xf32> to vector<8x16xf32>
    %reduce_sum3A_728 = vector.shape_cast %get3A_727 : vector<8x16xf32> to vector<1x8x16xf32>
    %reduce_sum3A_729 = arith.constant dense<0.000000e+00> : vector<1xf32>
    %reduce_sum3A_730 = vector.multi_reduction <add>, %reduce_sum3A_728, %reduce_sum3A_729 [1, 2] : vector<1x8x16xf32> to vector<1xf32>
    %reduce_sum3A_731 = vector.shape_cast %reduce_sum3A_730 : vector<1xf32> to vector<1x1x1xf32>
    %reduce_sum3A_732 = vector.extract %reduce_sum3A_731[0, 0, 0] : f32 from vector<1x1x1xf32>
    %broadcast_in_dim3A_733 = vector.broadcast %reduce_sum3A_732 : f32 to vector<1x1xf32>
    %mul3A_734 = vector.broadcast %sub3A_2 : f32 to vector<1x1xf32>
    %mul3A_735 = arith.mulf %mul3A_734, %broadcast_in_dim3A_733 : vector<1x1xf32>
    %get3A_736 = arith.constant 0 : index
    %get3A_737 = arith.constant 20 : index
    %get3A_738 = arith.constant 0 : index
    %get3A_739 = vector.load %arg5[%get3A_736, %get3A_737, %get3A_738] : memref<1x24x512xf32, #tpu.memory_space<vmem>>, vector<1x1x512xf32>
    %get3A_740 = vector.shape_cast %get3A_739 : vector<1x1x512xf32> to vector<1x512xf32>
    %reduce_sum3A_741 = vector.shape_cast %get3A_740 : vector<1x512xf32> to vector<1x1x512xf32>
    %reduce_sum3A_742 = arith.constant dense<0.000000e+00> : vector<1xf32>
    %reduce_sum3A_743 = vector.multi_reduction <add>, %reduce_sum3A_741, %reduce_sum3A_742 [1, 2] : vector<1x1x512xf32> to vector<1xf32>
    %reduce_sum3A_744 = vector.shape_cast %reduce_sum3A_743 : vector<1xf32> to vector<1x1x1xf32>
    %reduce_sum3A_745 = vector.extract %reduce_sum3A_744[0, 0, 0] : f32 from vector<1x1x1xf32>
    %broadcast_in_dim3A_746 = vector.broadcast %reduce_sum3A_745 : f32 to vector<1x1xf32>
    %mul3A_747 = vector.broadcast %select_n3A : f32 to vector<1x1xf32>
    %mul3A_748 = arith.mulf %mul3A_747, %broadcast_in_dim3A_746 : vector<1x1xf32>
    %add3A_749 = arith.addf %mul3A_735, %mul3A_748 : vector<1x1xf32>
    %div3A_750 = arith.divf %add3A_721, %add3A_617 : vector<1x1xf32>
    %mul3A_751 = arith.constant 2.000000e+00 : f32
    %mul3A_752 = vector.broadcast %mul3A_751 : f32 to vector<1x1xf32>
    %mul3A_753 = arith.mulf %mul3A_752, %div3A_750 : vector<1x1xf32>
    %mul3A_754 = arith.mulf %mul3A_753, %add3A_721 : vector<1x1xf32>
    %sub3A_755 = arith.subf %add3A_749, %mul3A_754 : vector<1x1xf32>
    %mul3A_756 = arith.mulf %div3A_750, %div3A_750 : vector<1x1xf32>
    %mul3A_757 = arith.mulf %mul3A_756, %add3A_614 : vector<1x1xf32>
    %add3A_758 = arith.addf %sub3A_755, %mul3A_757 : vector<1x1xf32>
    %max3A_759 = arith.constant 0.000000e+00 : f32
    %max3A_760 = vector.broadcast %max3A_759 : f32 to vector<1x1xf32>
    %max3A_761 = arith.maximumf %add3A_758, %max3A_760 : vector<1x1xf32>
    %div3A_762 = arith.divf %max3A_761, %add3A_617 : vector<1x1xf32>
    %add3A_763 = arith.constant 1.000000e-10 : f32
    %add3A_764 = vector.broadcast %add3A_763 : f32 to vector<1x1xf32>
    %add3A_765 = arith.addf %div3A_762, %add3A_764 : vector<1x1xf32>
    %div3A_766 = arith.constant -5.000000e-01 : f32
    %div3A_767 = vector.broadcast %div3A_766 : f32 to vector<1x1xf32>
    %div3A_768 = arith.divf %div3A_767, %add3A_765 : vector<1x1xf32>
    %mul3A_769 = arith.mulf %add3A_690, %add3A_765 : vector<1x1xf32>
    %mul3A_770 = arith.constant 0.159154937 : f32
    %mul3A_771 = vector.broadcast %mul3A_770 : f32 to vector<1x1xf32>
    %mul3A_772 = arith.mulf %div3A_618, %mul3A_771 : vector<1x1xf32>
    %rsqrt3A_773 = math.rsqrt %mul3A_769 : vector<1x1xf32>
    %mul3A_774 = arith.mulf %mul3A_772, %rsqrt3A_773 : vector<1x1xf32>
    %get3A_775 = arith.constant 0 : index
    %get3A_776 = arith.constant 0 : index
    %get3A_777 = arith.constant 0 : index
    %get3A_778 = arith.constant 0 : index
    %get3A_779 = vector.load %arg3[%get3A_775, %get3A_776, %get3A_777, %get3A_778] : memref<1x1x256x512xi32, #tpu.memory_space<vmem>>, vector<1x1x256x512xi32>
    %get3A_780 = vector.shape_cast %get3A_779 : vector<1x1x256x512xi32> to vector<256x512xi32>
    %eq3A = arith.constant 1 : i32
    %eq3A_781 = vector.broadcast %eq3A : i32 to vector<256x512xi32>
    %eq3A_782 = arith.cmpi eq, %get3A_780, %eq3A_781 : vector<256x512xi32>
    %convert_element_type3A = arith.extui %eq3A_782 : vector<256x512xi1> to vector<256x512xi32>
    %convert_element_type3A_783 = arith.sitofp %convert_element_type3A : vector<256x512xi32> to vector<256x512xf32>
    %get3A_784 = arith.constant 0 : index
    %get3A_785 = arith.constant 0 : index
    %get3A_786 = arith.constant 0 : index
    %get3A_787 = arith.constant 0 : index
    %get3A_788 = vector.load %arg2[%get3A_784, %get3A_785, %get3A_786, %get3A_787] : memref<1x2x256x512xf32, #tpu.memory_space<vmem>>, vector<1x1x256x512xf32>
    %get3A_789 = vector.shape_cast %get3A_788 : vector<1x1x256x512xf32> to vector<256x512xf32>
    %get3A_790 = arith.constant 0 : index
    %get3A_791 = arith.constant 1 : index
    %get3A_792 = arith.constant 0 : index
    %get3A_793 = arith.constant 0 : index
    %get3A_794 = vector.load %arg2[%get3A_790, %get3A_791, %get3A_792, %get3A_793] : memref<1x2x256x512xf32, #tpu.memory_space<vmem>>, vector<1x1x256x512xf32>
    %get3A_795 = vector.shape_cast %get3A_794 : vector<1x1x256x512xf32> to vector<256x512xf32>
    %sub3A_796 = vector.broadcast %div3A_113 : vector<1x1xf32> to vector<256x512xf32>
    %sub3A_797 = arith.subf %get3A_789, %sub3A_796 : vector<256x512xf32>
    %mul3A_798 = arith.mulf %sub3A_797, %sub3A_797 : vector<256x512xf32>
    %mul3A_799 = vector.broadcast %div3A_130 : vector<1x1xf32> to vector<256x512xf32>
    %mul3A_800 = arith.mulf %mul3A_799, %mul3A_798 : vector<256x512xf32>
    %sub3A_801 = vector.broadcast %div3A_187 : vector<1x1xf32> to vector<256x512xf32>
    %sub3A_802 = arith.subf %get3A_795, %sub3A_801 : vector<256x512xf32>
    %mul3A_803 = arith.mulf %sub3A_802, %sub3A_802 : vector<256x512xf32>
    %mul3A_804 = vector.broadcast %div3A_205 : vector<1x1xf32> to vector<256x512xf32>
    %mul3A_805 = arith.mulf %mul3A_804, %mul3A_803 : vector<256x512xf32>
    %add3A_806 = arith.addf %mul3A_800, %mul3A_805 : vector<256x512xf32>
    %exp3A = math.exp %add3A_806 : vector<256x512xf32>
    %mul3A_807 = vector.broadcast %mul3A_210 : vector<1x1xf32> to vector<256x512xf32>
    %mul3A_808 = arith.mulf %mul3A_807, %exp3A : vector<256x512xf32>
    %sub3A_809 = vector.broadcast %div3A_299 : vector<1x1xf32> to vector<256x512xf32>
    %sub3A_810 = arith.subf %get3A_789, %sub3A_809 : vector<256x512xf32>
    %mul3A_811 = arith.mulf %sub3A_810, %sub3A_810 : vector<256x512xf32>
    %mul3A_812 = vector.broadcast %div3A_317 : vector<1x1xf32> to vector<256x512xf32>
    %mul3A_813 = arith.mulf %mul3A_812, %mul3A_811 : vector<256x512xf32>
    %sub3A_814 = vector.broadcast %div3A_374 : vector<1x1xf32> to vector<256x512xf32>
    %sub3A_815 = arith.subf %get3A_795, %sub3A_814 : vector<256x512xf32>
    %mul3A_816 = arith.mulf %sub3A_815, %sub3A_815 : vector<256x512xf32>
    %mul3A_817 = vector.broadcast %div3A_392 : vector<1x1xf32> to vector<256x512xf32>
    %mul3A_818 = arith.mulf %mul3A_817, %mul3A_816 : vector<256x512xf32>
    %add3A_819 = arith.addf %mul3A_813, %mul3A_818 : vector<256x512xf32>
    %exp3A_820 = math.exp %add3A_819 : vector<256x512xf32>
    %mul3A_821 = vector.broadcast %mul3A_398 : vector<1x1xf32> to vector<256x512xf32>
    %mul3A_822 = arith.mulf %mul3A_821, %exp3A_820 : vector<256x512xf32>
    %add3A_823 = arith.addf %mul3A_808, %mul3A_822 : vector<256x512xf32>
    %sub3A_824 = vector.broadcast %div3A_487 : vector<1x1xf32> to vector<256x512xf32>
    %sub3A_825 = arith.subf %get3A_789, %sub3A_824 : vector<256x512xf32>
    %mul3A_826 = arith.mulf %sub3A_825, %sub3A_825 : vector<256x512xf32>
    %mul3A_827 = vector.broadcast %div3A_505 : vector<1x1xf32> to vector<256x512xf32>
    %mul3A_828 = arith.mulf %mul3A_827, %mul3A_826 : vector<256x512xf32>
    %sub3A_829 = vector.broadcast %div3A_562 : vector<1x1xf32> to vector<256x512xf32>
    %sub3A_830 = arith.subf %get3A_795, %sub3A_829 : vector<256x512xf32>
    %mul3A_831 = arith.mulf %sub3A_830, %sub3A_830 : vector<256x512xf32>
    %mul3A_832 = vector.broadcast %div3A_580 : vector<1x1xf32> to vector<256x512xf32>
    %mul3A_833 = arith.mulf %mul3A_832, %mul3A_831 : vector<256x512xf32>
    %add3A_834 = arith.addf %mul3A_828, %mul3A_833 : vector<256x512xf32>
    %exp3A_835 = math.exp %add3A_834 : vector<256x512xf32>
    %mul3A_836 = vector.broadcast %mul3A_586 : vector<1x1xf32> to vector<256x512xf32>
    %mul3A_837 = arith.mulf %mul3A_836, %exp3A_835 : vector<256x512xf32>
    %add3A_838 = arith.addf %add3A_823, %mul3A_837 : vector<256x512xf32>
    %sub3A_839 = vector.broadcast %div3A_675 : vector<1x1xf32> to vector<256x512xf32>
    %sub3A_840 = arith.subf %get3A_789, %sub3A_839 : vector<256x512xf32>
    %mul3A_841 = arith.mulf %sub3A_840, %sub3A_840 : vector<256x512xf32>
    %mul3A_842 = vector.broadcast %div3A_693 : vector<1x1xf32> to vector<256x512xf32>
    %mul3A_843 = arith.mulf %mul3A_842, %mul3A_841 : vector<256x512xf32>
    %sub3A_844 = vector.broadcast %div3A_750 : vector<1x1xf32> to vector<256x512xf32>
    %sub3A_845 = arith.subf %get3A_795, %sub3A_844 : vector<256x512xf32>
    %mul3A_846 = arith.mulf %sub3A_845, %sub3A_845 : vector<256x512xf32>
    %mul3A_847 = vector.broadcast %div3A_768 : vector<1x1xf32> to vector<256x512xf32>
    %mul3A_848 = arith.mulf %mul3A_847, %mul3A_846 : vector<256x512xf32>
    %add3A_849 = arith.addf %mul3A_843, %mul3A_848 : vector<256x512xf32>
    %exp3A_850 = math.exp %add3A_849 : vector<256x512xf32>
    %mul3A_851 = vector.broadcast %mul3A_774 : vector<1x1xf32> to vector<256x512xf32>
    %mul3A_852 = arith.mulf %mul3A_851, %exp3A_850 : vector<256x512xf32>
    %add3A_853 = arith.addf %add3A_838, %mul3A_852 : vector<256x512xf32>
    %add3A_854 = arith.constant 1.000000e-10 : f32
    %add3A_855 = vector.broadcast %add3A_854 : f32 to vector<256x512xf32>
    %add3A_856 = arith.addf %add3A_853, %add3A_855 : vector<256x512xf32>
    %log3A = math.log %add3A_856 : vector<256x512xf32>
    %mul3A_857 = arith.mulf %convert_element_type3A_783, %log3A : vector<256x512xf32>
    %reduce_sum3A_858 = vector.shape_cast %mul3A_857 : vector<256x512xf32> to vector<1x256x512xf32>
    %reduce_sum3A_859 = arith.constant dense<0.000000e+00> : vector<1xf32>
    %reduce_sum3A_860 = vector.multi_reduction <add>, %reduce_sum3A_858, %reduce_sum3A_859 [1, 2] : vector<1x256x512xf32> to vector<1xf32>
    %reduce_sum3A_861 = vector.shape_cast %reduce_sum3A_860 : vector<1xf32> to vector<1x1x1xf32>
    %reduce_sum3A_862 = vector.extract %reduce_sum3A_861[0, 0, 0] : f32 from vector<1x1x1xf32>
    %broadcast_in_dim3A_863 = vector.broadcast %reduce_sum3A_862 : f32 to vector<1x1xf32>
    %eq3A_864 = arith.constant 0 : i32
    %eq3A_865 = arith.cmpi eq, %arg0, %eq3A_864 : i32
    %eq3A_866 = arith.constant 0 : i32
    %eq3A_867 = arith.cmpi eq, %arg1, %eq3A_866 : i32
    %and3A = arith.andi %eq3A_865, %eq3A_867 : i1
    %convert_element_type3A_868 = arith.extui %and3A : i1 to i32
    %cond3A = arith.constant 0 : i32
    %cond3A_869 = arith.cmpi ne, %convert_element_type3A_868, %cond3A : i32
    scf.if %cond3A_869 {
      %broadcast_in_dim3A_882 = arith.constant 0.000000e+00 : f32
      %broadcast_in_dim3A_883 = vector.broadcast %broadcast_in_dim3A_882 : f32 to vector<1x1xf32>
      %swap3A_884 = arith.constant 0 : index
      %swap3A_885 = arith.constant 0 : index
      %swap3A_886 = vector.load %arg6[%swap3A_884, %swap3A_885] : memref<1x1xf32, #tpu.memory_space<vmem>>, vector<1x1xf32>
      tpu.vector_store %arg6[%swap3A_884, %swap3A_885], %broadcast_in_dim3A_883 {strides = array<i32>} : memref<1x1xf32, #tpu.memory_space<vmem>>, vector<1x1xf32>,
    } else {
    }
    %get3A_870 = arith.constant 0 : index
    %get3A_871 = arith.constant 0 : index
    %get3A_872 = vector.load %arg6[%get3A_870, %get3A_871] : memref<1x1xf32, #tpu.memory_space<vmem>>, vector<1x1xf32>
    %mul3A_873 = arith.constant 8.000000e+00 : f32
    %mul3A_874 = vector.broadcast %mul3A_873 : f32 to vector<1x1xf32>
    %mul3A_875 = arith.mulf %add3A, %mul3A_874 : vector<1x1xf32>
    %div3A_876 = arith.divf %broadcast_in_dim3A_863, %mul3A_875 : vector<1x1xf32>
    %neg3A = arith.constant 0.000000e+00 : f32
    %neg3A_877 = vector.broadcast %neg3A : f32 to vector<1x1xf32>
    %neg3A_878 = arith.subf %neg3A_877, %div3A_876 : vector<1x1xf32>
    %add3A_879 = arith.addf %get3A_872, %neg3A_878 : vector<1x1xf32>
    %swap3A = arith.constant 0 : index
    %swap3A_880 = arith.constant 0 : index
    %swap3A_881 = vector.load %arg6[%swap3A, %swap3A_880] : memref<1x1xf32, #tpu.memory_space<vmem>>, vector<1x1xf32>
    tpu.vector_store %arg6[%swap3A, %swap3A_880], %add3A_879 {strides = array<i32>} : memref<1x1xf32, #tpu.memory_space<vmem>>, vector<1x1xf32>,
    return
  }
  func.func @transform_0(%arg0: i32, %arg1: i32) -> (i32, i32, i32, i32) {
    %c0_i32 = arith.constant 0 : i32
    %c0_i32_0 = arith.constant 0 : i32
    %c0_i32_1 = arith.constant 0 : i32
    return %arg0, %c0_i32, %arg1, %c0_i32_0 : i32, i32, i32, i32
  }
  func.func @transform_1(%arg0: i32, %arg1: i32) -> (i32, i32, i32, i32) {
    %c0_i32 = arith.constant 0 : i32
    %c0_i32_0 = arith.constant 0 : i32
    %c0_i32_1 = arith.constant 0 : i32
    return %arg0, %c0_i32, %arg1, %c0_i32_0 : i32, i32, i32, i32
  }
  func.func @transform_2(%arg0: i32, %arg1: i32) -> (i32, i32, i32, i32) {
    %sub3A = arith.constant 4 : i32
    %sub3A_0 = arith.subi %arg0, %sub3A : i32
    %max3A = arith.constant 0 : i32
    %max3A_1 = arith.maxsi %sub3A_0, %max3A : i32
    %c0_i32 = arith.constant 0 : i32
    %c0_i32_2 = arith.constant 0 : i32
    %c0_i32_3 = arith.constant 0 : i32
    %c0_i32_4 = arith.constant 0 : i32
    return %max3A_1, %c0_i32, %c0_i32_2, %c0_i32_3 : i32, i32, i32, i32
  }
  func.func @transform_3(%arg0: i32, %arg1: i32) -> (i32, i32, i32) {
    %min3A = arith.constant 3 : i32
    %min3A_0 = arith.minsi %arg0, %min3A : i32
    %c0_i32 = arith.constant 0 : i32
    %c0_i32_1 = arith.constant 0 : i32
    %c0_i32_2 = arith.constant 0 : i32
    return %min3A_0, %c0_i32, %c0_i32_1 : i32, i32, i32
  }
  func.func @transform_4(%arg0: i32, %arg1: i32) -> (i32, i32) {
    %c0_i32 = arith.constant 0 : i32
    %c0_i32_0 = arith.constant 0 : i32
    %c0_i32_1 = arith.constant 0 : i32
    return %c0_i32, %c0_i32_0 : i32, i32
  }
}

</mosaic_0001>

<sc_bundles>
// kernel: kernel.5.cloned.1.call-start
scs
__scs_entry_jumppad:
0x0: {  	(pc) =	sbr.rel $0x88, $3  }
0x1: {  	(tag) =	ssettag $0x0;
	lr =	simm.s32 $0x1  }
0x2: {  	[smem:$0x3F9E] =	sst lr;
	_ =	strace $0xD0000000  }
0x3: {  	_ = 	snop  }
0x4: {  	_ = 	snop  }
0x5: {  	_ = 	snop  }
0x6: {  	_ = 	snop  }
0x7: {  	_ = 	snop  }
__scs_overlays_trampoline_lowered:
0x8: {  	[smem:$0x3FAD] =	sst s0  }
0x9: {  	[smem:$0x3FAE] =	sst s1  }
0xa: {  	[smem:$0x3FAF] =	sst s2  }
0xb: {  	[smem:$0x3FB0] =	sst s3  }
0xc: {  	[smem:$0x3FB1] =	sst s4  }
0xd: {  	[smem:$0x3FB2] =	sst s5  }
0xe: {  	[smem:$0x3FB3] =	sst s6  }
0xf: {  	[smem:$0x3FB4] =	sst s7  }
0x10: {  	[smem:$0x3FB5] =	sst s8  }
0x11: {  	[smem:$0x3FB6] =	sst s9;
	s0 =	simm.s32 @!p0 $0x0  }
0x12: {  	s1 =	sld [smem:$0x3F9C];
	s0 =	simm.s32 @p0 $0x1  }
0x13: {  	[smem:$0x3FB7] =	sst s0;
	s0 =	simm.s32 @!p1 $0x0  }
0x14: {  	s2 =	sld [smem:$0x3F9B];
	s0 =	simm.s32 @p1 $0x1  }
0x15: {  	[smem:$0x3FB8] =	sst s0;
	s0 =	simm.s32 @!p2 $0x0  }
0x16: {  	s3 =	sld [smem:$0x3FDB];
	s0 =	simm.s32 @p2 $0x1  }
0x17: {  	s4 =	simm.s32 $0x1BF5;
	[smem:$0x3FBA] =	sst s0  }
0x18: {  	s0 =	sld [smem:$0x3F9D];
	_ =	swait.ge [sflag:s4], $0x0  }
0x19: {  	s7 =	sld [smem:$0x3F9E]  }
0x1a: {  	s8 =	sadd.s32 $0xFFFFE003, lr  }
0x1b: {  	s9 =	sadd.s32 $0xFFFFFEF7, lr;
	s5 =	simm.s32 $0xFFFFFFFF;
	p2 =	slt.u32 s8, $0xFFFFF086  }
0x1c: {  	p1 =	slt.u32 s9, $0xF7A;
	s5 =	simm.s32 @!p2 $0x0  }
0x1d: {  	s5 =	simm.s32 @p1 $0x1;
	p0 =	seq.s32 s7, s2  }
0x1e: {  	s7 =	smul.u32 @!p0 $0xF7A, s2;
	p2 =	seq.s32 @!p0 s5, $0x0  }
0x1f: {  	s9 =	smul.u32 $0xF7A, s1;
	s8 =	simm.s32 @!p0 $0x1BF5;
	p2 =	por !p2, p0  }
0x20: {  	[sflag:s8] =	ssyncset.s32 @!p0 $0xFFFFF086;
	s6 =	sadd.s32 @!p0 s3, s7;
	s7 =	simm.s32 @!p0 $0x108  }
0x21: {  	s3 =	sadd.s32 s3, s9;
	s6 =	sadd.s32 @!p0 $0x88, s6;
	s7 =	simm.s32 @p2 $0x1082  }
0x22: {  	[simem:s7], [sflag:s8] =	dma.local @!p0 [hbm:s6], $0xF7A  }
0x23: {  	s9 =	sor.u32 $0xD0000000, s2;
	s6 =	simm.s32 $0x108;
	_ =	swait.ge @!p0 [sflag:s8], $0x0  }
0x24: {  	s3 =	sadd.s32 $0x88, s3;
	s6 =	simm.s32 @!p1 $0x1082;
	[sflag:s4] =	ssyncset.s32 $0xFFFFF086  }
0x25: {  	[simem:s6], [sflag:s4] =	dma.local [hbm:s3], $0xF7A  }
0x26: {  	[smem:$0x3F9E] =	sst s1;
	(tag) =	ssettag s2;
	_ =	strace s9  }
0x27: {  	s1 =	sld [smem:$0x3FAE]  }
0x28: {  	s2 =	sld [smem:$0x3FAF]  }
0x29: {  	s4 =	sld [smem:$0x3FB1]  }
0x2a: {  	p0 =	seq.s32 s5, $0x0;
	s5 =	sld [smem:$0x3FB2]  }
0x2b: {  	s6 =	sld [smem:$0x3FB3]  }
0x2c: {  	s7 =	sld [smem:$0x3FB4]  }
0x2d: {  	s3 =	simm.s32 $0x108;
	s8 =	sld [smem:$0x3FB5]  }
0x2e: {  	s3 =	simm.s32 @!p0 $0x1082;
	s9 =	sld [smem:$0x3FB6]  }
0x2f: {  	lr =	sadd.s32 s0, s3;
	s0 =	sld [smem:$0x3FAD]  }
0x30: {  	s3 =	sld [smem:$0x3FB0]  }
0x31: {  	[smem:$0x3FB9] =	sst s10  }
0x32: {  	s10 =	sld [smem:$0x3FB7];
	_ =	sdelay $0x3  }
0x33: {  	p0 =	seq.s32 s10, $0x1;
	s10 =	sld [smem:$0x3FB9];
	_ =	sdelay $0x3  }
0x34: {  	[smem:$0x3FB9] =	sst s10  }
0x35: {  	s10 =	sld [smem:$0x3FB8];
	_ =	sdelay $0x3  }
0x36: {  	p1 =	seq.s32 s10, $0x1;
	s10 =	sld [smem:$0x3FB9];
	_ =	sdelay $0x3  }
0x37: {  	[smem:$0x3FB9] =	sst s10  }
0x38: {  	s10 =	sld [smem:$0x3FBA]  }
0x39: {  	_ = 	snop;
	(pc) =	sbr.ind lr, $3  }
0x3a: {  	_ = 	snop  }
0x3b: {  	_ = 	snop  }
0x3c: {  	p2 =	seq.s32 s10, $0x1;
	s10 =	sld [smem:$0x3FB9]  }
0x3d: {  	_ =	shalt  }
0x3e: {  	_ =	shalt  }
0x3f: {  	_ =	shalt  }
0x40: {  	_ =	shalt  }
0x41: {  	_ =	shalt  }
0x42: {  	_ =	shalt  }
0x43: {  	_ =	shalt  }
0x44: {  	_ =	shalt  }
0x45: {  	_ =	shalt  }
0x46: {  	_ =	shalt  }
0x47: {  	_ =	shalt  }
0x48: {  	_ =	shalt  }
0x49: {  	_ =	shalt  }
0x4a: {  	_ =	shalt  }
0x4b: {  	_ =	shalt  }
0x4c: {  	_ =	shalt  }
0x4d: {  	_ =	shalt  }
0x4e: {  	_ =	shalt  }
0x4f: {  	_ =	shalt  }
0x50: {  	_ =	shalt  }
0x51: {  	_ =	shalt  }
0x52: {  	_ =	shalt  }
0x53: {  	_ =	shalt  }
0x54: {  	_ =	shalt  }
0x55: {  	_ =	shalt  }
0x56: {  	_ =	shalt  }
0x57: {  	_ =	shalt  }
0x58: {  	_ =	shalt  }
0x59: {  	_ =	shalt  }
0x5a: {  	_ =	shalt  }
0x5b: {  	_ =	shalt  }
0x5c: {  	_ =	shalt  }
0x5d: {  	_ =	shalt  }
0x5e: {  	_ =	shalt  }
0x5f: {  	_ =	shalt  }
0x60: {  	_ =	shalt  }
0x61: {  	_ =	shalt  }
0x62: {  	_ =	shalt  }
0x63: {  	_ =	shalt  }
0x64: {  	_ =	shalt  }
0x65: {  	_ =	shalt  }
0x66: {  	_ =	shalt  }
0x67: {  	_ =	shalt  }
0x68: {  	_ =	shalt  }
0x69: {  	_ =	shalt  }
0x6a: {  	_ =	shalt  }
0x6b: {  	_ =	shalt  }
0x6c: {  	_ =	shalt  }
0x6d: {  	_ =	shalt  }
0x6e: {  	_ =	shalt  }
0x6f: {  	_ =	shalt  }
0x70: {  	_ =	shalt  }
0x71: {  	_ =	shalt  }
0x72: {  	_ =	shalt  }
0x73: {  	_ =	shalt  }
0x74: {  	_ =	shalt  }
0x75: {  	_ =	shalt  }
0x76: {  	_ =	shalt  }
0x77: {  	_ =	shalt  }
0x78: {  	_ =	shalt  }
0x79: {  	_ =	shalt  }
0x7a: {  	_ =	shalt  }
0x7b: {  	_ =	shalt  }
0x7c: {  	_ =	shalt  }
0x7d: {  	_ =	shalt  }
0x7e: {  	_ =	shalt  }
0x7f: {  	_ =	shalt  }
0x80: {  	_ =	shalt  }
0x81: {  	_ =	shalt  }
0x82: {  	_ =	shalt  }
0x83: {  	_ =	shalt  }
0x84: {  	_ =	shalt  }
0x85: {  	_ =	shalt  }
0x86: {  	_ =	shalt  }
0x87: {  	_ =	shalt  }
.Lfunc_end0:
.L_simem_size_0:
called_computation_lowered:
.L_overlay_start_0:
0x88: {  	s2 =	sld [smem:$0x3FD9]  }
0x89: {  	s3 =	sld [smem:$0x3FFE];
	_ =	sdelay $0x1  }
0x8a: {  	s1 =	srdreg.scid  }
0x8b: {  	s0 =	sand.u32 $0x1, s1  }
0x8c: {  	s17 =	sshll.u32 s0, $0xA;
	s2 =	sadd.s32 s3, s2  }
0x8d: {  	s2 =	sadd.s32 s2, s17  }
0x8e: {  	[smem:$0x3FC5] =	sst s2  }
0x8f: {  	_ = 	snop  }
0x90: {  	s2 =	sld [smem:$0x3FC9]  }
0x91: {  	s18 =	sld [smem:$0x3FC8]  }
0x92: {  	s4 =	sld [smem:$0x3FC7];
	(tm) =	ssettm $0x1  }
0x93: {  	s5 =	sld [smem:$0x3FFB];
	_ =	sdelay $0x3  }
0x94: {  	_ =	strace s5  }
0x95: {  	s5 =	sld [smem:$0x3FFC];
	_ =	sdelay $0x3  }
0x96: {  	_ =	strace s5  }
0x97: {  	s5 =	sld [smem:$0x3FFD];
	_ =	sdelay $0x3  }
0x98: {  	_ =	strace s5  }
0x99: {  	_ =	strace $0x8FFFFFFF  }
0x9a: {  	s19 =	sld [smem:$0x3FDB];
	_ =	sdelay $0x1  }
0x9b: {  	s6 =	simm.s32 $_scs_section_size  }
0x9c: {  	s7 =	simm.s32 $_size__tile_overlayer_lowered;
	s8 =	simm.s32 $_tile_overlayer_lowered  }
0x9d: {  	s22 =	simm.s32 $0x1BFF;
	s21 =	sshll.u32 s8, $0x1;
	s5 =	sadd.s32 s6, s19  }
0x9e: {  	s9 =	simm.s32 $0x0;
	s20 =	sshll.u32 s7, $0x1;
	s7 =	sadd.s32 s21, s5  }
0x9f: {  	[timem:s9], [sflag:s22] =	dma.local [hbm:s7], s20  }
0xa0: {  	_ =	swait.ge [sflag:s22], s20  }
0xa1: {  	s6 =	ssub.s32 $0x0, s20;
	[sflag:s22] =	ssyncset.done $0x0  }
0xa2: {  	[sflag:s22] =	ssyncadd.s32 s6;
	_ =	sdelay $0x1  }
0xa3: {  	s23 =	simm.s32 $0x1B8B  }
0xa4: {  	_ =	swait.ge [sflag:s23], $0x1  }
0xa5: {  	[sflag:s23] =	ssyncset.done $0x0  }
0xa6: {  	s25 =	simm.s32 $0x1B8E;
	s24 =	sld [smem:$0x3FFE];
	[sflag:s23] =	ssyncadd.s32 $0xFFFFFFFF  }
0xa7: {  	s26 =	simm.s32 $execute0_lowered;
	[smem:$0x3FD2] =	sst s25  }
0xa8: {  	s7 =	sshll.u32 s26, $0x1;
	_ =	strace $0x80000046;
	[dreg:$0x1] =	wrdreg $0xFFFFFFFF  }
0xa9: {  	s28 =	simm.s32 $_size_execute0_lowered;
	s5 =	sadd.s32 s5, s7;
	[dreg:$0x0] =	wrdreg $0x0  }
0xaa: {  	s7 =	sshll.u32 s28, $0x1;
	[dreg:$0x2] =	wrdreg s5  }
0xab: {  	[dreg:$0x3] =	wrdreg s7  }
0xac: {  	[dreg:$0x4] =	wrdreg $0xC0  }
0xad: {  	_ =	task [dreg:s9], $0x5FFFF  }
0xae: {  	[dreg:$0x1] =	wrdreg $0xFFFFFFFF  }
0xaf: {  	[dreg:$0x0] =	wrdreg $0x60  }
0xb0: {  	[dreg:$0x2] =	wrdreg s2  }
0xb1: {  	[dreg:$0x3] =	wrdreg s18  }
0xb2: {  	[dreg:$0x4] =	wrdreg s4  }
0xb3: {  	[dreg:$0x5] =	wrdreg s24  }
0xb4: {  	[dreg:$0x6] =	wrdreg $0x9  }
0xb5: {  	_ =	task.clear_ibuf [dreg:s9], $0x7FFFF;
	_ =	strace $0x90000046  }
0xb6: {  	s29 =	simm.s32 $0x9;
	_ =	strace $0x80000048  }
0xb7: {  	_ =	swait.ge [sflag:s29], $0x1  }
0xb8: {  	[sflag:s29] =	ssyncadd.s32 $0xFFFFFFFF  }
0xb9: {  	_ =	strace $0x90000048  }
0xba: {  	_ =	sfence  }
0xbb: {  	s30 =	sld [smem:$0x0];
	_ =	sdelay $0x2  }
0xbc: {  	s31 =	sshll.u32 s1, $0xD;
	s1 =	sshrl.u32 s1, $0x2  }
0xbd: {  	s3 =	sand.u32 $0x4000, s31;
	s1 =	sadd.s32 s1, s30  }
0xbe: {  	s0 =	sor.u32 s3, s0;
	s1 =	sshll.u32 s1, $0x11  }
0xbf: {  	s0 =	sor.u32 s1, s0  }
0xc0: {  	s0 =	sadd.s32 $0x8F2B, s0  }
0xc1: {  	[sflag:s0] =	ssyncadd.remote.s32 $0x1  }
0xc2: {  	_ =	sfence.sel $0xFFFF  }
0xc3: {  	[dreg:$0x0] =	wrdreg $0xFFFFFFFF;
	(pc) =	sbr.abs _section_cstart, $3  }
0xc4: {  	[dreg:$0x1] =	wrdreg $0xFFFFFFFF  }
0xc5: {  	_ =	task.clear_ibuf [dreg:s9], $0x2FFFF;
	_ =	strace $0x9FFFFFFF  }
0xc6: {  	(tm) =	ssettm $0x7FFFFFFF  }
0xc7: {  	_ =	shalt  }
tec
execute0_lowered:
.L_overlay_start_1:
0x0: {  	(tag) =	ssettag $0x1  }
0x1: {  	s0 =	rddreg [dreg:$0x0]  }
0x2: {  	s1 =	rddreg [dreg:$0x1]  }
0x3: {  	s14 =	rddreg [dreg:$0x2]  }
0x4: {  	s3 =	rddreg [dreg:$0x3]  }
0x5: {  	s2 =	srdreg.scid;
	s6 =	stileid.u32;
	s28 =	simm.s32 $0x3  }
0x6: {  	s29 =	simm.s32 $0x0;
	s4 =	sand.u32 $0x1, s2;
	s5 =	sshll.u32 s6, $0x1  }
0x7: {  	s2 =	simm.s32 $0x0;
	s6 =	sshrl.u32 s6, $0x2;
	s5 =	sor.u32 s4, s5  }
0x8: {  	[smem:$0x7FF] =	sst s2;
	s6 =	sor.u32 $0x4, s6;
	s4 =	ssub.s32 $0x2, s4  }
0x9: {  	s7 =	sshll.u32 s5, $0xF;
	s5 =	smul.u32 $0x180, s5;
	s12 =	sshll.u32 s6, $0x14  }
0xa: {  	_ =	strace $0x80000047;
	s10 =	sshrl.u32 s4, $0x1;
	s11 =	sand.u32 $0x38000, s7  }
0xb: {  	s16 =	ssub.s32 s4, s10;
	s7 =	sor.u32 s12, s11;
	s15 =	sadd.s32 s5, s3  }
0xc: {  	s19 =	sor.u32 $0x2000, s11;
	s10 =	sor.u32 $0x4000, s11;
	s30 =	sor.u32 $0x6000, s11  }
0xd: {  	s16 =	smax.u32 s16, $0x1;
	s13 =	sshrl.u32 s7, $0x3;
	s21 =	sor.u32 s12, s19  }
0xe: {  	s25 =	sor.u32 s12, s10;
	s12 =	sor.u32 s12, s30;
	s15 =	sadd.s32 $0x800, s15  }
0xf: {  	s17 =	sadd.s32 s0, s13;
	s13 =	sshll.u32 s6, $0x13;
	s12 =	sshrl.u32 s12, $0x3  }
0x10: {  	[dreg:$0x5] =	wrdreg s17;
	s18 =	sor.u32 s13, s11;
	s17 =	sshll.u32 s6, $0x12  }
0x11: {  	s6 =	sshrl.u32 s21, $0x3;
	s8 =	sor.u32 s13, s19;
	s12 =	sadd.s32 s0, s12  }
0x12: {  	s21 =	simm.s32 $0x8000;
	s4 =	sshrl.u32 s18, $0x3;
	s20 =	sor.u32 s17, s11  }
0x13: {  	s6 =	sadd.s32 s0, s6;
	s8 =	sshrl.u32 s8, $0x3;
	s9 =	sor.u32 s17, s19  }
0x14: {  	s18 =	sor.u32 s13, s10;
	s19 =	sor.u32 s17, s10;
	s13 =	sor.u32 s13, s30  }
0x15: {  	s17 =	sor.u32 s17, s30;
	s22 =	sadd.s32 s1, s4;
	s5 =	sshrl.u32 s20, $0x3  }
0x16: {  	s7 =	sadd.s32 s1, s8;
	s24 =	sshrl.u32 s9, $0x3;
	s9 =	sshrl.u32 s25, $0x3  }
0x17: {  	s18 =	sshrl.u32 s18, $0x3;
	s26 =	sshrl.u32 s19, $0x3;
	s13 =	sshrl.u32 s13, $0x3  }
0x18: {  	s31 =	sshrl.u32 s17, $0x3;
	s17 =	simm.s32 $0x2000;
	s19 =	simm.s32 $0x10000  }
0x19: {  	s20 =	simm.s32 $0x18000;
	s25 =	simm.s32 $0x2;
	[dreg:$0x6] =	wrdreg s22  }
0x1a: {  	s23 =	sadd.s32 s14, s5;
	s8 =	sadd.s32 s14, s24;
	s9 =	sadd.s32 s0, s9  }
0x1b: {  	s10 =	sadd.s32 s1, s18;
	s11 =	sadd.s32 s14, s26;
	s13 =	sadd.s32 s1, s13  }
0x1c: {  	s14 =	sadd.s32 s14, s31;
	s18 =	simm.s32 $0x40000;
	s22 =	simm.s32 $0x14000  }
0x1d: {  	v0 =	vimm.f32 $0.0e+00;
	s24 =	simm.s32 $0x1;
	[dreg:$0x7] =	wrdreg s23;
	s23 =	simm.s32 $0x1A000  }
.LBB2_1:
0x1e: {  	s0 =	rddreg [dreg:$0x5]  }
0x1f: {  	[tilespmem:s2], [sflag:$0x1] =	stream.strided.gather [hbm4b:s0+s17], $0x8000, s18, s17, $0x38;
	[tilespmem:$0x1CC00] =	vst v63  }
0x20: {  	s3 =	rddreg [dreg:$0x6]  }
0x21: {  	[tilespmem:s19], [sflag:$0x1] =	stream.strided.gather [hbm4b:s3+s17], $0x4000, s18, s17, $0x38;
	[tilespmem:$0x1CC00] =	vst v63  }
0x22: {  	s4 =	rddreg [dreg:$0x7]  }
0x23: {  	[tilespmem:s20], [sflag:$0x1] =	stream.linear.gather [hbm4b:s4+s2], $0x2000, $0x38;
	[tilespmem:$0x1CC00] =	vst v63  }
0x24: {  	_ = 	snop  }
0x25: {  	[tilespmem:s21], [sflag:$0x2] =	stream.strided.gather [hbm4b:s6+s17], $0x8000, s18, s17, $0x38;
	[tilespmem:$0x1CC00] =	vst v63  }
0x26: {  	_ = 	snop  }
0x27: {  	[tilespmem:s22], [sflag:$0x2] =	stream.strided.gather [hbm4b:s7+s17], $0x4000, s18, s17, $0x38;
	[tilespmem:$0x1CC00] =	vst v63  }
0x28: {  	_ = 	snop  }
0x29: {  	[tilespmem:s23], [sflag:$0x2] =	stream.linear.gather [hbm4b:s8+s2], $0x2000, $0x38;
	[tilespmem:$0x1CC00] =	vst v63  }
0x2a: {  	_ =	swait.ge [sflag:s24], $0x8000  }
0x2b: {  	[sflag:s24] =	ssyncset.done $0x0  }
0x2c: {  	[sflag:s24] =	ssyncadd.s32 $0xFFFF8000  }
0x2d: {  	_ =	swait.ge [sflag:s24], $0x4000  }
0x2e: {  	s5 =	sand.u32 $0x70, s2;
	s1 =	simm.s32 $0x0;
	[sflag:s24] =	ssyncset.done $0x0  }
0x2f: {  	s30 =	sand.u32 $0xC00, s2;
	s31 =	simm.s32 $0x0;
	[sflag:s24] =	ssyncadd.s32 $0xFFFFC000  }
0x30: {  	s1 =	sand.u32 $0x1000, s1;
	s26 =	sor.u32 s30, s5;
	_ =	swait.ge [sflag:s24], $0x2000  }
0x31: {  	s31 =	sand.u32 $0x380, s31;
	s26 =	sor.u32 s1, s26;
	[sflag:s24] =	ssyncset.done $0x0  }
0x32: {  	s26 =	sor.u32 s31, s26;
	[sflag:s24] =	ssyncadd.s32 $0xFFFFE000  }
0x33: {  	s1 =	sor.u32 s30, s1;
	v1 =	vld [tilespmem:s26+$0x2000]  }
0x34: {  	s1 =	sor.u32 s31, s1;
	v2 =	vld [tilespmem:s26+$0x10000]  }
0x35: {  	s0 =	sor.u32 s5, s1;
	v3 =	vld [tilespmem:s26+$0x18000]  }
0x36: {  	v5 =	vld [tilespmem:s0+$0x4000]  }
0x37: {  	v7 =	vld [tilespmem:s26+$0x12000]  }
0x38: {  	s3 =	simm.s32 $0x10;
	s4 =	simm.s32 $0x80;
	v6 =	vld [tilespmem:s26+$0x0]  }
0x39: {  	s5 =	simm.s32 $0x10;
	s1 =	sand.u32 $0xC00, s4;
	v4 =	vld [tilespmem:s0+$0x6000];
	s0 =	sand.u32 $0x70, s3  }
0x3a: {  	s30 =	simm.s32 $0x4;
	s26 =	sand.u32 $0x1000, s5;
	s31 =	sor.u32 s1, s0;
	vm0 =	veq.s32 v3, $0x1  }
0x3b: {  	s30 =	sand.u32 $0x380, s30;
	s31 =	sor.u32 s26, s31;
	v8 =	vmul.f32 v2, v2;
	v3 =	vsel vm0, $0x3F800000, v0  }
0x3c: {  	s31 =	sor.u32 s30, s31;
	v14 =	vmul.f32 v7, v7;
	v5 =	vmul.f32 v5, v3  }
0x3d: {  	v31 =	vimm.f32 $0.0e+00;
	v24 =	vld [tilespmem:s31+$0x18000];
	v13 =	vmul.f32 v1, v3;
	v21 =	vmul.f32 v6, v3  }
0x3e: {  	v18 =	vadd.f32 v3, v0;
	v3 =	vmul.f32 v4, v3;
	v1 =	vmul.f32 v5, v2  }
0x3f: {  	v19 =	vadd.f32 v13, v0;
	v4 =	vmul.f32 v5, v7;
	v6 =	vmul.f32 v5, v8  }
0x40: {  	s1 =	sor.u32 s1, s26;
	v17 =	vadd.f32 v5, v0;
	v23 =	vmul.f32 v21, v14;
	v9 =	vmul.f32 v3, v2  }
0x41: {  	s1 =	sor.u32 s30, s1;
	v22 =	vld [tilespmem:s31+$0x2000];
	v16 =	vadd.f32 v3, v0;
	v20 =	vmul.f32 v5, v14;
	v32 =	vmul.f32 v21, v7  }
0x42: {  	s0 =	sor.u32 s0, s1;
	v27 =	vld [tilespmem:s31+$0x0];
	v5 =	vmul.f32 v13, v14;
	v34 =	vmul.f32 v13, v7;
	vm15 =	veq.s32 v24, $0x1  }
0x43: {  	v28 =	vld [tilespmem:s0+$0x4000];
	v24 =	vmul.f32 v21, v8;
	v25 =	vmul.f32 v21, v2;
	v30 =	vsel vm15, $0x3F800000, v0  }
0x44: {  	v26 =	vld [tilespmem:s0+$0x6000];
	v12 =	vadd.f32 v1, v0;
	v11 =	vadd.f32 v4, v0;
	v4 =	vmul.f32 v3, v7  }
0x45: {  	v15 =	vadd.f32 v6, v0;
	v6 =	vmul.f32 v3, v8;
	v10 =	vadd.f32 v9, v0  }
0x46: {  	v9 =	vmul.f32 v3, v14;
	v3 =	vadd.f32 v21, v0;
	v7 =	vmul.f32 v13, v8  }
0x47: {  	v1 =	vld [tilespmem:s31+$0x10000];
	v13 =	vmul.f32 v13, v2;
	v2 =	vadd.f32 v30, v18;
	v18 =	vmul.f32 v27, v30  }
0x48: {  	v5 =	vadd.f32 v5, v0;
	v22 =	vmul.f32 v22, v30;
	v29 =	vmul.f32 v28, v30  }
0x49: {  	v33 =	vmul.f32 v26, v30;
	v30 =	vimm.f32 $0.0e+00;
	v28 =	vimm.f32 $0.0e+00;
	v21 =	vld [tilespmem:s31+$0x12000]  }
0x4a: {  	v27 =	vimm.f32 $0.0e+00;
	v4 =	vadd.f32 v4, v0;
	v6 =	vadd.f32 v6, v0  }
0x4b: {  	v26 =	vimm.f32 $0.0e+00;
	v7 =	vadd.f32 v7, v0;
	v8 =	vadd.f32 v13, v0  }
0x4c: {  	s30 =	simm.s32 $0x20;
	s0 =	simm.s32 $0x2;
	s31 =	simm.s32 $0x100;
	v13 =	vadd.f32 v24, v0;
	v24 =	vimm.f32 $0.0e+00;
	v14 =	vmul.f32 v1, v1  }
.LBB2_2:
0x4d: {  	s1 =	sand.u32 $0x70, s30  }
0x4e: {  	s26 =	sshll.u32 s0, $0x4;
	s3 =	sand.u32 $0xC00, s31;
	v35 =	vmul.f32 v21, v21;
	v19 =	vadd.f32 v22, v19;
	v31 =	vadd.f32 v34, v31;
	s4 =	smov.u32 s0  }
0x4f: {  	v30 =	vadd.f32 v23, v30;
	s4 =	sand.u32 $0x1000, s26;
	s26 =	sshll.u32 s0, $0x2;
	s5 =	sor.u32 s3, s1;
	v34 =	vmul.f32 v29, v1;
	v36 =	vmul.f32 v29, v21  }
0x50: {  	v28 =	vadd.f32 v32, v28;
	v17 =	vadd.f32 v29, v17;
	v37 =	vmul.f32 v29, v14;
	s26 =	sand.u32 $0x380, s26;
	s5 =	sor.u32 s4, s5;
	s3 =	sor.u32 s3, s4  }
0x51: {  	v16 =	vadd.f32 v33, v16;
	v23 =	vmul.f32 v18, v35;
	s4 =	sor.u32 s26, s5;
	s3 =	sor.u32 s26, s3;
	s5 =	sadd.s32 $0x1, s0;
	v12 =	vadd.f32 v34, v12  }
0x52: {  	p0 =	sne.s32 s0, $0x1FF;
	v32 =	vmul.f32 v33, v1;
	v11 =	vadd.f32 v36, v11;
	v15 =	vadd.f32 v37, v15;
	v38 =	vld [tilespmem:s4+$0x2000];
	s1 =	sor.u32 s1, s3  }
0x53: {  	v27 =	vadd.f32 v20, v27;
	v34 =	vmul.f32 v33, v21;
	v37 =	vmul.f32 v33, v14;
	v36 =	vld [tilespmem:s4+$0x10000]  }
0x54: {  	v26 =	vadd.f32 v9, v26;
	v9 =	vmul.f32 v33, v35;
	v10 =	vadd.f32 v32, v10;
	v39 =	vld [tilespmem:s4+$0x18000]  }
0x55: {  	v20 =	vmul.f32 v29, v35;
	v4 =	vadd.f32 v34, v4;
	v6 =	vadd.f32 v37, v6;
	v33 =	vld [tilespmem:s1+$0x6000]  }
0x56: {  	v24 =	vadd.f32 v25, v24;
	v35 =	vmul.f32 v22, v35;
	v32 =	vmul.f32 v18, v21;
	v29 =	vld [tilespmem:s4+$0x0]  }
0x57: {  	v3 =	vadd.f32 v18, v3;
	v25 =	vmul.f32 v22, v14;
	v34 =	vmul.f32 v22, v21;
	v37 =	vld [tilespmem:s1+$0x4000]  }
.Ltmp0:
0x58: {  	v5 =	vadd.f32 v35, v5;
	v22 =	vmul.f32 v22, v1;
	v21 =	vld [tilespmem:s4+$0x12000];
	v40 =	vmul.f32 v36, v36;
	(pc) =	sbr.rel @p0 .LBB2_2-.Ltmp0, $4  }
0x59: {  	v7 =	vadd.f32 v25, v7;
	v35 =	vmul.f32 v18, v14;
	vm0 =	veq.s32 v39, $0x1  }
0x5a: {  	v25 =	vmul.f32 v18, v1;
	v8 =	vadd.f32 v22, v8;
	v1 =	vmovc v36;
	v39 =	vsel vm0, $0x3F800000, v0;
	v14 =	vmovc v40  }
0x5b: {  	v2 =	vadd.f32 v39, v2;
	v18 =	vmul.f32 v29, v39;
	v22 =	vmul.f32 v38, v39  }
0x5c: {  	s30 =	sadd.s32 $0x10, s30;
	s31 =	sadd.s32 $0x80, s31;
	s0 =	smov.u32 s5;
	v13 =	vadd.f32 v35, v13;
	v33 =	vmul.f32 v33, v39;
	v29 =	vmul.f32 v37, v39  }
0x5d: {  	s0 =	simm.s32 $0x0  }
0x5e: {  	[tilespmem:s0], [sflag:$0x1] =	stream.strided.gather [hbm4b:s9+s17], $0x8000, s18, s17, $0x38;
	[tilespmem:$0x1CC00] =	vst v63  }
0x5f: {  	_ = 	snop  }
0x60: {  	[tilespmem:s19], [sflag:$0x1] =	stream.strided.gather [hbm4b:s10+s17], $0x4000, s18, s17, $0x38;
	[tilespmem:$0x1CC00] =	vst v63  }
0x61: {  	_ = 	snop  }
0x62: {  	[tilespmem:s20], [sflag:$0x1] =	stream.linear.gather [hbm4b:s11+s0], $0x2000, $0x38;
	[tilespmem:$0x1CC00] =	vst v63  }
0x63: {  	_ =	swait.ge [sflag:s25], $0x8000  }
0x64: {  	[sflag:s25] =	ssyncset.done $0x0  }
0x65: {  	[sflag:s25] =	ssyncadd.s32 $0xFFFF8000  }
0x66: {  	v19 =	vadd.f32 v22, v19;
	v31 =	vadd.f32 v34, v31;
	_ =	swait.ge [sflag:s25], $0x4000  }
0x67: {  	v35 =	vmul.f32 v21, v21;
	v23 =	vadd.f32 v23, v30;
	s1 =	simm.s32 $0x0;
	v28 =	vadd.f32 v32, v28;
	s4 =	simm.s32 $0x0;
	[sflag:s25] =	ssyncset.done $0x0  }
0x68: {  	v20 =	vadd.f32 v20, v27;
	v24 =	vadd.f32 v25, v24;
	v25 =	vmul.f32 v22, v14;
	s1 =	sand.u32 $0x1000, s1;
	s3 =	sand.u32 $0xC00, s0;
	[sflag:s25] =	ssyncadd.s32 $0xFFFFC000  }
0x69: {  	v37 =	vadd.f32 v18, v3;
	v3 =	vmul.f32 v22, v1;
	v30 =	vmul.f32 v29, v14;
	s4 =	sand.u32 $0x380, s4;
	s1 =	sor.u32 s3, s1;
	_ =	swait.ge [sflag:s25], $0x2000  }
0x6a: {  	v9 =	vadd.f32 v9, v26;
	v55 =	vmul.f32 v29, v1;
	v36 =	vmul.f32 v29, v21;
	s1 =	sor.u32 s4, s1;
	s0 =	sand.u32 $0x70, s0;
	[sflag:s25] =	ssyncset.done $0x0  }
0x6b: {  	v17 =	vadd.f32 v29, v17;
	v30 =	vadd.f32 v30, v15;
	v15 =	vmul.f32 v33, v21;
	s0 =	sor.u32 s0, s1;
	[sflag:s25] =	ssyncadd.s32 $0xFFFFE000  }
0x6c: {  	s5 =	simm.s32 $0x10;
	s30 =	simm.s32 $0x80;
	v57 =	vadd.f32 v33, v16;
	v16 =	vmul.f32 v33, v1;
	v58 =	vmul.f32 v33, v14;
	v59 =	vld [tilespmem:s0+$0x14000]  }
0x6d: {  	v14 =	vmul.f32 v18, v14;
	s26 =	sand.u32 $0xC00, s30;
	v56 =	vmul.f32 v18, v35;
	v27 =	vadd.f32 v15, v4;
	s1 =	sand.u32 $0x1000, s5;
	s5 =	simm.s32 $0x4;
	v15 =	vld [tilespmem:s0+$0x1A000]  }
0x6e: {  	s31 =	simm.s32 $0x10;
	v26 =	vmul.f32 v29, v35;
	v7 =	vadd.f32 v25, v7;
	v8 =	vadd.f32 v3, v8;
	s4 =	sand.u32 $0x380, s5;
	s1 =	sor.u32 s26, s1;
	v60 =	vld [tilespmem:s0+$0xC000]  }
0x6f: {  	v29 =	vmul.f32 v22, v35;
	v12 =	vadd.f32 v55, v12;
	v11 =	vadd.f32 v36, v11;
	s26 =	sand.u32 $0x70, s31;
	s1 =	sor.u32 s4, s1;
	v4 =	vld [tilespmem:s0+$0x16000]  }
0x70: {  	v10 =	vadd.f32 v16, v10;
	v36 =	vadd.f32 v58, v6;
	v6 =	vmul.f32 v18, v21;
	s1 =	sor.u32 s26, s1;
	v25 =	vld [tilespmem:s0+$0xA000]  }
0x71: {  	v21 =	vmul.f32 v22, v21;
	v18 =	vmul.f32 v18, v1;
	v1 =	vadd.f32 v14, v13;
	v39 =	vld [tilespmem:s1+$0x1A000]  }
0x72: {  	v16 =	vmul.f32 v33, v35;
	v38 =	vadd.f32 v29, v5;
	v3 =	vadd.f32 v56, v23;
	v13 =	vld [tilespmem:s0+$0xE000]  }
0x73: {  	v14 =	vadd.f32 v21, v31;
	v5 =	vadd.f32 v6, v28;
	v62 =	vld [tilespmem:s0+$0x8000]  }
0x74: {  	v6 =	vadd.f32 v26, v20;
	v28 =	vadd.f32 v16, v9;
	vm0 =	veq.s32 v15, $0x1  }
0x75: {  	v18 =	vadd.f32 v18, v24;
	v31 =	vmul.f32 v4, v4;
	v26 =	vsel vm0, $0x3F800000, v0  }
0x76: {  	v22 =	vmul.f32 v59, v59;
	vm15 =	veq.s32 v39, $0x1;
	v9 =	vmul.f32 v60, v26  }
0x77: {  	v61 =	vmul.f32 v25, v26;
	v25 =	vadd.f32 v26, v2;
	v29 =	vmul.f32 v13, v26  }
0x78: {  	v32 =	vmul.f32 v62, v26;
	v26 =	vsel vm15, $0x3F800000, v0;
	v2 =	vmul.f32 v9, v31  }
0x79: {  	v24 =	vadd.f32 v9, v17;
	v13 =	vmul.f32 v61, v59;
	v15 =	vmul.f32 v61, v22  }
0x7a: {  	v23 =	vadd.f32 v61, v19;
	v16 =	vmul.f32 v9, v4;
	v63 =	vmul.f32 v61, v4  }
0x7b: {  	v20 =	vadd.f32 v2, v6;
	v21 =	vadd.f32 v13, v8;
	v2 =	vmul.f32 v9, v59  }
0x7c: {  	v19 =	vadd.f32 v15, v7;
	v6 =	vmul.f32 v9, v22;
	v7 =	vmul.f32 v29, v59  }
0x7d: {  	v16 =	vadd.f32 v16, v11;
	v9 =	vmul.f32 v29, v4;
	v15 =	vadd.f32 v2, v12;
	v2 =	vld [tilespmem:s1+$0x14000]  }
0x7e: {  	v33 =	vld [tilespmem:s1+$0xA000];
	v8 =	vmul.f32 v29, v31;
	v13 =	vadd.f32 v29, v57;
	v12 =	vadd.f32 v6, v30  }
0x7f: {  	v30 =	vmul.f32 v29, v22;
	v11 =	vadd.f32 v7, v10;
	v6 =	vadd.f32 v9, v27;
	v27 =	vld [tilespmem:s1+$0x16000]  }
0x80: {  	v29 =	vld [tilespmem:s1+$0xC000];
	v10 =	vadd.f32 v63, v14;
	v14 =	vmul.f32 v61, v31;
	v7 =	vadd.f32 v8, v28  }
0x81: {  	v34 =	vmul.f32 v32, v59;
	v8 =	vadd.f32 v32, v37;
	v9 =	vadd.f32 v30, v36;
	v30 =	vld [tilespmem:s1+$0xE000]  }
0x82: {  	s0 =	simm.s32 $0x2;
	v17 =	vld [tilespmem:s1+$0x8000];
	v31 =	vmul.f32 v32, v31;
	v14 =	vadd.f32 v14, v38;
	v28 =	vmul.f32 v2, v2  }
.LBB2_4:
0x83: {  	s3 =	sshll.u32 s0, $0x4  }
0x84: {  	v25 =	vadd.f32 v26, v25;
	v35 =	vmul.f32 v27, v27;
	s30 =	sadd.s32 $0x80, s30;
	v36 =	vmul.f32 v32, v4;
	v4 =	vmovc v27;
	s4 =	smov.u32 s0;
	s1 =	sadd.s32 $0x1, s0  }
0x85: {  	v27 =	vmul.f32 v29, v26;
	v18 =	vadd.f32 v34, v18;
	v29 =	vmul.f32 v32, v22;
	s3 =	sand.u32 $0x1000, s3;
	s5 =	sand.u32 $0xC00, s30;
	s4 =	sshll.u32 s4, $0x2;
	v22 =	vmovc v28  }
0x86: {  	v30 =	vmul.f32 v30, v26;
	s31 =	sadd.s32 $0x10, s31;
	s4 =	sand.u32 $0x380, s4;
	s3 =	sor.u32 s5, s3;
	v28 =	vmul.f32 v33, v26;
	v5 =	vadd.f32 v36, v5  }
0x87: {  	p0 =	sne.s32 s0, $0x1FF;
	v3 =	vadd.f32 v31, v3;
	s5 =	sand.u32 $0x70, s31;
	v24 =	vadd.f32 v27, v24;
	v32 =	vmul.f32 v27, v35;
	s3 =	sor.u32 s4, s3  }
0x88: {  	v1 =	vadd.f32 v29, v1;
	s0 =	sor.u32 s5, s3;
	v23 =	vadd.f32 v28, v23;
	v31 =	vmul.f32 v28, v2  }
0x89: {  	v33 =	vmul.f32 v27, v4;
	v29 =	vmul.f32 v28, v22;
	v20 =	vadd.f32 v32, v20;
	v36 =	vld [tilespmem:s0+$0x14000]  }
0x8a: {  	v34 =	vmul.f32 v30, v35;
	v32 =	vld [tilespmem:s0+$0x1A000];
	v21 =	vadd.f32 v31, v21;
	v31 =	vmul.f32 v27, v2  }
0x8b: {  	v38 =	vmul.f32 v27, v22;
	v39 =	vmul.f32 v30, v2;
	v19 =	vadd.f32 v29, v19;
	v37 =	vld [tilespmem:s0+$0x8000]  }
0x8c: {  	v16 =	vadd.f32 v33, v16;
	v29 =	vld [tilespmem:s0+$0xC000];
	v15 =	vadd.f32 v31, v15;
	v31 =	vmul.f32 v30, v4  }
0x8d: {  	v13 =	vadd.f32 v30, v13;
	v12 =	vadd.f32 v38, v12;
	v33 =	vmul.f32 v30, v22;
	v27 =	vld [tilespmem:s0+$0x16000]  }
.Ltmp1:
0x8e: {  	v38 =	vmul.f32 v28, v4;
	v11 =	vadd.f32 v39, v11;
	v30 =	vld [tilespmem:s0+$0xE000];
	v6 =	vadd.f32 v31, v6;
	(pc) =	sbr.rel @p0 .LBB2_4-.Ltmp1, $4  }
0x8f: {  	v9 =	vadd.f32 v33, v9;
	vm0 =	veq.s32 v32, $0x1;
	v32 =	vmul.f32 v17, v26  }
0x90: {  	v7 =	vadd.f32 v34, v7;
	v10 =	vadd.f32 v38, v10;
	v38 =	vmul.f32 v28, v35;
	v33 =	vld [tilespmem:s0+$0xA000];
	v17 =	vmovc v37  }
0x91: {  	v8 =	vadd.f32 v32, v8;
	v34 =	vmul.f32 v32, v2;
	v31 =	vmul.f32 v32, v35;
	v2 =	vmovc v36  }
0x92: {  	v14 =	vadd.f32 v38, v14;
	v26 =	vsel vm0, $0x3F800000, v0;
	s0 =	smov.u32 s1;
	v28 =	vmul.f32 v36, v2  }
0x93: {  	[tilespmem:s21], [sflag:$0x2] =	stream.strided.gather [hbm4b:s12+s17], $0x8000, s18, s17, $0x38;
	[tilespmem:$0x1CC00] =	vst v63  }
0x94: {  	_ = 	snop  }
0x95: {  	[tilespmem:s22], [sflag:$0x2] =	stream.strided.gather [hbm4b:s13+s17], $0x4000, s18, s17, $0x38;
	[tilespmem:$0x1CC00] =	vst v63  }
0x96: {  	s0 =	simm.s32 $0x0  }
0x97: {  	[tilespmem:s23], [sflag:$0x2] =	stream.linear.gather [hbm4b:s14+s0], $0x2000, $0x38;
	[tilespmem:$0x1CC00] =	vst v63  }
0x98: {  	_ =	swait.ge [sflag:s24], $0x8000  }
0x99: {  	[sflag:s24] =	ssyncset.done $0x0  }
0x9a: {  	v35 =	vmul.f32 v27, v27;
	v4 =	vmul.f32 v32, v4;
	v25 =	vadd.f32 v26, v25;
	[sflag:s24] =	ssyncadd.s32 $0xFFFF8000  }
0x9b: {  	v29 =	vmul.f32 v29, v26;
	v22 =	vmul.f32 v32, v22;
	v18 =	vadd.f32 v34, v18;
	_ =	swait.ge [sflag:s24], $0x4000  }
0x9c: {  	v30 =	vmul.f32 v30, v26;
	v31 =	vadd.f32 v31, v3;
	s3 =	simm.s32 $0x0;
	s4 =	simm.s32 $0x0;
	v17 =	vmul.f32 v17, v26;
	[sflag:s24] =	ssyncset.done $0x0  }
0x9d: {  	s1 =	sand.u32 $0x70, s0;
	v57 =	vmul.f32 v33, v26;
	v4 =	vadd.f32 v4, v5;
	v24 =	vadd.f32 v29, v24;
	s0 =	sand.u32 $0xC00, s0;
	[sflag:s24] =	ssyncadd.s32 $0xFFFFC000  }
0x9e: {  	s3 =	sand.u32 $0x1000, s3;
	v5 =	vmul.f32 v29, v35;
	v22 =	vadd.f32 v22, v1;
	v58 =	vmul.f32 v29, v27;
	s5 =	sor.u32 s0, s1;
	_ =	swait.ge [sflag:s24], $0x2000  }
0x9f: {  	s4 =	sand.u32 $0x380, s4;
	v13 =	vadd.f32 v30, v13;
	v26 =	vmul.f32 v30, v35;
	v33 =	vmul.f32 v57, v28;
	s5 =	sor.u32 s3, s5;
	[sflag:s24] =	ssyncset.done $0x0  }
0xa0: {  	v3 =	vmul.f32 v57, v2;
	v1 =	vadd.f32 v5, v20;
	v5 =	vmul.f32 v29, v28;
	s5 =	sor.u32 s4, s5;
	[sflag:s24] =	ssyncadd.s32 $0xFFFFE000  }
0xa1: {  	v23 =	vadd.f32 v57, v23;
	s0 =	sor.u32 s0, s3;
	v33 =	vadd.f32 v33, v19;
	v19 =	vmul.f32 v30, v2;
	v20 =	vld [tilespmem:s5+$0x2000]  }
0xa2: {  	v36 =	vadd.f32 v3, v21;
	v3 =	vmul.f32 v29, v2;
	v12 =	vadd.f32 v5, v12;
	s0 =	sor.u32 s4, s0;
	v37 =	vld [tilespmem:s5+$0x10000]  }
0xa3: {  	v5 =	vmul.f32 v30, v28;
	v21 =	vmul.f32 v57, v27;
	s0 =	sor.u32 s1, s0;
	v11 =	vadd.f32 v19, v11;
	v19 =	vld [tilespmem:s5+$0x18000]  }
0xa4: {  	v16 =	vadd.f32 v58, v16;
	v15 =	vadd.f32 v3, v15;
	v3 =	vmul.f32 v30, v27;
	v29 =	vld [tilespmem:s0+$0x6000]  }
0xa5: {  	v9 =	vadd.f32 v5, v9;
	v5 =	vadd.f32 v21, v10;
	v59 =	vld [tilespmem:s5+$0x12000]  }
0xa6: {  	v30 =	vadd.f32 v3, v6;
	v6 =	vmul.f32 v57, v35;
	v3 =	vadd.f32 v26, v7;
	v10 =	vld [tilespmem:s0+$0x4000]  }
0xa7: {  	s3 =	simm.s32 $0x80;
	s1 =	simm.s32 $0x10;
	v7 =	vadd.f32 v17, v8;
	v8 =	vmul.f32 v17, v27;
	v26 =	vmul.f32 v17, v35;
	v21 =	vld [tilespmem:s5+$0x0]  }
0xa8: {  	v2 =	vmul.f32 v17, v2;
	s4 =	simm.s32 $0x10;
	v17 =	vmul.f32 v17, v28;
	v14 =	vadd.f32 v6, v14;
	s0 =	sand.u32 $0x70, s1;
	s1 =	sand.u32 $0xC00, s3  }
0xa9: {  	v6 =	vadd.f32 v8, v4;
	v8 =	vadd.f32 v26, v31;
	s3 =	sand.u32 $0x1000, s4;
	s5 =	simm.s32 $0x4;
	s26 =	sor.u32 s1, s0;
	vm0 =	veq.s32 v19, $0x1  }
0xaa: {  	s4 =	sand.u32 $0x380, s5;
	s5 =	sor.u32 s3, s26;
	v26 =	vmul.f32 v37, v37;
	v38 =	vmul.f32 v59, v59;
	v4 =	vsel vm0, $0x3F800000, v0  }
0xab: {  	v60 =	vadd.f32 v17, v22;
	s5 =	sor.u32 s4, s5;
	v22 =	vmul.f32 v20, v4;
	v10 =	vmul.f32 v10, v4  }
0xac: {  	v2 =	vadd.f32 v2, v18;
	v39 =	vld [tilespmem:s5+$0x18000];
	v31 =	vmul.f32 v21, v4;
	v19 =	vmul.f32 v29, v4  }
0xad: {  	s1 =	sor.u32 s1, s3;
	v28 =	vadd.f32 v4, v25;
	v4 =	vmul.f32 v10, v37;
	v17 =	vmul.f32 v10, v59  }
0xae: {  	s1 =	sor.u32 s4, s1;
	v25 =	vadd.f32 v22, v23;
	v20 =	vmul.f32 v10, v26;
	v29 =	vmul.f32 v31, v38  }
0xaf: {  	s0 =	sor.u32 s0, s1;
	v21 =	vadd.f32 v19, v13;
	v13 =	vmul.f32 v19, v59;
	v27 =	vmul.f32 v10, v38  }
0xb0: {  	v40 =	vld [tilespmem:s0+$0x6000];
	v24 =	vadd.f32 v10, v24;
	v32 =	vmul.f32 v31, v59;
	v10 =	vmul.f32 v22, v38  }
0xb1: {  	v41 =	vld [tilespmem:s5+$0x0];
	v34 =	vmul.f32 v22, v59;
	vm15 =	veq.s32 v39, $0x1;
	v18 =	vadd.f32 v4, v15  }
0xb2: {  	v61 =	vld [tilespmem:s0+$0x4000];
	v15 =	vmul.f32 v19, v37;
	v20 =	vadd.f32 v20, v12;
	v12 =	vmul.f32 v19, v26  }
0xb3: {  	v23 =	vld [tilespmem:s5+$0x2000];
	v62 =	vmul.f32 v31, v26;
	v17 =	vadd.f32 v17, v16;
	v10 =	vadd.f32 v10, v14  }
0xb4: {  	v63 =	vsel vm15, $0x3F800000, v0;
	v4 =	vld [tilespmem:s5+$0x10000];
	v16 =	vadd.f32 v15, v11;
	v12 =	vadd.f32 v12, v9  }
0xb5: {  	v9 =	vadd.f32 v31, v7;
	v7 =	vmul.f32 v22, v26;
	v22 =	vmul.f32 v22, v37  }
0xb6: {  	v15 =	vmul.f32 v19, v38;
	v11 =	vadd.f32 v13, v30;
	v30 =	vmul.f32 v31, v37;
	v26 =	vld [tilespmem:s5+$0x12000]  }
0xb7: {  	v31 =	vmul.f32 v61, v63;
	v13 =	vadd.f32 v7, v33;
	v14 =	vadd.f32 v22, v36  }
0xb8: {  	v7 =	vadd.f32 v63, v28;
	v22 =	vmul.f32 v41, v63;
	v28 =	vmul.f32 v23, v63  }
0xb9: {  	s30 =	simm.s32 $0x20;
	s31 =	simm.s32 $0x100;
	s0 =	simm.s32 $0x2;
	v33 =	vmul.f32 v40, v63;
	v23 =	vadd.f32 v62, v60;
	v19 =	vmul.f32 v4, v4  }
.LBB2_6:
0xba: {  	s1 =	sand.u32 $0x70, s30  }
0xbb: {  	s3 =	sshll.u32 s0, $0x4;
	s4 =	sand.u32 $0xC00, s31;
	v35 =	vmul.f32 v26, v26;
	v25 =	vadd.f32 v28, v25;
	v5 =	vadd.f32 v34, v5;
	s5 =	smov.u32 s0  }
0xbc: {  	v8 =	vadd.f32 v29, v8;
	s3 =	sand.u32 $0x1000, s3;
	s5 =	sshll.u32 s0, $0x2;
	s26 =	sor.u32 s4, s1;
	v34 =	vmul.f32 v31, v4;
	v36 =	vmul.f32 v31, v26  }
0xbd: {  	v6 =	vadd.f32 v32, v6;
	v24 =	vadd.f32 v31, v24;
	v37 =	vmul.f32 v31, v19;
	s5 =	sand.u32 $0x380, s5;
	s26 =	sor.u32 s3, s26;
	s3 =	sor.u32 s4, s3  }
0xbe: {  	v21 =	vadd.f32 v33, v21;
	v29 =	vmul.f32 v22, v35;
	s4 =	sor.u32 s5, s26;
	s3 =	sor.u32 s5, s3;
	s5 =	sadd.s32 $0x1, s0;
	v18 =	vadd.f32 v34, v18  }
0xbf: {  	p0 =	sne.s32 s0, $0x1FF;
	v32 =	vmul.f32 v33, v4;
	v17 =	vadd.f32 v36, v17;
	v20 =	vadd.f32 v37, v20;
	v38 =	vld [tilespmem:s4+$0x2000];
	s1 =	sor.u32 s1, s3  }
0xc0: {  	v1 =	vadd.f32 v27, v1;
	v34 =	vmul.f32 v33, v26;
	v37 =	vmul.f32 v33, v19;
	v36 =	vld [tilespmem:s4+$0x10000]  }
0xc1: {  	v3 =	vadd.f32 v15, v3;
	v15 =	vmul.f32 v33, v35;
	v16 =	vadd.f32 v32, v16;
	v39 =	vld [tilespmem:s4+$0x18000]  }
0xc2: {  	v27 =	vmul.f32 v31, v35;
	v11 =	vadd.f32 v34, v11;
	v12 =	vadd.f32 v37, v12;
	v33 =	vld [tilespmem:s1+$0x6000]  }
0xc3: {  	v2 =	vadd.f32 v30, v2;
	v35 =	vmul.f32 v28, v35;
	v32 =	vmul.f32 v22, v26;
	v31 =	vld [tilespmem:s4+$0x0]  }
0xc4: {  	v9 =	vadd.f32 v22, v9;
	v30 =	vmul.f32 v28, v19;
	v34 =	vmul.f32 v28, v26;
	v37 =	vld [tilespmem:s1+$0x4000]  }
.Ltmp2:
0xc5: {  	v10 =	vadd.f32 v35, v10;
	v28 =	vmul.f32 v28, v4;
	v26 =	vld [tilespmem:s4+$0x12000];
	v40 =	vmul.f32 v36, v36;
	(pc) =	sbr.rel @p0 .LBB2_6-.Ltmp2, $4  }
0xc6: {  	v13 =	vadd.f32 v30, v13;
	v35 =	vmul.f32 v22, v19;
	vm0 =	veq.s32 v39, $0x1  }
0xc7: {  	v30 =	vmul.f32 v22, v4;
	v14 =	vadd.f32 v28, v14;
	v4 =	vmovc v36;
	v39 =	vsel vm0, $0x3F800000, v0;
	v19 =	vmovc v40  }
0xc8: {  	v7 =	vadd.f32 v39, v7;
	v22 =	vmul.f32 v31, v39;
	v28 =	vmul.f32 v38, v39  }
0xc9: {  	s30 =	sadd.s32 $0x10, s30;
	s31 =	sadd.s32 $0x80, s31;
	s0 =	smov.u32 s5;
	v23 =	vadd.f32 v35, v23;
	v33 =	vmul.f32 v33, v39;
	v31 =	vmul.f32 v37, v39  }
0xca: {  	_ =	swait.ge [sflag:s25], $0x8000  }
0xcb: {  	[sflag:s25] =	ssyncset.done $0x0  }
0xcc: {  	v25 =	vadd.f32 v28, v25;
	[sflag:s25] =	ssyncadd.s32 $0xFFFF8000  }
0xcd: {  	v34 =	vadd.f32 v34, v5;
	v8 =	vadd.f32 v29, v8;
	s0 =	simm.s32 $0x0;
	_ =	swait.ge [sflag:s25], $0x4000  }
0xce: {  	s1 =	simm.s32 $0x0;
	v6 =	vadd.f32 v32, v6;
	s4 =	simm.s32 $0x0;
	v1 =	vadd.f32 v27, v1;
	[sflag:s25] =	ssyncset.done $0x0  }
0xcf: {  	v35 =	vmul.f32 v26, v26;
	v15 =	vadd.f32 v15, v3;
	v2 =	vadd.f32 v30, v2;
	s1 =	sand.u32 $0x1000, s1;
	s3 =	sand.u32 $0xC00, s0;
	[sflag:s25] =	ssyncadd.s32 $0xFFFFC000  }
0xd0: {  	v30 =	vadd.f32 v22, v9;
	v5 =	vmul.f32 v31, v4;
	v36 =	vmul.f32 v31, v26;
	s4 =	sand.u32 $0x380, s4;
	s1 =	sor.u32 s3, s1;
	_ =	swait.ge [sflag:s25], $0x2000  }
0xd1: {  	v9 =	vmul.f32 v28, v4;
	v24 =	vadd.f32 v31, v24;
	v29 =	vmul.f32 v31, v19;
	s0 =	sand.u32 $0x70, s0;
	s1 =	sor.u32 s4, s1;
	[sflag:s25] =	ssyncset.done $0x0  }
0xd2: {  	v37 =	vadd.f32 v5, v18;
	v36 =	vadd.f32 v36, v17;
	v17 =	vmul.f32 v33, v26;
	s0 =	sor.u32 s0, s1;
	[sflag:s25] =	ssyncadd.s32 $0xFFFFE000  }
0xd3: {  	v5 =	vmul.f32 v33, v4;
	v29 =	vadd.f32 v29, v20;
	v20 =	vmul.f32 v31, v35;
	v31 =	vld [tilespmem:s0+$0x14000]  }
0xd4: {  	s30 =	simm.s32 $0x80;
	v38 =	vadd.f32 v33, v21;
	v18 =	vmul.f32 v33, v19;
	s4 =	simm.s32 $0x10;
	v11 =	vadd.f32 v17, v11;
	v17 =	vld [tilespmem:s0+$0x1A000]  }
0xd5: {  	s26 =	simm.s32 $0x4;
	s5 =	sand.u32 $0xC00, s30;
	v59 =	vmul.f32 v22, v35;
	v3 =	vmul.f32 v28, v35;
	s1 =	sand.u32 $0x1000, s4;
	v39 =	vadd.f32 v5, v16;
	v21 =	vld [tilespmem:s0+$0xC000]  }
0xd6: {  	s31 =	simm.s32 $0x10;
	s4 =	sand.u32 $0x380, s26;
	v16 =	vmul.f32 v33, v35;
	v60 =	vadd.f32 v18, v12;
	v12 =	vmul.f32 v22, v26;
	s1 =	sor.u32 s5, s1;
	v5 =	vld [tilespmem:s0+$0x16000]  }
0xd7: {  	v9 =	vadd.f32 v9, v14;
	v18 =	vmul.f32 v28, v19;
	v26 =	vmul.f32 v28, v26;
	s5 =	sand.u32 $0x70, s31;
	s1 =	sor.u32 s4, s1;
	v27 =	vld [tilespmem:s0+$0xA000]  }
0xd8: {  	v19 =	vmul.f32 v22, v19;
	v35 =	vadd.f32 v3, v10;
	v3 =	vadd.f32 v59, v8;
	s26 =	sor.u32 s5, s1;
	v14 =	vld [tilespmem:s0+$0xE000]  }
0xd9: {  	v10 =	vadd.f32 v18, v13;
	v18 =	vmul.f32 v22, v4;
	v22 =	vadd.f32 v26, v34;
	v26 =	vld [tilespmem:s26+$0x1A000]  }
0xda: {  	v1 =	vadd.f32 v20, v1;
	v4 =	vadd.f32 v19, v23  }
0xdb: {  	v13 =	vadd.f32 v12, v6;
	v28 =	vadd.f32 v16, v15;
	vm0 =	veq.s32 v17, $0x1  }
0xdc: {  	v40 =	vmul.f32 v5, v5;
	v20 =	vmul.f32 v31, v31;
	v23 =	vsel vm0, $0x3F800000, v0  }
0xdd: {  	v18 =	vadd.f32 v18, v2;
	v6 =	vmul.f32 v21, v23;
	v61 =	vmul.f32 v27, v23  }
0xde: {  	vm15 =	veq.s32 v26, $0x1;
	v21 =	vadd.f32 v23, v7;
	v8 =	vmul.f32 v14, v23  }
0xdf: {  	v7 =	vmul.f32 v6, v40;
	v2 =	vadd.f32 v6, v24;
	v12 =	vmul.f32 v61, v31  }
0xe0: {  	v16 =	vadd.f32 v61, v25;
	v14 =	vmul.f32 v61, v20;
	v25 =	vmul.f32 v6, v5  }
0xe1: {  	v24 =	vld [tilespmem:s0+$0x8000];
	v41 =	vmul.f32 v8, v40;
	v63 =	vmul.f32 v61, v5;
	v1 =	vadd.f32 v7, v1  }
0xe2: {  	v19 =	vadd.f32 v12, v9;
	v7 =	vmul.f32 v6, v31;
	v17 =	vadd.f32 v14, v10  }
0xe3: {  	v6 =	vmul.f32 v6, v20;
	v9 =	vmul.f32 v8, v31;
	v12 =	vadd.f32 v25, v36  }
0xe4: {  	v25 =	vmul.f32 v8, v5;
	v10 =	vld [tilespmem:s26+$0x14000];
	v22 =	vadd.f32 v63, v22;
	v15 =	vadd.f32 v7, v37  }
0xe5: {  	v33 =	vld [tilespmem:s26+$0xA000];
	v62 =	vmul.f32 v8, v20;
	v14 =	vadd.f32 v6, v29;
	v7 =	vadd.f32 v8, v38  }
0xe6: {  	v26 =	vld [tilespmem:s26+$0x16000];
	v8 =	vadd.f32 v9, v39;
	v6 =	vadd.f32 v25, v11;
	v32 =	vmul.f32 v24, v23  }
0xe7: {  	v29 =	vld [tilespmem:s26+$0xC000];
	v9 =	vadd.f32 v62, v60;
	v11 =	vadd.f32 v41, v28;
	v23 =	vmul.f32 v61, v40  }
0xe8: {  	v28 =	vld [tilespmem:s26+$0xE000];
	v24 =	vsel vm15, $0x3F800000, v0;
	v25 =	vadd.f32 v32, v30;
	v34 =	vmul.f32 v32, v31  }
0xe9: {  	s1 =	simm.s32 $0x2;
	v27 =	vld [tilespmem:s26+$0x8000];
	v31 =	vmul.f32 v32, v40;
	v30 =	vmul.f32 v10, v10;
	v23 =	vadd.f32 v23, v35  }
.LBB2_8:
0xea: {  	s3 =	sshll.u32 s1, $0x4  }
0xeb: {  	v21 =	vadd.f32 v24, v21;
	v35 =	vmul.f32 v26, v26;
	s30 =	sadd.s32 $0x80, s30;
	v36 =	vmul.f32 v32, v5;
	v5 =	vmovc v26;
	s4 =	smov.u32 s1;
	s0 =	sadd.s32 $0x1, s1  }
0xec: {  	v26 =	vmul.f32 v29, v24;
	v18 =	vadd.f32 v34, v18;
	v29 =	vmul.f32 v32, v20;
	s3 =	sand.u32 $0x1000, s3;
	s5 =	sand.u32 $0xC00, s30;
	s4 =	sshll.u32 s4, $0x2;
	v20 =	vmovc v30  }
0xed: {  	v28 =	vmul.f32 v28, v24;
	s31 =	sadd.s32 $0x10, s31;
	s4 =	sand.u32 $0x380, s4;
	s3 =	sor.u32 s5, s3;
	v30 =	vmul.f32 v33, v24;
	v13 =	vadd.f32 v36, v13  }
0xee: {  	p0 =	sne.s32 s1, $0x1FF;
	v3 =	vadd.f32 v31, v3;
	s5 =	sand.u32 $0x70, s31;
	v2 =	vadd.f32 v26, v2;
	v32 =	vmul.f32 v26, v35;
	s3 =	sor.u32 s4, s3  }
0xef: {  	v4 =	vadd.f32 v29, v4;
	s1 =	sor.u32 s5, s3;
	v16 =	vadd.f32 v30, v16;
	v31 =	vmul.f32 v30, v10  }
0xf0: {  	v33 =	vmul.f32 v26, v5;
	v29 =	vmul.f32 v30, v20;
	v1 =	vadd.f32 v32, v1;
	v36 =	vld [tilespmem:s1+$0x14000]  }
0xf1: {  	v34 =	vmul.f32 v28, v35;
	v32 =	vld [tilespmem:s1+$0x1A000];
	v19 =	vadd.f32 v31, v19;
	v31 =	vmul.f32 v26, v10  }
0xf2: {  	v38 =	vmul.f32 v26, v20;
	v39 =	vmul.f32 v28, v10;
	v17 =	vadd.f32 v29, v17;
	v37 =	vld [tilespmem:s1+$0x8000]  }
0xf3: {  	v12 =	vadd.f32 v33, v12;
	v29 =	vld [tilespmem:s1+$0xC000];
	v15 =	vadd.f32 v31, v15;
	v31 =	vmul.f32 v28, v5  }
0xf4: {  	v7 =	vadd.f32 v28, v7;
	v14 =	vadd.f32 v38, v14;
	v33 =	vmul.f32 v28, v20;
	v26 =	vld [tilespmem:s1+$0x16000]  }
.Ltmp3:
0xf5: {  	v38 =	vmul.f32 v30, v5;
	v8 =	vadd.f32 v39, v8;
	v28 =	vld [tilespmem:s1+$0xE000];
	v6 =	vadd.f32 v31, v6;
	(pc) =	sbr.rel @p0 .LBB2_8-.Ltmp3, $4  }
0xf6: {  	v9 =	vadd.f32 v33, v9;
	vm0 =	veq.s32 v32, $0x1;
	v32 =	vmul.f32 v27, v24  }
0xf7: {  	v11 =	vadd.f32 v34, v11;
	v22 =	vadd.f32 v38, v22;
	v38 =	vmul.f32 v30, v35;
	v33 =	vld [tilespmem:s1+$0xA000];
	v27 =	vmovc v37  }
0xf8: {  	v25 =	vadd.f32 v32, v25;
	v34 =	vmul.f32 v32, v10;
	v31 =	vmul.f32 v32, v35;
	v10 =	vmovc v36  }
0xf9: {  	v23 =	vadd.f32 v38, v23;
	v24 =	vsel vm0, $0x3F800000, v0;
	s1 =	smov.u32 s0;
	v30 =	vmul.f32 v36, v10  }
0xfa: {  	v35 =	vmul.f32 v26, v26  }
0xfb: {  	v27 =	vmul.f32 v27, v24;
	v21 =	vadd.f32 v24, v21;
	v5 =	vmul.f32 v32, v5;
	[tilespmem:$0x1CA80] =	vst v0  }
0xfc: {  	v20 =	vmul.f32 v32, v20;
	v18 =	vadd.f32 v34, v18;
	v61 =	vmul.f32 v28, v24;
	[tilespmem:$0x1CB00] =	vst v0  }
0xfd: {  	v3 =	vadd.f32 v31, v3;
	[tilespmem:$0x1CB80] =	vst v0;
	v47 =	vmul.f32 v27, v10;
	v48 =	vadd.f32 v27, v25  }
0xfe: {  	v5 =	vadd.f32 v5, v13;
	v49 =	vmul.f32 v27, v26;
	[tilespmem:$0x1C000] =	vst v21;
	v63 =	vadd.f32 v61, v7  }
0xff: {  	v4 =	vadd.f32 v20, v4;
	v50 =	vmul.f32 v27, v30;
	v18 =	vadd.f32 v47, v18;
	[tilespmem:$0x1C080] =	vst v48  }
0x100: {  	v46 =	vmul.f32 v33, v24;
	v51 =	vmul.f32 v27, v35;
	v5 =	vadd.f32 v49, v5;
	[tilespmem:$0x1C800] =	vst v63  }
0x101: {  	v4 =	vadd.f32 v50, v4;
	[tilespmem:$0x1C100] =	vst v18  }
0x102: {  	v52 =	vmul.f32 v46, v10;
	v3 =	vadd.f32 v51, v3;
	[tilespmem:$0x1C180] =	vst v5  }
0x103: {  	v53 =	vadd.f32 v46, v16;
	v54 =	vmul.f32 v46, v26;
	[tilespmem:$0x1C200] =	vst v4  }
0x104: {  	v55 =	vmul.f32 v46, v30;
	v13 =	vadd.f32 v52, v19;
	[tilespmem:$0x1C280] =	vst v3  }
0x105: {  	v56 =	vmul.f32 v46, v35;
	v16 =	vadd.f32 v54, v22;
	[tilespmem:$0x1C300] =	vst v53  }
0x106: {  	v3 =	vmul.f32 v29, v24;
	v4 =	vadd.f32 v55, v17;
	[tilespmem:$0x1C380] =	vst v13  }
0x107: {  	v62 =	vmul.f32 v61, v26;
	v58 =	vadd.f32 v56, v23;
	[tilespmem:$0x1C400] =	vst v16  }
0x108: {  	v57 =	vmul.f32 v3, v10;
	v2 =	vadd.f32 v3, v2;
	[tilespmem:$0x1C480] =	vst v4  }
0x109: {  	v60 =	vmul.f32 v3, v30;
	[tilespmem:$0x1C500] =	vst v58;
	v4 =	vadd.f32 v62, v6  }
0x10a: {  	v59 =	vmul.f32 v3, v26;
	v3 =	vmul.f32 v3, v35;
	v5 =	vadd.f32 v57, v15;
	[tilespmem:$0x1C580] =	vst v2  }
0x10b: {  	v2 =	vadd.f32 v60, v14;
	[tilespmem:$0x1C900] =	vst v4  }
0x10c: {  	v1 =	vadd.f32 v3, v1;
	v3 =	vmul.f32 v61, v10;
	[tilespmem:$0x1C600] =	vst v5  }
0x10d: {  	v12 =	vadd.f32 v59, v12;
	[tilespmem:$0x1C700] =	vst v2;
	v2 =	vmul.f32 v61, v30  }
0x10e: {  	v3 =	vadd.f32 v3, v8;
	[tilespmem:$0x1C780] =	vst v1;
	v1 =	vmul.f32 v61, v35  }
0x10f: {  	[tilespmem:$0x1C680] =	vst v12;
	v2 =	vadd.f32 v2, v9  }
0x110: {  	s29 =	sadd.s32 $0x1, s29;
	[tilespmem:$0x1C880] =	vst v3;
	v1 =	vadd.f32 v1, v11  }
0x111: {  	p0 =	sne.s32 s29, s16;
	[tilespmem:$0x1C980] =	vst v2  }
.Ltmp4:
0x112: {  	s0 =	simm.s32 $0x1C000;
	[tilespmem:$0x1CA00] =	vst v1;
	(pc) =	sbr.rel @p0 .LBB2_1-.Ltmp4, $4  }
0x113: {  	[hbm4b:s15+s2] =	stream.linear.scatter [tilespmem:s0], [sflag:$0x3], $0xC00, $0x38;
	[tilespmem:$0x1CC00] =	vst v63  }
0x114: {  	_ =	swait.ge [sflag:s28], $0xC00  }
0x115: {  	[sflag:s28] =	ssyncset.done $0x0  }
0x116: {  	[sflag:s28] =	ssyncadd.s32 $0xFFFFF400  }
0x117: {  	_ =	sfence.sel $0x180000  }
0x118: {  	[bflag:$0x0] =	sbarrier.arrive $0xFFFF  }
0x119: {  	_ =	strace $0x90000047  }
0x11a: {  	s0 =	stileid.u32;
	[bflag:$0x2] =	sbarrier.arrive $0xFFFF  }
0x11b: {  	p0 =	sne.s32 s0, $0x0;
	s0 =	rddreg [dreg:$0x4]  }
0x11c: {  	s0 =	sadd.s32 @!p0 $0x100000, s0  }
0x11d: {  	[sflag:s0] =	ssyncadd.tile.s32 @!p0 $0x1;
	_ =	shalt  }
.Lfunc_end2:
_tile_overlayer_lowered:
.L_overlay_start_2:
0x11e: {  	(tag) =	ssettag $0x2  }
0x11f: {  	s0 =	rddreg [dreg:$0x0];
	s2 =	stileid.u32  }
0x120: {  	s1 =	rddreg [dreg:$0x1];
	p0 =	sne.s32 s2, $0x0  }
0x121: {  	s3 =	rddreg [dreg:$0x2];
	[bflag:$0x3] =	sbarrier.arrive $0xFFFF;
	s2 =	simm.s32 @!p0 $0x1C03  }
0x122: {  	[timem:s3], [sflag:s2] =	dma.local @!p0 [hbm:s0], s1  }
0x123: {  	s0 =	simm.s32 @!p0 $0x3  }
0x124: {  	_ =	swait.ge @!p0 [sflag:s0], s1  }
0x125: {  	s1 =	ssub.s32 @!p0 $0x0, s1;
	[sflag:s0] =	ssyncset.done @!p0 $0x0  }
0x126: {  	[sflag:s0] =	ssyncadd.s32 @!p0 s1  }
0x127: {  	[bflag:$0x3] =	sbarrier.arrive $0xFFFF  }
0x128: {  	_ =	shalt  }

</sc_bundles>
